<compile_context>
chip_gen: v7x
topology: tpu7x:2x2x1
jax: 0.10.2.dev20260603
libtpu: 0.0.44.dev20260713+nightly
codegen_flags: <defaults>
</compile_context>

<pallas_src>
import functools

import jax
import jax.numpy as jnp
from jax import lax
from jax.experimental import pallas as pl
from jax.experimental.pallas import tpu as pltpu
from jax.experimental.pallas import tpu_sc as plsc

R = 1024
C = 100000
B = 128
L = 16
NC = 2
NS = 16
NW = NC * NS
BLK = 8
NBLK = R // (BLK * NW)
GB = BLK * B
NWIN = 8
W = 12544
CMAIN = (C // 128) * 128
TAIL = C - CMAIN
LAST_START = CMAIN - W


def _body(x_hbm, tail_hbm, idx_hbm, out_hbm, idx_v, out_v, buf_v, tail_v):
    wid = lax.axis_index("s") * NC + lax.axis_index("c")

    def do_block(b):
        blk = wid * NBLK + b
        row0 = blk * BLK
        el0 = row0 * B
        pltpu.sync_copy(idx_hbm.at[pl.ds(el0, GB)], idx_v)
        pltpu.sync_copy(tail_hbm.at[pl.ds(row0, BLK)], tail_v)

        def do_window(k):
            start = pl.multiple_of(
                jnp.where(k == NWIN - 1, LAST_START, k * W), 128
            )
            lo = k * W
            hi = jnp.where(k == NWIN - 1, CMAIN, lo + W)
            pltpu.sync_copy(
                x_hbm.at[pl.ds(row0, BLK), pl.ds(start, W)], buf_v
            )
            for g in range(GB // L):
                sl = pl.ds(g * L, L)
                j = idx_v[sl]
                m = (j >= lo) & (j < hi)
                c = jnp.where(m, j - start, 0)
                rv = jnp.full((L,), g // (B // L), jnp.int32)
                got = plsc.load_gather(buf_v, [rv, c])
                out_v[sl] = jnp.where(m, got, out_v[sl])

        pl.loop(0, NWIN)(do_window)
        for g in range(GB // L):
            sl = pl.ds(g * L, L)
            j = idx_v[sl]
            m = j >= CMAIN
            c = jnp.where(m, j - CMAIN, 0)
            rv = jnp.full((L,), g // (B // L), jnp.int32)
            got = plsc.load_gather(tail_v, [rv, c])
            out_v[sl] = jnp.where(m, got, out_v[sl])
        pltpu.sync_copy(out_v, out_hbm.at[pl.ds(el0, GB)])

    pl.loop(0, NBLK)(do_block)


def kernel(x, index):
    x_tail = x[:, CMAIN:]
    idx_flat = index.reshape(-1)
    mesh = plsc.VectorSubcoreMesh(core_axis_name="c", subcore_axis_name="s")
    run = functools.partial(
        pl.kernel,
        mesh=mesh,
        compiler_params=pltpu.CompilerParams(needs_layout_passes=False),
        out_type=jax.ShapeDtypeStruct((R * B,), jnp.float32),
        scratch_types=[
            pltpu.VMEM((GB,), jnp.int32),
            pltpu.VMEM((GB,), jnp.float32),
            pltpu.VMEM((BLK, W), jnp.float32),
            pltpu.VMEM((BLK, TAIL), jnp.float32),
        ],
    )(_body)
    return run(x, x_tail, idx_flat).reshape(R, B)

# --- scband reference (transcript-rebuilt; emitter-appended) ---
"""Pipeline reference for scband-index-node-6219112644719 (READ-ONLY COPY).

The authoritative reference and input builder live on the scoring server;
editing this copy changes nothing except your own understanding.
"""

import jax, jax.numpy as jnp
import numpy as np


def setup_inputs(seed: int = 0) -> dict:
    key = jax.random.key(seed)
    kx, ki = jax.random.split(key)
    x = jax.random.normal(kx, (1024, 100000), dtype=jnp.float32)
    index = jax.random.randint(ki, (1024, 128), 0, 100000, dtype=jnp.int32)
    return {"x": x, "index": index}


def reference(x, index):
    # IndexNode(mode='gather') with parameters=(dim=1, index):
    #   torch.gather(x, 1, index) == jnp.take_along_axis(x, index, axis=1)
    return jnp.take_along_axis(x, index, axis=1)

if __name__ == "__main__":
    import jax
    _d = setup_inputs()
    print(jax.jit(kernel)(*tuple(_d.values())))

</pallas_src>

<mosaic_0001>
#map = affine_map<(d0, d1) -> (0, 0)>
#map1 = affine_map<(d0, d1) -> (0)>
module attributes {stable_mosaic.version = 14 : i64} {
  func.func @_body(%arg0: i32, %arg1: i32, %arg2: memref<1024x100000xf32, #tpu.memory_space<hbm>>, %arg3: memref<1024x32xf32, #tpu.memory_space<hbm>>, %arg4: memref<131072xi32, #tpu.memory_space<hbm>>, %arg5: memref<131072xf32, #tpu.memory_space<hbm>>, %arg6: memref<1024xi32, #tpu.memory_space<vmem>>, %arg7: memref<1024xf32, #tpu.memory_space<vmem>>, %arg8: memref<8x12544xf32, #tpu.memory_space<vmem>>, %arg9: memref<8x32xf32, #tpu.memory_space<vmem>>) attributes {dimension_semantics = [#tpu.dimension_semantics<core_parallel>, #tpu.dimension_semantics<subcore_parallel>], iteration_bounds = array<i64: 2, 16>, scalar_prefetch = 0 : i64, scratch_operands = 4 : i64, tpu.core_type = #tpu.core_type<sc_vector_subcore>, window_params = [{transform_indices = #map}, {transform_indices = #map}, {transform_indices = #map1}, {transform_indices = #map1}]} {
    %mul3A = arith.constant 2 : i32
    %mul3A_0 = arith.muli %arg1, %mul3A : i32
    %add3A = arith.addi %mul3A_0, %arg0 : i32
    %scan3A = arith.constant 0 : i32
    %scan3A_1 = arith.constant 4 : i32
    %scan3A_2 = arith.addi %scan3A, %scan3A_1 : i32
    %scan3A_3 = arith.constant 1 : i32
    scf.for %scan3A_5 = %scan3A to %scan3A_2 step %scan3A_3  : i32 {
      %mul3A_6 = arith.constant 1 : i32
      %mul3A_7 = arith.muli %scan3A_5, %mul3A_6 : i32
      %add3A_8 = arith.constant 0 : i32
      %add3A_9 = arith.addi %add3A_8, %mul3A_7 : i32
      %mul3A_10 = arith.constant 4 : i32
      %mul3A_11 = arith.muli %add3A, %mul3A_10 : i32
      %add3A_12 = arith.addi %mul3A_11, %add3A_9 : i32
      %mul3A_13 = arith.constant 8 : i32
      %mul3A_14 = arith.muli %add3A_12, %mul3A_13 : i32
      %mul3A_15 = arith.constant 128 : i32
      %mul3A_16 = arith.muli %mul3A_14, %mul3A_15 : i32
      "tpu.region"() ({
        %run_scoped3A = tpu.sem_alloc : memref<!tpu.dma_semaphore, #tpu.memory_space<semaphore_mem>>
        %dma_start3A = tpu.memref_slice %arg4[%mul3A_16] : memref<131072xi32, #tpu.memory_space<hbm>> -> memref<1024xi32, #tpu.memory_space<hbm>>
        %dma_start3A_1230 = tpu.memref_slice %arg4[%mul3A_16] : memref<131072xi32, #tpu.memory_space<hbm>> -> memref<1024xi32, #tpu.memory_space<hbm>>
        tpu.enqueue_dma source(%dma_start3A_1230 : memref<1024xi32, #tpu.memory_space<hbm>>) target(%arg6 : memref<1024xi32, #tpu.memory_space<vmem>>) target_semaphore(%run_scoped3A : memref<!tpu.dma_semaphore, #tpu.memory_space<semaphore_mem>>)
        %dma_wait3A = tpu.memref_slice %arg4[%mul3A_16] : memref<131072xi32, #tpu.memory_space<hbm>> -> memref<1024xi32, #tpu.memory_space<hbm>>
        %dma_wait3A_1231 = tpu.memref_slice %arg4[%mul3A_16] : memref<131072xi32, #tpu.memory_space<hbm>> -> memref<1024xi32, #tpu.memory_space<hbm>>
        tpu.wait_dma2 semaphore(%run_scoped3A : memref<!tpu.dma_semaphore, #tpu.memory_space<semaphore_mem>>) src(%dma_wait3A_1231 : memref<1024xi32, #tpu.memory_space<hbm>>) dst(%arg6 : memref<1024xi32, #tpu.memory_space<vmem>>)
        tpu.yield
      }) : () -> ()
      "tpu.region"() ({
        %run_scoped3A = tpu.sem_alloc : memref<!tpu.dma_semaphore, #tpu.memory_space<semaphore_mem>>
        %dma_start3A = arith.constant 0 : i32
        %dma_start3A_1230 = tpu.memref_slice %arg3[%mul3A_14, %dma_start3A] : memref<1024x32xf32, #tpu.memory_space<hbm>> -> memref<8x32xf32, #tpu.memory_space<hbm>>
        %dma_start3A_1231 = arith.constant 0 : i32
        %dma_start3A_1232 = tpu.memref_slice %arg3[%mul3A_14, %dma_start3A_1231] : memref<1024x32xf32, #tpu.memory_space<hbm>> -> memref<8x32xf32, #tpu.memory_space<hbm>>
        tpu.enqueue_dma source(%dma_start3A_1232 : memref<8x32xf32, #tpu.memory_space<hbm>>) target(%arg9 : memref<8x32xf32, #tpu.memory_space<vmem>>) target_semaphore(%run_scoped3A : memref<!tpu.dma_semaphore, #tpu.memory_space<semaphore_mem>>)
        %dma_wait3A = arith.constant 0 : i32
        %dma_wait3A_1233 = tpu.memref_slice %arg3[%mul3A_14, %dma_wait3A] : memref<1024x32xf32, #tpu.memory_space<hbm>> -> memref<8x32xf32, #tpu.memory_space<hbm>>
        %dma_wait3A_1234 = arith.constant 0 : i32
        %dma_wait3A_1235 = tpu.memref_slice %arg3[%mul3A_14, %dma_wait3A_1234] : memref<1024x32xf32, #tpu.memory_space<hbm>> -> memref<8x32xf32, #tpu.memory_space<hbm>>
        tpu.wait_dma2 semaphore(%run_scoped3A : memref<!tpu.dma_semaphore, #tpu.memory_space<semaphore_mem>>) src(%dma_wait3A_1235 : memref<8x32xf32, #tpu.memory_space<hbm>>) dst(%arg9 : memref<8x32xf32, #tpu.memory_space<vmem>>)
        tpu.yield
      }) : () -> ()
      %scan3A_17 = arith.constant 0 : i32
      %scan3A_18 = arith.constant 8 : i32
      %scan3A_19 = arith.addi %scan3A_17, %scan3A_18 : i32
      %scan3A_20 = arith.constant 1 : i32
      scf.for %scan3A_1230 = %scan3A_17 to %scan3A_19 step %scan3A_20  : i32 {
        %mul3A_1231 = arith.constant 1 : i32
        %mul3A_1232 = arith.muli %scan3A_1230, %mul3A_1231 : i32
        %add3A_1233 = arith.constant 0 : i32
        %add3A_1234 = arith.addi %add3A_1233, %mul3A_1232 : i32
        %eq3A = arith.constant 7 : i32
        %eq3A_1235 = arith.cmpi eq, %add3A_1234, %eq3A : i32
        %mul3A_1236 = arith.constant 12544 : i32
        %mul3A_1237 = arith.muli %add3A_1234, %mul3A_1236 : i32
        %jit3A_1238 = arith.constant 87424 : i32
        %select_n3A_1239 = arith.select %eq3A_1235, %jit3A_1238, %mul3A_1237 : i32
        %multiple_of3A = tpu.assume_multiple %select_n3A_1239, 128 : i32
        %mul3A_1240 = arith.constant 12544 : i32
        %mul3A_1241 = arith.muli %add3A_1234, %mul3A_1240 : i32
        %eq3A_1242 = arith.constant 7 : i32
        %eq3A_1243 = arith.cmpi eq, %add3A_1234, %eq3A_1242 : i32
        %add3A_1244 = arith.constant 12544 : i32
        %add3A_1245 = arith.addi %mul3A_1241, %add3A_1244 : i32
        %jit3A_1246 = arith.constant 99968 : i32
        %select_n3A_1247 = arith.select %eq3A_1243, %jit3A_1246, %add3A_1245 : i32
        "tpu.region"() ({
          %run_scoped3A = tpu.sem_alloc : memref<!tpu.dma_semaphore, #tpu.memory_space<semaphore_mem>>
          %dma_start3A = tpu.memref_slice %arg2[%mul3A_14, %multiple_of3A] : memref<1024x100000xf32, #tpu.memory_space<hbm>> -> memref<8x12544xf32, #tpu.memory_space<hbm>>
          %dma_start3A_2526 = tpu.memref_slice %arg2[%mul3A_14, %multiple_of3A] : memref<1024x100000xf32, #tpu.memory_space<hbm>> -> memref<8x12544xf32, #tpu.memory_space<hbm>>
          tpu.enqueue_dma source(%dma_start3A_2526 : memref<8x12544xf32, #tpu.memory_space<hbm>>) target(%arg8 : memref<8x12544xf32, #tpu.memory_space<vmem>>) target_semaphore(%run_scoped3A : memref<!tpu.dma_semaphore, #tpu.memory_space<semaphore_mem>>)
          %dma_wait3A = tpu.memref_slice %arg2[%mul3A_14, %multiple_of3A] : memref<1024x100000xf32, #tpu.memory_space<hbm>> -> memref<8x12544xf32, #tpu.memory_space<hbm>>
          %dma_wait3A_2527 = tpu.memref_slice %arg2[%mul3A_14, %multiple_of3A] : memref<1024x100000xf32, #tpu.memory_space<hbm>> -> memref<8x12544xf32, #tpu.memory_space<hbm>>
          tpu.wait_dma2 semaphore(%run_scoped3A : memref<!tpu.dma_semaphore, #tpu.memory_space<semaphore_mem>>) src(%dma_wait3A_2527 : memref<8x12544xf32, #tpu.memory_space<hbm>>) dst(%arg8 : memref<8x12544xf32, #tpu.memory_space<vmem>>)
          tpu.yield
        }) : () -> ()
        %get3A_1248 = arith.constant 0 : index
        %get3A_1249 = tpu.vector_load %arg6[%get3A_1248] {strides = array<i32>} : memref<1024xi32, #tpu.memory_space<vmem>>, vector<16xi32>,
        %ge3A_1250 = vector.broadcast %mul3A_1241 : i32 to vector<16xi32>
        %ge3A_1251 = arith.cmpi sge, %get3A_1249, %ge3A_1250 : vector<16xi32>
        %lt3A = vector.broadcast %select_n3A_1247 : i32 to vector<16xi32>
        %lt3A_1252 = arith.cmpi slt, %get3A_1249, %lt3A : vector<16xi32>
        %and3A = arith.andi %ge3A_1251, %lt3A_1252 : vector<16xi1>
        %sub3A_1253 = vector.broadcast %multiple_of3A : i32 to vector<16xi32>
        %sub3A_1254 = arith.subi %get3A_1249, %sub3A_1253 : vector<16xi32>
        %jit3A_1255 = arith.constant 0 : i32
        %broadcast_in_dim3A_1256 = vector.broadcast %jit3A_1255 : i32 to vector<16xi32>
        %select_n3A_1257 = arith.select %and3A, %sub3A_1254, %broadcast_in_dim3A_1256 : vector<16xi1>, vector<16xi32>
        %broadcast_in_dim3A_1258 = arith.constant 0 : i32
        %broadcast_in_dim3A_1259 = vector.broadcast %broadcast_in_dim3A_1258 : i32 to vector<16xi32>
        %gather3A_1260 = tpu.vector_load_idx %arg8[%broadcast_in_dim3A_1259, %select_n3A_1257] : memref<8x12544xf32, #tpu.memory_space<vmem>>[vector<16xi32>, vector<16xi32>], vector<16xf32>,
        %get3A_1261 = arith.constant 0 : index
        %get3A_1262 = tpu.vector_load %arg7[%get3A_1261] {strides = array<i32>} : memref<1024xf32, #tpu.memory_space<vmem>>, vector<16xf32>,
        %select_n3A_1263 = arith.select %and3A, %gather3A_1260, %get3A_1262 : vector<16xi1>, vector<16xf32>
        %swap3A_1264 = arith.constant 0 : index
        %swap3A_1265 = tpu.vector_load %arg7[%swap3A_1264] {strides = array<i32>} : memref<1024xf32, #tpu.memory_space<vmem>>, vector<16xf32>,
        tpu.vector_store %arg7[%swap3A_1264], %select_n3A_1263 {strides = array<i32>} : memref<1024xf32, #tpu.memory_space<vmem>>, vector<16xf32>,
        %get3A_1266 = arith.constant 16 : index
        %get3A_1267 = tpu.vector_load %arg6[%get3A_1266] {strides = array<i32>} : memref<1024xi32, #tpu.memory_space<vmem>>, vector<16xi32>,
        %ge3A_1268 = vector.broadcast %mul3A_1241 : i32 to vector<16xi32>
        %ge3A_1269 = arith.cmpi sge, %get3A_1267, %ge3A_1268 : vector<16xi32>
        %lt3A_1270 = vector.broadcast %select_n3A_1247 : i32 to vector<16xi32>
        %lt3A_1271 = arith.cmpi slt, %get3A_1267, %lt3A_1270 : vector<16xi32>
        %and3A_1272 = arith.andi %ge3A_1269, %lt3A_1271 : vector<16xi1>
        %sub3A_1273 = vector.broadcast %multiple_of3A : i32 to vector<16xi32>
        %sub3A_1274 = arith.subi %get3A_1267, %sub3A_1273 : vector<16xi32>
        %jit3A_1275 = arith.constant 0 : i32
        %broadcast_in_dim3A_1276 = vector.broadcast %jit3A_1275 : i32 to vector<16xi32>
        %select_n3A_1277 = arith.select %and3A_1272, %sub3A_1274, %broadcast_in_dim3A_1276 : vector<16xi1>, vector<16xi32>
        %broadcast_in_dim3A_1278 = arith.constant 0 : i32
        %broadcast_in_dim3A_1279 = vector.broadcast %broadcast_in_dim3A_1278 : i32 to vector<16xi32>
        %gather3A_1280 = tpu.vector_load_idx %arg8[%broadcast_in_dim3A_1279, %select_n3A_1277] : memref<8x12544xf32, #tpu.memory_space<vmem>>[vector<16xi32>, vector<16xi32>], vector<16xf32>,
        %get3A_1281 = arith.constant 16 : index
        %get3A_1282 = tpu.vector_load %arg7[%get3A_1281] {strides = array<i32>} : memref<1024xf32, #tpu.memory_space<vmem>>, vector<16xf32>,
        %select_n3A_1283 = arith.select %and3A_1272, %gather3A_1280, %get3A_1282 : vector<16xi1>, vector<16xf32>
        %swap3A_1284 = arith.constant 16 : index
        %swap3A_1285 = tpu.vector_load %arg7[%swap3A_1284] {strides = array<i32>} : memref<1024xf32, #tpu.memory_space<vmem>>, vector<16xf32>,
        tpu.vector_store %arg7[%swap3A_1284], %select_n3A_1283 {strides = array<i32>} : memref<1024xf32, #tpu.memory_space<vmem>>, vector<16xf32>,
        %get3A_1286 = arith.constant 32 : index
        %get3A_1287 = tpu.vector_load %arg6[%get3A_1286] {strides = array<i32>} : memref<1024xi32, #tpu.memory_space<vmem>>, vector<16xi32>,
        %ge3A_1288 = vector.broadcast %mul3A_1241 : i32 to vector<16xi32>
        %ge3A_1289 = arith.cmpi sge, %get3A_1287, %ge3A_1288 : vector<16xi32>
        %lt3A_1290 = vector.broadcast %select_n3A_1247 : i32 to vector<16xi32>
        %lt3A_1291 = arith.cmpi slt, %get3A_1287, %lt3A_1290 : vector<16xi32>
        %and3A_1292 = arith.andi %ge3A_1289, %lt3A_1291 : vector<16xi1>
        %sub3A_1293 = vector.broadcast %multiple_of3A : i32 to vector<16xi32>
        %sub3A_1294 = arith.subi %get3A_1287, %sub3A_1293 : vector<16xi32>
        %jit3A_1295 = arith.constant 0 : i32
        %broadcast_in_dim3A_1296 = vector.broadcast %jit3A_1295 : i32 to vector<16xi32>
        %select_n3A_1297 = arith.select %and3A_1292, %sub3A_1294, %broadcast_in_dim3A_1296 : vector<16xi1>, vector<16xi32>
        %broadcast_in_dim3A_1298 = arith.constant 0 : i32
        %broadcast_in_dim3A_1299 = vector.broadcast %broadcast_in_dim3A_1298 : i32 to vector<16xi32>
        %gather3A_1300 = tpu.vector_load_idx %arg8[%broadcast_in_dim3A_1299, %select_n3A_1297] : memref<8x12544xf32, #tpu.memory_space<vmem>>[vector<16xi32>, vector<16xi32>], vector<16xf32>,
        %get3A_1301 = arith.constant 32 : index
        %get3A_1302 = tpu.vector_load %arg7[%get3A_1301] {strides = array<i32>} : memref<1024xf32, #tpu.memory_space<vmem>>, vector<16xf32>,
        %select_n3A_1303 = arith.select %and3A_1292, %gather3A_1300, %get3A_1302 : vector<16xi1>, vector<16xf32>
        %swap3A_1304 = arith.constant 32 : index
        %swap3A_1305 = tpu.vector_load %arg7[%swap3A_1304] {strides = array<i32>} : memref<1024xf32, #tpu.memory_space<vmem>>, vector<16xf32>,
        tpu.vector_store %arg7[%swap3A_1304], %select_n3A_1303 {strides = array<i32>} : memref<1024xf32, #tpu.memory_space<vmem>>, vector<16xf32>,
        %get3A_1306 = arith.constant 48 : index
        %get3A_1307 = tpu.vector_load %arg6[%get3A_1306] {strides = array<i32>} : memref<1024xi32, #tpu.memory_space<vmem>>, vector<16xi32>,
        %ge3A_1308 = vector.broadcast %mul3A_1241 : i32 to vector<16xi32>
        %ge3A_1309 = arith.cmpi sge, %get3A_1307, %ge3A_1308 : vector<16xi32>
        %lt3A_1310 = vector.broadcast %select_n3A_1247 : i32 to vector<16xi32>
        %lt3A_1311 = arith.cmpi slt, %get3A_1307, %lt3A_1310 : vector<16xi32>
        %and3A_1312 = arith.andi %ge3A_1309, %lt3A_1311 : vector<16xi1>
        %sub3A_1313 = vector.broadcast %multiple_of3A : i32 to vector<16xi32>
        %sub3A_1314 = arith.subi %get3A_1307, %sub3A_1313 : vector<16xi32>
        %jit3A_1315 = arith.constant 0 : i32
        %broadcast_in_dim3A_1316 = vector.broadcast %jit3A_1315 : i32 to vector<16xi32>
        %select_n3A_1317 = arith.select %and3A_1312, %sub3A_1314, %broadcast_in_dim3A_1316 : vector<16xi1>, vector<16xi32>
        %broadcast_in_dim3A_1318 = arith.constant 0 : i32
        %broadcast_in_dim3A_1319 = vector.broadcast %broadcast_in_dim3A_1318 : i32 to vector<16xi32>
        %gather3A_1320 = tpu.vector_load_idx %arg8[%broadcast_in_dim3A_1319, %select_n3A_1317] : memref<8x12544xf32, #tpu.memory_space<vmem>>[vector<16xi32>, vector<16xi32>], vector<16xf32>,
        %get3A_1321 = arith.constant 48 : index
        %get3A_1322 = tpu.vector_load %arg7[%get3A_1321] {strides = array<i32>} : memref<1024xf32, #tpu.memory_space<vmem>>, vector<16xf32>,
        %select_n3A_1323 = arith.select %and3A_1312, %gather3A_1320, %get3A_1322 : vector<16xi1>, vector<16xf32>
        %swap3A_1324 = arith.constant 48 : index
        %swap3A_1325 = tpu.vector_load %arg7[%swap3A_1324] {strides = array<i32>} : memref<1024xf32, #tpu.memory_space<vmem>>, vector<16xf32>,
        tpu.vector_store %arg7[%swap3A_1324], %select_n3A_1323 {strides = array<i32>} : memref<1024xf32, #tpu.memory_space<vmem>>, vector<16xf32>,
        %get3A_1326 = arith.constant 64 : index
        %get3A_1327 = tpu.vector_load %arg6[%get3A_1326] {strides = array<i32>} : memref<1024xi32, #tpu.memory_space<vmem>>, vector<16xi32>,
        %ge3A_1328 = vector.broadcast %mul3A_1241 : i32 to vector<16xi32>
        %ge3A_1329 = arith.cmpi sge, %get3A_1327, %ge3A_1328 : vector<16xi32>
        %lt3A_1330 = vector.broadcast %select_n3A_1247 : i32 to vector<16xi32>
        %lt3A_1331 = arith.cmpi slt, %get3A_1327, %lt3A_1330 : vector<16xi32>
        %and3A_1332 = arith.andi %ge3A_1329, %lt3A_1331 : vector<16xi1>
        %sub3A_1333 = vector.broadcast %multiple_of3A : i32 to vector<16xi32>
        %sub3A_1334 = arith.subi %get3A_1327, %sub3A_1333 : vector<16xi32>
        %jit3A_1335 = arith.constant 0 : i32
        %broadcast_in_dim3A_1336 = vector.broadcast %jit3A_1335 : i32 to vector<16xi32>
        %select_n3A_1337 = arith.select %and3A_1332, %sub3A_1334, %broadcast_in_dim3A_1336 : vector<16xi1>, vector<16xi32>
        %broadcast_in_dim3A_1338 = arith.constant 0 : i32
        %broadcast_in_dim3A_1339 = vector.broadcast %broadcast_in_dim3A_1338 : i32 to vector<16xi32>
        %gather3A_1340 = tpu.vector_load_idx %arg8[%broadcast_in_dim3A_1339, %select_n3A_1337] : memref<8x12544xf32, #tpu.memory_space<vmem>>[vector<16xi32>, vector<16xi32>], vector<16xf32>,
        %get3A_1341 = arith.constant 64 : index
        %get3A_1342 = tpu.vector_load %arg7[%get3A_1341] {strides = array<i32>} : memref<1024xf32, #tpu.memory_space<vmem>>, vector<16xf32>,
        %select_n3A_1343 = arith.select %and3A_1332, %gather3A_1340, %get3A_1342 : vector<16xi1>, vector<16xf32>
        %swap3A_1344 = arith.constant 64 : index
        %swap3A_1345 = tpu.vector_load %arg7[%swap3A_1344] {strides = array<i32>} : memref<1024xf32, #tpu.memory_space<vmem>>, vector<16xf32>,
        tpu.vector_store %arg7[%swap3A_1344], %select_n3A_1343 {strides = array<i32>} : memref<1024xf32, #tpu.memory_space<vmem>>, vector<16xf32>,
        %get3A_1346 = arith.constant 80 : index
        %get3A_1347 = tpu.vector_load %arg6[%get3A_1346] {strides = array<i32>} : memref<1024xi32, #tpu.memory_space<vmem>>, vector<16xi32>,
        %ge3A_1348 = vector.broadcast %mul3A_1241 : i32 to vector<16xi32>
        %ge3A_1349 = arith.cmpi sge, %get3A_1347, %ge3A_1348 : vector<16xi32>
        %lt3A_1350 = vector.broadcast %select_n3A_1247 : i32 to vector<16xi32>
        %lt3A_1351 = arith.cmpi slt, %get3A_1347, %lt3A_1350 : vector<16xi32>
        %and3A_1352 = arith.andi %ge3A_1349, %lt3A_1351 : vector<16xi1>
        %sub3A_1353 = vector.broadcast %multiple_of3A : i32 to vector<16xi32>
        %sub3A_1354 = arith.subi %get3A_1347, %sub3A_1353 : vector<16xi32>
        %jit3A_1355 = arith.constant 0 : i32
        %broadcast_in_dim3A_1356 = vector.broadcast %jit3A_1355 : i32 to vector<16xi32>
        %select_n3A_1357 = arith.select %and3A_1352, %sub3A_1354, %broadcast_in_dim3A_1356 : vector<16xi1>, vector<16xi32>
        %broadcast_in_dim3A_1358 = arith.constant 0 : i32
        %broadcast_in_dim3A_1359 = vector.broadcast %broadcast_in_dim3A_1358 : i32 to vector<16xi32>
        %gather3A_1360 = tpu.vector_load_idx %arg8[%broadcast_in_dim3A_1359, %select_n3A_1357] : memref<8x12544xf32, #tpu.memory_space<vmem>>[vector<16xi32>, vector<16xi32>], vector<16xf32>,
        %get3A_1361 = arith.constant 80 : index
        %get3A_1362 = tpu.vector_load %arg7[%get3A_1361] {strides = array<i32>} : memref<1024xf32, #tpu.memory_space<vmem>>, vector<16xf32>,
        %select_n3A_1363 = arith.select %and3A_1352, %gather3A_1360, %get3A_1362 : vector<16xi1>, vector<16xf32>
        %swap3A_1364 = arith.constant 80 : index
        %swap3A_1365 = tpu.vector_load %arg7[%swap3A_1364] {strides = array<i32>} : memref<1024xf32, #tpu.memory_space<vmem>>, vector<16xf32>,
        tpu.vector_store %arg7[%swap3A_1364], %select_n3A_1363 {strides = array<i32>} : memref<1024xf32, #tpu.memory_space<vmem>>, vector<16xf32>,
        %get3A_1366 = arith.constant 96 : index
        %get3A_1367 = tpu.vector_load %arg6[%get3A_1366] {strides = array<i32>} : memref<1024xi32, #tpu.memory_space<vmem>>, vector<16xi32>,
        %ge3A_1368 = vector.broadcast %mul3A_1241 : i32 to vector<16xi32>
        %ge3A_1369 = arith.cmpi sge, %get3A_1367, %ge3A_1368 : vector<16xi32>
        %lt3A_1370 = vector.broadcast %select_n3A_1247 : i32 to vector<16xi32>
        %lt3A_1371 = arith.cmpi slt, %get3A_1367, %lt3A_1370 : vector<16xi32>
        %and3A_1372 = arith.andi %ge3A_1369, %lt3A_1371 : vector<16xi1>
        %sub3A_1373 = vector.broadcast %multiple_of3A : i32 to vector<16xi32>
        %sub3A_1374 = arith.subi %get3A_1367, %sub3A_1373 : vector<16xi32>
        %jit3A_1375 = arith.constant 0 : i32
        %broadcast_in_dim3A_1376 = vector.broadcast %jit3A_1375 : i32 to vector<16xi32>
        %select_n3A_1377 = arith.select %and3A_1372, %sub3A_1374, %broadcast_in_dim3A_1376 : vector<16xi1>, vector<16xi32>
        %broadcast_in_dim3A_1378 = arith.constant 0 : i32
        %broadcast_in_dim3A_1379 = vector.broadcast %broadcast_in_dim3A_1378 : i32 to vector<16xi32>
        %gather3A_1380 = tpu.vector_load_idx %arg8[%broadcast_in_dim3A_1379, %select_n3A_1377] : memref<8x12544xf32, #tpu.memory_space<vmem>>[vector<16xi32>, vector<16xi32>], vector<16xf32>,
        %get3A_1381 = arith.constant 96 : index
        %get3A_1382 = tpu.vector_load %arg7[%get3A_1381] {strides = array<i32>} : memref<1024xf32, #tpu.memory_space<vmem>>, vector<16xf32>,
        %select_n3A_1383 = arith.select %and3A_1372, %gather3A_1380, %get3A_1382 : vector<16xi1>, vector<16xf32>
        %swap3A_1384 = arith.constant 96 : index
        %swap3A_1385 = tpu.vector_load %arg7[%swap3A_1384] {strides = array<i32>} : memref<1024xf32, #tpu.memory_space<vmem>>, vector<16xf32>,
        tpu.vector_store %arg7[%swap3A_1384], %select_n3A_1383 {strides = array<i32>} : memref<1024xf32, #tpu.memory_space<vmem>>, vector<16xf32>,
        %get3A_1386 = arith.constant 112 : index
        %get3A_1387 = tpu.vector_load %arg6[%get3A_1386] {strides = array<i32>} : memref<1024xi32, #tpu.memory_space<vmem>>, vector<16xi32>,
        %ge3A_1388 = vector.broadcast %mul3A_1241 : i32 to vector<16xi32>
        %ge3A_1389 = arith.cmpi sge, %get3A_1387, %ge3A_1388 : vector<16xi32>
        %lt3A_1390 = vector.broadcast %select_n3A_1247 : i32 to vector<16xi32>
        %lt3A_1391 = arith.cmpi slt, %get3A_1387, %lt3A_1390 : vector<16xi32>
        %and3A_1392 = arith.andi %ge3A_1389, %lt3A_1391 : vector<16xi1>
        %sub3A_1393 = vector.broadcast %multiple_of3A : i32 to vector<16xi32>
        %sub3A_1394 = arith.subi %get3A_1387, %sub3A_1393 : vector<16xi32>
        %jit3A_1395 = arith.constant 0 : i32
        %broadcast_in_dim3A_1396 = vector.broadcast %jit3A_1395 : i32 to vector<16xi32>
        %select_n3A_1397 = arith.select %and3A_1392, %sub3A_1394, %broadcast_in_dim3A_1396 : vector<16xi1>, vector<16xi32>
        %broadcast_in_dim3A_1398 = arith.constant 0 : i32
        %broadcast_in_dim3A_1399 = vector.broadcast %broadcast_in_dim3A_1398 : i32 to vector<16xi32>
        %gather3A_1400 = tpu.vector_load_idx %arg8[%broadcast_in_dim3A_1399, %select_n3A_1397] : memref<8x12544xf32, #tpu.memory_space<vmem>>[vector<16xi32>, vector<16xi32>], vector<16xf32>,
        %get3A_1401 = arith.constant 112 : index
        %get3A_1402 = tpu.vector_load %arg7[%get3A_1401] {strides = array<i32>} : memref<1024xf32, #tpu.memory_space<vmem>>, vector<16xf32>,
        %select_n3A_1403 = arith.select %and3A_1392, %gather3A_1400, %get3A_1402 : vector<16xi1>, vector<16xf32>
        %swap3A_1404 = arith.constant 112 : index
        %swap3A_1405 = tpu.vector_load %arg7[%swap3A_1404] {strides = array<i32>} : memref<1024xf32, #tpu.memory_space<vmem>>, vector<16xf32>,
        tpu.vector_store %arg7[%swap3A_1404], %select_n3A_1403 {strides = array<i32>} : memref<1024xf32, #tpu.memory_space<vmem>>, vector<16xf32>,
        %get3A_1406 = arith.constant 128 : index
        %get3A_1407 = tpu.vector_load %arg6[%get3A_1406] {strides = array<i32>} : memref<1024xi32, #tpu.memory_space<vmem>>, vector<16xi32>,
        %ge3A_1408 = vector.broadcast %mul3A_1241 : i32 to vector<16xi32>
        %ge3A_1409 = arith.cmpi sge, %get3A_1407, %ge3A_1408 : vector<16xi32>
        %lt3A_1410 = vector.broadcast %select_n3A_1247 : i32 to vector<16xi32>
        %lt3A_1411 = arith.cmpi slt, %get3A_1407, %lt3A_1410 : vector<16xi32>
        %and3A_1412 = arith.andi %ge3A_1409, %lt3A_1411 : vector<16xi1>
        %sub3A_1413 = vector.broadcast %multiple_of3A : i32 to vector<16xi32>
        %sub3A_1414 = arith.subi %get3A_1407, %sub3A_1413 : vector<16xi32>
        %jit3A_1415 = arith.constant 0 : i32
        %broadcast_in_dim3A_1416 = vector.broadcast %jit3A_1415 : i32 to vector<16xi32>
        %select_n3A_1417 = arith.select %and3A_1412, %sub3A_1414, %broadcast_in_dim3A_1416 : vector<16xi1>, vector<16xi32>
        %broadcast_in_dim3A_1418 = arith.constant 1 : i32
        %broadcast_in_dim3A_1419 = vector.broadcast %broadcast_in_dim3A_1418 : i32 to vector<16xi32>
        %gather3A_1420 = tpu.vector_load_idx %arg8[%broadcast_in_dim3A_1419, %select_n3A_1417] : memref<8x12544xf32, #tpu.memory_space<vmem>>[vector<16xi32>, vector<16xi32>], vector<16xf32>,
        %get3A_1421 = arith.constant 128 : index
        %get3A_1422 = tpu.vector_load %arg7[%get3A_1421] {strides = array<i32>} : memref<1024xf32, #tpu.memory_space<vmem>>, vector<16xf32>,
        %select_n3A_1423 = arith.select %and3A_1412, %gather3A_1420, %get3A_1422 : vector<16xi1>, vector<16xf32>
        %swap3A_1424 = arith.constant 128 : index
        %swap3A_1425 = tpu.vector_load %arg7[%swap3A_1424] {strides = array<i32>} : memref<1024xf32, #tpu.memory_space<vmem>>, vector<16xf32>,
        tpu.vector_store %arg7[%swap3A_1424], %select_n3A_1423 {strides = array<i32>} : memref<1024xf32, #tpu.memory_space<vmem>>, vector<16xf32>,
        %get3A_1426 = arith.constant 144 : index
        %get3A_1427 = tpu.vector_load %arg6[%get3A_1426] {strides = array<i32>} : memref<1024xi32, #tpu.memory_space<vmem>>, vector<16xi32>,
        %ge3A_1428 = vector.broadcast %mul3A_1241 : i32 to vector<16xi32>
        %ge3A_1429 = arith.cmpi sge, %get3A_1427, %ge3A_1428 : vector<16xi32>
        %lt3A_1430 = vector.broadcast %select_n3A_1247 : i32 to vector<16xi32>
        %lt3A_1431 = arith.cmpi slt, %get3A_1427, %lt3A_1430 : vector<16xi32>
        %and3A_1432 = arith.andi %ge3A_1429, %lt3A_1431 : vector<16xi1>
        %sub3A_1433 = vector.broadcast %multiple_of3A : i32 to vector<16xi32>
        %sub3A_1434 = arith.subi %get3A_1427, %sub3A_1433 : vector<16xi32>
        %jit3A_1435 = arith.constant 0 : i32
        %broadcast_in_dim3A_1436 = vector.broadcast %jit3A_1435 : i32 to vector<16xi32>
        %select_n3A_1437 = arith.select %and3A_1432, %sub3A_1434, %broadcast_in_dim3A_1436 : vector<16xi1>, vector<16xi32>
        %broadcast_in_dim3A_1438 = arith.constant 1 : i32
        %broadcast_in_dim3A_1439 = vector.broadcast %broadcast_in_dim3A_1438 : i32 to vector<16xi32>
        %gather3A_1440 = tpu.vector_load_idx %arg8[%broadcast_in_dim3A_1439, %select_n3A_1437] : memref<8x12544xf32, #tpu.memory_space<vmem>>[vector<16xi32>, vector<16xi32>], vector<16xf32>,
        %get3A_1441 = arith.constant 144 : index
        %get3A_1442 = tpu.vector_load %arg7[%get3A_1441] {strides = array<i32>} : memref<1024xf32, #tpu.memory_space<vmem>>, vector<16xf32>,
        %select_n3A_1443 = arith.select %and3A_1432, %gather3A_1440, %get3A_1442 : vector<16xi1>, vector<16xf32>
        %swap3A_1444 = arith.constant 144 : index
        %swap3A_1445 = tpu.vector_load %arg7[%swap3A_1444] {strides = array<i32>} : memref<1024xf32, #tpu.memory_space<vmem>>, vector<16xf32>,
        tpu.vector_store %arg7[%swap3A_1444], %select_n3A_1443 {strides = array<i32>} : memref<1024xf32, #tpu.memory_space<vmem>>, vector<16xf32>,
        %get3A_1446 = arith.constant 160 : index
        %get3A_1447 = tpu.vector_load %arg6[%get3A_1446] {strides = array<i32>} : memref<1024xi32, #tpu.memory_space<vmem>>, vector<16xi32>,
        %ge3A_1448 = vector.broadcast %mul3A_1241 : i32 to vector<16xi32>
        %ge3A_1449 = arith.cmpi sge, %get3A_1447, %ge3A_1448 : vector<16xi32>
        %lt3A_1450 = vector.broadcast %select_n3A_1247 : i32 to vector<16xi32>
        %lt3A_1451 = arith.cmpi slt, %get3A_1447, %lt3A_1450 : vector<16xi32>
        %and3A_1452 = arith.andi %ge3A_1449, %lt3A_1451 : vector<16xi1>
        %sub3A_1453 = vector.broadcast %multiple_of3A : i32 to vector<16xi32>
        %sub3A_1454 = arith.subi %get3A_1447, %sub3A_1453 : vector<16xi32>
        %jit3A_1455 = arith.constant 0 : i32
        %broadcast_in_dim3A_1456 = vector.broadcast %jit3A_1455 : i32 to vector<16xi32>
        %select_n3A_1457 = arith.select %and3A_1452, %sub3A_1454, %broadcast_in_dim3A_1456 : vector<16xi1>, vector<16xi32>
        %broadcast_in_dim3A_1458 = arith.constant 1 : i32
        %broadcast_in_dim3A_1459 = vector.broadcast %broadcast_in_dim3A_1458 : i32 to vector<16xi32>
        %gather3A_1460 = tpu.vector_load_idx %arg8[%broadcast_in_dim3A_1459, %select_n3A_1457] : memref<8x12544xf32, #tpu.memory_space<vmem>>[vector<16xi32>, vector<16xi32>], vector<16xf32>,
        %get3A_1461 = arith.constant 160 : index
        %get3A_1462 = tpu.vector_load %arg7[%get3A_1461] {strides = array<i32>} : memref<1024xf32, #tpu.memory_space<vmem>>, vector<16xf32>,
        %select_n3A_1463 = arith.select %and3A_1452, %gather3A_1460, %get3A_1462 : vector<16xi1>, vector<16xf32>
        %swap3A_1464 = arith.constant 160 : index
        %swap3A_1465 = tpu.vector_load %arg7[%swap3A_1464] {strides = array<i32>} : memref<1024xf32, #tpu.memory_space<vmem>>, vector<16xf32>,
        tpu.vector_store %arg7[%swap3A_1464], %select_n3A_1463 {strides = array<i32>} : memref<1024xf32, #tpu.memory_space<vmem>>, vector<16xf32>,
        %get3A_1466 = arith.constant 176 : index
        %get3A_1467 = tpu.vector_load %arg6[%get3A_1466] {strides = array<i32>} : memref<1024xi32, #tpu.memory_space<vmem>>, vector<16xi32>,
        %ge3A_1468 = vector.broadcast %mul3A_1241 : i32 to vector<16xi32>
        %ge3A_1469 = arith.cmpi sge, %get3A_1467, %ge3A_1468 : vector<16xi32>
        %lt3A_1470 = vector.broadcast %select_n3A_1247 : i32 to vector<16xi32>
        %lt3A_1471 = arith.cmpi slt, %get3A_1467, %lt3A_1470 : vector<16xi32>
        %and3A_1472 = arith.andi %ge3A_1469, %lt3A_1471 : vector<16xi1>
        %sub3A_1473 = vector.broadcast %multiple_of3A : i32 to vector<16xi32>
        %sub3A_1474 = arith.subi %get3A_1467, %sub3A_1473 : vector<16xi32>
        %jit3A_1475 = arith.constant 0 : i32
        %broadcast_in_dim3A_1476 = vector.broadcast %jit3A_1475 : i32 to vector<16xi32>
        %select_n3A_1477 = arith.select %and3A_1472, %sub3A_1474, %broadcast_in_dim3A_1476 : vector<16xi1>, vector<16xi32>
        %broadcast_in_dim3A_1478 = arith.constant 1 : i32
        %broadcast_in_dim3A_1479 = vector.broadcast %broadcast_in_dim3A_1478 : i32 to vector<16xi32>
        %gather3A_1480 = tpu.vector_load_idx %arg8[%broadcast_in_dim3A_1479, %select_n3A_1477] : memref<8x12544xf32, #tpu.memory_space<vmem>>[vector<16xi32>, vector<16xi32>], vector<16xf32>,
        %get3A_1481 = arith.constant 176 : index
        %get3A_1482 = tpu.vector_load %arg7[%get3A_1481] {strides = array<i32>} : memref<1024xf32, #tpu.memory_space<vmem>>, vector<16xf32>,
        %select_n3A_1483 = arith.select %and3A_1472, %gather3A_1480, %get3A_1482 : vector<16xi1>, vector<16xf32>
        %swap3A_1484 = arith.constant 176 : index
        %swap3A_1485 = tpu.vector_load %arg7[%swap3A_1484] {strides = array<i32>} : memref<1024xf32, #tpu.memory_space<vmem>>, vector<16xf32>,
        tpu.vector_store %arg7[%swap3A_1484], %select_n3A_1483 {strides = array<i32>} : memref<1024xf32, #tpu.memory_space<vmem>>, vector<16xf32>,
        %get3A_1486 = arith.constant 192 : index
        %get3A_1487 = tpu.vector_load %arg6[%get3A_1486] {strides = array<i32>} : memref<1024xi32, #tpu.memory_space<vmem>>, vector<16xi32>,
        %ge3A_1488 = vector.broadcast %mul3A_1241 : i32 to vector<16xi32>
        %ge3A_1489 = arith.cmpi sge, %get3A_1487, %ge3A_1488 : vector<16xi32>
        %lt3A_1490 = vector.broadcast %select_n3A_1247 : i32 to vector<16xi32>
        %lt3A_1491 = arith.cmpi slt, %get3A_1487, %lt3A_1490 : vector<16xi32>
        %and3A_1492 = arith.andi %ge3A_1489, %lt3A_1491 : vector<16xi1>
        %sub3A_1493 = vector.broadcast %multiple_of3A : i32 to vector<16xi32>
        %sub3A_1494 = arith.subi %get3A_1487, %sub3A_1493 : vector<16xi32>
        %jit3A_1495 = arith.constant 0 : i32
        %broadcast_in_dim3A_1496 = vector.broadcast %jit3A_1495 : i32 to vector<16xi32>
        %select_n3A_1497 = arith.select %and3A_1492, %sub3A_1494, %broadcast_in_dim3A_1496 : vector<16xi1>, vector<16xi32>
        %broadcast_in_dim3A_1498 = arith.constant 1 : i32
        %broadcast_in_dim3A_1499 = vector.broadcast %broadcast_in_dim3A_1498 : i32 to vector<16xi32>
        %gather3A_1500 = tpu.vector_load_idx %arg8[%broadcast_in_dim3A_1499, %select_n3A_1497] : memref<8x12544xf32, #tpu.memory_space<vmem>>[vector<16xi32>, vector<16xi32>], vector<16xf32>,
        %get3A_1501 = arith.constant 192 : index
        %get3A_1502 = tpu.vector_load %arg7[%get3A_1501] {strides = array<i32>} : memref<1024xf32, #tpu.memory_space<vmem>>, vector<16xf32>,
        %select_n3A_1503 = arith.select %and3A_1492, %gather3A_1500, %get3A_1502 : vector<16xi1>, vector<16xf32>
        %swap3A_1504 = arith.constant 192 : index
        %swap3A_1505 = tpu.vector_load %arg7[%swap3A_1504] {strides = array<i32>} : memref<1024xf32, #tpu.memory_space<vmem>>, vector<16xf32>,
        tpu.vector_store %arg7[%swap3A_1504], %select_n3A_1503 {strides = array<i32>} : memref<1024xf32, #tpu.memory_space<vmem>>, vector<16xf32>,
        %get3A_1506 = arith.constant 208 : index
        %get3A_1507 = tpu.vector_load %arg6[%get3A_1506] {strides = array<i32>} : memref<1024xi32, #tpu.memory_space<vmem>>, vector<16xi32>,
        %ge3A_1508 = vector.broadcast %mul3A_1241 : i32 to vector<16xi32>
        %ge3A_1509 = arith.cmpi sge, %get3A_1507, %ge3A_1508 : vector<16xi32>
        %lt3A_1510 = vector.broadcast %select_n3A_1247 : i32 to vector<16xi32>
        %lt3A_1511 = arith.cmpi slt, %get3A_1507, %lt3A_1510 : vector<16xi32>
        %and3A_1512 = arith.andi %ge3A_1509, %lt3A_1511 : vector<16xi1>
        %sub3A_1513 = vector.broadcast %multiple_of3A : i32 to vector<16xi32>
        %sub3A_1514 = arith.subi %get3A_1507, %sub3A_1513 : vector<16xi32>
        %jit3A_1515 = arith.constant 0 : i32
        %broadcast_in_dim3A_1516 = vector.broadcast %jit3A_1515 : i32 to vector<16xi32>
        %select_n3A_1517 = arith.select %and3A_1512, %sub3A_1514, %broadcast_in_dim3A_1516 : vector<16xi1>, vector<16xi32>
        %broadcast_in_dim3A_1518 = arith.constant 1 : i32
        %broadcast_in_dim3A_1519 = vector.broadcast %broadcast_in_dim3A_1518 : i32 to vector<16xi32>
        %gather3A_1520 = tpu.vector_load_idx %arg8[%broadcast_in_dim3A_1519, %select_n3A_1517] : memref<8x12544xf32, #tpu.memory_space<vmem>>[vector<16xi32>, vector<16xi32>], vector<16xf32>,
        %get3A_1521 = arith.constant 208 : index
        %get3A_1522 = tpu.vector_load %arg7[%get3A_1521] {strides = array<i32>} : memref<1024xf32, #tpu.memory_space<vmem>>, vector<16xf32>,
        %select_n3A_1523 = arith.select %and3A_1512, %gather3A_1520, %get3A_1522 : vector<16xi1>, vector<16xf32>
        %swap3A_1524 = arith.constant 208 : index
        %swap3A_1525 = tpu.vector_load %arg7[%swap3A_1524] {strides = array<i32>} : memref<1024xf32, #tpu.memory_space<vmem>>, vector<16xf32>,
        tpu.vector_store %arg7[%swap3A_1524], %select_n3A_1523 {strides = array<i32>} : memref<1024xf32, #tpu.memory_space<vmem>>, vector<16xf32>,
        %get3A_1526 = arith.constant 224 : index
        %get3A_1527 = tpu.vector_load %arg6[%get3A_1526] {strides = array<i32>} : memref<1024xi32, #tpu.memory_space<vmem>>, vector<16xi32>,
        %ge3A_1528 = vector.broadcast %mul3A_1241 : i32 to vector<16xi32>
        %ge3A_1529 = arith.cmpi sge, %get3A_1527, %ge3A_1528 : vector<16xi32>
        %lt3A_1530 = vector.broadcast %select_n3A_1247 : i32 to vector<16xi32>
        %lt3A_1531 = arith.cmpi slt, %get3A_1527, %lt3A_1530 : vector<16xi32>
        %and3A_1532 = arith.andi %ge3A_1529, %lt3A_1531 : vector<16xi1>
        %sub3A_1533 = vector.broadcast %multiple_of3A : i32 to vector<16xi32>
        %sub3A_1534 = arith.subi %get3A_1527, %sub3A_1533 : vector<16xi32>
        %jit3A_1535 = arith.constant 0 : i32
        %broadcast_in_dim3A_1536 = vector.broadcast %jit3A_1535 : i32 to vector<16xi32>
        %select_n3A_1537 = arith.select %and3A_1532, %sub3A_1534, %broadcast_in_dim3A_1536 : vector<16xi1>, vector<16xi32>
        %broadcast_in_dim3A_1538 = arith.constant 1 : i32
        %broadcast_in_dim3A_1539 = vector.broadcast %broadcast_in_dim3A_1538 : i32 to vector<16xi32>
        %gather3A_1540 = tpu.vector_load_idx %arg8[%broadcast_in_dim3A_1539, %select_n3A_1537] : memref<8x12544xf32, #tpu.memory_space<vmem>>[vector<16xi32>, vector<16xi32>], vector<16xf32>,
        %get3A_1541 = arith.constant 224 : index
        %get3A_1542 = tpu.vector_load %arg7[%get3A_1541] {strides = array<i32>} : memref<1024xf32, #tpu.memory_space<vmem>>, vector<16xf32>,
        %select_n3A_1543 = arith.select %and3A_1532, %gather3A_1540, %get3A_1542 : vector<16xi1>, vector<16xf32>
        %swap3A_1544 = arith.constant 224 : index
        %swap3A_1545 = tpu.vector_load %arg7[%swap3A_1544] {strides = array<i32>} : memref<1024xf32, #tpu.memory_space<vmem>>, vector<16xf32>,
        tpu.vector_store %arg7[%swap3A_1544], %select_n3A_1543 {strides = array<i32>} : memref<1024xf32, #tpu.memory_space<vmem>>, vector<16xf32>,
        %get3A_1546 = arith.constant 240 : index
        %get3A_1547 = tpu.vector_load %arg6[%get3A_1546] {strides = array<i32>} : memref<1024xi32, #tpu.memory_space<vmem>>, vector<16xi32>,
        %ge3A_1548 = vector.broadcast %mul3A_1241 : i32 to vector<16xi32>
        %ge3A_1549 = arith.cmpi sge, %get3A_1547, %ge3A_1548 : vector<16xi32>
        %lt3A_1550 = vector.broadcast %select_n3A_1247 : i32 to vector<16xi32>
        %lt3A_1551 = arith.cmpi slt, %get3A_1547, %lt3A_1550 : vector<16xi32>
        %and3A_1552 = arith.andi %ge3A_1549, %lt3A_1551 : vector<16xi1>
        %sub3A_1553 = vector.broadcast %multiple_of3A : i32 to vector<16xi32>
        %sub3A_1554 = arith.subi %get3A_1547, %sub3A_1553 : vector<16xi32>
        %jit3A_1555 = arith.constant 0 : i32
        %broadcast_in_dim3A_1556 = vector.broadcast %jit3A_1555 : i32 to vector<16xi32>
        %select_n3A_1557 = arith.select %and3A_1552, %sub3A_1554, %broadcast_in_dim3A_1556 : vector<16xi1>, vector<16xi32>
        %broadcast_in_dim3A_1558 = arith.constant 1 : i32
        %broadcast_in_dim3A_1559 = vector.broadcast %broadcast_in_dim3A_1558 : i32 to vector<16xi32>
        %gather3A_1560 = tpu.vector_load_idx %arg8[%broadcast_in_dim3A_1559, %select_n3A_1557] : memref<8x12544xf32, #tpu.memory_space<vmem>>[vector<16xi32>, vector<16xi32>], vector<16xf32>,
        %get3A_1561 = arith.constant 240 : index
        %get3A_1562 = tpu.vector_load %arg7[%get3A_1561] {strides = array<i32>} : memref<1024xf32, #tpu.memory_space<vmem>>, vector<16xf32>,
        %select_n3A_1563 = arith.select %and3A_1552, %gather3A_1560, %get3A_1562 : vector<16xi1>, vector<16xf32>
        %swap3A_1564 = arith.constant 240 : index
        %swap3A_1565 = tpu.vector_load %arg7[%swap3A_1564] {strides = array<i32>} : memref<1024xf32, #tpu.memory_space<vmem>>, vector<16xf32>,
        tpu.vector_store %arg7[%swap3A_1564], %select_n3A_1563 {strides = array<i32>} : memref<1024xf32, #tpu.memory_space<vmem>>, vector<16xf32>,
        %get3A_1566 = arith.constant 256 : index
        %get3A_1567 = tpu.vector_load %arg6[%get3A_1566] {strides = array<i32>} : memref<1024xi32, #tpu.memory_space<vmem>>, vector<16xi32>,
        %ge3A_1568 = vector.broadcast %mul3A_1241 : i32 to vector<16xi32>
        %ge3A_1569 = arith.cmpi sge, %get3A_1567, %ge3A_1568 : vector<16xi32>
        %lt3A_1570 = vector.broadcast %select_n3A_1247 : i32 to vector<16xi32>
        %lt3A_1571 = arith.cmpi slt, %get3A_1567, %lt3A_1570 : vector<16xi32>
        %and3A_1572 = arith.andi %ge3A_1569, %lt3A_1571 : vector<16xi1>
        %sub3A_1573 = vector.broadcast %multiple_of3A : i32 to vector<16xi32>
        %sub3A_1574 = arith.subi %get3A_1567, %sub3A_1573 : vector<16xi32>
        %jit3A_1575 = arith.constant 0 : i32
        %broadcast_in_dim3A_1576 = vector.broadcast %jit3A_1575 : i32 to vector<16xi32>
        %select_n3A_1577 = arith.select %and3A_1572, %sub3A_1574, %broadcast_in_dim3A_1576 : vector<16xi1>, vector<16xi32>
        %broadcast_in_dim3A_1578 = arith.constant 2 : i32
        %broadcast_in_dim3A_1579 = vector.broadcast %broadcast_in_dim3A_1578 : i32 to vector<16xi32>
        %gather3A_1580 = tpu.vector_load_idx %arg8[%broadcast_in_dim3A_1579, %select_n3A_1577] : memref<8x12544xf32, #tpu.memory_space<vmem>>[vector<16xi32>, vector<16xi32>], vector<16xf32>,
        %get3A_1581 = arith.constant 256 : index
        %get3A_1582 = tpu.vector_load %arg7[%get3A_1581] {strides = array<i32>} : memref<1024xf32, #tpu.memory_space<vmem>>, vector<16xf32>,
        %select_n3A_1583 = arith.select %and3A_1572, %gather3A_1580, %get3A_1582 : vector<16xi1>, vector<16xf32>
        %swap3A_1584 = arith.constant 256 : index
        %swap3A_1585 = tpu.vector_load %arg7[%swap3A_1584] {strides = array<i32>} : memref<1024xf32, #tpu.memory_space<vmem>>, vector<16xf32>,
        tpu.vector_store %arg7[%swap3A_1584], %select_n3A_1583 {strides = array<i32>} : memref<1024xf32, #tpu.memory_space<vmem>>, vector<16xf32>,
        %get3A_1586 = arith.constant 272 : index
        %get3A_1587 = tpu.vector_load %arg6[%get3A_1586] {strides = array<i32>} : memref<1024xi32, #tpu.memory_space<vmem>>, vector<16xi32>,
        %ge3A_1588 = vector.broadcast %mul3A_1241 : i32 to vector<16xi32>
        %ge3A_1589 = arith.cmpi sge, %get3A_1587, %ge3A_1588 : vector<16xi32>
        %lt3A_1590 = vector.broadcast %select_n3A_1247 : i32 to vector<16xi32>
        %lt3A_1591 = arith.cmpi slt, %get3A_1587, %lt3A_1590 : vector<16xi32>
        %and3A_1592 = arith.andi %ge3A_1589, %lt3A_1591 : vector<16xi1>
        %sub3A_1593 = vector.broadcast %multiple_of3A : i32 to vector<16xi32>
        %sub3A_1594 = arith.subi %get3A_1587, %sub3A_1593 : vector<16xi32>
        %jit3A_1595 = arith.constant 0 : i32
        %broadcast_in_dim3A_1596 = vector.broadcast %jit3A_1595 : i32 to vector<16xi32>
        %select_n3A_1597 = arith.select %and3A_1592, %sub3A_1594, %broadcast_in_dim3A_1596 : vector<16xi1>, vector<16xi32>
        %broadcast_in_dim3A_1598 = arith.constant 2 : i32
        %broadcast_in_dim3A_1599 = vector.broadcast %broadcast_in_dim3A_1598 : i32 to vector<16xi32>
        %gather3A_1600 = tpu.vector_load_idx %arg8[%broadcast_in_dim3A_1599, %select_n3A_1597] : memref<8x12544xf32, #tpu.memory_space<vmem>>[vector<16xi32>, vector<16xi32>], vector<16xf32>,
        %get3A_1601 = arith.constant 272 : index
        %get3A_1602 = tpu.vector_load %arg7[%get3A_1601] {strides = array<i32>} : memref<1024xf32, #tpu.memory_space<vmem>>, vector<16xf32>,
        %select_n3A_1603 = arith.select %and3A_1592, %gather3A_1600, %get3A_1602 : vector<16xi1>, vector<16xf32>
        %swap3A_1604 = arith.constant 272 : index
        %swap3A_1605 = tpu.vector_load %arg7[%swap3A_1604] {strides = array<i32>} : memref<1024xf32, #tpu.memory_space<vmem>>, vector<16xf32>,
        tpu.vector_store %arg7[%swap3A_1604], %select_n3A_1603 {strides = array<i32>} : memref<1024xf32, #tpu.memory_space<vmem>>, vector<16xf32>,
        %get3A_1606 = arith.constant 288 : index
        %get3A_1607 = tpu.vector_load %arg6[%get3A_1606] {strides = array<i32>} : memref<1024xi32, #tpu.memory_space<vmem>>, vector<16xi32>,
        %ge3A_1608 = vector.broadcast %mul3A_1241 : i32 to vector<16xi32>
        %ge3A_1609 = arith.cmpi sge, %get3A_1607, %ge3A_1608 : vector<16xi32>
        %lt3A_1610 = vector.broadcast %select_n3A_1247 : i32 to vector<16xi32>
        %lt3A_1611 = arith.cmpi slt, %get3A_1607, %lt3A_1610 : vector<16xi32>
        %and3A_1612 = arith.andi %ge3A_1609, %lt3A_1611 : vector<16xi1>
        %sub3A_1613 = vector.broadcast %multiple_of3A : i32 to vector<16xi32>
        %sub3A_1614 = arith.subi %get3A_1607, %sub3A_1613 : vector<16xi32>
        %jit3A_1615 = arith.constant 0 : i32
        %broadcast_in_dim3A_1616 = vector.broadcast %jit3A_1615 : i32 to vector<16xi32>
        %select_n3A_1617 = arith.select %and3A_1612, %sub3A_1614, %broadcast_in_dim3A_1616 : vector<16xi1>, vector<16xi32>
        %broadcast_in_dim3A_1618 = arith.constant 2 : i32
        %broadcast_in_dim3A_1619 = vector.broadcast %broadcast_in_dim3A_1618 : i32 to vector<16xi32>
        %gather3A_1620 = tpu.vector_load_idx %arg8[%broadcast_in_dim3A_1619, %select_n3A_1617] : memref<8x12544xf32, #tpu.memory_space<vmem>>[vector<16xi32>, vector<16xi32>], vector<16xf32>,
        %get3A_1621 = arith.constant 288 : index
        %get3A_1622 = tpu.vector_load %arg7[%get3A_1621] {strides = array<i32>} : memref<1024xf32, #tpu.memory_space<vmem>>, vector<16xf32>,
        %select_n3A_1623 = arith.select %and3A_1612, %gather3A_1620, %get3A_1622 : vector<16xi1>, vector<16xf32>
        %swap3A_1624 = arith.constant 288 : index
        %swap3A_1625 = tpu.vector_load %arg7[%swap3A_1624] {strides = array<i32>} : memref<1024xf32, #tpu.memory_space<vmem>>, vector<16xf32>,
        tpu.vector_store %arg7[%swap3A_1624], %select_n3A_1623 {strides = array<i32>} : memref<1024xf32, #tpu.memory_space<vmem>>, vector<16xf32>,
        %get3A_1626 = arith.constant 304 : index
        %get3A_1627 = tpu.vector_load %arg6[%get3A_1626] {strides = array<i32>} : memref<1024xi32, #tpu.memory_space<vmem>>, vector<16xi32>,
        %ge3A_1628 = vector.broadcast %mul3A_1241 : i32 to vector<16xi32>
        %ge3A_1629 = arith.cmpi sge, %get3A_1627, %ge3A_1628 : vector<16xi32>
        %lt3A_1630 = vector.broadcast %select_n3A_1247 : i32 to vector<16xi32>
        %lt3A_1631 = arith.cmpi slt, %get3A_1627, %lt3A_1630 : vector<16xi32>
        %and3A_1632 = arith.andi %ge3A_1629, %lt3A_1631 : vector<16xi1>
        %sub3A_1633 = vector.broadcast %multiple_of3A : i32 to vector<16xi32>
        %sub3A_1634 = arith.subi %get3A_1627, %sub3A_1633 : vector<16xi32>
        %jit3A_1635 = arith.constant 0 : i32
        %broadcast_in_dim3A_1636 = vector.broadcast %jit3A_1635 : i32 to vector<16xi32>
        %select_n3A_1637 = arith.select %and3A_1632, %sub3A_1634, %broadcast_in_dim3A_1636 : vector<16xi1>, vector<16xi32>
        %broadcast_in_dim3A_1638 = arith.constant 2 : i32
        %broadcast_in_dim3A_1639 = vector.broadcast %broadcast_in_dim3A_1638 : i32 to vector<16xi32>
        %gather3A_1640 = tpu.vector_load_idx %arg8[%broadcast_in_dim3A_1639, %select_n3A_1637] : memref<8x12544xf32, #tpu.memory_space<vmem>>[vector<16xi32>, vector<16xi32>], vector<16xf32>,
        %get3A_1641 = arith.constant 304 : index
        %get3A_1642 = tpu.vector_load %arg7[%get3A_1641] {strides = array<i32>} : memref<1024xf32, #tpu.memory_space<vmem>>, vector<16xf32>,
        %select_n3A_1643 = arith.select %and3A_1632, %gather3A_1640, %get3A_1642 : vector<16xi1>, vector<16xf32>
        %swap3A_1644 = arith.constant 304 : index
        %swap3A_1645 = tpu.vector_load %arg7[%swap3A_1644] {strides = array<i32>} : memref<1024xf32, #tpu.memory_space<vmem>>, vector<16xf32>,
        tpu.vector_store %arg7[%swap3A_1644], %select_n3A_1643 {strides = array<i32>} : memref<1024xf32, #tpu.memory_space<vmem>>, vector<16xf32>,
        %get3A_1646 = arith.constant 320 : index
        %get3A_1647 = tpu.vector_load %arg6[%get3A_1646] {strides = array<i32>} : memref<1024xi32, #tpu.memory_space<vmem>>, vector<16xi32>,
        %ge3A_1648 = vector.broadcast %mul3A_1241 : i32 to vector<16xi32>
        %ge3A_1649 = arith.cmpi sge, %get3A_1647, %ge3A_1648 : vector<16xi32>
        %lt3A_1650 = vector.broadcast %select_n3A_1247 : i32 to vector<16xi32>
        %lt3A_1651 = arith.cmpi slt, %get3A_1647, %lt3A_1650 : vector<16xi32>
        %and3A_1652 = arith.andi %ge3A_1649, %lt3A_1651 : vector<16xi1>
        %sub3A_1653 = vector.broadcast %multiple_of3A : i32 to vector<16xi32>
        %sub3A_1654 = arith.subi %get3A_1647, %sub3A_1653 : vector<16xi32>
        %jit3A_1655 = arith.constant 0 : i32
        %broadcast_in_dim3A_1656 = vector.broadcast %jit3A_1655 : i32 to vector<16xi32>
        %select_n3A_1657 = arith.select %and3A_1652, %sub3A_1654, %broadcast_in_dim3A_1656 : vector<16xi1>, vector<16xi32>
        %broadcast_in_dim3A_1658 = arith.constant 2 : i32
        %broadcast_in_dim3A_1659 = vector.broadcast %broadcast_in_dim3A_1658 : i32 to vector<16xi32>
        %gather3A_1660 = tpu.vector_load_idx %arg8[%broadcast_in_dim3A_1659, %select_n3A_1657] : memref<8x12544xf32, #tpu.memory_space<vmem>>[vector<16xi32>, vector<16xi32>], vector<16xf32>,
        %get3A_1661 = arith.constant 320 : index
        %get3A_1662 = tpu.vector_load %arg7[%get3A_1661] {strides = array<i32>} : memref<1024xf32, #tpu.memory_space<vmem>>, vector<16xf32>,
        %select_n3A_1663 = arith.select %and3A_1652, %gather3A_1660, %get3A_1662 : vector<16xi1>, vector<16xf32>
        %swap3A_1664 = arith.constant 320 : index
        %swap3A_1665 = tpu.vector_load %arg7[%swap3A_1664] {strides = array<i32>} : memref<1024xf32, #tpu.memory_space<vmem>>, vector<16xf32>,
        tpu.vector_store %arg7[%swap3A_1664], %select_n3A_1663 {strides = array<i32>} : memref<1024xf32, #tpu.memory_space<vmem>>, vector<16xf32>,
        %get3A_1666 = arith.constant 336 : index
        %get3A_1667 = tpu.vector_load %arg6[%get3A_1666] {strides = array<i32>} : memref<1024xi32, #tpu.memory_space<vmem>>, vector<16xi32>,
        %ge3A_1668 = vector.broadcast %mul3A_1241 : i32 to vector<16xi32>
        %ge3A_1669 = arith.cmpi sge, %get3A_1667, %ge3A_1668 : vector<16xi32>
        %lt3A_1670 = vector.broadcast %select_n3A_1247 : i32 to vector<16xi32>
        %lt3A_1671 = arith.cmpi slt, %get3A_1667, %lt3A_1670 : vector<16xi32>
        %and3A_1672 = arith.andi %ge3A_1669, %lt3A_1671 : vector<16xi1>
        %sub3A_1673 = vector.broadcast %multiple_of3A : i32 to vector<16xi32>
        %sub3A_1674 = arith.subi %get3A_1667, %sub3A_1673 : vector<16xi32>
        %jit3A_1675 = arith.constant 0 : i32
        %broadcast_in_dim3A_1676 = vector.broadcast %jit3A_1675 : i32 to vector<16xi32>
        %select_n3A_1677 = arith.select %and3A_1672, %sub3A_1674, %broadcast_in_dim3A_1676 : vector<16xi1>, vector<16xi32>
        %broadcast_in_dim3A_1678 = arith.constant 2 : i32
        %broadcast_in_dim3A_1679 = vector.broadcast %broadcast_in_dim3A_1678 : i32 to vector<16xi32>
        %gather3A_1680 = tpu.vector_load_idx %arg8[%broadcast_in_dim3A_1679, %select_n3A_1677] : memref<8x12544xf32, #tpu.memory_space<vmem>>[vector<16xi32>, vector<16xi32>], vector<16xf32>,
        %get3A_1681 = arith.constant 336 : index
        %get3A_1682 = tpu.vector_load %arg7[%get3A_1681] {strides = array<i32>} : memref<1024xf32, #tpu.memory_space<vmem>>, vector<16xf32>,
        %select_n3A_1683 = arith.select %and3A_1672, %gather3A_1680, %get3A_1682 : vector<16xi1>, vector<16xf32>
        %swap3A_1684 = arith.constant 336 : index
        %swap3A_1685 = tpu.vector_load %arg7[%swap3A_1684] {strides = array<i32>} : memref<1024xf32, #tpu.memory_space<vmem>>, vector<16xf32>,
        tpu.vector_store %arg7[%swap3A_1684], %select_n3A_1683 {strides = array<i32>} : memref<1024xf32, #tpu.memory_space<vmem>>, vector<16xf32>,
        %get3A_1686 = arith.constant 352 : index
        %get3A_1687 = tpu.vector_load %arg6[%get3A_1686] {strides = array<i32>} : memref<1024xi32, #tpu.memory_space<vmem>>, vector<16xi32>,
        %ge3A_1688 = vector.broadcast %mul3A_1241 : i32 to vector<16xi32>
        %ge3A_1689 = arith.cmpi sge, %get3A_1687, %ge3A_1688 : vector<16xi32>
        %lt3A_1690 = vector.broadcast %select_n3A_1247 : i32 to vector<16xi32>
        %lt3A_1691 = arith.cmpi slt, %get3A_1687, %lt3A_1690 : vector<16xi32>
        %and3A_1692 = arith.andi %ge3A_1689, %lt3A_1691 : vector<16xi1>
        %sub3A_1693 = vector.broadcast %multiple_of3A : i32 to vector<16xi32>
        %sub3A_1694 = arith.subi %get3A_1687, %sub3A_1693 : vector<16xi32>
        %jit3A_1695 = arith.constant 0 : i32
        %broadcast_in_dim3A_1696 = vector.broadcast %jit3A_1695 : i32 to vector<16xi32>
        %select_n3A_1697 = arith.select %and3A_1692, %sub3A_1694, %broadcast_in_dim3A_1696 : vector<16xi1>, vector<16xi32>
        %broadcast_in_dim3A_1698 = arith.constant 2 : i32
        %broadcast_in_dim3A_1699 = vector.broadcast %broadcast_in_dim3A_1698 : i32 to vector<16xi32>
        %gather3A_1700 = tpu.vector_load_idx %arg8[%broadcast_in_dim3A_1699, %select_n3A_1697] : memref<8x12544xf32, #tpu.memory_space<vmem>>[vector<16xi32>, vector<16xi32>], vector<16xf32>,
        %get3A_1701 = arith.constant 352 : index
        %get3A_1702 = tpu.vector_load %arg7[%get3A_1701] {strides = array<i32>} : memref<1024xf32, #tpu.memory_space<vmem>>, vector<16xf32>,
        %select_n3A_1703 = arith.select %and3A_1692, %gather3A_1700, %get3A_1702 : vector<16xi1>, vector<16xf32>
        %swap3A_1704 = arith.constant 352 : index
        %swap3A_1705 = tpu.vector_load %arg7[%swap3A_1704] {strides = array<i32>} : memref<1024xf32, #tpu.memory_space<vmem>>, vector<16xf32>,
        tpu.vector_store %arg7[%swap3A_1704], %select_n3A_1703 {strides = array<i32>} : memref<1024xf32, #tpu.memory_space<vmem>>, vector<16xf32>,
        %get3A_1706 = arith.constant 368 : index
        %get3A_1707 = tpu.vector_load %arg6[%get3A_1706] {strides = array<i32>} : memref<1024xi32, #tpu.memory_space<vmem>>, vector<16xi32>,
        %ge3A_1708 = vector.broadcast %mul3A_1241 : i32 to vector<16xi32>
        %ge3A_1709 = arith.cmpi sge, %get3A_1707, %ge3A_1708 : vector<16xi32>
        %lt3A_1710 = vector.broadcast %select_n3A_1247 : i32 to vector<16xi32>
        %lt3A_1711 = arith.cmpi slt, %get3A_1707, %lt3A_1710 : vector<16xi32>
        %and3A_1712 = arith.andi %ge3A_1709, %lt3A_1711 : vector<16xi1>
        %sub3A_1713 = vector.broadcast %multiple_of3A : i32 to vector<16xi32>
        %sub3A_1714 = arith.subi %get3A_1707, %sub3A_1713 : vector<16xi32>
        %jit3A_1715 = arith.constant 0 : i32
        %broadcast_in_dim3A_1716 = vector.broadcast %jit3A_1715 : i32 to vector<16xi32>
        %select_n3A_1717 = arith.select %and3A_1712, %sub3A_1714, %broadcast_in_dim3A_1716 : vector<16xi1>, vector<16xi32>
        %broadcast_in_dim3A_1718 = arith.constant 2 : i32
        %broadcast_in_dim3A_1719 = vector.broadcast %broadcast_in_dim3A_1718 : i32 to vector<16xi32>
        %gather3A_1720 = tpu.vector_load_idx %arg8[%broadcast_in_dim3A_1719, %select_n3A_1717] : memref<8x12544xf32, #tpu.memory_space<vmem>>[vector<16xi32>, vector<16xi32>], vector<16xf32>,
        %get3A_1721 = arith.constant 368 : index
        %get3A_1722 = tpu.vector_load %arg7[%get3A_1721] {strides = array<i32>} : memref<1024xf32, #tpu.memory_space<vmem>>, vector<16xf32>,
        %select_n3A_1723 = arith.select %and3A_1712, %gather3A_1720, %get3A_1722 : vector<16xi1>, vector<16xf32>
        %swap3A_1724 = arith.constant 368 : index
        %swap3A_1725 = tpu.vector_load %arg7[%swap3A_1724] {strides = array<i32>} : memref<1024xf32, #tpu.memory_space<vmem>>, vector<16xf32>,
        tpu.vector_store %arg7[%swap3A_1724], %select_n3A_1723 {strides = array<i32>} : memref<1024xf32, #tpu.memory_space<vmem>>, vector<16xf32>,
        %get3A_1726 = arith.constant 384 : index
        %get3A_1727 = tpu.vector_load %arg6[%get3A_1726] {strides = array<i32>} : memref<1024xi32, #tpu.memory_space<vmem>>, vector<16xi32>,
        %ge3A_1728 = vector.broadcast %mul3A_1241 : i32 to vector<16xi32>
        %ge3A_1729 = arith.cmpi sge, %get3A_1727, %ge3A_1728 : vector<16xi32>
        %lt3A_1730 = vector.broadcast %select_n3A_1247 : i32 to vector<16xi32>
        %lt3A_1731 = arith.cmpi slt, %get3A_1727, %lt3A_1730 : vector<16xi32>
        %and3A_1732 = arith.andi %ge3A_1729, %lt3A_1731 : vector<16xi1>
        %sub3A_1733 = vector.broadcast %multiple_of3A : i32 to vector<16xi32>
        %sub3A_1734 = arith.subi %get3A_1727, %sub3A_1733 : vector<16xi32>
        %jit3A_1735 = arith.constant 0 : i32
        %broadcast_in_dim3A_1736 = vector.broadcast %jit3A_1735 : i32 to vector<16xi32>
        %select_n3A_1737 = arith.select %and3A_1732, %sub3A_1734, %broadcast_in_dim3A_1736 : vector<16xi1>, vector<16xi32>
        %broadcast_in_dim3A_1738 = arith.constant 3 : i32
        %broadcast_in_dim3A_1739 = vector.broadcast %broadcast_in_dim3A_1738 : i32 to vector<16xi32>
        %gather3A_1740 = tpu.vector_load_idx %arg8[%broadcast_in_dim3A_1739, %select_n3A_1737] : memref<8x12544xf32, #tpu.memory_space<vmem>>[vector<16xi32>, vector<16xi32>], vector<16xf32>,
        %get3A_1741 = arith.constant 384 : index
        %get3A_1742 = tpu.vector_load %arg7[%get3A_1741] {strides = array<i32>} : memref<1024xf32, #tpu.memory_space<vmem>>, vector<16xf32>,
        %select_n3A_1743 = arith.select %and3A_1732, %gather3A_1740, %get3A_1742 : vector<16xi1>, vector<16xf32>
        %swap3A_1744 = arith.constant 384 : index
        %swap3A_1745 = tpu.vector_load %arg7[%swap3A_1744] {strides = array<i32>} : memref<1024xf32, #tpu.memory_space<vmem>>, vector<16xf32>,
        tpu.vector_store %arg7[%swap3A_1744], %select_n3A_1743 {strides = array<i32>} : memref<1024xf32, #tpu.memory_space<vmem>>, vector<16xf32>,
        %get3A_1746 = arith.constant 400 : index
        %get3A_1747 = tpu.vector_load %arg6[%get3A_1746] {strides = array<i32>} : memref<1024xi32, #tpu.memory_space<vmem>>, vector<16xi32>,
        %ge3A_1748 = vector.broadcast %mul3A_1241 : i32 to vector<16xi32>
        %ge3A_1749 = arith.cmpi sge, %get3A_1747, %ge3A_1748 : vector<16xi32>
        %lt3A_1750 = vector.broadcast %select_n3A_1247 : i32 to vector<16xi32>
        %lt3A_1751 = arith.cmpi slt, %get3A_1747, %lt3A_1750 : vector<16xi32>
        %and3A_1752 = arith.andi %ge3A_1749, %lt3A_1751 : vector<16xi1>
        %sub3A_1753 = vector.broadcast %multiple_of3A : i32 to vector<16xi32>
        %sub3A_1754 = arith.subi %get3A_1747, %sub3A_1753 : vector<16xi32>
        %jit3A_1755 = arith.constant 0 : i32
        %broadcast_in_dim3A_1756 = vector.broadcast %jit3A_1755 : i32 to vector<16xi32>
        %select_n3A_1757 = arith.select %and3A_1752, %sub3A_1754, %broadcast_in_dim3A_1756 : vector<16xi1>, vector<16xi32>
        %broadcast_in_dim3A_1758 = arith.constant 3 : i32
        %broadcast_in_dim3A_1759 = vector.broadcast %broadcast_in_dim3A_1758 : i32 to vector<16xi32>
        %gather3A_1760 = tpu.vector_load_idx %arg8[%broadcast_in_dim3A_1759, %select_n3A_1757] : memref<8x12544xf32, #tpu.memory_space<vmem>>[vector<16xi32>, vector<16xi32>], vector<16xf32>,
        %get3A_1761 = arith.constant 400 : index
        %get3A_1762 = tpu.vector_load %arg7[%get3A_1761] {strides = array<i32>} : memref<1024xf32, #tpu.memory_space<vmem>>, vector<16xf32>,
        %select_n3A_1763 = arith.select %and3A_1752, %gather3A_1760, %get3A_1762 : vector<16xi1>, vector<16xf32>
        %swap3A_1764 = arith.constant 400 : index
        %swap3A_1765 = tpu.vector_load %arg7[%swap3A_1764] {strides = array<i32>} : memref<1024xf32, #tpu.memory_space<vmem>>, vector<16xf32>,
        tpu.vector_store %arg7[%swap3A_1764], %select_n3A_1763 {strides = array<i32>} : memref<1024xf32, #tpu.memory_space<vmem>>, vector<16xf32>,
        %get3A_1766 = arith.constant 416 : index
        %get3A_1767 = tpu.vector_load %arg6[%get3A_1766] {strides = array<i32>} : memref<1024xi32, #tpu.memory_space<vmem>>, vector<16xi32>,
        %ge3A_1768 = vector.broadcast %mul3A_1241 : i32 to vector<16xi32>
        %ge3A_1769 = arith.cmpi sge, %get3A_1767, %ge3A_1768 : vector<16xi32>
        %lt3A_1770 = vector.broadcast %select_n3A_1247 : i32 to vector<16xi32>
        %lt3A_1771 = arith.cmpi slt, %get3A_1767, %lt3A_1770 : vector<16xi32>
        %and3A_1772 = arith.andi %ge3A_1769, %lt3A_1771 : vector<16xi1>
        %sub3A_1773 = vector.broadcast %multiple_of3A : i32 to vector<16xi32>
        %sub3A_1774 = arith.subi %get3A_1767, %sub3A_1773 : vector<16xi32>
        %jit3A_1775 = arith.constant 0 : i32
        %broadcast_in_dim3A_1776 = vector.broadcast %jit3A_1775 : i32 to vector<16xi32>
        %select_n3A_1777 = arith.select %and3A_1772, %sub3A_1774, %broadcast_in_dim3A_1776 : vector<16xi1>, vector<16xi32>
        %broadcast_in_dim3A_1778 = arith.constant 3 : i32
        %broadcast_in_dim3A_1779 = vector.broadcast %broadcast_in_dim3A_1778 : i32 to vector<16xi32>
        %gather3A_1780 = tpu.vector_load_idx %arg8[%broadcast_in_dim3A_1779, %select_n3A_1777] : memref<8x12544xf32, #tpu.memory_space<vmem>>[vector<16xi32>, vector<16xi32>], vector<16xf32>,
        %get3A_1781 = arith.constant 416 : index
        %get3A_1782 = tpu.vector_load %arg7[%get3A_1781] {strides = array<i32>} : memref<1024xf32, #tpu.memory_space<vmem>>, vector<16xf32>,
        %select_n3A_1783 = arith.select %and3A_1772, %gather3A_1780, %get3A_1782 : vector<16xi1>, vector<16xf32>
        %swap3A_1784 = arith.constant 416 : index
        %swap3A_1785 = tpu.vector_load %arg7[%swap3A_1784] {strides = array<i32>} : memref<1024xf32, #tpu.memory_space<vmem>>, vector<16xf32>,
        tpu.vector_store %arg7[%swap3A_1784], %select_n3A_1783 {strides = array<i32>} : memref<1024xf32, #tpu.memory_space<vmem>>, vector<16xf32>,
        %get3A_1786 = arith.constant 432 : index
        %get3A_1787 = tpu.vector_load %arg6[%get3A_1786] {strides = array<i32>} : memref<1024xi32, #tpu.memory_space<vmem>>, vector<16xi32>,
        %ge3A_1788 = vector.broadcast %mul3A_1241 : i32 to vector<16xi32>
        %ge3A_1789 = arith.cmpi sge, %get3A_1787, %ge3A_1788 : vector<16xi32>
        %lt3A_1790 = vector.broadcast %select_n3A_1247 : i32 to vector<16xi32>
        %lt3A_1791 = arith.cmpi slt, %get3A_1787, %lt3A_1790 : vector<16xi32>
        %and3A_1792 = arith.andi %ge3A_1789, %lt3A_1791 : vector<16xi1>
        %sub3A_1793 = vector.broadcast %multiple_of3A : i32 to vector<16xi32>
        %sub3A_1794 = arith.subi %get3A_1787, %sub3A_1793 : vector<16xi32>
        %jit3A_1795 = arith.constant 0 : i32
        %broadcast_in_dim3A_1796 = vector.broadcast %jit3A_1795 : i32 to vector<16xi32>
        %select_n3A_1797 = arith.select %and3A_1792, %sub3A_1794, %broadcast_in_dim3A_1796 : vector<16xi1>, vector<16xi32>
        %broadcast_in_dim3A_1798 = arith.constant 3 : i32
        %broadcast_in_dim3A_1799 = vector.broadcast %broadcast_in_dim3A_1798 : i32 to vector<16xi32>
        %gather3A_1800 = tpu.vector_load_idx %arg8[%broadcast_in_dim3A_1799, %select_n3A_1797] : memref<8x12544xf32, #tpu.memory_space<vmem>>[vector<16xi32>, vector<16xi32>], vector<16xf32>,
        %get3A_1801 = arith.constant 432 : index
        %get3A_1802 = tpu.vector_load %arg7[%get3A_1801] {strides = array<i32>} : memref<1024xf32, #tpu.memory_space<vmem>>, vector<16xf32>,
        %select_n3A_1803 = arith.select %and3A_1792, %gather3A_1800, %get3A_1802 : vector<16xi1>, vector<16xf32>
        %swap3A_1804 = arith.constant 432 : index
        %swap3A_1805 = tpu.vector_load %arg7[%swap3A_1804] {strides = array<i32>} : memref<1024xf32, #tpu.memory_space<vmem>>, vector<16xf32>,
        tpu.vector_store %arg7[%swap3A_1804], %select_n3A_1803 {strides = array<i32>} : memref<1024xf32, #tpu.memory_space<vmem>>, vector<16xf32>,
        %get3A_1806 = arith.constant 448 : index
        %get3A_1807 = tpu.vector_load %arg6[%get3A_1806] {strides = array<i32>} : memref<1024xi32, #tpu.memory_space<vmem>>, vector<16xi32>,
        %ge3A_1808 = vector.broadcast %mul3A_1241 : i32 to vector<16xi32>
        %ge3A_1809 = arith.cmpi sge, %get3A_1807, %ge3A_1808 : vector<16xi32>
        %lt3A_1810 = vector.broadcast %select_n3A_1247 : i32 to vector<16xi32>
        %lt3A_1811 = arith.cmpi slt, %get3A_1807, %lt3A_1810 : vector<16xi32>
        %and3A_1812 = arith.andi %ge3A_1809, %lt3A_1811 : vector<16xi1>
        %sub3A_1813 = vector.broadcast %multiple_of3A : i32 to vector<16xi32>
        %sub3A_1814 = arith.subi %get3A_1807, %sub3A_1813 : vector<16xi32>
        %jit3A_1815 = arith.constant 0 : i32
        %broadcast_in_dim3A_1816 = vector.broadcast %jit3A_1815 : i32 to vector<16xi32>
        %select_n3A_1817 = arith.select %and3A_1812, %sub3A_1814, %broadcast_in_dim3A_1816 : vector<16xi1>, vector<16xi32>
        %broadcast_in_dim3A_1818 = arith.constant 3 : i32
        %broadcast_in_dim3A_1819 = vector.broadcast %broadcast_in_dim3A_1818 : i32 to vector<16xi32>
        %gather3A_1820 = tpu.vector_load_idx %arg8[%broadcast_in_dim3A_1819, %select_n3A_1817] : memref<8x12544xf32, #tpu.memory_space<vmem>>[vector<16xi32>, vector<16xi32>], vector<16xf32>,
        %get3A_1821 = arith.constant 448 : index
        %get3A_1822 = tpu.vector_load %arg7[%get3A_1821] {strides = array<i32>} : memref<1024xf32, #tpu.memory_space<vmem>>, vector<16xf32>,
        %select_n3A_1823 = arith.select %and3A_1812, %gather3A_1820, %get3A_1822 : vector<16xi1>, vector<16xf32>
        %swap3A_1824 = arith.constant 448 : index
        %swap3A_1825 = tpu.vector_load %arg7[%swap3A_1824] {strides = array<i32>} : memref<1024xf32, #tpu.memory_space<vmem>>, vector<16xf32>,
        tpu.vector_store %arg7[%swap3A_1824], %select_n3A_1823 {strides = array<i32>} : memref<1024xf32, #tpu.memory_space<vmem>>, vector<16xf32>,
        %get3A_1826 = arith.constant 464 : index
        %get3A_1827 = tpu.vector_load %arg6[%get3A_1826] {strides = array<i32>} : memref<1024xi32, #tpu.memory_space<vmem>>, vector<16xi32>,
        %ge3A_1828 = vector.broadcast %mul3A_1241 : i32 to vector<16xi32>
        %ge3A_1829 = arith.cmpi sge, %get3A_1827, %ge3A_1828 : vector<16xi32>
        %lt3A_1830 = vector.broadcast %select_n3A_1247 : i32 to vector<16xi32>
        %lt3A_1831 = arith.cmpi slt, %get3A_1827, %lt3A_1830 : vector<16xi32>
        %and3A_1832 = arith.andi %ge3A_1829, %lt3A_1831 : vector<16xi1>
        %sub3A_1833 = vector.broadcast %multiple_of3A : i32 to vector<16xi32>
        %sub3A_1834 = arith.subi %get3A_1827, %sub3A_1833 : vector<16xi32>
        %jit3A_1835 = arith.constant 0 : i32
        %broadcast_in_dim3A_1836 = vector.broadcast %jit3A_1835 : i32 to vector<16xi32>
        %select_n3A_1837 = arith.select %and3A_1832, %sub3A_1834, %broadcast_in_dim3A_1836 : vector<16xi1>, vector<16xi32>
        %broadcast_in_dim3A_1838 = arith.constant 3 : i32
        %broadcast_in_dim3A_1839 = vector.broadcast %broadcast_in_dim3A_1838 : i32 to vector<16xi32>
        %gather3A_1840 = tpu.vector_load_idx %arg8[%broadcast_in_dim3A_1839, %select_n3A_1837] : memref<8x12544xf32, #tpu.memory_space<vmem>>[vector<16xi32>, vector<16xi32>], vector<16xf32>,
        %get3A_1841 = arith.constant 464 : index
        %get3A_1842 = tpu.vector_load %arg7[%get3A_1841] {strides = array<i32>} : memref<1024xf32, #tpu.memory_space<vmem>>, vector<16xf32>,
        %select_n3A_1843 = arith.select %and3A_1832, %gather3A_1840, %get3A_1842 : vector<16xi1>, vector<16xf32>
        %swap3A_1844 = arith.constant 464 : index
        %swap3A_1845 = tpu.vector_load %arg7[%swap3A_1844] {strides = array<i32>} : memref<1024xf32, #tpu.memory_space<vmem>>, vector<16xf32>,
        tpu.vector_store %arg7[%swap3A_1844], %select_n3A_1843 {strides = array<i32>} : memref<1024xf32, #tpu.memory_space<vmem>>, vector<16xf32>,
        %get3A_1846 = arith.constant 480 : index
        %get3A_1847 = tpu.vector_load %arg6[%get3A_1846] {strides = array<i32>} : memref<1024xi32, #tpu.memory_space<vmem>>, vector<16xi32>,
        %ge3A_1848 = vector.broadcast %mul3A_1241 : i32 to vector<16xi32>
        %ge3A_1849 = arith.cmpi sge, %get3A_1847, %ge3A_1848 : vector<16xi32>
        %lt3A_1850 = vector.broadcast %select_n3A_1247 : i32 to vector<16xi32>
        %lt3A_1851 = arith.cmpi slt, %get3A_1847, %lt3A_1850 : vector<16xi32>
        %and3A_1852 = arith.andi %ge3A_1849, %lt3A_1851 : vector<16xi1>
        %sub3A_1853 = vector.broadcast %multiple_of3A : i32 to vector<16xi32>
        %sub3A_1854 = arith.subi %get3A_1847, %sub3A_1853 : vector<16xi32>
        %jit3A_1855 = arith.constant 0 : i32
        %broadcast_in_dim3A_1856 = vector.broadcast %jit3A_1855 : i32 to vector<16xi32>
        %select_n3A_1857 = arith.select %and3A_1852, %sub3A_1854, %broadcast_in_dim3A_1856 : vector<16xi1>, vector<16xi32>
        %broadcast_in_dim3A_1858 = arith.constant 3 : i32
        %broadcast_in_dim3A_1859 = vector.broadcast %broadcast_in_dim3A_1858 : i32 to vector<16xi32>
        %gather3A_1860 = tpu.vector_load_idx %arg8[%broadcast_in_dim3A_1859, %select_n3A_1857] : memref<8x12544xf32, #tpu.memory_space<vmem>>[vector<16xi32>, vector<16xi32>], vector<16xf32>,
        %get3A_1861 = arith.constant 480 : index
        %get3A_1862 = tpu.vector_load %arg7[%get3A_1861] {strides = array<i32>} : memref<1024xf32, #tpu.memory_space<vmem>>, vector<16xf32>,
        %select_n3A_1863 = arith.select %and3A_1852, %gather3A_1860, %get3A_1862 : vector<16xi1>, vector<16xf32>
        %swap3A_1864 = arith.constant 480 : index
        %swap3A_1865 = tpu.vector_load %arg7[%swap3A_1864] {strides = array<i32>} : memref<1024xf32, #tpu.memory_space<vmem>>, vector<16xf32>,
        tpu.vector_store %arg7[%swap3A_1864], %select_n3A_1863 {strides = array<i32>} : memref<1024xf32, #tpu.memory_space<vmem>>, vector<16xf32>,
        %get3A_1866 = arith.constant 496 : index
        %get3A_1867 = tpu.vector_load %arg6[%get3A_1866] {strides = array<i32>} : memref<1024xi32, #tpu.memory_space<vmem>>, vector<16xi32>,
        %ge3A_1868 = vector.broadcast %mul3A_1241 : i32 to vector<16xi32>
        %ge3A_1869 = arith.cmpi sge, %get3A_1867, %ge3A_1868 : vector<16xi32>
        %lt3A_1870 = vector.broadcast %select_n3A_1247 : i32 to vector<16xi32>
        %lt3A_1871 = arith.cmpi slt, %get3A_1867, %lt3A_1870 : vector<16xi32>
        %and3A_1872 = arith.andi %ge3A_1869, %lt3A_1871 : vector<16xi1>
        %sub3A_1873 = vector.broadcast %multiple_of3A : i32 to vector<16xi32>
        %sub3A_1874 = arith.subi %get3A_1867, %sub3A_1873 : vector<16xi32>
        %jit3A_1875 = arith.constant 0 : i32
        %broadcast_in_dim3A_1876 = vector.broadcast %jit3A_1875 : i32 to vector<16xi32>
        %select_n3A_1877 = arith.select %and3A_1872, %sub3A_1874, %broadcast_in_dim3A_1876 : vector<16xi1>, vector<16xi32>
        %broadcast_in_dim3A_1878 = arith.constant 3 : i32
        %broadcast_in_dim3A_1879 = vector.broadcast %broadcast_in_dim3A_1878 : i32 to vector<16xi32>
        %gather3A_1880 = tpu.vector_load_idx %arg8[%broadcast_in_dim3A_1879, %select_n3A_1877] : memref<8x12544xf32, #tpu.memory_space<vmem>>[vector<16xi32>, vector<16xi32>], vector<16xf32>,
        %get3A_1881 = arith.constant 496 : index
        %get3A_1882 = tpu.vector_load %arg7[%get3A_1881] {strides = array<i32>} : memref<1024xf32, #tpu.memory_space<vmem>>, vector<16xf32>,
        %select_n3A_1883 = arith.select %and3A_1872, %gather3A_1880, %get3A_1882 : vector<16xi1>, vector<16xf32>
        %swap3A_1884 = arith.constant 496 : index
        %swap3A_1885 = tpu.vector_load %arg7[%swap3A_1884] {strides = array<i32>} : memref<1024xf32, #tpu.memory_space<vmem>>, vector<16xf32>,
        tpu.vector_store %arg7[%swap3A_1884], %select_n3A_1883 {strides = array<i32>} : memref<1024xf32, #tpu.memory_space<vmem>>, vector<16xf32>,
        %get3A_1886 = arith.constant 512 : index
        %get3A_1887 = tpu.vector_load %arg6[%get3A_1886] {strides = array<i32>} : memref<1024xi32, #tpu.memory_space<vmem>>, vector<16xi32>,
        %ge3A_1888 = vector.broadcast %mul3A_1241 : i32 to vector<16xi32>
        %ge3A_1889 = arith.cmpi sge, %get3A_1887, %ge3A_1888 : vector<16xi32>
        %lt3A_1890 = vector.broadcast %select_n3A_1247 : i32 to vector<16xi32>
        %lt3A_1891 = arith.cmpi slt, %get3A_1887, %lt3A_1890 : vector<16xi32>
        %and3A_1892 = arith.andi %ge3A_1889, %lt3A_1891 : vector<16xi1>
        %sub3A_1893 = vector.broadcast %multiple_of3A : i32 to vector<16xi32>
        %sub3A_1894 = arith.subi %get3A_1887, %sub3A_1893 : vector<16xi32>
        %jit3A_1895 = arith.constant 0 : i32
        %broadcast_in_dim3A_1896 = vector.broadcast %jit3A_1895 : i32 to vector<16xi32>
        %select_n3A_1897 = arith.select %and3A_1892, %sub3A_1894, %broadcast_in_dim3A_1896 : vector<16xi1>, vector<16xi32>
        %broadcast_in_dim3A_1898 = arith.constant 4 : i32
        %broadcast_in_dim3A_1899 = vector.broadcast %broadcast_in_dim3A_1898 : i32 to vector<16xi32>
        %gather3A_1900 = tpu.vector_load_idx %arg8[%broadcast_in_dim3A_1899, %select_n3A_1897] : memref<8x12544xf32, #tpu.memory_space<vmem>>[vector<16xi32>, vector<16xi32>], vector<16xf32>,
        %get3A_1901 = arith.constant 512 : index
        %get3A_1902 = tpu.vector_load %arg7[%get3A_1901] {strides = array<i32>} : memref<1024xf32, #tpu.memory_space<vmem>>, vector<16xf32>,
        %select_n3A_1903 = arith.select %and3A_1892, %gather3A_1900, %get3A_1902 : vector<16xi1>, vector<16xf32>
        %swap3A_1904 = arith.constant 512 : index
        %swap3A_1905 = tpu.vector_load %arg7[%swap3A_1904] {strides = array<i32>} : memref<1024xf32, #tpu.memory_space<vmem>>, vector<16xf32>,
        tpu.vector_store %arg7[%swap3A_1904], %select_n3A_1903 {strides = array<i32>} : memref<1024xf32, #tpu.memory_space<vmem>>, vector<16xf32>,
        %get3A_1906 = arith.constant 528 : index
        %get3A_1907 = tpu.vector_load %arg6[%get3A_1906] {strides = array<i32>} : memref<1024xi32, #tpu.memory_space<vmem>>, vector<16xi32>,
        %ge3A_1908 = vector.broadcast %mul3A_1241 : i32 to vector<16xi32>
        %ge3A_1909 = arith.cmpi sge, %get3A_1907, %ge3A_1908 : vector<16xi32>
        %lt3A_1910 = vector.broadcast %select_n3A_1247 : i32 to vector<16xi32>
        %lt3A_1911 = arith.cmpi slt, %get3A_1907, %lt3A_1910 : vector<16xi32>
        %and3A_1912 = arith.andi %ge3A_1909, %lt3A_1911 : vector<16xi1>
        %sub3A_1913 = vector.broadcast %multiple_of3A : i32 to vector<16xi32>
        %sub3A_1914 = arith.subi %get3A_1907, %sub3A_1913 : vector<16xi32>
        %jit3A_1915 = arith.constant 0 : i32
        %broadcast_in_dim3A_1916 = vector.broadcast %jit3A_1915 : i32 to vector<16xi32>
        %select_n3A_1917 = arith.select %and3A_1912, %sub3A_1914, %broadcast_in_dim3A_1916 : vector<16xi1>, vector<16xi32>
        %broadcast_in_dim3A_1918 = arith.constant 4 : i32
        %broadcast_in_dim3A_1919 = vector.broadcast %broadcast_in_dim3A_1918 : i32 to vector<16xi32>
        %gather3A_1920 = tpu.vector_load_idx %arg8[%broadcast_in_dim3A_1919, %select_n3A_1917] : memref<8x12544xf32, #tpu.memory_space<vmem>>[vector<16xi32>, vector<16xi32>], vector<16xf32>,
        %get3A_1921 = arith.constant 528 : index
        %get3A_1922 = tpu.vector_load %arg7[%get3A_1921] {strides = array<i32>} : memref<1024xf32, #tpu.memory_space<vmem>>, vector<16xf32>,
        %select_n3A_1923 = arith.select %and3A_1912, %gather3A_1920, %get3A_1922 : vector<16xi1>, vector<16xf32>
        %swap3A_1924 = arith.constant 528 : index
        %swap3A_1925 = tpu.vector_load %arg7[%swap3A_1924] {strides = array<i32>} : memref<1024xf32, #tpu.memory_space<vmem>>, vector<16xf32>,
        tpu.vector_store %arg7[%swap3A_1924], %select_n3A_1923 {strides = array<i32>} : memref<1024xf32, #tpu.memory_space<vmem>>, vector<16xf32>,
        %get3A_1926 = arith.constant 544 : index
        %get3A_1927 = tpu.vector_load %arg6[%get3A_1926] {strides = array<i32>} : memref<1024xi32, #tpu.memory_space<vmem>>, vector<16xi32>,
        %ge3A_1928 = vector.broadcast %mul3A_1241 : i32 to vector<16xi32>
        %ge3A_1929 = arith.cmpi sge, %get3A_1927, %ge3A_1928 : vector<16xi32>
        %lt3A_1930 = vector.broadcast %select_n3A_1247 : i32 to vector<16xi32>
        %lt3A_1931 = arith.cmpi slt, %get3A_1927, %lt3A_1930 : vector<16xi32>
        %and3A_1932 = arith.andi %ge3A_1929, %lt3A_1931 : vector<16xi1>
        %sub3A_1933 = vector.broadcast %multiple_of3A : i32 to vector<16xi32>
        %sub3A_1934 = arith.subi %get3A_1927, %sub3A_1933 : vector<16xi32>
        %jit3A_1935 = arith.constant 0 : i32
        %broadcast_in_dim3A_1936 = vector.broadcast %jit3A_1935 : i32 to vector<16xi32>
        %select_n3A_1937 = arith.select %and3A_1932, %sub3A_1934, %broadcast_in_dim3A_1936 : vector<16xi1>, vector<16xi32>
        %broadcast_in_dim3A_1938 = arith.constant 4 : i32
        %broadcast_in_dim3A_1939 = vector.broadcast %broadcast_in_dim3A_1938 : i32 to vector<16xi32>
        %gather3A_1940 = tpu.vector_load_idx %arg8[%broadcast_in_dim3A_1939, %select_n3A_1937] : memref<8x12544xf32, #tpu.memory_space<vmem>>[vector<16xi32>, vector<16xi32>], vector<16xf32>,
        %get3A_1941 = arith.constant 544 : index
        %get3A_1942 = tpu.vector_load %arg7[%get3A_1941] {strides = array<i32>} : memref<1024xf32, #tpu.memory_space<vmem>>, vector<16xf32>,
        %select_n3A_1943 = arith.select %and3A_1932, %gather3A_1940, %get3A_1942 : vector<16xi1>, vector<16xf32>
        %swap3A_1944 = arith.constant 544 : index
        %swap3A_1945 = tpu.vector_load %arg7[%swap3A_1944] {strides = array<i32>} : memref<1024xf32, #tpu.memory_space<vmem>>, vector<16xf32>,
        tpu.vector_store %arg7[%swap3A_1944], %select_n3A_1943 {strides = array<i32>} : memref<1024xf32, #tpu.memory_space<vmem>>, vector<16xf32>,
        %get3A_1946 = arith.constant 560 : index
        %get3A_1947 = tpu.vector_load %arg6[%get3A_1946] {strides = array<i32>} : memref<1024xi32, #tpu.memory_space<vmem>>, vector<16xi32>,
        %ge3A_1948 = vector.broadcast %mul3A_1241 : i32 to vector<16xi32>
        %ge3A_1949 = arith.cmpi sge, %get3A_1947, %ge3A_1948 : vector<16xi32>
        %lt3A_1950 = vector.broadcast %select_n3A_1247 : i32 to vector<16xi32>
        %lt3A_1951 = arith.cmpi slt, %get3A_1947, %lt3A_1950 : vector<16xi32>
        %and3A_1952 = arith.andi %ge3A_1949, %lt3A_1951 : vector<16xi1>
        %sub3A_1953 = vector.broadcast %multiple_of3A : i32 to vector<16xi32>
        %sub3A_1954 = arith.subi %get3A_1947, %sub3A_1953 : vector<16xi32>
        %jit3A_1955 = arith.constant 0 : i32
        %broadcast_in_dim3A_1956 = vector.broadcast %jit3A_1955 : i32 to vector<16xi32>
        %select_n3A_1957 = arith.select %and3A_1952, %sub3A_1954, %broadcast_in_dim3A_1956 : vector<16xi1>, vector<16xi32>
        %broadcast_in_dim3A_1958 = arith.constant 4 : i32
        %broadcast_in_dim3A_1959 = vector.broadcast %broadcast_in_dim3A_1958 : i32 to vector<16xi32>
        %gather3A_1960 = tpu.vector_load_idx %arg8[%broadcast_in_dim3A_1959, %select_n3A_1957] : memref<8x12544xf32, #tpu.memory_space<vmem>>[vector<16xi32>, vector<16xi32>], vector<16xf32>,
        %get3A_1961 = arith.constant 560 : index
        %get3A_1962 = tpu.vector_load %arg7[%get3A_1961] {strides = array<i32>} : memref<1024xf32, #tpu.memory_space<vmem>>, vector<16xf32>,
        %select_n3A_1963 = arith.select %and3A_1952, %gather3A_1960, %get3A_1962 : vector<16xi1>, vector<16xf32>
        %swap3A_1964 = arith.constant 560 : index
        %swap3A_1965 = tpu.vector_load %arg7[%swap3A_1964] {strides = array<i32>} : memref<1024xf32, #tpu.memory_space<vmem>>, vector<16xf32>,
        tpu.vector_store %arg7[%swap3A_1964], %select_n3A_1963 {strides = array<i32>} : memref<1024xf32, #tpu.memory_space<vmem>>, vector<16xf32>,
        %get3A_1966 = arith.constant 576 : index
        %get3A_1967 = tpu.vector_load %arg6[%get3A_1966] {strides = array<i32>} : memref<1024xi32, #tpu.memory_space<vmem>>, vector<16xi32>,
        %ge3A_1968 = vector.broadcast %mul3A_1241 : i32 to vector<16xi32>
        %ge3A_1969 = arith.cmpi sge, %get3A_1967, %ge3A_1968 : vector<16xi32>
        %lt3A_1970 = vector.broadcast %select_n3A_1247 : i32 to vector<16xi32>
        %lt3A_1971 = arith.cmpi slt, %get3A_1967, %lt3A_1970 : vector<16xi32>
        %and3A_1972 = arith.andi %ge3A_1969, %lt3A_1971 : vector<16xi1>
        %sub3A_1973 = vector.broadcast %multiple_of3A : i32 to vector<16xi32>
        %sub3A_1974 = arith.subi %get3A_1967, %sub3A_1973 : vector<16xi32>
        %jit3A_1975 = arith.constant 0 : i32
        %broadcast_in_dim3A_1976 = vector.broadcast %jit3A_1975 : i32 to vector<16xi32>
        %select_n3A_1977 = arith.select %and3A_1972, %sub3A_1974, %broadcast_in_dim3A_1976 : vector<16xi1>, vector<16xi32>
        %broadcast_in_dim3A_1978 = arith.constant 4 : i32
        %broadcast_in_dim3A_1979 = vector.broadcast %broadcast_in_dim3A_1978 : i32 to vector<16xi32>
        %gather3A_1980 = tpu.vector_load_idx %arg8[%broadcast_in_dim3A_1979, %select_n3A_1977] : memref<8x12544xf32, #tpu.memory_space<vmem>>[vector<16xi32>, vector<16xi32>], vector<16xf32>,
        %get3A_1981 = arith.constant 576 : index
        %get3A_1982 = tpu.vector_load %arg7[%get3A_1981] {strides = array<i32>} : memref<1024xf32, #tpu.memory_space<vmem>>, vector<16xf32>,
        %select_n3A_1983 = arith.select %and3A_1972, %gather3A_1980, %get3A_1982 : vector<16xi1>, vector<16xf32>
        %swap3A_1984 = arith.constant 576 : index
        %swap3A_1985 = tpu.vector_load %arg7[%swap3A_1984] {strides = array<i32>} : memref<1024xf32, #tpu.memory_space<vmem>>, vector<16xf32>,
        tpu.vector_store %arg7[%swap3A_1984], %select_n3A_1983 {strides = array<i32>} : memref<1024xf32, #tpu.memory_space<vmem>>, vector<16xf32>,
        %get3A_1986 = arith.constant 592 : index
        %get3A_1987 = tpu.vector_load %arg6[%get3A_1986] {strides = array<i32>} : memref<1024xi32, #tpu.memory_space<vmem>>, vector<16xi32>,
        %ge3A_1988 = vector.broadcast %mul3A_1241 : i32 to vector<16xi32>
        %ge3A_1989 = arith.cmpi sge, %get3A_1987, %ge3A_1988 : vector<16xi32>
        %lt3A_1990 = vector.broadcast %select_n3A_1247 : i32 to vector<16xi32>
        %lt3A_1991 = arith.cmpi slt, %get3A_1987, %lt3A_1990 : vector<16xi32>
        %and3A_1992 = arith.andi %ge3A_1989, %lt3A_1991 : vector<16xi1>
        %sub3A_1993 = vector.broadcast %multiple_of3A : i32 to vector<16xi32>
        %sub3A_1994 = arith.subi %get3A_1987, %sub3A_1993 : vector<16xi32>
        %jit3A_1995 = arith.constant 0 : i32
        %broadcast_in_dim3A_1996 = vector.broadcast %jit3A_1995 : i32 to vector<16xi32>
        %select_n3A_1997 = arith.select %and3A_1992, %sub3A_1994, %broadcast_in_dim3A_1996 : vector<16xi1>, vector<16xi32>
        %broadcast_in_dim3A_1998 = arith.constant 4 : i32
        %broadcast_in_dim3A_1999 = vector.broadcast %broadcast_in_dim3A_1998 : i32 to vector<16xi32>
        %gather3A_2000 = tpu.vector_load_idx %arg8[%broadcast_in_dim3A_1999, %select_n3A_1997] : memref<8x12544xf32, #tpu.memory_space<vmem>>[vector<16xi32>, vector<16xi32>], vector<16xf32>,
        %get3A_2001 = arith.constant 592 : index
        %get3A_2002 = tpu.vector_load %arg7[%get3A_2001] {strides = array<i32>} : memref<1024xf32, #tpu.memory_space<vmem>>, vector<16xf32>,
        %select_n3A_2003 = arith.select %and3A_1992, %gather3A_2000, %get3A_2002 : vector<16xi1>, vector<16xf32>
        %swap3A_2004 = arith.constant 592 : index
        %swap3A_2005 = tpu.vector_load %arg7[%swap3A_2004] {strides = array<i32>} : memref<1024xf32, #tpu.memory_space<vmem>>, vector<16xf32>,
        tpu.vector_store %arg7[%swap3A_2004], %select_n3A_2003 {strides = array<i32>} : memref<1024xf32, #tpu.memory_space<vmem>>, vector<16xf32>,
        %get3A_2006 = arith.constant 608 : index
        %get3A_2007 = tpu.vector_load %arg6[%get3A_2006] {strides = array<i32>} : memref<1024xi32, #tpu.memory_space<vmem>>, vector<16xi32>,
        %ge3A_2008 = vector.broadcast %mul3A_1241 : i32 to vector<16xi32>
        %ge3A_2009 = arith.cmpi sge, %get3A_2007, %ge3A_2008 : vector<16xi32>
        %lt3A_2010 = vector.broadcast %select_n3A_1247 : i32 to vector<16xi32>
        %lt3A_2011 = arith.cmpi slt, %get3A_2007, %lt3A_2010 : vector<16xi32>
        %and3A_2012 = arith.andi %ge3A_2009, %lt3A_2011 : vector<16xi1>
        %sub3A_2013 = vector.broadcast %multiple_of3A : i32 to vector<16xi32>
        %sub3A_2014 = arith.subi %get3A_2007, %sub3A_2013 : vector<16xi32>
        %jit3A_2015 = arith.constant 0 : i32
        %broadcast_in_dim3A_2016 = vector.broadcast %jit3A_2015 : i32 to vector<16xi32>
        %select_n3A_2017 = arith.select %and3A_2012, %sub3A_2014, %broadcast_in_dim3A_2016 : vector<16xi1>, vector<16xi32>
        %broadcast_in_dim3A_2018 = arith.constant 4 : i32
        %broadcast_in_dim3A_2019 = vector.broadcast %broadcast_in_dim3A_2018 : i32 to vector<16xi32>
        %gather3A_2020 = tpu.vector_load_idx %arg8[%broadcast_in_dim3A_2019, %select_n3A_2017] : memref<8x12544xf32, #tpu.memory_space<vmem>>[vector<16xi32>, vector<16xi32>], vector<16xf32>,
        %get3A_2021 = arith.constant 608 : index
        %get3A_2022 = tpu.vector_load %arg7[%get3A_2021] {strides = array<i32>} : memref<1024xf32, #tpu.memory_space<vmem>>, vector<16xf32>,
        %select_n3A_2023 = arith.select %and3A_2012, %gather3A_2020, %get3A_2022 : vector<16xi1>, vector<16xf32>
        %swap3A_2024 = arith.constant 608 : index
        %swap3A_2025 = tpu.vector_load %arg7[%swap3A_2024] {strides = array<i32>} : memref<1024xf32, #tpu.memory_space<vmem>>, vector<16xf32>,
        tpu.vector_store %arg7[%swap3A_2024], %select_n3A_2023 {strides = array<i32>} : memref<1024xf32, #tpu.memory_space<vmem>>, vector<16xf32>,
        %get3A_2026 = arith.constant 624 : index
        %get3A_2027 = tpu.vector_load %arg6[%get3A_2026] {strides = array<i32>} : memref<1024xi32, #tpu.memory_space<vmem>>, vector<16xi32>,
        %ge3A_2028 = vector.broadcast %mul3A_1241 : i32 to vector<16xi32>
        %ge3A_2029 = arith.cmpi sge, %get3A_2027, %ge3A_2028 : vector<16xi32>
        %lt3A_2030 = vector.broadcast %select_n3A_1247 : i32 to vector<16xi32>
        %lt3A_2031 = arith.cmpi slt, %get3A_2027, %lt3A_2030 : vector<16xi32>
        %and3A_2032 = arith.andi %ge3A_2029, %lt3A_2031 : vector<16xi1>
        %sub3A_2033 = vector.broadcast %multiple_of3A : i32 to vector<16xi32>
        %sub3A_2034 = arith.subi %get3A_2027, %sub3A_2033 : vector<16xi32>
        %jit3A_2035 = arith.constant 0 : i32
        %broadcast_in_dim3A_2036 = vector.broadcast %jit3A_2035 : i32 to vector<16xi32>
        %select_n3A_2037 = arith.select %and3A_2032, %sub3A_2034, %broadcast_in_dim3A_2036 : vector<16xi1>, vector<16xi32>
        %broadcast_in_dim3A_2038 = arith.constant 4 : i32
        %broadcast_in_dim3A_2039 = vector.broadcast %broadcast_in_dim3A_2038 : i32 to vector<16xi32>
        %gather3A_2040 = tpu.vector_load_idx %arg8[%broadcast_in_dim3A_2039, %select_n3A_2037] : memref<8x12544xf32, #tpu.memory_space<vmem>>[vector<16xi32>, vector<16xi32>], vector<16xf32>,
        %get3A_2041 = arith.constant 624 : index
        %get3A_2042 = tpu.vector_load %arg7[%get3A_2041] {strides = array<i32>} : memref<1024xf32, #tpu.memory_space<vmem>>, vector<16xf32>,
        %select_n3A_2043 = arith.select %and3A_2032, %gather3A_2040, %get3A_2042 : vector<16xi1>, vector<16xf32>
        %swap3A_2044 = arith.constant 624 : index
        %swap3A_2045 = tpu.vector_load %arg7[%swap3A_2044] {strides = array<i32>} : memref<1024xf32, #tpu.memory_space<vmem>>, vector<16xf32>,
        tpu.vector_store %arg7[%swap3A_2044], %select_n3A_2043 {strides = array<i32>} : memref<1024xf32, #tpu.memory_space<vmem>>, vector<16xf32>,
        %get3A_2046 = arith.constant 640 : index
        %get3A_2047 = tpu.vector_load %arg6[%get3A_2046] {strides = array<i32>} : memref<1024xi32, #tpu.memory_space<vmem>>, vector<16xi32>,
        %ge3A_2048 = vector.broadcast %mul3A_1241 : i32 to vector<16xi32>
        %ge3A_2049 = arith.cmpi sge, %get3A_2047, %ge3A_2048 : vector<16xi32>
        %lt3A_2050 = vector.broadcast %select_n3A_1247 : i32 to vector<16xi32>
        %lt3A_2051 = arith.cmpi slt, %get3A_2047, %lt3A_2050 : vector<16xi32>
        %and3A_2052 = arith.andi %ge3A_2049, %lt3A_2051 : vector<16xi1>
        %sub3A_2053 = vector.broadcast %multiple_of3A : i32 to vector<16xi32>
        %sub3A_2054 = arith.subi %get3A_2047, %sub3A_2053 : vector<16xi32>
        %jit3A_2055 = arith.constant 0 : i32
        %broadcast_in_dim3A_2056 = vector.broadcast %jit3A_2055 : i32 to vector<16xi32>
        %select_n3A_2057 = arith.select %and3A_2052, %sub3A_2054, %broadcast_in_dim3A_2056 : vector<16xi1>, vector<16xi32>
        %broadcast_in_dim3A_2058 = arith.constant 5 : i32
        %broadcast_in_dim3A_2059 = vector.broadcast %broadcast_in_dim3A_2058 : i32 to vector<16xi32>
        %gather3A_2060 = tpu.vector_load_idx %arg8[%broadcast_in_dim3A_2059, %select_n3A_2057] : memref<8x12544xf32, #tpu.memory_space<vmem>>[vector<16xi32>, vector<16xi32>], vector<16xf32>,
        %get3A_2061 = arith.constant 640 : index
        %get3A_2062 = tpu.vector_load %arg7[%get3A_2061] {strides = array<i32>} : memref<1024xf32, #tpu.memory_space<vmem>>, vector<16xf32>,
        %select_n3A_2063 = arith.select %and3A_2052, %gather3A_2060, %get3A_2062 : vector<16xi1>, vector<16xf32>
        %swap3A_2064 = arith.constant 640 : index
        %swap3A_2065 = tpu.vector_load %arg7[%swap3A_2064] {strides = array<i32>} : memref<1024xf32, #tpu.memory_space<vmem>>, vector<16xf32>,
        tpu.vector_store %arg7[%swap3A_2064], %select_n3A_2063 {strides = array<i32>} : memref<1024xf32, #tpu.memory_space<vmem>>, vector<16xf32>,
        %get3A_2066 = arith.constant 656 : index
        %get3A_2067 = tpu.vector_load %arg6[%get3A_2066] {strides = array<i32>} : memref<1024xi32, #tpu.memory_space<vmem>>, vector<16xi32>,
        %ge3A_2068 = vector.broadcast %mul3A_1241 : i32 to vector<16xi32>
        %ge3A_2069 = arith.cmpi sge, %get3A_2067, %ge3A_2068 : vector<16xi32>
        %lt3A_2070 = vector.broadcast %select_n3A_1247 : i32 to vector<16xi32>
        %lt3A_2071 = arith.cmpi slt, %get3A_2067, %lt3A_2070 : vector<16xi32>
        %and3A_2072 = arith.andi %ge3A_2069, %lt3A_2071 : vector<16xi1>
        %sub3A_2073 = vector.broadcast %multiple_of3A : i32 to vector<16xi32>
        %sub3A_2074 = arith.subi %get3A_2067, %sub3A_2073 : vector<16xi32>
        %jit3A_2075 = arith.constant 0 : i32
        %broadcast_in_dim3A_2076 = vector.broadcast %jit3A_2075 : i32 to vector<16xi32>
        %select_n3A_2077 = arith.select %and3A_2072, %sub3A_2074, %broadcast_in_dim3A_2076 : vector<16xi1>, vector<16xi32>
        %broadcast_in_dim3A_2078 = arith.constant 5 : i32
        %broadcast_in_dim3A_2079 = vector.broadcast %broadcast_in_dim3A_2078 : i32 to vector<16xi32>
        %gather3A_2080 = tpu.vector_load_idx %arg8[%broadcast_in_dim3A_2079, %select_n3A_2077] : memref<8x12544xf32, #tpu.memory_space<vmem>>[vector<16xi32>, vector<16xi32>], vector<16xf32>,
        %get3A_2081 = arith.constant 656 : index
        %get3A_2082 = tpu.vector_load %arg7[%get3A_2081] {strides = array<i32>} : memref<1024xf32, #tpu.memory_space<vmem>>, vector<16xf32>,
        %select_n3A_2083 = arith.select %and3A_2072, %gather3A_2080, %get3A_2082 : vector<16xi1>, vector<16xf32>
        %swap3A_2084 = arith.constant 656 : index
        %swap3A_2085 = tpu.vector_load %arg7[%swap3A_2084] {strides = array<i32>} : memref<1024xf32, #tpu.memory_space<vmem>>, vector<16xf32>,
        tpu.vector_store %arg7[%swap3A_2084], %select_n3A_2083 {strides = array<i32>} : memref<1024xf32, #tpu.memory_space<vmem>>, vector<16xf32>,
        %get3A_2086 = arith.constant 672 : index
        %get3A_2087 = tpu.vector_load %arg6[%get3A_2086] {strides = array<i32>} : memref<1024xi32, #tpu.memory_space<vmem>>, vector<16xi32>,
        %ge3A_2088 = vector.broadcast %mul3A_1241 : i32 to vector<16xi32>
        %ge3A_2089 = arith.cmpi sge, %get3A_2087, %ge3A_2088 : vector<16xi32>
        %lt3A_2090 = vector.broadcast %select_n3A_1247 : i32 to vector<16xi32>
        %lt3A_2091 = arith.cmpi slt, %get3A_2087, %lt3A_2090 : vector<16xi32>
        %and3A_2092 = arith.andi %ge3A_2089, %lt3A_2091 : vector<16xi1>
        %sub3A_2093 = vector.broadcast %multiple_of3A : i32 to vector<16xi32>
        %sub3A_2094 = arith.subi %get3A_2087, %sub3A_2093 : vector<16xi32>
        %jit3A_2095 = arith.constant 0 : i32
        %broadcast_in_dim3A_2096 = vector.broadcast %jit3A_2095 : i32 to vector<16xi32>
        %select_n3A_2097 = arith.select %and3A_2092, %sub3A_2094, %broadcast_in_dim3A_2096 : vector<16xi1>, vector<16xi32>
        %broadcast_in_dim3A_2098 = arith.constant 5 : i32
        %broadcast_in_dim3A_2099 = vector.broadcast %broadcast_in_dim3A_2098 : i32 to vector<16xi32>
        %gather3A_2100 = tpu.vector_load_idx %arg8[%broadcast_in_dim3A_2099, %select_n3A_2097] : memref<8x12544xf32, #tpu.memory_space<vmem>>[vector<16xi32>, vector<16xi32>], vector<16xf32>,
        %get3A_2101 = arith.constant 672 : index
        %get3A_2102 = tpu.vector_load %arg7[%get3A_2101] {strides = array<i32>} : memref<1024xf32, #tpu.memory_space<vmem>>, vector<16xf32>,
        %select_n3A_2103 = arith.select %and3A_2092, %gather3A_2100, %get3A_2102 : vector<16xi1>, vector<16xf32>
        %swap3A_2104 = arith.constant 672 : index
        %swap3A_2105 = tpu.vector_load %arg7[%swap3A_2104] {strides = array<i32>} : memref<1024xf32, #tpu.memory_space<vmem>>, vector<16xf32>,
        tpu.vector_store %arg7[%swap3A_2104], %select_n3A_2103 {strides = array<i32>} : memref<1024xf32, #tpu.memory_space<vmem>>, vector<16xf32>,
        %get3A_2106 = arith.constant 688 : index
        %get3A_2107 = tpu.vector_load %arg6[%get3A_2106] {strides = array<i32>} : memref<1024xi32, #tpu.memory_space<vmem>>, vector<16xi32>,
        %ge3A_2108 = vector.broadcast %mul3A_1241 : i32 to vector<16xi32>
        %ge3A_2109 = arith.cmpi sge, %get3A_2107, %ge3A_2108 : vector<16xi32>
        %lt3A_2110 = vector.broadcast %select_n3A_1247 : i32 to vector<16xi32>
        %lt3A_2111 = arith.cmpi slt, %get3A_2107, %lt3A_2110 : vector<16xi32>
        %and3A_2112 = arith.andi %ge3A_2109, %lt3A_2111 : vector<16xi1>
        %sub3A_2113 = vector.broadcast %multiple_of3A : i32 to vector<16xi32>
        %sub3A_2114 = arith.subi %get3A_2107, %sub3A_2113 : vector<16xi32>
        %jit3A_2115 = arith.constant 0 : i32
        %broadcast_in_dim3A_2116 = vector.broadcast %jit3A_2115 : i32 to vector<16xi32>
        %select_n3A_2117 = arith.select %and3A_2112, %sub3A_2114, %broadcast_in_dim3A_2116 : vector<16xi1>, vector<16xi32>
        %broadcast_in_dim3A_2118 = arith.constant 5 : i32
        %broadcast_in_dim3A_2119 = vector.broadcast %broadcast_in_dim3A_2118 : i32 to vector<16xi32>
        %gather3A_2120 = tpu.vector_load_idx %arg8[%broadcast_in_dim3A_2119, %select_n3A_2117] : memref<8x12544xf32, #tpu.memory_space<vmem>>[vector<16xi32>, vector<16xi32>], vector<16xf32>,
        %get3A_2121 = arith.constant 688 : index
        %get3A_2122 = tpu.vector_load %arg7[%get3A_2121] {strides = array<i32>} : memref<1024xf32, #tpu.memory_space<vmem>>, vector<16xf32>,
        %select_n3A_2123 = arith.select %and3A_2112, %gather3A_2120, %get3A_2122 : vector<16xi1>, vector<16xf32>
        %swap3A_2124 = arith.constant 688 : index
        %swap3A_2125 = tpu.vector_load %arg7[%swap3A_2124] {strides = array<i32>} : memref<1024xf32, #tpu.memory_space<vmem>>, vector<16xf32>,
        tpu.vector_store %arg7[%swap3A_2124], %select_n3A_2123 {strides = array<i32>} : memref<1024xf32, #tpu.memory_space<vmem>>, vector<16xf32>,
        %get3A_2126 = arith.constant 704 : index
        %get3A_2127 = tpu.vector_load %arg6[%get3A_2126] {strides = array<i32>} : memref<1024xi32, #tpu.memory_space<vmem>>, vector<16xi32>,
        %ge3A_2128 = vector.broadcast %mul3A_1241 : i32 to vector<16xi32>
        %ge3A_2129 = arith.cmpi sge, %get3A_2127, %ge3A_2128 : vector<16xi32>
        %lt3A_2130 = vector.broadcast %select_n3A_1247 : i32 to vector<16xi32>
        %lt3A_2131 = arith.cmpi slt, %get3A_2127, %lt3A_2130 : vector<16xi32>
        %and3A_2132 = arith.andi %ge3A_2129, %lt3A_2131 : vector<16xi1>
        %sub3A_2133 = vector.broadcast %multiple_of3A : i32 to vector<16xi32>
        %sub3A_2134 = arith.subi %get3A_2127, %sub3A_2133 : vector<16xi32>
        %jit3A_2135 = arith.constant 0 : i32
        %broadcast_in_dim3A_2136 = vector.broadcast %jit3A_2135 : i32 to vector<16xi32>
        %select_n3A_2137 = arith.select %and3A_2132, %sub3A_2134, %broadcast_in_dim3A_2136 : vector<16xi1>, vector<16xi32>
        %broadcast_in_dim3A_2138 = arith.constant 5 : i32
        %broadcast_in_dim3A_2139 = vector.broadcast %broadcast_in_dim3A_2138 : i32 to vector<16xi32>
        %gather3A_2140 = tpu.vector_load_idx %arg8[%broadcast_in_dim3A_2139, %select_n3A_2137] : memref<8x12544xf32, #tpu.memory_space<vmem>>[vector<16xi32>, vector<16xi32>], vector<16xf32>,
        %get3A_2141 = arith.constant 704 : index
        %get3A_2142 = tpu.vector_load %arg7[%get3A_2141] {strides = array<i32>} : memref<1024xf32, #tpu.memory_space<vmem>>, vector<16xf32>,
        %select_n3A_2143 = arith.select %and3A_2132, %gather3A_2140, %get3A_2142 : vector<16xi1>, vector<16xf32>
        %swap3A_2144 = arith.constant 704 : index
        %swap3A_2145 = tpu.vector_load %arg7[%swap3A_2144] {strides = array<i32>} : memref<1024xf32, #tpu.memory_space<vmem>>, vector<16xf32>,
        tpu.vector_store %arg7[%swap3A_2144], %select_n3A_2143 {strides = array<i32>} : memref<1024xf32, #tpu.memory_space<vmem>>, vector<16xf32>,
        %get3A_2146 = arith.constant 720 : index
        %get3A_2147 = tpu.vector_load %arg6[%get3A_2146] {strides = array<i32>} : memref<1024xi32, #tpu.memory_space<vmem>>, vector<16xi32>,
        %ge3A_2148 = vector.broadcast %mul3A_1241 : i32 to vector<16xi32>
        %ge3A_2149 = arith.cmpi sge, %get3A_2147, %ge3A_2148 : vector<16xi32>
        %lt3A_2150 = vector.broadcast %select_n3A_1247 : i32 to vector<16xi32>
        %lt3A_2151 = arith.cmpi slt, %get3A_2147, %lt3A_2150 : vector<16xi32>
        %and3A_2152 = arith.andi %ge3A_2149, %lt3A_2151 : vector<16xi1>
        %sub3A_2153 = vector.broadcast %multiple_of3A : i32 to vector<16xi32>
        %sub3A_2154 = arith.subi %get3A_2147, %sub3A_2153 : vector<16xi32>
        %jit3A_2155 = arith.constant 0 : i32
        %broadcast_in_dim3A_2156 = vector.broadcast %jit3A_2155 : i32 to vector<16xi32>
        %select_n3A_2157 = arith.select %and3A_2152, %sub3A_2154, %broadcast_in_dim3A_2156 : vector<16xi1>, vector<16xi32>
        %broadcast_in_dim3A_2158 = arith.constant 5 : i32
        %broadcast_in_dim3A_2159 = vector.broadcast %broadcast_in_dim3A_2158 : i32 to vector<16xi32>
        %gather3A_2160 = tpu.vector_load_idx %arg8[%broadcast_in_dim3A_2159, %select_n3A_2157] : memref<8x12544xf32, #tpu.memory_space<vmem>>[vector<16xi32>, vector<16xi32>], vector<16xf32>,
        %get3A_2161 = arith.constant 720 : index
        %get3A_2162 = tpu.vector_load %arg7[%get3A_2161] {strides = array<i32>} : memref<1024xf32, #tpu.memory_space<vmem>>, vector<16xf32>,
        %select_n3A_2163 = arith.select %and3A_2152, %gather3A_2160, %get3A_2162 : vector<16xi1>, vector<16xf32>
        %swap3A_2164 = arith.constant 720 : index
        %swap3A_2165 = tpu.vector_load %arg7[%swap3A_2164] {strides = array<i32>} : memref<1024xf32, #tpu.memory_space<vmem>>, vector<16xf32>,
        tpu.vector_store %arg7[%swap3A_2164], %select_n3A_2163 {strides = array<i32>} : memref<1024xf32, #tpu.memory_space<vmem>>, vector<16xf32>,
        %get3A_2166 = arith.constant 736 : index
        %get3A_2167 = tpu.vector_load %arg6[%get3A_2166] {strides = array<i32>} : memref<1024xi32, #tpu.memory_space<vmem>>, vector<16xi32>,
        %ge3A_2168 = vector.broadcast %mul3A_1241 : i32 to vector<16xi32>
        %ge3A_2169 = arith.cmpi sge, %get3A_2167, %ge3A_2168 : vector<16xi32>
        %lt3A_2170 = vector.broadcast %select_n3A_1247 : i32 to vector<16xi32>
        %lt3A_2171 = arith.cmpi slt, %get3A_2167, %lt3A_2170 : vector<16xi32>
        %and3A_2172 = arith.andi %ge3A_2169, %lt3A_2171 : vector<16xi1>
        %sub3A_2173 = vector.broadcast %multiple_of3A : i32 to vector<16xi32>
        %sub3A_2174 = arith.subi %get3A_2167, %sub3A_2173 : vector<16xi32>
        %jit3A_2175 = arith.constant 0 : i32
        %broadcast_in_dim3A_2176 = vector.broadcast %jit3A_2175 : i32 to vector<16xi32>
        %select_n3A_2177 = arith.select %and3A_2172, %sub3A_2174, %broadcast_in_dim3A_2176 : vector<16xi1>, vector<16xi32>
        %broadcast_in_dim3A_2178 = arith.constant 5 : i32
        %broadcast_in_dim3A_2179 = vector.broadcast %broadcast_in_dim3A_2178 : i32 to vector<16xi32>
        %gather3A_2180 = tpu.vector_load_idx %arg8[%broadcast_in_dim3A_2179, %select_n3A_2177] : memref<8x12544xf32, #tpu.memory_space<vmem>>[vector<16xi32>, vector<16xi32>], vector<16xf32>,
        %get3A_2181 = arith.constant 736 : index
        %get3A_2182 = tpu.vector_load %arg7[%get3A_2181] {strides = array<i32>} : memref<1024xf32, #tpu.memory_space<vmem>>, vector<16xf32>,
        %select_n3A_2183 = arith.select %and3A_2172, %gather3A_2180, %get3A_2182 : vector<16xi1>, vector<16xf32>
        %swap3A_2184 = arith.constant 736 : index
        %swap3A_2185 = tpu.vector_load %arg7[%swap3A_2184] {strides = array<i32>} : memref<1024xf32, #tpu.memory_space<vmem>>, vector<16xf32>,
        tpu.vector_store %arg7[%swap3A_2184], %select_n3A_2183 {strides = array<i32>} : memref<1024xf32, #tpu.memory_space<vmem>>, vector<16xf32>,
        %get3A_2186 = arith.constant 752 : index
        %get3A_2187 = tpu.vector_load %arg6[%get3A_2186] {strides = array<i32>} : memref<1024xi32, #tpu.memory_space<vmem>>, vector<16xi32>,
        %ge3A_2188 = vector.broadcast %mul3A_1241 : i32 to vector<16xi32>
        %ge3A_2189 = arith.cmpi sge, %get3A_2187, %ge3A_2188 : vector<16xi32>
        %lt3A_2190 = vector.broadcast %select_n3A_1247 : i32 to vector<16xi32>
        %lt3A_2191 = arith.cmpi slt, %get3A_2187, %lt3A_2190 : vector<16xi32>
        %and3A_2192 = arith.andi %ge3A_2189, %lt3A_2191 : vector<16xi1>
        %sub3A_2193 = vector.broadcast %multiple_of3A : i32 to vector<16xi32>
        %sub3A_2194 = arith.subi %get3A_2187, %sub3A_2193 : vector<16xi32>
        %jit3A_2195 = arith.constant 0 : i32
        %broadcast_in_dim3A_2196 = vector.broadcast %jit3A_2195 : i32 to vector<16xi32>
        %select_n3A_2197 = arith.select %and3A_2192, %sub3A_2194, %broadcast_in_dim3A_2196 : vector<16xi1>, vector<16xi32>
        %broadcast_in_dim3A_2198 = arith.constant 5 : i32
        %broadcast_in_dim3A_2199 = vector.broadcast %broadcast_in_dim3A_2198 : i32 to vector<16xi32>
        %gather3A_2200 = tpu.vector_load_idx %arg8[%broadcast_in_dim3A_2199, %select_n3A_2197] : memref<8x12544xf32, #tpu.memory_space<vmem>>[vector<16xi32>, vector<16xi32>], vector<16xf32>,
        %get3A_2201 = arith.constant 752 : index
        %get3A_2202 = tpu.vector_load %arg7[%get3A_2201] {strides = array<i32>} : memref<1024xf32, #tpu.memory_space<vmem>>, vector<16xf32>,
        %select_n3A_2203 = arith.select %and3A_2192, %gather3A_2200, %get3A_2202 : vector<16xi1>, vector<16xf32>
        %swap3A_2204 = arith.constant 752 : index
        %swap3A_2205 = tpu.vector_load %arg7[%swap3A_2204] {strides = array<i32>} : memref<1024xf32, #tpu.memory_space<vmem>>, vector<16xf32>,
        tpu.vector_store %arg7[%swap3A_2204], %select_n3A_2203 {strides = array<i32>} : memref<1024xf32, #tpu.memory_space<vmem>>, vector<16xf32>,
        %get3A_2206 = arith.constant 768 : index
        %get3A_2207 = tpu.vector_load %arg6[%get3A_2206] {strides = array<i32>} : memref<1024xi32, #tpu.memory_space<vmem>>, vector<16xi32>,
        %ge3A_2208 = vector.broadcast %mul3A_1241 : i32 to vector<16xi32>
        %ge3A_2209 = arith.cmpi sge, %get3A_2207, %ge3A_2208 : vector<16xi32>
        %lt3A_2210 = vector.broadcast %select_n3A_1247 : i32 to vector<16xi32>
        %lt3A_2211 = arith.cmpi slt, %get3A_2207, %lt3A_2210 : vector<16xi32>
        %and3A_2212 = arith.andi %ge3A_2209, %lt3A_2211 : vector<16xi1>
        %sub3A_2213 = vector.broadcast %multiple_of3A : i32 to vector<16xi32>
        %sub3A_2214 = arith.subi %get3A_2207, %sub3A_2213 : vector<16xi32>
        %jit3A_2215 = arith.constant 0 : i32
        %broadcast_in_dim3A_2216 = vector.broadcast %jit3A_2215 : i32 to vector<16xi32>
        %select_n3A_2217 = arith.select %and3A_2212, %sub3A_2214, %broadcast_in_dim3A_2216 : vector<16xi1>, vector<16xi32>
        %broadcast_in_dim3A_2218 = arith.constant 6 : i32
        %broadcast_in_dim3A_2219 = vector.broadcast %broadcast_in_dim3A_2218 : i32 to vector<16xi32>
        %gather3A_2220 = tpu.vector_load_idx %arg8[%broadcast_in_dim3A_2219, %select_n3A_2217] : memref<8x12544xf32, #tpu.memory_space<vmem>>[vector<16xi32>, vector<16xi32>], vector<16xf32>,
        %get3A_2221 = arith.constant 768 : index
        %get3A_2222 = tpu.vector_load %arg7[%get3A_2221] {strides = array<i32>} : memref<1024xf32, #tpu.memory_space<vmem>>, vector<16xf32>,
        %select_n3A_2223 = arith.select %and3A_2212, %gather3A_2220, %get3A_2222 : vector<16xi1>, vector<16xf32>
        %swap3A_2224 = arith.constant 768 : index
        %swap3A_2225 = tpu.vector_load %arg7[%swap3A_2224] {strides = array<i32>} : memref<1024xf32, #tpu.memory_space<vmem>>, vector<16xf32>,
        tpu.vector_store %arg7[%swap3A_2224], %select_n3A_2223 {strides = array<i32>} : memref<1024xf32, #tpu.memory_space<vmem>>, vector<16xf32>,
        %get3A_2226 = arith.constant 784 : index
        %get3A_2227 = tpu.vector_load %arg6[%get3A_2226] {strides = array<i32>} : memref<1024xi32, #tpu.memory_space<vmem>>, vector<16xi32>,
        %ge3A_2228 = vector.broadcast %mul3A_1241 : i32 to vector<16xi32>
        %ge3A_2229 = arith.cmpi sge, %get3A_2227, %ge3A_2228 : vector<16xi32>
        %lt3A_2230 = vector.broadcast %select_n3A_1247 : i32 to vector<16xi32>
        %lt3A_2231 = arith.cmpi slt, %get3A_2227, %lt3A_2230 : vector<16xi32>
        %and3A_2232 = arith.andi %ge3A_2229, %lt3A_2231 : vector<16xi1>
        %sub3A_2233 = vector.broadcast %multiple_of3A : i32 to vector<16xi32>
        %sub3A_2234 = arith.subi %get3A_2227, %sub3A_2233 : vector<16xi32>
        %jit3A_2235 = arith.constant 0 : i32
        %broadcast_in_dim3A_2236 = vector.broadcast %jit3A_2235 : i32 to vector<16xi32>
        %select_n3A_2237 = arith.select %and3A_2232, %sub3A_2234, %broadcast_in_dim3A_2236 : vector<16xi1>, vector<16xi32>
        %broadcast_in_dim3A_2238 = arith.constant 6 : i32
        %broadcast_in_dim3A_2239 = vector.broadcast %broadcast_in_dim3A_2238 : i32 to vector<16xi32>
        %gather3A_2240 = tpu.vector_load_idx %arg8[%broadcast_in_dim3A_2239, %select_n3A_2237] : memref<8x12544xf32, #tpu.memory_space<vmem>>[vector<16xi32>, vector<16xi32>], vector<16xf32>,
        %get3A_2241 = arith.constant 784 : index
        %get3A_2242 = tpu.vector_load %arg7[%get3A_2241] {strides = array<i32>} : memref<1024xf32, #tpu.memory_space<vmem>>, vector<16xf32>,
        %select_n3A_2243 = arith.select %and3A_2232, %gather3A_2240, %get3A_2242 : vector<16xi1>, vector<16xf32>
        %swap3A_2244 = arith.constant 784 : index
        %swap3A_2245 = tpu.vector_load %arg7[%swap3A_2244] {strides = array<i32>} : memref<1024xf32, #tpu.memory_space<vmem>>, vector<16xf32>,
        tpu.vector_store %arg7[%swap3A_2244], %select_n3A_2243 {strides = array<i32>} : memref<1024xf32, #tpu.memory_space<vmem>>, vector<16xf32>,
        %get3A_2246 = arith.constant 800 : index
        %get3A_2247 = tpu.vector_load %arg6[%get3A_2246] {strides = array<i32>} : memref<1024xi32, #tpu.memory_space<vmem>>, vector<16xi32>,
        %ge3A_2248 = vector.broadcast %mul3A_1241 : i32 to vector<16xi32>
        %ge3A_2249 = arith.cmpi sge, %get3A_2247, %ge3A_2248 : vector<16xi32>
        %lt3A_2250 = vector.broadcast %select_n3A_1247 : i32 to vector<16xi32>
        %lt3A_2251 = arith.cmpi slt, %get3A_2247, %lt3A_2250 : vector<16xi32>
        %and3A_2252 = arith.andi %ge3A_2249, %lt3A_2251 : vector<16xi1>
        %sub3A_2253 = vector.broadcast %multiple_of3A : i32 to vector<16xi32>
        %sub3A_2254 = arith.subi %get3A_2247, %sub3A_2253 : vector<16xi32>
        %jit3A_2255 = arith.constant 0 : i32
        %broadcast_in_dim3A_2256 = vector.broadcast %jit3A_2255 : i32 to vector<16xi32>
        %select_n3A_2257 = arith.select %and3A_2252, %sub3A_2254, %broadcast_in_dim3A_2256 : vector<16xi1>, vector<16xi32>
        %broadcast_in_dim3A_2258 = arith.constant 6 : i32
        %broadcast_in_dim3A_2259 = vector.broadcast %broadcast_in_dim3A_2258 : i32 to vector<16xi32>
        %gather3A_2260 = tpu.vector_load_idx %arg8[%broadcast_in_dim3A_2259, %select_n3A_2257] : memref<8x12544xf32, #tpu.memory_space<vmem>>[vector<16xi32>, vector<16xi32>], vector<16xf32>,
        %get3A_2261 = arith.constant 800 : index
        %get3A_2262 = tpu.vector_load %arg7[%get3A_2261] {strides = array<i32>} : memref<1024xf32, #tpu.memory_space<vmem>>, vector<16xf32>,
        %select_n3A_2263 = arith.select %and3A_2252, %gather3A_2260, %get3A_2262 : vector<16xi1>, vector<16xf32>
        %swap3A_2264 = arith.constant 800 : index
        %swap3A_2265 = tpu.vector_load %arg7[%swap3A_2264] {strides = array<i32>} : memref<1024xf32, #tpu.memory_space<vmem>>, vector<16xf32>,
        tpu.vector_store %arg7[%swap3A_2264], %select_n3A_2263 {strides = array<i32>} : memref<1024xf32, #tpu.memory_space<vmem>>, vector<16xf32>,
        %get3A_2266 = arith.constant 816 : index
        %get3A_2267 = tpu.vector_load %arg6[%get3A_2266] {strides = array<i32>} : memref<1024xi32, #tpu.memory_space<vmem>>, vector<16xi32>,
        %ge3A_2268 = vector.broadcast %mul3A_1241 : i32 to vector<16xi32>
        %ge3A_2269 = arith.cmpi sge, %get3A_2267, %ge3A_2268 : vector<16xi32>
        %lt3A_2270 = vector.broadcast %select_n3A_1247 : i32 to vector<16xi32>
        %lt3A_2271 = arith.cmpi slt, %get3A_2267, %lt3A_2270 : vector<16xi32>
        %and3A_2272 = arith.andi %ge3A_2269, %lt3A_2271 : vector<16xi1>
        %sub3A_2273 = vector.broadcast %multiple_of3A : i32 to vector<16xi32>
        %sub3A_2274 = arith.subi %get3A_2267, %sub3A_2273 : vector<16xi32>
        %jit3A_2275 = arith.constant 0 : i32
        %broadcast_in_dim3A_2276 = vector.broadcast %jit3A_2275 : i32 to vector<16xi32>
        %select_n3A_2277 = arith.select %and3A_2272, %sub3A_2274, %broadcast_in_dim3A_2276 : vector<16xi1>, vector<16xi32>
        %broadcast_in_dim3A_2278 = arith.constant 6 : i32
        %broadcast_in_dim3A_2279 = vector.broadcast %broadcast_in_dim3A_2278 : i32 to vector<16xi32>
        %gather3A_2280 = tpu.vector_load_idx %arg8[%broadcast_in_dim3A_2279, %select_n3A_2277] : memref<8x12544xf32, #tpu.memory_space<vmem>>[vector<16xi32>, vector<16xi32>], vector<16xf32>,
        %get3A_2281 = arith.constant 816 : index
        %get3A_2282 = tpu.vector_load %arg7[%get3A_2281] {strides = array<i32>} : memref<1024xf32, #tpu.memory_space<vmem>>, vector<16xf32>,
        %select_n3A_2283 = arith.select %and3A_2272, %gather3A_2280, %get3A_2282 : vector<16xi1>, vector<16xf32>
        %swap3A_2284 = arith.constant 816 : index
        %swap3A_2285 = tpu.vector_load %arg7[%swap3A_2284] {strides = array<i32>} : memref<1024xf32, #tpu.memory_space<vmem>>, vector<16xf32>,
        tpu.vector_store %arg7[%swap3A_2284], %select_n3A_2283 {strides = array<i32>} : memref<1024xf32, #tpu.memory_space<vmem>>, vector<16xf32>,
        %get3A_2286 = arith.constant 832 : index
        %get3A_2287 = tpu.vector_load %arg6[%get3A_2286] {strides = array<i32>} : memref<1024xi32, #tpu.memory_space<vmem>>, vector<16xi32>,
        %ge3A_2288 = vector.broadcast %mul3A_1241 : i32 to vector<16xi32>
        %ge3A_2289 = arith.cmpi sge, %get3A_2287, %ge3A_2288 : vector<16xi32>
        %lt3A_2290 = vector.broadcast %select_n3A_1247 : i32 to vector<16xi32>
        %lt3A_2291 = arith.cmpi slt, %get3A_2287, %lt3A_2290 : vector<16xi32>
        %and3A_2292 = arith.andi %ge3A_2289, %lt3A_2291 : vector<16xi1>
        %sub3A_2293 = vector.broadcast %multiple_of3A : i32 to vector<16xi32>
        %sub3A_2294 = arith.subi %get3A_2287, %sub3A_2293 : vector<16xi32>
        %jit3A_2295 = arith.constant 0 : i32
        %broadcast_in_dim3A_2296 = vector.broadcast %jit3A_2295 : i32 to vector<16xi32>
        %select_n3A_2297 = arith.select %and3A_2292, %sub3A_2294, %broadcast_in_dim3A_2296 : vector<16xi1>, vector<16xi32>
        %broadcast_in_dim3A_2298 = arith.constant 6 : i32
        %broadcast_in_dim3A_2299 = vector.broadcast %broadcast_in_dim3A_2298 : i32 to vector<16xi32>
        %gather3A_2300 = tpu.vector_load_idx %arg8[%broadcast_in_dim3A_2299, %select_n3A_2297] : memref<8x12544xf32, #tpu.memory_space<vmem>>[vector<16xi32>, vector<16xi32>], vector<16xf32>,
        %get3A_2301 = arith.constant 832 : index
        %get3A_2302 = tpu.vector_load %arg7[%get3A_2301] {strides = array<i32>} : memref<1024xf32, #tpu.memory_space<vmem>>, vector<16xf32>,
        %select_n3A_2303 = arith.select %and3A_2292, %gather3A_2300, %get3A_2302 : vector<16xi1>, vector<16xf32>
        %swap3A_2304 = arith.constant 832 : index
        %swap3A_2305 = tpu.vector_load %arg7[%swap3A_2304] {strides = array<i32>} : memref<1024xf32, #tpu.memory_space<vmem>>, vector<16xf32>,
        tpu.vector_store %arg7[%swap3A_2304], %select_n3A_2303 {strides = array<i32>} : memref<1024xf32, #tpu.memory_space<vmem>>, vector<16xf32>,
        %get3A_2306 = arith.constant 848 : index
        %get3A_2307 = tpu.vector_load %arg6[%get3A_2306] {strides = array<i32>} : memref<1024xi32, #tpu.memory_space<vmem>>, vector<16xi32>,
        %ge3A_2308 = vector.broadcast %mul3A_1241 : i32 to vector<16xi32>
        %ge3A_2309 = arith.cmpi sge, %get3A_2307, %ge3A_2308 : vector<16xi32>
        %lt3A_2310 = vector.broadcast %select_n3A_1247 : i32 to vector<16xi32>
        %lt3A_2311 = arith.cmpi slt, %get3A_2307, %lt3A_2310 : vector<16xi32>
        %and3A_2312 = arith.andi %ge3A_2309, %lt3A_2311 : vector<16xi1>
        %sub3A_2313 = vector.broadcast %multiple_of3A : i32 to vector<16xi32>
        %sub3A_2314 = arith.subi %get3A_2307, %sub3A_2313 : vector<16xi32>
        %jit3A_2315 = arith.constant 0 : i32
        %broadcast_in_dim3A_2316 = vector.broadcast %jit3A_2315 : i32 to vector<16xi32>
        %select_n3A_2317 = arith.select %and3A_2312, %sub3A_2314, %broadcast_in_dim3A_2316 : vector<16xi1>, vector<16xi32>
        %broadcast_in_dim3A_2318 = arith.constant 6 : i32
        %broadcast_in_dim3A_2319 = vector.broadcast %broadcast_in_dim3A_2318 : i32 to vector<16xi32>
        %gather3A_2320 = tpu.vector_load_idx %arg8[%broadcast_in_dim3A_2319, %select_n3A_2317] : memref<8x12544xf32, #tpu.memory_space<vmem>>[vector<16xi32>, vector<16xi32>], vector<16xf32>,
        %get3A_2321 = arith.constant 848 : index
        %get3A_2322 = tpu.vector_load %arg7[%get3A_2321] {strides = array<i32>} : memref<1024xf32, #tpu.memory_space<vmem>>, vector<16xf32>,
        %select_n3A_2323 = arith.select %and3A_2312, %gather3A_2320, %get3A_2322 : vector<16xi1>, vector<16xf32>
        %swap3A_2324 = arith.constant 848 : index
        %swap3A_2325 = tpu.vector_load %arg7[%swap3A_2324] {strides = array<i32>} : memref<1024xf32, #tpu.memory_space<vmem>>, vector<16xf32>,
        tpu.vector_store %arg7[%swap3A_2324], %select_n3A_2323 {strides = array<i32>} : memref<1024xf32, #tpu.memory_space<vmem>>, vector<16xf32>,
        %get3A_2326 = arith.constant 864 : index
        %get3A_2327 = tpu.vector_load %arg6[%get3A_2326] {strides = array<i32>} : memref<1024xi32, #tpu.memory_space<vmem>>, vector<16xi32>,
        %ge3A_2328 = vector.broadcast %mul3A_1241 : i32 to vector<16xi32>
        %ge3A_2329 = arith.cmpi sge, %get3A_2327, %ge3A_2328 : vector<16xi32>
        %lt3A_2330 = vector.broadcast %select_n3A_1247 : i32 to vector<16xi32>
        %lt3A_2331 = arith.cmpi slt, %get3A_2327, %lt3A_2330 : vector<16xi32>
        %and3A_2332 = arith.andi %ge3A_2329, %lt3A_2331 : vector<16xi1>
        %sub3A_2333 = vector.broadcast %multiple_of3A : i32 to vector<16xi32>
        %sub3A_2334 = arith.subi %get3A_2327, %sub3A_2333 : vector<16xi32>
        %jit3A_2335 = arith.constant 0 : i32
        %broadcast_in_dim3A_2336 = vector.broadcast %jit3A_2335 : i32 to vector<16xi32>
        %select_n3A_2337 = arith.select %and3A_2332, %sub3A_2334, %broadcast_in_dim3A_2336 : vector<16xi1>, vector<16xi32>
        %broadcast_in_dim3A_2338 = arith.constant 6 : i32
        %broadcast_in_dim3A_2339 = vector.broadcast %broadcast_in_dim3A_2338 : i32 to vector<16xi32>
        %gather3A_2340 = tpu.vector_load_idx %arg8[%broadcast_in_dim3A_2339, %select_n3A_2337] : memref<8x12544xf32, #tpu.memory_space<vmem>>[vector<16xi32>, vector<16xi32>], vector<16xf32>,
        %get3A_2341 = arith.constant 864 : index
        %get3A_2342 = tpu.vector_load %arg7[%get3A_2341] {strides = array<i32>} : memref<1024xf32, #tpu.memory_space<vmem>>, vector<16xf32>,
        %select_n3A_2343 = arith.select %and3A_2332, %gather3A_2340, %get3A_2342 : vector<16xi1>, vector<16xf32>
        %swap3A_2344 = arith.constant 864 : index
        %swap3A_2345 = tpu.vector_load %arg7[%swap3A_2344] {strides = array<i32>} : memref<1024xf32, #tpu.memory_space<vmem>>, vector<16xf32>,
        tpu.vector_store %arg7[%swap3A_2344], %select_n3A_2343 {strides = array<i32>} : memref<1024xf32, #tpu.memory_space<vmem>>, vector<16xf32>,
        %get3A_2346 = arith.constant 880 : index
        %get3A_2347 = tpu.vector_load %arg6[%get3A_2346] {strides = array<i32>} : memref<1024xi32, #tpu.memory_space<vmem>>, vector<16xi32>,
        %ge3A_2348 = vector.broadcast %mul3A_1241 : i32 to vector<16xi32>
        %ge3A_2349 = arith.cmpi sge, %get3A_2347, %ge3A_2348 : vector<16xi32>
        %lt3A_2350 = vector.broadcast %select_n3A_1247 : i32 to vector<16xi32>
        %lt3A_2351 = arith.cmpi slt, %get3A_2347, %lt3A_2350 : vector<16xi32>
        %and3A_2352 = arith.andi %ge3A_2349, %lt3A_2351 : vector<16xi1>
        %sub3A_2353 = vector.broadcast %multiple_of3A : i32 to vector<16xi32>
        %sub3A_2354 = arith.subi %get3A_2347, %sub3A_2353 : vector<16xi32>
        %jit3A_2355 = arith.constant 0 : i32
        %broadcast_in_dim3A_2356 = vector.broadcast %jit3A_2355 : i32 to vector<16xi32>
        %select_n3A_2357 = arith.select %and3A_2352, %sub3A_2354, %broadcast_in_dim3A_2356 : vector<16xi1>, vector<16xi32>
        %broadcast_in_dim3A_2358 = arith.constant 6 : i32
        %broadcast_in_dim3A_2359 = vector.broadcast %broadcast_in_dim3A_2358 : i32 to vector<16xi32>
        %gather3A_2360 = tpu.vector_load_idx %arg8[%broadcast_in_dim3A_2359, %select_n3A_2357] : memref<8x12544xf32, #tpu.memory_space<vmem>>[vector<16xi32>, vector<16xi32>], vector<16xf32>,
        %get3A_2361 = arith.constant 880 : index
        %get3A_2362 = tpu.vector_load %arg7[%get3A_2361] {strides = array<i32>} : memref<1024xf32, #tpu.memory_space<vmem>>, vector<16xf32>,
        %select_n3A_2363 = arith.select %and3A_2352, %gather3A_2360, %get3A_2362 : vector<16xi1>, vector<16xf32>
        %swap3A_2364 = arith.constant 880 : index
        %swap3A_2365 = tpu.vector_load %arg7[%swap3A_2364] {strides = array<i32>} : memref<1024xf32, #tpu.memory_space<vmem>>, vector<16xf32>,
        tpu.vector_store %arg7[%swap3A_2364], %select_n3A_2363 {strides = array<i32>} : memref<1024xf32, #tpu.memory_space<vmem>>, vector<16xf32>,
        %get3A_2366 = arith.constant 896 : index
        %get3A_2367 = tpu.vector_load %arg6[%get3A_2366] {strides = array<i32>} : memref<1024xi32, #tpu.memory_space<vmem>>, vector<16xi32>,
        %ge3A_2368 = vector.broadcast %mul3A_1241 : i32 to vector<16xi32>
        %ge3A_2369 = arith.cmpi sge, %get3A_2367, %ge3A_2368 : vector<16xi32>
        %lt3A_2370 = vector.broadcast %select_n3A_1247 : i32 to vector<16xi32>
        %lt3A_2371 = arith.cmpi slt, %get3A_2367, %lt3A_2370 : vector<16xi32>
        %and3A_2372 = arith.andi %ge3A_2369, %lt3A_2371 : vector<16xi1>
        %sub3A_2373 = vector.broadcast %multiple_of3A : i32 to vector<16xi32>
        %sub3A_2374 = arith.subi %get3A_2367, %sub3A_2373 : vector<16xi32>
        %jit3A_2375 = arith.constant 0 : i32
        %broadcast_in_dim3A_2376 = vector.broadcast %jit3A_2375 : i32 to vector<16xi32>
        %select_n3A_2377 = arith.select %and3A_2372, %sub3A_2374, %broadcast_in_dim3A_2376 : vector<16xi1>, vector<16xi32>
        %broadcast_in_dim3A_2378 = arith.constant 7 : i32
        %broadcast_in_dim3A_2379 = vector.broadcast %broadcast_in_dim3A_2378 : i32 to vector<16xi32>
        %gather3A_2380 = tpu.vector_load_idx %arg8[%broadcast_in_dim3A_2379, %select_n3A_2377] : memref<8x12544xf32, #tpu.memory_space<vmem>>[vector<16xi32>, vector<16xi32>], vector<16xf32>,
        %get3A_2381 = arith.constant 896 : index
        %get3A_2382 = tpu.vector_load %arg7[%get3A_2381] {strides = array<i32>} : memref<1024xf32, #tpu.memory_space<vmem>>, vector<16xf32>,
        %select_n3A_2383 = arith.select %and3A_2372, %gather3A_2380, %get3A_2382 : vector<16xi1>, vector<16xf32>
        %swap3A_2384 = arith.constant 896 : index
        %swap3A_2385 = tpu.vector_load %arg7[%swap3A_2384] {strides = array<i32>} : memref<1024xf32, #tpu.memory_space<vmem>>, vector<16xf32>,
        tpu.vector_store %arg7[%swap3A_2384], %select_n3A_2383 {strides = array<i32>} : memref<1024xf32, #tpu.memory_space<vmem>>, vector<16xf32>,
        %get3A_2386 = arith.constant 912 : index
        %get3A_2387 = tpu.vector_load %arg6[%get3A_2386] {strides = array<i32>} : memref<1024xi32, #tpu.memory_space<vmem>>, vector<16xi32>,
        %ge3A_2388 = vector.broadcast %mul3A_1241 : i32 to vector<16xi32>
        %ge3A_2389 = arith.cmpi sge, %get3A_2387, %ge3A_2388 : vector<16xi32>
        %lt3A_2390 = vector.broadcast %select_n3A_1247 : i32 to vector<16xi32>
        %lt3A_2391 = arith.cmpi slt, %get3A_2387, %lt3A_2390 : vector<16xi32>
        %and3A_2392 = arith.andi %ge3A_2389, %lt3A_2391 : vector<16xi1>
        %sub3A_2393 = vector.broadcast %multiple_of3A : i32 to vector<16xi32>
        %sub3A_2394 = arith.subi %get3A_2387, %sub3A_2393 : vector<16xi32>
        %jit3A_2395 = arith.constant 0 : i32
        %broadcast_in_dim3A_2396 = vector.broadcast %jit3A_2395 : i32 to vector<16xi32>
        %select_n3A_2397 = arith.select %and3A_2392, %sub3A_2394, %broadcast_in_dim3A_2396 : vector<16xi1>, vector<16xi32>
        %broadcast_in_dim3A_2398 = arith.constant 7 : i32
        %broadcast_in_dim3A_2399 = vector.broadcast %broadcast_in_dim3A_2398 : i32 to vector<16xi32>
        %gather3A_2400 = tpu.vector_load_idx %arg8[%broadcast_in_dim3A_2399, %select_n3A_2397] : memref<8x12544xf32, #tpu.memory_space<vmem>>[vector<16xi32>, vector<16xi32>], vector<16xf32>,
        %get3A_2401 = arith.constant 912 : index
        %get3A_2402 = tpu.vector_load %arg7[%get3A_2401] {strides = array<i32>} : memref<1024xf32, #tpu.memory_space<vmem>>, vector<16xf32>,
        %select_n3A_2403 = arith.select %and3A_2392, %gather3A_2400, %get3A_2402 : vector<16xi1>, vector<16xf32>
        %swap3A_2404 = arith.constant 912 : index
        %swap3A_2405 = tpu.vector_load %arg7[%swap3A_2404] {strides = array<i32>} : memref<1024xf32, #tpu.memory_space<vmem>>, vector<16xf32>,
        tpu.vector_store %arg7[%swap3A_2404], %select_n3A_2403 {strides = array<i32>} : memref<1024xf32, #tpu.memory_space<vmem>>, vector<16xf32>,
        %get3A_2406 = arith.constant 928 : index
        %get3A_2407 = tpu.vector_load %arg6[%get3A_2406] {strides = array<i32>} : memref<1024xi32, #tpu.memory_space<vmem>>, vector<16xi32>,
        %ge3A_2408 = vector.broadcast %mul3A_1241 : i32 to vector<16xi32>
        %ge3A_2409 = arith.cmpi sge, %get3A_2407, %ge3A_2408 : vector<16xi32>
        %lt3A_2410 = vector.broadcast %select_n3A_1247 : i32 to vector<16xi32>
        %lt3A_2411 = arith.cmpi slt, %get3A_2407, %lt3A_2410 : vector<16xi32>
        %and3A_2412 = arith.andi %ge3A_2409, %lt3A_2411 : vector<16xi1>
        %sub3A_2413 = vector.broadcast %multiple_of3A : i32 to vector<16xi32>
        %sub3A_2414 = arith.subi %get3A_2407, %sub3A_2413 : vector<16xi32>
        %jit3A_2415 = arith.constant 0 : i32
        %broadcast_in_dim3A_2416 = vector.broadcast %jit3A_2415 : i32 to vector<16xi32>
        %select_n3A_2417 = arith.select %and3A_2412, %sub3A_2414, %broadcast_in_dim3A_2416 : vector<16xi1>, vector<16xi32>
        %broadcast_in_dim3A_2418 = arith.constant 7 : i32
        %broadcast_in_dim3A_2419 = vector.broadcast %broadcast_in_dim3A_2418 : i32 to vector<16xi32>
        %gather3A_2420 = tpu.vector_load_idx %arg8[%broadcast_in_dim3A_2419, %select_n3A_2417] : memref<8x12544xf32, #tpu.memory_space<vmem>>[vector<16xi32>, vector<16xi32>], vector<16xf32>,
        %get3A_2421 = arith.constant 928 : index
        %get3A_2422 = tpu.vector_load %arg7[%get3A_2421] {strides = array<i32>} : memref<1024xf32, #tpu.memory_space<vmem>>, vector<16xf32>,
        %select_n3A_2423 = arith.select %and3A_2412, %gather3A_2420, %get3A_2422 : vector<16xi1>, vector<16xf32>
        %swap3A_2424 = arith.constant 928 : index
        %swap3A_2425 = tpu.vector_load %arg7[%swap3A_2424] {strides = array<i32>} : memref<1024xf32, #tpu.memory_space<vmem>>, vector<16xf32>,
        tpu.vector_store %arg7[%swap3A_2424], %select_n3A_2423 {strides = array<i32>} : memref<1024xf32, #tpu.memory_space<vmem>>, vector<16xf32>,
        %get3A_2426 = arith.constant 944 : index
        %get3A_2427 = tpu.vector_load %arg6[%get3A_2426] {strides = array<i32>} : memref<1024xi32, #tpu.memory_space<vmem>>, vector<16xi32>,
        %ge3A_2428 = vector.broadcast %mul3A_1241 : i32 to vector<16xi32>
        %ge3A_2429 = arith.cmpi sge, %get3A_2427, %ge3A_2428 : vector<16xi32>
        %lt3A_2430 = vector.broadcast %select_n3A_1247 : i32 to vector<16xi32>
        %lt3A_2431 = arith.cmpi slt, %get3A_2427, %lt3A_2430 : vector<16xi32>
        %and3A_2432 = arith.andi %ge3A_2429, %lt3A_2431 : vector<16xi1>
        %sub3A_2433 = vector.broadcast %multiple_of3A : i32 to vector<16xi32>
        %sub3A_2434 = arith.subi %get3A_2427, %sub3A_2433 : vector<16xi32>
        %jit3A_2435 = arith.constant 0 : i32
        %broadcast_in_dim3A_2436 = vector.broadcast %jit3A_2435 : i32 to vector<16xi32>
        %select_n3A_2437 = arith.select %and3A_2432, %sub3A_2434, %broadcast_in_dim3A_2436 : vector<16xi1>, vector<16xi32>
        %broadcast_in_dim3A_2438 = arith.constant 7 : i32
        %broadcast_in_dim3A_2439 = vector.broadcast %broadcast_in_dim3A_2438 : i32 to vector<16xi32>
        %gather3A_2440 = tpu.vector_load_idx %arg8[%broadcast_in_dim3A_2439, %select_n3A_2437] : memref<8x12544xf32, #tpu.memory_space<vmem>>[vector<16xi32>, vector<16xi32>], vector<16xf32>,
        %get3A_2441 = arith.constant 944 : index
        %get3A_2442 = tpu.vector_load %arg7[%get3A_2441] {strides = array<i32>} : memref<1024xf32, #tpu.memory_space<vmem>>, vector<16xf32>,
        %select_n3A_2443 = arith.select %and3A_2432, %gather3A_2440, %get3A_2442 : vector<16xi1>, vector<16xf32>
        %swap3A_2444 = arith.constant 944 : index
        %swap3A_2445 = tpu.vector_load %arg7[%swap3A_2444] {strides = array<i32>} : memref<1024xf32, #tpu.memory_space<vmem>>, vector<16xf32>,
        tpu.vector_store %arg7[%swap3A_2444], %select_n3A_2443 {strides = array<i32>} : memref<1024xf32, #tpu.memory_space<vmem>>, vector<16xf32>,
        %get3A_2446 = arith.constant 960 : index
        %get3A_2447 = tpu.vector_load %arg6[%get3A_2446] {strides = array<i32>} : memref<1024xi32, #tpu.memory_space<vmem>>, vector<16xi32>,
        %ge3A_2448 = vector.broadcast %mul3A_1241 : i32 to vector<16xi32>
        %ge3A_2449 = arith.cmpi sge, %get3A_2447, %ge3A_2448 : vector<16xi32>
        %lt3A_2450 = vector.broadcast %select_n3A_1247 : i32 to vector<16xi32>
        %lt3A_2451 = arith.cmpi slt, %get3A_2447, %lt3A_2450 : vector<16xi32>
        %and3A_2452 = arith.andi %ge3A_2449, %lt3A_2451 : vector<16xi1>
        %sub3A_2453 = vector.broadcast %multiple_of3A : i32 to vector<16xi32>
        %sub3A_2454 = arith.subi %get3A_2447, %sub3A_2453 : vector<16xi32>
        %jit3A_2455 = arith.constant 0 : i32
        %broadcast_in_dim3A_2456 = vector.broadcast %jit3A_2455 : i32 to vector<16xi32>
        %select_n3A_2457 = arith.select %and3A_2452, %sub3A_2454, %broadcast_in_dim3A_2456 : vector<16xi1>, vector<16xi32>
        %broadcast_in_dim3A_2458 = arith.constant 7 : i32
        %broadcast_in_dim3A_2459 = vector.broadcast %broadcast_in_dim3A_2458 : i32 to vector<16xi32>
        %gather3A_2460 = tpu.vector_load_idx %arg8[%broadcast_in_dim3A_2459, %select_n3A_2457] : memref<8x12544xf32, #tpu.memory_space<vmem>>[vector<16xi32>, vector<16xi32>], vector<16xf32>,
        %get3A_2461 = arith.constant 960 : index
        %get3A_2462 = tpu.vector_load %arg7[%get3A_2461] {strides = array<i32>} : memref<1024xf32, #tpu.memory_space<vmem>>, vector<16xf32>,
        %select_n3A_2463 = arith.select %and3A_2452, %gather3A_2460, %get3A_2462 : vector<16xi1>, vector<16xf32>
        %swap3A_2464 = arith.constant 960 : index
        %swap3A_2465 = tpu.vector_load %arg7[%swap3A_2464] {strides = array<i32>} : memref<1024xf32, #tpu.memory_space<vmem>>, vector<16xf32>,
        tpu.vector_store %arg7[%swap3A_2464], %select_n3A_2463 {strides = array<i32>} : memref<1024xf32, #tpu.memory_space<vmem>>, vector<16xf32>,
        %get3A_2466 = arith.constant 976 : index
        %get3A_2467 = tpu.vector_load %arg6[%get3A_2466] {strides = array<i32>} : memref<1024xi32, #tpu.memory_space<vmem>>, vector<16xi32>,
        %ge3A_2468 = vector.broadcast %mul3A_1241 : i32 to vector<16xi32>
        %ge3A_2469 = arith.cmpi sge, %get3A_2467, %ge3A_2468 : vector<16xi32>
        %lt3A_2470 = vector.broadcast %select_n3A_1247 : i32 to vector<16xi32>
        %lt3A_2471 = arith.cmpi slt, %get3A_2467, %lt3A_2470 : vector<16xi32>
        %and3A_2472 = arith.andi %ge3A_2469, %lt3A_2471 : vector<16xi1>
        %sub3A_2473 = vector.broadcast %multiple_of3A : i32 to vector<16xi32>
        %sub3A_2474 = arith.subi %get3A_2467, %sub3A_2473 : vector<16xi32>
        %jit3A_2475 = arith.constant 0 : i32
        %broadcast_in_dim3A_2476 = vector.broadcast %jit3A_2475 : i32 to vector<16xi32>
        %select_n3A_2477 = arith.select %and3A_2472, %sub3A_2474, %broadcast_in_dim3A_2476 : vector<16xi1>, vector<16xi32>
        %broadcast_in_dim3A_2478 = arith.constant 7 : i32
        %broadcast_in_dim3A_2479 = vector.broadcast %broadcast_in_dim3A_2478 : i32 to vector<16xi32>
        %gather3A_2480 = tpu.vector_load_idx %arg8[%broadcast_in_dim3A_2479, %select_n3A_2477] : memref<8x12544xf32, #tpu.memory_space<vmem>>[vector<16xi32>, vector<16xi32>], vector<16xf32>,
        %get3A_2481 = arith.constant 976 : index
        %get3A_2482 = tpu.vector_load %arg7[%get3A_2481] {strides = array<i32>} : memref<1024xf32, #tpu.memory_space<vmem>>, vector<16xf32>,
        %select_n3A_2483 = arith.select %and3A_2472, %gather3A_2480, %get3A_2482 : vector<16xi1>, vector<16xf32>
        %swap3A_2484 = arith.constant 976 : index
        %swap3A_2485 = tpu.vector_load %arg7[%swap3A_2484] {strides = array<i32>} : memref<1024xf32, #tpu.memory_space<vmem>>, vector<16xf32>,
        tpu.vector_store %arg7[%swap3A_2484], %select_n3A_2483 {strides = array<i32>} : memref<1024xf32, #tpu.memory_space<vmem>>, vector<16xf32>,
        %get3A_2486 = arith.constant 992 : index
        %get3A_2487 = tpu.vector_load %arg6[%get3A_2486] {strides = array<i32>} : memref<1024xi32, #tpu.memory_space<vmem>>, vector<16xi32>,
        %ge3A_2488 = vector.broadcast %mul3A_1241 : i32 to vector<16xi32>
        %ge3A_2489 = arith.cmpi sge, %get3A_2487, %ge3A_2488 : vector<16xi32>
        %lt3A_2490 = vector.broadcast %select_n3A_1247 : i32 to vector<16xi32>
        %lt3A_2491 = arith.cmpi slt, %get3A_2487, %lt3A_2490 : vector<16xi32>
        %and3A_2492 = arith.andi %ge3A_2489, %lt3A_2491 : vector<16xi1>
        %sub3A_2493 = vector.broadcast %multiple_of3A : i32 to vector<16xi32>
        %sub3A_2494 = arith.subi %get3A_2487, %sub3A_2493 : vector<16xi32>
        %jit3A_2495 = arith.constant 0 : i32
        %broadcast_in_dim3A_2496 = vector.broadcast %jit3A_2495 : i32 to vector<16xi32>
        %select_n3A_2497 = arith.select %and3A_2492, %sub3A_2494, %broadcast_in_dim3A_2496 : vector<16xi1>, vector<16xi32>
        %broadcast_in_dim3A_2498 = arith.constant 7 : i32
        %broadcast_in_dim3A_2499 = vector.broadcast %broadcast_in_dim3A_2498 : i32 to vector<16xi32>
        %gather3A_2500 = tpu.vector_load_idx %arg8[%broadcast_in_dim3A_2499, %select_n3A_2497] : memref<8x12544xf32, #tpu.memory_space<vmem>>[vector<16xi32>, vector<16xi32>], vector<16xf32>,
        %get3A_2501 = arith.constant 992 : index
        %get3A_2502 = tpu.vector_load %arg7[%get3A_2501] {strides = array<i32>} : memref<1024xf32, #tpu.memory_space<vmem>>, vector<16xf32>,
        %select_n3A_2503 = arith.select %and3A_2492, %gather3A_2500, %get3A_2502 : vector<16xi1>, vector<16xf32>
        %swap3A_2504 = arith.constant 992 : index
        %swap3A_2505 = tpu.vector_load %arg7[%swap3A_2504] {strides = array<i32>} : memref<1024xf32, #tpu.memory_space<vmem>>, vector<16xf32>,
        tpu.vector_store %arg7[%swap3A_2504], %select_n3A_2503 {strides = array<i32>} : memref<1024xf32, #tpu.memory_space<vmem>>, vector<16xf32>,
        %get3A_2506 = arith.constant 1008 : index
        %get3A_2507 = tpu.vector_load %arg6[%get3A_2506] {strides = array<i32>} : memref<1024xi32, #tpu.memory_space<vmem>>, vector<16xi32>,
        %ge3A_2508 = vector.broadcast %mul3A_1241 : i32 to vector<16xi32>
        %ge3A_2509 = arith.cmpi sge, %get3A_2507, %ge3A_2508 : vector<16xi32>
        %lt3A_2510 = vector.broadcast %select_n3A_1247 : i32 to vector<16xi32>
        %lt3A_2511 = arith.cmpi slt, %get3A_2507, %lt3A_2510 : vector<16xi32>
        %and3A_2512 = arith.andi %ge3A_2509, %lt3A_2511 : vector<16xi1>
        %sub3A_2513 = vector.broadcast %multiple_of3A : i32 to vector<16xi32>
        %sub3A_2514 = arith.subi %get3A_2507, %sub3A_2513 : vector<16xi32>
        %jit3A_2515 = arith.constant 0 : i32
        %broadcast_in_dim3A_2516 = vector.broadcast %jit3A_2515 : i32 to vector<16xi32>
        %select_n3A_2517 = arith.select %and3A_2512, %sub3A_2514, %broadcast_in_dim3A_2516 : vector<16xi1>, vector<16xi32>
        %broadcast_in_dim3A_2518 = arith.constant 7 : i32
        %broadcast_in_dim3A_2519 = vector.broadcast %broadcast_in_dim3A_2518 : i32 to vector<16xi32>
        %gather3A_2520 = tpu.vector_load_idx %arg8[%broadcast_in_dim3A_2519, %select_n3A_2517] : memref<8x12544xf32, #tpu.memory_space<vmem>>[vector<16xi32>, vector<16xi32>], vector<16xf32>,
        %get3A_2521 = arith.constant 1008 : index
        %get3A_2522 = tpu.vector_load %arg7[%get3A_2521] {strides = array<i32>} : memref<1024xf32, #tpu.memory_space<vmem>>, vector<16xf32>,
        %select_n3A_2523 = arith.select %and3A_2512, %gather3A_2520, %get3A_2522 : vector<16xi1>, vector<16xf32>
        %swap3A_2524 = arith.constant 1008 : index
        %swap3A_2525 = tpu.vector_load %arg7[%swap3A_2524] {strides = array<i32>} : memref<1024xf32, #tpu.memory_space<vmem>>, vector<16xf32>,
        tpu.vector_store %arg7[%swap3A_2524], %select_n3A_2523 {strides = array<i32>} : memref<1024xf32, #tpu.memory_space<vmem>>, vector<16xf32>,
      }
      %scan3A_21 = arith.constant 8 : i32
      %get3A = arith.constant 0 : index
      %get3A_22 = tpu.vector_load %arg6[%get3A] {strides = array<i32>} : memref<1024xi32, #tpu.memory_space<vmem>>, vector<16xi32>,
      %ge3A = arith.constant 99968 : i32
      %ge3A_23 = vector.broadcast %ge3A : i32 to vector<16xi32>
      %ge3A_24 = arith.cmpi sge, %get3A_22, %ge3A_23 : vector<16xi32>
      %sub3A = arith.constant 99968 : i32
      %sub3A_25 = vector.broadcast %sub3A : i32 to vector<16xi32>
      %sub3A_26 = arith.subi %get3A_22, %sub3A_25 : vector<16xi32>
      %jit3A = arith.constant 0 : i32
      %broadcast_in_dim3A = vector.broadcast %jit3A : i32 to vector<16xi32>
      %select_n3A = arith.select %ge3A_24, %sub3A_26, %broadcast_in_dim3A : vector<16xi1>, vector<16xi32>
      %broadcast_in_dim3A_27 = arith.constant 0 : i32
      %broadcast_in_dim3A_28 = vector.broadcast %broadcast_in_dim3A_27 : i32 to vector<16xi32>
      %gather3A = tpu.vector_load_idx %arg9[%broadcast_in_dim3A_28, %select_n3A] : memref<8x32xf32, #tpu.memory_space<vmem>>[vector<16xi32>, vector<16xi32>], vector<16xf32>,
      %get3A_29 = arith.constant 0 : index
      %get3A_30 = tpu.vector_load %arg7[%get3A_29] {strides = array<i32>} : memref<1024xf32, #tpu.memory_space<vmem>>, vector<16xf32>,
      %select_n3A_31 = arith.select %ge3A_24, %gather3A, %get3A_30 : vector<16xi1>, vector<16xf32>
      %swap3A = arith.constant 0 : index
      %swap3A_32 = tpu.vector_load %arg7[%swap3A] {strides = array<i32>} : memref<1024xf32, #tpu.memory_space<vmem>>, vector<16xf32>,
      tpu.vector_store %arg7[%swap3A], %select_n3A_31 {strides = array<i32>} : memref<1024xf32, #tpu.memory_space<vmem>>, vector<16xf32>,
      %get3A_33 = arith.constant 16 : index
      %get3A_34 = tpu.vector_load %arg6[%get3A_33] {strides = array<i32>} : memref<1024xi32, #tpu.memory_space<vmem>>, vector<16xi32>,
      %ge3A_35 = arith.constant 99968 : i32
      %ge3A_36 = vector.broadcast %ge3A_35 : i32 to vector<16xi32>
      %ge3A_37 = arith.cmpi sge, %get3A_34, %ge3A_36 : vector<16xi32>
      %sub3A_38 = arith.constant 99968 : i32
      %sub3A_39 = vector.broadcast %sub3A_38 : i32 to vector<16xi32>
      %sub3A_40 = arith.subi %get3A_34, %sub3A_39 : vector<16xi32>
      %jit3A_41 = arith.constant 0 : i32
      %broadcast_in_dim3A_42 = vector.broadcast %jit3A_41 : i32 to vector<16xi32>
      %select_n3A_43 = arith.select %ge3A_37, %sub3A_40, %broadcast_in_dim3A_42 : vector<16xi1>, vector<16xi32>
      %broadcast_in_dim3A_44 = arith.constant 0 : i32
      %broadcast_in_dim3A_45 = vector.broadcast %broadcast_in_dim3A_44 : i32 to vector<16xi32>
      %gather3A_46 = tpu.vector_load_idx %arg9[%broadcast_in_dim3A_45, %select_n3A_43] : memref<8x32xf32, #tpu.memory_space<vmem>>[vector<16xi32>, vector<16xi32>], vector<16xf32>,
      %get3A_47 = arith.constant 16 : index
      %get3A_48 = tpu.vector_load %arg7[%get3A_47] {strides = array<i32>} : memref<1024xf32, #tpu.memory_space<vmem>>, vector<16xf32>,
      %select_n3A_49 = arith.select %ge3A_37, %gather3A_46, %get3A_48 : vector<16xi1>, vector<16xf32>
      %swap3A_50 = arith.constant 16 : index
      %swap3A_51 = tpu.vector_load %arg7[%swap3A_50] {strides = array<i32>} : memref<1024xf32, #tpu.memory_space<vmem>>, vector<16xf32>,
      tpu.vector_store %arg7[%swap3A_50], %select_n3A_49 {strides = array<i32>} : memref<1024xf32, #tpu.memory_space<vmem>>, vector<16xf32>,
      %get3A_52 = arith.constant 32 : index
      %get3A_53 = tpu.vector_load %arg6[%get3A_52] {strides = array<i32>} : memref<1024xi32, #tpu.memory_space<vmem>>, vector<16xi32>,
      %ge3A_54 = arith.constant 99968 : i32
      %ge3A_55 = vector.broadcast %ge3A_54 : i32 to vector<16xi32>
      %ge3A_56 = arith.cmpi sge, %get3A_53, %ge3A_55 : vector<16xi32>
      %sub3A_57 = arith.constant 99968 : i32
      %sub3A_58 = vector.broadcast %sub3A_57 : i32 to vector<16xi32>
      %sub3A_59 = arith.subi %get3A_53, %sub3A_58 : vector<16xi32>
      %jit3A_60 = arith.constant 0 : i32
      %broadcast_in_dim3A_61 = vector.broadcast %jit3A_60 : i32 to vector<16xi32>
      %select_n3A_62 = arith.select %ge3A_56, %sub3A_59, %broadcast_in_dim3A_61 : vector<16xi1>, vector<16xi32>
      %broadcast_in_dim3A_63 = arith.constant 0 : i32
      %broadcast_in_dim3A_64 = vector.broadcast %broadcast_in_dim3A_63 : i32 to vector<16xi32>
      %gather3A_65 = tpu.vector_load_idx %arg9[%broadcast_in_dim3A_64, %select_n3A_62] : memref<8x32xf32, #tpu.memory_space<vmem>>[vector<16xi32>, vector<16xi32>], vector<16xf32>,
      %get3A_66 = arith.constant 32 : index
      %get3A_67 = tpu.vector_load %arg7[%get3A_66] {strides = array<i32>} : memref<1024xf32, #tpu.memory_space<vmem>>, vector<16xf32>,
      %select_n3A_68 = arith.select %ge3A_56, %gather3A_65, %get3A_67 : vector<16xi1>, vector<16xf32>
      %swap3A_69 = arith.constant 32 : index
      %swap3A_70 = tpu.vector_load %arg7[%swap3A_69] {strides = array<i32>} : memref<1024xf32, #tpu.memory_space<vmem>>, vector<16xf32>,
      tpu.vector_store %arg7[%swap3A_69], %select_n3A_68 {strides = array<i32>} : memref<1024xf32, #tpu.memory_space<vmem>>, vector<16xf32>,
      %get3A_71 = arith.constant 48 : index
      %get3A_72 = tpu.vector_load %arg6[%get3A_71] {strides = array<i32>} : memref<1024xi32, #tpu.memory_space<vmem>>, vector<16xi32>,
      %ge3A_73 = arith.constant 99968 : i32
      %ge3A_74 = vector.broadcast %ge3A_73 : i32 to vector<16xi32>
      %ge3A_75 = arith.cmpi sge, %get3A_72, %ge3A_74 : vector<16xi32>
      %sub3A_76 = arith.constant 99968 : i32
      %sub3A_77 = vector.broadcast %sub3A_76 : i32 to vector<16xi32>
      %sub3A_78 = arith.subi %get3A_72, %sub3A_77 : vector<16xi32>
      %jit3A_79 = arith.constant 0 : i32
      %broadcast_in_dim3A_80 = vector.broadcast %jit3A_79 : i32 to vector<16xi32>
      %select_n3A_81 = arith.select %ge3A_75, %sub3A_78, %broadcast_in_dim3A_80 : vector<16xi1>, vector<16xi32>
      %broadcast_in_dim3A_82 = arith.constant 0 : i32
      %broadcast_in_dim3A_83 = vector.broadcast %broadcast_in_dim3A_82 : i32 to vector<16xi32>
      %gather3A_84 = tpu.vector_load_idx %arg9[%broadcast_in_dim3A_83, %select_n3A_81] : memref<8x32xf32, #tpu.memory_space<vmem>>[vector<16xi32>, vector<16xi32>], vector<16xf32>,
      %get3A_85 = arith.constant 48 : index
      %get3A_86 = tpu.vector_load %arg7[%get3A_85] {strides = array<i32>} : memref<1024xf32, #tpu.memory_space<vmem>>, vector<16xf32>,
      %select_n3A_87 = arith.select %ge3A_75, %gather3A_84, %get3A_86 : vector<16xi1>, vector<16xf32>
      %swap3A_88 = arith.constant 48 : index
      %swap3A_89 = tpu.vector_load %arg7[%swap3A_88] {strides = array<i32>} : memref<1024xf32, #tpu.memory_space<vmem>>, vector<16xf32>,
      tpu.vector_store %arg7[%swap3A_88], %select_n3A_87 {strides = array<i32>} : memref<1024xf32, #tpu.memory_space<vmem>>, vector<16xf32>,
      %get3A_90 = arith.constant 64 : index
      %get3A_91 = tpu.vector_load %arg6[%get3A_90] {strides = array<i32>} : memref<1024xi32, #tpu.memory_space<vmem>>, vector<16xi32>,
      %ge3A_92 = arith.constant 99968 : i32
      %ge3A_93 = vector.broadcast %ge3A_92 : i32 to vector<16xi32>
      %ge3A_94 = arith.cmpi sge, %get3A_91, %ge3A_93 : vector<16xi32>
      %sub3A_95 = arith.constant 99968 : i32
      %sub3A_96 = vector.broadcast %sub3A_95 : i32 to vector<16xi32>
      %sub3A_97 = arith.subi %get3A_91, %sub3A_96 : vector<16xi32>
      %jit3A_98 = arith.constant 0 : i32
      %broadcast_in_dim3A_99 = vector.broadcast %jit3A_98 : i32 to vector<16xi32>
      %select_n3A_100 = arith.select %ge3A_94, %sub3A_97, %broadcast_in_dim3A_99 : vector<16xi1>, vector<16xi32>
      %broadcast_in_dim3A_101 = arith.constant 0 : i32
      %broadcast_in_dim3A_102 = vector.broadcast %broadcast_in_dim3A_101 : i32 to vector<16xi32>
      %gather3A_103 = tpu.vector_load_idx %arg9[%broadcast_in_dim3A_102, %select_n3A_100] : memref<8x32xf32, #tpu.memory_space<vmem>>[vector<16xi32>, vector<16xi32>], vector<16xf32>,
      %get3A_104 = arith.constant 64 : index
      %get3A_105 = tpu.vector_load %arg7[%get3A_104] {strides = array<i32>} : memref<1024xf32, #tpu.memory_space<vmem>>, vector<16xf32>,
      %select_n3A_106 = arith.select %ge3A_94, %gather3A_103, %get3A_105 : vector<16xi1>, vector<16xf32>
      %swap3A_107 = arith.constant 64 : index
      %swap3A_108 = tpu.vector_load %arg7[%swap3A_107] {strides = array<i32>} : memref<1024xf32, #tpu.memory_space<vmem>>, vector<16xf32>,
      tpu.vector_store %arg7[%swap3A_107], %select_n3A_106 {strides = array<i32>} : memref<1024xf32, #tpu.memory_space<vmem>>, vector<16xf32>,
      %get3A_109 = arith.constant 80 : index
      %get3A_110 = tpu.vector_load %arg6[%get3A_109] {strides = array<i32>} : memref<1024xi32, #tpu.memory_space<vmem>>, vector<16xi32>,
      %ge3A_111 = arith.constant 99968 : i32
      %ge3A_112 = vector.broadcast %ge3A_111 : i32 to vector<16xi32>
      %ge3A_113 = arith.cmpi sge, %get3A_110, %ge3A_112 : vector<16xi32>
      %sub3A_114 = arith.constant 99968 : i32
      %sub3A_115 = vector.broadcast %sub3A_114 : i32 to vector<16xi32>
      %sub3A_116 = arith.subi %get3A_110, %sub3A_115 : vector<16xi32>
      %jit3A_117 = arith.constant 0 : i32
      %broadcast_in_dim3A_118 = vector.broadcast %jit3A_117 : i32 to vector<16xi32>
      %select_n3A_119 = arith.select %ge3A_113, %sub3A_116, %broadcast_in_dim3A_118 : vector<16xi1>, vector<16xi32>
      %broadcast_in_dim3A_120 = arith.constant 0 : i32
      %broadcast_in_dim3A_121 = vector.broadcast %broadcast_in_dim3A_120 : i32 to vector<16xi32>
      %gather3A_122 = tpu.vector_load_idx %arg9[%broadcast_in_dim3A_121, %select_n3A_119] : memref<8x32xf32, #tpu.memory_space<vmem>>[vector<16xi32>, vector<16xi32>], vector<16xf32>,
      %get3A_123 = arith.constant 80 : index
      %get3A_124 = tpu.vector_load %arg7[%get3A_123] {strides = array<i32>} : memref<1024xf32, #tpu.memory_space<vmem>>, vector<16xf32>,
      %select_n3A_125 = arith.select %ge3A_113, %gather3A_122, %get3A_124 : vector<16xi1>, vector<16xf32>
      %swap3A_126 = arith.constant 80 : index
      %swap3A_127 = tpu.vector_load %arg7[%swap3A_126] {strides = array<i32>} : memref<1024xf32, #tpu.memory_space<vmem>>, vector<16xf32>,
      tpu.vector_store %arg7[%swap3A_126], %select_n3A_125 {strides = array<i32>} : memref<1024xf32, #tpu.memory_space<vmem>>, vector<16xf32>,
      %get3A_128 = arith.constant 96 : index
      %get3A_129 = tpu.vector_load %arg6[%get3A_128] {strides = array<i32>} : memref<1024xi32, #tpu.memory_space<vmem>>, vector<16xi32>,
      %ge3A_130 = arith.constant 99968 : i32
      %ge3A_131 = vector.broadcast %ge3A_130 : i32 to vector<16xi32>
      %ge3A_132 = arith.cmpi sge, %get3A_129, %ge3A_131 : vector<16xi32>
      %sub3A_133 = arith.constant 99968 : i32
      %sub3A_134 = vector.broadcast %sub3A_133 : i32 to vector<16xi32>
      %sub3A_135 = arith.subi %get3A_129, %sub3A_134 : vector<16xi32>
      %jit3A_136 = arith.constant 0 : i32
      %broadcast_in_dim3A_137 = vector.broadcast %jit3A_136 : i32 to vector<16xi32>
      %select_n3A_138 = arith.select %ge3A_132, %sub3A_135, %broadcast_in_dim3A_137 : vector<16xi1>, vector<16xi32>
      %broadcast_in_dim3A_139 = arith.constant 0 : i32
      %broadcast_in_dim3A_140 = vector.broadcast %broadcast_in_dim3A_139 : i32 to vector<16xi32>
      %gather3A_141 = tpu.vector_load_idx %arg9[%broadcast_in_dim3A_140, %select_n3A_138] : memref<8x32xf32, #tpu.memory_space<vmem>>[vector<16xi32>, vector<16xi32>], vector<16xf32>,
      %get3A_142 = arith.constant 96 : index
      %get3A_143 = tpu.vector_load %arg7[%get3A_142] {strides = array<i32>} : memref<1024xf32, #tpu.memory_space<vmem>>, vector<16xf32>,
      %select_n3A_144 = arith.select %ge3A_132, %gather3A_141, %get3A_143 : vector<16xi1>, vector<16xf32>
      %swap3A_145 = arith.constant 96 : index
      %swap3A_146 = tpu.vector_load %arg7[%swap3A_145] {strides = array<i32>} : memref<1024xf32, #tpu.memory_space<vmem>>, vector<16xf32>,
      tpu.vector_store %arg7[%swap3A_145], %select_n3A_144 {strides = array<i32>} : memref<1024xf32, #tpu.memory_space<vmem>>, vector<16xf32>,
      %get3A_147 = arith.constant 112 : index
      %get3A_148 = tpu.vector_load %arg6[%get3A_147] {strides = array<i32>} : memref<1024xi32, #tpu.memory_space<vmem>>, vector<16xi32>,
      %ge3A_149 = arith.constant 99968 : i32
      %ge3A_150 = vector.broadcast %ge3A_149 : i32 to vector<16xi32>
      %ge3A_151 = arith.cmpi sge, %get3A_148, %ge3A_150 : vector<16xi32>
      %sub3A_152 = arith.constant 99968 : i32
      %sub3A_153 = vector.broadcast %sub3A_152 : i32 to vector<16xi32>
      %sub3A_154 = arith.subi %get3A_148, %sub3A_153 : vector<16xi32>
      %jit3A_155 = arith.constant 0 : i32
      %broadcast_in_dim3A_156 = vector.broadcast %jit3A_155 : i32 to vector<16xi32>
      %select_n3A_157 = arith.select %ge3A_151, %sub3A_154, %broadcast_in_dim3A_156 : vector<16xi1>, vector<16xi32>
      %broadcast_in_dim3A_158 = arith.constant 0 : i32
      %broadcast_in_dim3A_159 = vector.broadcast %broadcast_in_dim3A_158 : i32 to vector<16xi32>
      %gather3A_160 = tpu.vector_load_idx %arg9[%broadcast_in_dim3A_159, %select_n3A_157] : memref<8x32xf32, #tpu.memory_space<vmem>>[vector<16xi32>, vector<16xi32>], vector<16xf32>,
      %get3A_161 = arith.constant 112 : index
      %get3A_162 = tpu.vector_load %arg7[%get3A_161] {strides = array<i32>} : memref<1024xf32, #tpu.memory_space<vmem>>, vector<16xf32>,
      %select_n3A_163 = arith.select %ge3A_151, %gather3A_160, %get3A_162 : vector<16xi1>, vector<16xf32>
      %swap3A_164 = arith.constant 112 : index
      %swap3A_165 = tpu.vector_load %arg7[%swap3A_164] {strides = array<i32>} : memref<1024xf32, #tpu.memory_space<vmem>>, vector<16xf32>,
      tpu.vector_store %arg7[%swap3A_164], %select_n3A_163 {strides = array<i32>} : memref<1024xf32, #tpu.memory_space<vmem>>, vector<16xf32>,
      %get3A_166 = arith.constant 128 : index
      %get3A_167 = tpu.vector_load %arg6[%get3A_166] {strides = array<i32>} : memref<1024xi32, #tpu.memory_space<vmem>>, vector<16xi32>,
      %ge3A_168 = arith.constant 99968 : i32
      %ge3A_169 = vector.broadcast %ge3A_168 : i32 to vector<16xi32>
      %ge3A_170 = arith.cmpi sge, %get3A_167, %ge3A_169 : vector<16xi32>
      %sub3A_171 = arith.constant 99968 : i32
      %sub3A_172 = vector.broadcast %sub3A_171 : i32 to vector<16xi32>
      %sub3A_173 = arith.subi %get3A_167, %sub3A_172 : vector<16xi32>
      %jit3A_174 = arith.constant 0 : i32
      %broadcast_in_dim3A_175 = vector.broadcast %jit3A_174 : i32 to vector<16xi32>
      %select_n3A_176 = arith.select %ge3A_170, %sub3A_173, %broadcast_in_dim3A_175 : vector<16xi1>, vector<16xi32>
      %broadcast_in_dim3A_177 = arith.constant 1 : i32
      %broadcast_in_dim3A_178 = vector.broadcast %broadcast_in_dim3A_177 : i32 to vector<16xi32>
      %gather3A_179 = tpu.vector_load_idx %arg9[%broadcast_in_dim3A_178, %select_n3A_176] : memref<8x32xf32, #tpu.memory_space<vmem>>[vector<16xi32>, vector<16xi32>], vector<16xf32>,
      %get3A_180 = arith.constant 128 : index
      %get3A_181 = tpu.vector_load %arg7[%get3A_180] {strides = array<i32>} : memref<1024xf32, #tpu.memory_space<vmem>>, vector<16xf32>,
      %select_n3A_182 = arith.select %ge3A_170, %gather3A_179, %get3A_181 : vector<16xi1>, vector<16xf32>
      %swap3A_183 = arith.constant 128 : index
      %swap3A_184 = tpu.vector_load %arg7[%swap3A_183] {strides = array<i32>} : memref<1024xf32, #tpu.memory_space<vmem>>, vector<16xf32>,
      tpu.vector_store %arg7[%swap3A_183], %select_n3A_182 {strides = array<i32>} : memref<1024xf32, #tpu.memory_space<vmem>>, vector<16xf32>,
      %get3A_185 = arith.constant 144 : index
      %get3A_186 = tpu.vector_load %arg6[%get3A_185] {strides = array<i32>} : memref<1024xi32, #tpu.memory_space<vmem>>, vector<16xi32>,
      %ge3A_187 = arith.constant 99968 : i32
      %ge3A_188 = vector.broadcast %ge3A_187 : i32 to vector<16xi32>
      %ge3A_189 = arith.cmpi sge, %get3A_186, %ge3A_188 : vector<16xi32>
      %sub3A_190 = arith.constant 99968 : i32
      %sub3A_191 = vector.broadcast %sub3A_190 : i32 to vector<16xi32>
      %sub3A_192 = arith.subi %get3A_186, %sub3A_191 : vector<16xi32>
      %jit3A_193 = arith.constant 0 : i32
      %broadcast_in_dim3A_194 = vector.broadcast %jit3A_193 : i32 to vector<16xi32>
      %select_n3A_195 = arith.select %ge3A_189, %sub3A_192, %broadcast_in_dim3A_194 : vector<16xi1>, vector<16xi32>
      %broadcast_in_dim3A_196 = arith.constant 1 : i32
      %broadcast_in_dim3A_197 = vector.broadcast %broadcast_in_dim3A_196 : i32 to vector<16xi32>
      %gather3A_198 = tpu.vector_load_idx %arg9[%broadcast_in_dim3A_197, %select_n3A_195] : memref<8x32xf32, #tpu.memory_space<vmem>>[vector<16xi32>, vector<16xi32>], vector<16xf32>,
      %get3A_199 = arith.constant 144 : index
      %get3A_200 = tpu.vector_load %arg7[%get3A_199] {strides = array<i32>} : memref<1024xf32, #tpu.memory_space<vmem>>, vector<16xf32>,
      %select_n3A_201 = arith.select %ge3A_189, %gather3A_198, %get3A_200 : vector<16xi1>, vector<16xf32>
      %swap3A_202 = arith.constant 144 : index
      %swap3A_203 = tpu.vector_load %arg7[%swap3A_202] {strides = array<i32>} : memref<1024xf32, #tpu.memory_space<vmem>>, vector<16xf32>,
      tpu.vector_store %arg7[%swap3A_202], %select_n3A_201 {strides = array<i32>} : memref<1024xf32, #tpu.memory_space<vmem>>, vector<16xf32>,
      %get3A_204 = arith.constant 160 : index
      %get3A_205 = tpu.vector_load %arg6[%get3A_204] {strides = array<i32>} : memref<1024xi32, #tpu.memory_space<vmem>>, vector<16xi32>,
      %ge3A_206 = arith.constant 99968 : i32
      %ge3A_207 = vector.broadcast %ge3A_206 : i32 to vector<16xi32>
      %ge3A_208 = arith.cmpi sge, %get3A_205, %ge3A_207 : vector<16xi32>
      %sub3A_209 = arith.constant 99968 : i32
      %sub3A_210 = vector.broadcast %sub3A_209 : i32 to vector<16xi32>
      %sub3A_211 = arith.subi %get3A_205, %sub3A_210 : vector<16xi32>
      %jit3A_212 = arith.constant 0 : i32
      %broadcast_in_dim3A_213 = vector.broadcast %jit3A_212 : i32 to vector<16xi32>
      %select_n3A_214 = arith.select %ge3A_208, %sub3A_211, %broadcast_in_dim3A_213 : vector<16xi1>, vector<16xi32>
      %broadcast_in_dim3A_215 = arith.constant 1 : i32
      %broadcast_in_dim3A_216 = vector.broadcast %broadcast_in_dim3A_215 : i32 to vector<16xi32>
      %gather3A_217 = tpu.vector_load_idx %arg9[%broadcast_in_dim3A_216, %select_n3A_214] : memref<8x32xf32, #tpu.memory_space<vmem>>[vector<16xi32>, vector<16xi32>], vector<16xf32>,
      %get3A_218 = arith.constant 160 : index
      %get3A_219 = tpu.vector_load %arg7[%get3A_218] {strides = array<i32>} : memref<1024xf32, #tpu.memory_space<vmem>>, vector<16xf32>,
      %select_n3A_220 = arith.select %ge3A_208, %gather3A_217, %get3A_219 : vector<16xi1>, vector<16xf32>
      %swap3A_221 = arith.constant 160 : index
      %swap3A_222 = tpu.vector_load %arg7[%swap3A_221] {strides = array<i32>} : memref<1024xf32, #tpu.memory_space<vmem>>, vector<16xf32>,
      tpu.vector_store %arg7[%swap3A_221], %select_n3A_220 {strides = array<i32>} : memref<1024xf32, #tpu.memory_space<vmem>>, vector<16xf32>,
      %get3A_223 = arith.constant 176 : index
      %get3A_224 = tpu.vector_load %arg6[%get3A_223] {strides = array<i32>} : memref<1024xi32, #tpu.memory_space<vmem>>, vector<16xi32>,
      %ge3A_225 = arith.constant 99968 : i32
      %ge3A_226 = vector.broadcast %ge3A_225 : i32 to vector<16xi32>
      %ge3A_227 = arith.cmpi sge, %get3A_224, %ge3A_226 : vector<16xi32>
      %sub3A_228 = arith.constant 99968 : i32
      %sub3A_229 = vector.broadcast %sub3A_228 : i32 to vector<16xi32>
      %sub3A_230 = arith.subi %get3A_224, %sub3A_229 : vector<16xi32>
      %jit3A_231 = arith.constant 0 : i32
      %broadcast_in_dim3A_232 = vector.broadcast %jit3A_231 : i32 to vector<16xi32>
      %select_n3A_233 = arith.select %ge3A_227, %sub3A_230, %broadcast_in_dim3A_232 : vector<16xi1>, vector<16xi32>
      %broadcast_in_dim3A_234 = arith.constant 1 : i32
      %broadcast_in_dim3A_235 = vector.broadcast %broadcast_in_dim3A_234 : i32 to vector<16xi32>
      %gather3A_236 = tpu.vector_load_idx %arg9[%broadcast_in_dim3A_235, %select_n3A_233] : memref<8x32xf32, #tpu.memory_space<vmem>>[vector<16xi32>, vector<16xi32>], vector<16xf32>,
      %get3A_237 = arith.constant 176 : index
      %get3A_238 = tpu.vector_load %arg7[%get3A_237] {strides = array<i32>} : memref<1024xf32, #tpu.memory_space<vmem>>, vector<16xf32>,
      %select_n3A_239 = arith.select %ge3A_227, %gather3A_236, %get3A_238 : vector<16xi1>, vector<16xf32>
      %swap3A_240 = arith.constant 176 : index
      %swap3A_241 = tpu.vector_load %arg7[%swap3A_240] {strides = array<i32>} : memref<1024xf32, #tpu.memory_space<vmem>>, vector<16xf32>,
      tpu.vector_store %arg7[%swap3A_240], %select_n3A_239 {strides = array<i32>} : memref<1024xf32, #tpu.memory_space<vmem>>, vector<16xf32>,
      %get3A_242 = arith.constant 192 : index
      %get3A_243 = tpu.vector_load %arg6[%get3A_242] {strides = array<i32>} : memref<1024xi32, #tpu.memory_space<vmem>>, vector<16xi32>,
      %ge3A_244 = arith.constant 99968 : i32
      %ge3A_245 = vector.broadcast %ge3A_244 : i32 to vector<16xi32>
      %ge3A_246 = arith.cmpi sge, %get3A_243, %ge3A_245 : vector<16xi32>
      %sub3A_247 = arith.constant 99968 : i32
      %sub3A_248 = vector.broadcast %sub3A_247 : i32 to vector<16xi32>
      %sub3A_249 = arith.subi %get3A_243, %sub3A_248 : vector<16xi32>
      %jit3A_250 = arith.constant 0 : i32
      %broadcast_in_dim3A_251 = vector.broadcast %jit3A_250 : i32 to vector<16xi32>
      %select_n3A_252 = arith.select %ge3A_246, %sub3A_249, %broadcast_in_dim3A_251 : vector<16xi1>, vector<16xi32>
      %broadcast_in_dim3A_253 = arith.constant 1 : i32
      %broadcast_in_dim3A_254 = vector.broadcast %broadcast_in_dim3A_253 : i32 to vector<16xi32>
      %gather3A_255 = tpu.vector_load_idx %arg9[%broadcast_in_dim3A_254, %select_n3A_252] : memref<8x32xf32, #tpu.memory_space<vmem>>[vector<16xi32>, vector<16xi32>], vector<16xf32>,
      %get3A_256 = arith.constant 192 : index
      %get3A_257 = tpu.vector_load %arg7[%get3A_256] {strides = array<i32>} : memref<1024xf32, #tpu.memory_space<vmem>>, vector<16xf32>,
      %select_n3A_258 = arith.select %ge3A_246, %gather3A_255, %get3A_257 : vector<16xi1>, vector<16xf32>
      %swap3A_259 = arith.constant 192 : index
      %swap3A_260 = tpu.vector_load %arg7[%swap3A_259] {strides = array<i32>} : memref<1024xf32, #tpu.memory_space<vmem>>, vector<16xf32>,
      tpu.vector_store %arg7[%swap3A_259], %select_n3A_258 {strides = array<i32>} : memref<1024xf32, #tpu.memory_space<vmem>>, vector<16xf32>,
      %get3A_261 = arith.constant 208 : index
      %get3A_262 = tpu.vector_load %arg6[%get3A_261] {strides = array<i32>} : memref<1024xi32, #tpu.memory_space<vmem>>, vector<16xi32>,
      %ge3A_263 = arith.constant 99968 : i32
      %ge3A_264 = vector.broadcast %ge3A_263 : i32 to vector<16xi32>
      %ge3A_265 = arith.cmpi sge, %get3A_262, %ge3A_264 : vector<16xi32>
      %sub3A_266 = arith.constant 99968 : i32
      %sub3A_267 = vector.broadcast %sub3A_266 : i32 to vector<16xi32>
      %sub3A_268 = arith.subi %get3A_262, %sub3A_267 : vector<16xi32>
      %jit3A_269 = arith.constant 0 : i32
      %broadcast_in_dim3A_270 = vector.broadcast %jit3A_269 : i32 to vector<16xi32>
      %select_n3A_271 = arith.select %ge3A_265, %sub3A_268, %broadcast_in_dim3A_270 : vector<16xi1>, vector<16xi32>
      %broadcast_in_dim3A_272 = arith.constant 1 : i32
      %broadcast_in_dim3A_273 = vector.broadcast %broadcast_in_dim3A_272 : i32 to vector<16xi32>
      %gather3A_274 = tpu.vector_load_idx %arg9[%broadcast_in_dim3A_273, %select_n3A_271] : memref<8x32xf32, #tpu.memory_space<vmem>>[vector<16xi32>, vector<16xi32>], vector<16xf32>,
      %get3A_275 = arith.constant 208 : index
      %get3A_276 = tpu.vector_load %arg7[%get3A_275] {strides = array<i32>} : memref<1024xf32, #tpu.memory_space<vmem>>, vector<16xf32>,
      %select_n3A_277 = arith.select %ge3A_265, %gather3A_274, %get3A_276 : vector<16xi1>, vector<16xf32>
      %swap3A_278 = arith.constant 208 : index
      %swap3A_279 = tpu.vector_load %arg7[%swap3A_278] {strides = array<i32>} : memref<1024xf32, #tpu.memory_space<vmem>>, vector<16xf32>,
      tpu.vector_store %arg7[%swap3A_278], %select_n3A_277 {strides = array<i32>} : memref<1024xf32, #tpu.memory_space<vmem>>, vector<16xf32>,
      %get3A_280 = arith.constant 224 : index
      %get3A_281 = tpu.vector_load %arg6[%get3A_280] {strides = array<i32>} : memref<1024xi32, #tpu.memory_space<vmem>>, vector<16xi32>,
      %ge3A_282 = arith.constant 99968 : i32
      %ge3A_283 = vector.broadcast %ge3A_282 : i32 to vector<16xi32>
      %ge3A_284 = arith.cmpi sge, %get3A_281, %ge3A_283 : vector<16xi32>
      %sub3A_285 = arith.constant 99968 : i32
      %sub3A_286 = vector.broadcast %sub3A_285 : i32 to vector<16xi32>
      %sub3A_287 = arith.subi %get3A_281, %sub3A_286 : vector<16xi32>
      %jit3A_288 = arith.constant 0 : i32
      %broadcast_in_dim3A_289 = vector.broadcast %jit3A_288 : i32 to vector<16xi32>
      %select_n3A_290 = arith.select %ge3A_284, %sub3A_287, %broadcast_in_dim3A_289 : vector<16xi1>, vector<16xi32>
      %broadcast_in_dim3A_291 = arith.constant 1 : i32
      %broadcast_in_dim3A_292 = vector.broadcast %broadcast_in_dim3A_291 : i32 to vector<16xi32>
      %gather3A_293 = tpu.vector_load_idx %arg9[%broadcast_in_dim3A_292, %select_n3A_290] : memref<8x32xf32, #tpu.memory_space<vmem>>[vector<16xi32>, vector<16xi32>], vector<16xf32>,
      %get3A_294 = arith.constant 224 : index
      %get3A_295 = tpu.vector_load %arg7[%get3A_294] {strides = array<i32>} : memref<1024xf32, #tpu.memory_space<vmem>>, vector<16xf32>,
      %select_n3A_296 = arith.select %ge3A_284, %gather3A_293, %get3A_295 : vector<16xi1>, vector<16xf32>
      %swap3A_297 = arith.constant 224 : index
      %swap3A_298 = tpu.vector_load %arg7[%swap3A_297] {strides = array<i32>} : memref<1024xf32, #tpu.memory_space<vmem>>, vector<16xf32>,
      tpu.vector_store %arg7[%swap3A_297], %select_n3A_296 {strides = array<i32>} : memref<1024xf32, #tpu.memory_space<vmem>>, vector<16xf32>,
      %get3A_299 = arith.constant 240 : index
      %get3A_300 = tpu.vector_load %arg6[%get3A_299] {strides = array<i32>} : memref<1024xi32, #tpu.memory_space<vmem>>, vector<16xi32>,
      %ge3A_301 = arith.constant 99968 : i32
      %ge3A_302 = vector.broadcast %ge3A_301 : i32 to vector<16xi32>
      %ge3A_303 = arith.cmpi sge, %get3A_300, %ge3A_302 : vector<16xi32>
      %sub3A_304 = arith.constant 99968 : i32
      %sub3A_305 = vector.broadcast %sub3A_304 : i32 to vector<16xi32>
      %sub3A_306 = arith.subi %get3A_300, %sub3A_305 : vector<16xi32>
      %jit3A_307 = arith.constant 0 : i32
      %broadcast_in_dim3A_308 = vector.broadcast %jit3A_307 : i32 to vector<16xi32>
      %select_n3A_309 = arith.select %ge3A_303, %sub3A_306, %broadcast_in_dim3A_308 : vector<16xi1>, vector<16xi32>
      %broadcast_in_dim3A_310 = arith.constant 1 : i32
      %broadcast_in_dim3A_311 = vector.broadcast %broadcast_in_dim3A_310 : i32 to vector<16xi32>
      %gather3A_312 = tpu.vector_load_idx %arg9[%broadcast_in_dim3A_311, %select_n3A_309] : memref<8x32xf32, #tpu.memory_space<vmem>>[vector<16xi32>, vector<16xi32>], vector<16xf32>,
      %get3A_313 = arith.constant 240 : index
      %get3A_314 = tpu.vector_load %arg7[%get3A_313] {strides = array<i32>} : memref<1024xf32, #tpu.memory_space<vmem>>, vector<16xf32>,
      %select_n3A_315 = arith.select %ge3A_303, %gather3A_312, %get3A_314 : vector<16xi1>, vector<16xf32>
      %swap3A_316 = arith.constant 240 : index
      %swap3A_317 = tpu.vector_load %arg7[%swap3A_316] {strides = array<i32>} : memref<1024xf32, #tpu.memory_space<vmem>>, vector<16xf32>,
      tpu.vector_store %arg7[%swap3A_316], %select_n3A_315 {strides = array<i32>} : memref<1024xf32, #tpu.memory_space<vmem>>, vector<16xf32>,
      %get3A_318 = arith.constant 256 : index
      %get3A_319 = tpu.vector_load %arg6[%get3A_318] {strides = array<i32>} : memref<1024xi32, #tpu.memory_space<vmem>>, vector<16xi32>,
      %ge3A_320 = arith.constant 99968 : i32
      %ge3A_321 = vector.broadcast %ge3A_320 : i32 to vector<16xi32>
      %ge3A_322 = arith.cmpi sge, %get3A_319, %ge3A_321 : vector<16xi32>
      %sub3A_323 = arith.constant 99968 : i32
      %sub3A_324 = vector.broadcast %sub3A_323 : i32 to vector<16xi32>
      %sub3A_325 = arith.subi %get3A_319, %sub3A_324 : vector<16xi32>
      %jit3A_326 = arith.constant 0 : i32
      %broadcast_in_dim3A_327 = vector.broadcast %jit3A_326 : i32 to vector<16xi32>
      %select_n3A_328 = arith.select %ge3A_322, %sub3A_325, %broadcast_in_dim3A_327 : vector<16xi1>, vector<16xi32>
      %broadcast_in_dim3A_329 = arith.constant 2 : i32
      %broadcast_in_dim3A_330 = vector.broadcast %broadcast_in_dim3A_329 : i32 to vector<16xi32>
      %gather3A_331 = tpu.vector_load_idx %arg9[%broadcast_in_dim3A_330, %select_n3A_328] : memref<8x32xf32, #tpu.memory_space<vmem>>[vector<16xi32>, vector<16xi32>], vector<16xf32>,
      %get3A_332 = arith.constant 256 : index
      %get3A_333 = tpu.vector_load %arg7[%get3A_332] {strides = array<i32>} : memref<1024xf32, #tpu.memory_space<vmem>>, vector<16xf32>,
      %select_n3A_334 = arith.select %ge3A_322, %gather3A_331, %get3A_333 : vector<16xi1>, vector<16xf32>
      %swap3A_335 = arith.constant 256 : index
      %swap3A_336 = tpu.vector_load %arg7[%swap3A_335] {strides = array<i32>} : memref<1024xf32, #tpu.memory_space<vmem>>, vector<16xf32>,
      tpu.vector_store %arg7[%swap3A_335], %select_n3A_334 {strides = array<i32>} : memref<1024xf32, #tpu.memory_space<vmem>>, vector<16xf32>,
      %get3A_337 = arith.constant 272 : index
      %get3A_338 = tpu.vector_load %arg6[%get3A_337] {strides = array<i32>} : memref<1024xi32, #tpu.memory_space<vmem>>, vector<16xi32>,
      %ge3A_339 = arith.constant 99968 : i32
      %ge3A_340 = vector.broadcast %ge3A_339 : i32 to vector<16xi32>
      %ge3A_341 = arith.cmpi sge, %get3A_338, %ge3A_340 : vector<16xi32>
      %sub3A_342 = arith.constant 99968 : i32
      %sub3A_343 = vector.broadcast %sub3A_342 : i32 to vector<16xi32>
      %sub3A_344 = arith.subi %get3A_338, %sub3A_343 : vector<16xi32>
      %jit3A_345 = arith.constant 0 : i32
      %broadcast_in_dim3A_346 = vector.broadcast %jit3A_345 : i32 to vector<16xi32>
      %select_n3A_347 = arith.select %ge3A_341, %sub3A_344, %broadcast_in_dim3A_346 : vector<16xi1>, vector<16xi32>
      %broadcast_in_dim3A_348 = arith.constant 2 : i32
      %broadcast_in_dim3A_349 = vector.broadcast %broadcast_in_dim3A_348 : i32 to vector<16xi32>
      %gather3A_350 = tpu.vector_load_idx %arg9[%broadcast_in_dim3A_349, %select_n3A_347] : memref<8x32xf32, #tpu.memory_space<vmem>>[vector<16xi32>, vector<16xi32>], vector<16xf32>,
      %get3A_351 = arith.constant 272 : index
      %get3A_352 = tpu.vector_load %arg7[%get3A_351] {strides = array<i32>} : memref<1024xf32, #tpu.memory_space<vmem>>, vector<16xf32>,
      %select_n3A_353 = arith.select %ge3A_341, %gather3A_350, %get3A_352 : vector<16xi1>, vector<16xf32>
      %swap3A_354 = arith.constant 272 : index
      %swap3A_355 = tpu.vector_load %arg7[%swap3A_354] {strides = array<i32>} : memref<1024xf32, #tpu.memory_space<vmem>>, vector<16xf32>,
      tpu.vector_store %arg7[%swap3A_354], %select_n3A_353 {strides = array<i32>} : memref<1024xf32, #tpu.memory_space<vmem>>, vector<16xf32>,
      %get3A_356 = arith.constant 288 : index
      %get3A_357 = tpu.vector_load %arg6[%get3A_356] {strides = array<i32>} : memref<1024xi32, #tpu.memory_space<vmem>>, vector<16xi32>,
      %ge3A_358 = arith.constant 99968 : i32
      %ge3A_359 = vector.broadcast %ge3A_358 : i32 to vector<16xi32>
      %ge3A_360 = arith.cmpi sge, %get3A_357, %ge3A_359 : vector<16xi32>
      %sub3A_361 = arith.constant 99968 : i32
      %sub3A_362 = vector.broadcast %sub3A_361 : i32 to vector<16xi32>
      %sub3A_363 = arith.subi %get3A_357, %sub3A_362 : vector<16xi32>
      %jit3A_364 = arith.constant 0 : i32
      %broadcast_in_dim3A_365 = vector.broadcast %jit3A_364 : i32 to vector<16xi32>
      %select_n3A_366 = arith.select %ge3A_360, %sub3A_363, %broadcast_in_dim3A_365 : vector<16xi1>, vector<16xi32>
      %broadcast_in_dim3A_367 = arith.constant 2 : i32
      %broadcast_in_dim3A_368 = vector.broadcast %broadcast_in_dim3A_367 : i32 to vector<16xi32>
      %gather3A_369 = tpu.vector_load_idx %arg9[%broadcast_in_dim3A_368, %select_n3A_366] : memref<8x32xf32, #tpu.memory_space<vmem>>[vector<16xi32>, vector<16xi32>], vector<16xf32>,
      %get3A_370 = arith.constant 288 : index
      %get3A_371 = tpu.vector_load %arg7[%get3A_370] {strides = array<i32>} : memref<1024xf32, #tpu.memory_space<vmem>>, vector<16xf32>,
      %select_n3A_372 = arith.select %ge3A_360, %gather3A_369, %get3A_371 : vector<16xi1>, vector<16xf32>
      %swap3A_373 = arith.constant 288 : index
      %swap3A_374 = tpu.vector_load %arg7[%swap3A_373] {strides = array<i32>} : memref<1024xf32, #tpu.memory_space<vmem>>, vector<16xf32>,
      tpu.vector_store %arg7[%swap3A_373], %select_n3A_372 {strides = array<i32>} : memref<1024xf32, #tpu.memory_space<vmem>>, vector<16xf32>,
      %get3A_375 = arith.constant 304 : index
      %get3A_376 = tpu.vector_load %arg6[%get3A_375] {strides = array<i32>} : memref<1024xi32, #tpu.memory_space<vmem>>, vector<16xi32>,
      %ge3A_377 = arith.constant 99968 : i32
      %ge3A_378 = vector.broadcast %ge3A_377 : i32 to vector<16xi32>
      %ge3A_379 = arith.cmpi sge, %get3A_376, %ge3A_378 : vector<16xi32>
      %sub3A_380 = arith.constant 99968 : i32
      %sub3A_381 = vector.broadcast %sub3A_380 : i32 to vector<16xi32>
      %sub3A_382 = arith.subi %get3A_376, %sub3A_381 : vector<16xi32>
      %jit3A_383 = arith.constant 0 : i32
      %broadcast_in_dim3A_384 = vector.broadcast %jit3A_383 : i32 to vector<16xi32>
      %select_n3A_385 = arith.select %ge3A_379, %sub3A_382, %broadcast_in_dim3A_384 : vector<16xi1>, vector<16xi32>
      %broadcast_in_dim3A_386 = arith.constant 2 : i32
      %broadcast_in_dim3A_387 = vector.broadcast %broadcast_in_dim3A_386 : i32 to vector<16xi32>
      %gather3A_388 = tpu.vector_load_idx %arg9[%broadcast_in_dim3A_387, %select_n3A_385] : memref<8x32xf32, #tpu.memory_space<vmem>>[vector<16xi32>, vector<16xi32>], vector<16xf32>,
      %get3A_389 = arith.constant 304 : index
      %get3A_390 = tpu.vector_load %arg7[%get3A_389] {strides = array<i32>} : memref<1024xf32, #tpu.memory_space<vmem>>, vector<16xf32>,
      %select_n3A_391 = arith.select %ge3A_379, %gather3A_388, %get3A_390 : vector<16xi1>, vector<16xf32>
      %swap3A_392 = arith.constant 304 : index
      %swap3A_393 = tpu.vector_load %arg7[%swap3A_392] {strides = array<i32>} : memref<1024xf32, #tpu.memory_space<vmem>>, vector<16xf32>,
      tpu.vector_store %arg7[%swap3A_392], %select_n3A_391 {strides = array<i32>} : memref<1024xf32, #tpu.memory_space<vmem>>, vector<16xf32>,
      %get3A_394 = arith.constant 320 : index
      %get3A_395 = tpu.vector_load %arg6[%get3A_394] {strides = array<i32>} : memref<1024xi32, #tpu.memory_space<vmem>>, vector<16xi32>,
      %ge3A_396 = arith.constant 99968 : i32
      %ge3A_397 = vector.broadcast %ge3A_396 : i32 to vector<16xi32>
      %ge3A_398 = arith.cmpi sge, %get3A_395, %ge3A_397 : vector<16xi32>
      %sub3A_399 = arith.constant 99968 : i32
      %sub3A_400 = vector.broadcast %sub3A_399 : i32 to vector<16xi32>
      %sub3A_401 = arith.subi %get3A_395, %sub3A_400 : vector<16xi32>
      %jit3A_402 = arith.constant 0 : i32
      %broadcast_in_dim3A_403 = vector.broadcast %jit3A_402 : i32 to vector<16xi32>
      %select_n3A_404 = arith.select %ge3A_398, %sub3A_401, %broadcast_in_dim3A_403 : vector<16xi1>, vector<16xi32>
      %broadcast_in_dim3A_405 = arith.constant 2 : i32
      %broadcast_in_dim3A_406 = vector.broadcast %broadcast_in_dim3A_405 : i32 to vector<16xi32>
      %gather3A_407 = tpu.vector_load_idx %arg9[%broadcast_in_dim3A_406, %select_n3A_404] : memref<8x32xf32, #tpu.memory_space<vmem>>[vector<16xi32>, vector<16xi32>], vector<16xf32>,
      %get3A_408 = arith.constant 320 : index
      %get3A_409 = tpu.vector_load %arg7[%get3A_408] {strides = array<i32>} : memref<1024xf32, #tpu.memory_space<vmem>>, vector<16xf32>,
      %select_n3A_410 = arith.select %ge3A_398, %gather3A_407, %get3A_409 : vector<16xi1>, vector<16xf32>
      %swap3A_411 = arith.constant 320 : index
      %swap3A_412 = tpu.vector_load %arg7[%swap3A_411] {strides = array<i32>} : memref<1024xf32, #tpu.memory_space<vmem>>, vector<16xf32>,
      tpu.vector_store %arg7[%swap3A_411], %select_n3A_410 {strides = array<i32>} : memref<1024xf32, #tpu.memory_space<vmem>>, vector<16xf32>,
      %get3A_413 = arith.constant 336 : index
      %get3A_414 = tpu.vector_load %arg6[%get3A_413] {strides = array<i32>} : memref<1024xi32, #tpu.memory_space<vmem>>, vector<16xi32>,
      %ge3A_415 = arith.constant 99968 : i32
      %ge3A_416 = vector.broadcast %ge3A_415 : i32 to vector<16xi32>
      %ge3A_417 = arith.cmpi sge, %get3A_414, %ge3A_416 : vector<16xi32>
      %sub3A_418 = arith.constant 99968 : i32
      %sub3A_419 = vector.broadcast %sub3A_418 : i32 to vector<16xi32>
      %sub3A_420 = arith.subi %get3A_414, %sub3A_419 : vector<16xi32>
      %jit3A_421 = arith.constant 0 : i32
      %broadcast_in_dim3A_422 = vector.broadcast %jit3A_421 : i32 to vector<16xi32>
      %select_n3A_423 = arith.select %ge3A_417, %sub3A_420, %broadcast_in_dim3A_422 : vector<16xi1>, vector<16xi32>
      %broadcast_in_dim3A_424 = arith.constant 2 : i32
      %broadcast_in_dim3A_425 = vector.broadcast %broadcast_in_dim3A_424 : i32 to vector<16xi32>
      %gather3A_426 = tpu.vector_load_idx %arg9[%broadcast_in_dim3A_425, %select_n3A_423] : memref<8x32xf32, #tpu.memory_space<vmem>>[vector<16xi32>, vector<16xi32>], vector<16xf32>,
      %get3A_427 = arith.constant 336 : index
      %get3A_428 = tpu.vector_load %arg7[%get3A_427] {strides = array<i32>} : memref<1024xf32, #tpu.memory_space<vmem>>, vector<16xf32>,
      %select_n3A_429 = arith.select %ge3A_417, %gather3A_426, %get3A_428 : vector<16xi1>, vector<16xf32>
      %swap3A_430 = arith.constant 336 : index
      %swap3A_431 = tpu.vector_load %arg7[%swap3A_430] {strides = array<i32>} : memref<1024xf32, #tpu.memory_space<vmem>>, vector<16xf32>,
      tpu.vector_store %arg7[%swap3A_430], %select_n3A_429 {strides = array<i32>} : memref<1024xf32, #tpu.memory_space<vmem>>, vector<16xf32>,
      %get3A_432 = arith.constant 352 : index
      %get3A_433 = tpu.vector_load %arg6[%get3A_432] {strides = array<i32>} : memref<1024xi32, #tpu.memory_space<vmem>>, vector<16xi32>,
      %ge3A_434 = arith.constant 99968 : i32
      %ge3A_435 = vector.broadcast %ge3A_434 : i32 to vector<16xi32>
      %ge3A_436 = arith.cmpi sge, %get3A_433, %ge3A_435 : vector<16xi32>
      %sub3A_437 = arith.constant 99968 : i32
      %sub3A_438 = vector.broadcast %sub3A_437 : i32 to vector<16xi32>
      %sub3A_439 = arith.subi %get3A_433, %sub3A_438 : vector<16xi32>
      %jit3A_440 = arith.constant 0 : i32
      %broadcast_in_dim3A_441 = vector.broadcast %jit3A_440 : i32 to vector<16xi32>
      %select_n3A_442 = arith.select %ge3A_436, %sub3A_439, %broadcast_in_dim3A_441 : vector<16xi1>, vector<16xi32>
      %broadcast_in_dim3A_443 = arith.constant 2 : i32
      %broadcast_in_dim3A_444 = vector.broadcast %broadcast_in_dim3A_443 : i32 to vector<16xi32>
      %gather3A_445 = tpu.vector_load_idx %arg9[%broadcast_in_dim3A_444, %select_n3A_442] : memref<8x32xf32, #tpu.memory_space<vmem>>[vector<16xi32>, vector<16xi32>], vector<16xf32>,
      %get3A_446 = arith.constant 352 : index
      %get3A_447 = tpu.vector_load %arg7[%get3A_446] {strides = array<i32>} : memref<1024xf32, #tpu.memory_space<vmem>>, vector<16xf32>,
      %select_n3A_448 = arith.select %ge3A_436, %gather3A_445, %get3A_447 : vector<16xi1>, vector<16xf32>
      %swap3A_449 = arith.constant 352 : index
      %swap3A_450 = tpu.vector_load %arg7[%swap3A_449] {strides = array<i32>} : memref<1024xf32, #tpu.memory_space<vmem>>, vector<16xf32>,
      tpu.vector_store %arg7[%swap3A_449], %select_n3A_448 {strides = array<i32>} : memref<1024xf32, #tpu.memory_space<vmem>>, vector<16xf32>,
      %get3A_451 = arith.constant 368 : index
      %get3A_452 = tpu.vector_load %arg6[%get3A_451] {strides = array<i32>} : memref<1024xi32, #tpu.memory_space<vmem>>, vector<16xi32>,
      %ge3A_453 = arith.constant 99968 : i32
      %ge3A_454 = vector.broadcast %ge3A_453 : i32 to vector<16xi32>
      %ge3A_455 = arith.cmpi sge, %get3A_452, %ge3A_454 : vector<16xi32>
      %sub3A_456 = arith.constant 99968 : i32
      %sub3A_457 = vector.broadcast %sub3A_456 : i32 to vector<16xi32>
      %sub3A_458 = arith.subi %get3A_452, %sub3A_457 : vector<16xi32>
      %jit3A_459 = arith.constant 0 : i32
      %broadcast_in_dim3A_460 = vector.broadcast %jit3A_459 : i32 to vector<16xi32>
      %select_n3A_461 = arith.select %ge3A_455, %sub3A_458, %broadcast_in_dim3A_460 : vector<16xi1>, vector<16xi32>
      %broadcast_in_dim3A_462 = arith.constant 2 : i32
      %broadcast_in_dim3A_463 = vector.broadcast %broadcast_in_dim3A_462 : i32 to vector<16xi32>
      %gather3A_464 = tpu.vector_load_idx %arg9[%broadcast_in_dim3A_463, %select_n3A_461] : memref<8x32xf32, #tpu.memory_space<vmem>>[vector<16xi32>, vector<16xi32>], vector<16xf32>,
      %get3A_465 = arith.constant 368 : index
      %get3A_466 = tpu.vector_load %arg7[%get3A_465] {strides = array<i32>} : memref<1024xf32, #tpu.memory_space<vmem>>, vector<16xf32>,
      %select_n3A_467 = arith.select %ge3A_455, %gather3A_464, %get3A_466 : vector<16xi1>, vector<16xf32>
      %swap3A_468 = arith.constant 368 : index
      %swap3A_469 = tpu.vector_load %arg7[%swap3A_468] {strides = array<i32>} : memref<1024xf32, #tpu.memory_space<vmem>>, vector<16xf32>,
      tpu.vector_store %arg7[%swap3A_468], %select_n3A_467 {strides = array<i32>} : memref<1024xf32, #tpu.memory_space<vmem>>, vector<16xf32>,
      %get3A_470 = arith.constant 384 : index
      %get3A_471 = tpu.vector_load %arg6[%get3A_470] {strides = array<i32>} : memref<1024xi32, #tpu.memory_space<vmem>>, vector<16xi32>,
      %ge3A_472 = arith.constant 99968 : i32
      %ge3A_473 = vector.broadcast %ge3A_472 : i32 to vector<16xi32>
      %ge3A_474 = arith.cmpi sge, %get3A_471, %ge3A_473 : vector<16xi32>
      %sub3A_475 = arith.constant 99968 : i32
      %sub3A_476 = vector.broadcast %sub3A_475 : i32 to vector<16xi32>
      %sub3A_477 = arith.subi %get3A_471, %sub3A_476 : vector<16xi32>
      %jit3A_478 = arith.constant 0 : i32
      %broadcast_in_dim3A_479 = vector.broadcast %jit3A_478 : i32 to vector<16xi32>
      %select_n3A_480 = arith.select %ge3A_474, %sub3A_477, %broadcast_in_dim3A_479 : vector<16xi1>, vector<16xi32>
      %broadcast_in_dim3A_481 = arith.constant 3 : i32
      %broadcast_in_dim3A_482 = vector.broadcast %broadcast_in_dim3A_481 : i32 to vector<16xi32>
      %gather3A_483 = tpu.vector_load_idx %arg9[%broadcast_in_dim3A_482, %select_n3A_480] : memref<8x32xf32, #tpu.memory_space<vmem>>[vector<16xi32>, vector<16xi32>], vector<16xf32>,
      %get3A_484 = arith.constant 384 : index
      %get3A_485 = tpu.vector_load %arg7[%get3A_484] {strides = array<i32>} : memref<1024xf32, #tpu.memory_space<vmem>>, vector<16xf32>,
      %select_n3A_486 = arith.select %ge3A_474, %gather3A_483, %get3A_485 : vector<16xi1>, vector<16xf32>
      %swap3A_487 = arith.constant 384 : index
      %swap3A_488 = tpu.vector_load %arg7[%swap3A_487] {strides = array<i32>} : memref<1024xf32, #tpu.memory_space<vmem>>, vector<16xf32>,
      tpu.vector_store %arg7[%swap3A_487], %select_n3A_486 {strides = array<i32>} : memref<1024xf32, #tpu.memory_space<vmem>>, vector<16xf32>,
      %get3A_489 = arith.constant 400 : index
      %get3A_490 = tpu.vector_load %arg6[%get3A_489] {strides = array<i32>} : memref<1024xi32, #tpu.memory_space<vmem>>, vector<16xi32>,
      %ge3A_491 = arith.constant 99968 : i32
      %ge3A_492 = vector.broadcast %ge3A_491 : i32 to vector<16xi32>
      %ge3A_493 = arith.cmpi sge, %get3A_490, %ge3A_492 : vector<16xi32>
      %sub3A_494 = arith.constant 99968 : i32
      %sub3A_495 = vector.broadcast %sub3A_494 : i32 to vector<16xi32>
      %sub3A_496 = arith.subi %get3A_490, %sub3A_495 : vector<16xi32>
      %jit3A_497 = arith.constant 0 : i32
      %broadcast_in_dim3A_498 = vector.broadcast %jit3A_497 : i32 to vector<16xi32>
      %select_n3A_499 = arith.select %ge3A_493, %sub3A_496, %broadcast_in_dim3A_498 : vector<16xi1>, vector<16xi32>
      %broadcast_in_dim3A_500 = arith.constant 3 : i32
      %broadcast_in_dim3A_501 = vector.broadcast %broadcast_in_dim3A_500 : i32 to vector<16xi32>
      %gather3A_502 = tpu.vector_load_idx %arg9[%broadcast_in_dim3A_501, %select_n3A_499] : memref<8x32xf32, #tpu.memory_space<vmem>>[vector<16xi32>, vector<16xi32>], vector<16xf32>,
      %get3A_503 = arith.constant 400 : index
      %get3A_504 = tpu.vector_load %arg7[%get3A_503] {strides = array<i32>} : memref<1024xf32, #tpu.memory_space<vmem>>, vector<16xf32>,
      %select_n3A_505 = arith.select %ge3A_493, %gather3A_502, %get3A_504 : vector<16xi1>, vector<16xf32>
      %swap3A_506 = arith.constant 400 : index
      %swap3A_507 = tpu.vector_load %arg7[%swap3A_506] {strides = array<i32>} : memref<1024xf32, #tpu.memory_space<vmem>>, vector<16xf32>,
      tpu.vector_store %arg7[%swap3A_506], %select_n3A_505 {strides = array<i32>} : memref<1024xf32, #tpu.memory_space<vmem>>, vector<16xf32>,
      %get3A_508 = arith.constant 416 : index
      %get3A_509 = tpu.vector_load %arg6[%get3A_508] {strides = array<i32>} : memref<1024xi32, #tpu.memory_space<vmem>>, vector<16xi32>,
      %ge3A_510 = arith.constant 99968 : i32
      %ge3A_511 = vector.broadcast %ge3A_510 : i32 to vector<16xi32>
      %ge3A_512 = arith.cmpi sge, %get3A_509, %ge3A_511 : vector<16xi32>
      %sub3A_513 = arith.constant 99968 : i32
      %sub3A_514 = vector.broadcast %sub3A_513 : i32 to vector<16xi32>
      %sub3A_515 = arith.subi %get3A_509, %sub3A_514 : vector<16xi32>
      %jit3A_516 = arith.constant 0 : i32
      %broadcast_in_dim3A_517 = vector.broadcast %jit3A_516 : i32 to vector<16xi32>
      %select_n3A_518 = arith.select %ge3A_512, %sub3A_515, %broadcast_in_dim3A_517 : vector<16xi1>, vector<16xi32>
      %broadcast_in_dim3A_519 = arith.constant 3 : i32
      %broadcast_in_dim3A_520 = vector.broadcast %broadcast_in_dim3A_519 : i32 to vector<16xi32>
      %gather3A_521 = tpu.vector_load_idx %arg9[%broadcast_in_dim3A_520, %select_n3A_518] : memref<8x32xf32, #tpu.memory_space<vmem>>[vector<16xi32>, vector<16xi32>], vector<16xf32>,
      %get3A_522 = arith.constant 416 : index
      %get3A_523 = tpu.vector_load %arg7[%get3A_522] {strides = array<i32>} : memref<1024xf32, #tpu.memory_space<vmem>>, vector<16xf32>,
      %select_n3A_524 = arith.select %ge3A_512, %gather3A_521, %get3A_523 : vector<16xi1>, vector<16xf32>
      %swap3A_525 = arith.constant 416 : index
      %swap3A_526 = tpu.vector_load %arg7[%swap3A_525] {strides = array<i32>} : memref<1024xf32, #tpu.memory_space<vmem>>, vector<16xf32>,
      tpu.vector_store %arg7[%swap3A_525], %select_n3A_524 {strides = array<i32>} : memref<1024xf32, #tpu.memory_space<vmem>>, vector<16xf32>,
      %get3A_527 = arith.constant 432 : index
      %get3A_528 = tpu.vector_load %arg6[%get3A_527] {strides = array<i32>} : memref<1024xi32, #tpu.memory_space<vmem>>, vector<16xi32>,
      %ge3A_529 = arith.constant 99968 : i32
      %ge3A_530 = vector.broadcast %ge3A_529 : i32 to vector<16xi32>
      %ge3A_531 = arith.cmpi sge, %get3A_528, %ge3A_530 : vector<16xi32>
      %sub3A_532 = arith.constant 99968 : i32
      %sub3A_533 = vector.broadcast %sub3A_532 : i32 to vector<16xi32>
      %sub3A_534 = arith.subi %get3A_528, %sub3A_533 : vector<16xi32>
      %jit3A_535 = arith.constant 0 : i32
      %broadcast_in_dim3A_536 = vector.broadcast %jit3A_535 : i32 to vector<16xi32>
      %select_n3A_537 = arith.select %ge3A_531, %sub3A_534, %broadcast_in_dim3A_536 : vector<16xi1>, vector<16xi32>
      %broadcast_in_dim3A_538 = arith.constant 3 : i32
      %broadcast_in_dim3A_539 = vector.broadcast %broadcast_in_dim3A_538 : i32 to vector<16xi32>
      %gather3A_540 = tpu.vector_load_idx %arg9[%broadcast_in_dim3A_539, %select_n3A_537] : memref<8x32xf32, #tpu.memory_space<vmem>>[vector<16xi32>, vector<16xi32>], vector<16xf32>,
      %get3A_541 = arith.constant 432 : index
      %get3A_542 = tpu.vector_load %arg7[%get3A_541] {strides = array<i32>} : memref<1024xf32, #tpu.memory_space<vmem>>, vector<16xf32>,
      %select_n3A_543 = arith.select %ge3A_531, %gather3A_540, %get3A_542 : vector<16xi1>, vector<16xf32>
      %swap3A_544 = arith.constant 432 : index
      %swap3A_545 = tpu.vector_load %arg7[%swap3A_544] {strides = array<i32>} : memref<1024xf32, #tpu.memory_space<vmem>>, vector<16xf32>,
      tpu.vector_store %arg7[%swap3A_544], %select_n3A_543 {strides = array<i32>} : memref<1024xf32, #tpu.memory_space<vmem>>, vector<16xf32>,
      %get3A_546 = arith.constant 448 : index
      %get3A_547 = tpu.vector_load %arg6[%get3A_546] {strides = array<i32>} : memref<1024xi32, #tpu.memory_space<vmem>>, vector<16xi32>,
      %ge3A_548 = arith.constant 99968 : i32
      %ge3A_549 = vector.broadcast %ge3A_548 : i32 to vector<16xi32>
      %ge3A_550 = arith.cmpi sge, %get3A_547, %ge3A_549 : vector<16xi32>
      %sub3A_551 = arith.constant 99968 : i32
      %sub3A_552 = vector.broadcast %sub3A_551 : i32 to vector<16xi32>
      %sub3A_553 = arith.subi %get3A_547, %sub3A_552 : vector<16xi32>
      %jit3A_554 = arith.constant 0 : i32
      %broadcast_in_dim3A_555 = vector.broadcast %jit3A_554 : i32 to vector<16xi32>
      %select_n3A_556 = arith.select %ge3A_550, %sub3A_553, %broadcast_in_dim3A_555 : vector<16xi1>, vector<16xi32>
      %broadcast_in_dim3A_557 = arith.constant 3 : i32
      %broadcast_in_dim3A_558 = vector.broadcast %broadcast_in_dim3A_557 : i32 to vector<16xi32>
      %gather3A_559 = tpu.vector_load_idx %arg9[%broadcast_in_dim3A_558, %select_n3A_556] : memref<8x32xf32, #tpu.memory_space<vmem>>[vector<16xi32>, vector<16xi32>], vector<16xf32>,
      %get3A_560 = arith.constant 448 : index
      %get3A_561 = tpu.vector_load %arg7[%get3A_560] {strides = array<i32>} : memref<1024xf32, #tpu.memory_space<vmem>>, vector<16xf32>,
      %select_n3A_562 = arith.select %ge3A_550, %gather3A_559, %get3A_561 : vector<16xi1>, vector<16xf32>
      %swap3A_563 = arith.constant 448 : index
      %swap3A_564 = tpu.vector_load %arg7[%swap3A_563] {strides = array<i32>} : memref<1024xf32, #tpu.memory_space<vmem>>, vector<16xf32>,
      tpu.vector_store %arg7[%swap3A_563], %select_n3A_562 {strides = array<i32>} : memref<1024xf32, #tpu.memory_space<vmem>>, vector<16xf32>,
      %get3A_565 = arith.constant 464 : index
      %get3A_566 = tpu.vector_load %arg6[%get3A_565] {strides = array<i32>} : memref<1024xi32, #tpu.memory_space<vmem>>, vector<16xi32>,
      %ge3A_567 = arith.constant 99968 : i32
      %ge3A_568 = vector.broadcast %ge3A_567 : i32 to vector<16xi32>
      %ge3A_569 = arith.cmpi sge, %get3A_566, %ge3A_568 : vector<16xi32>
      %sub3A_570 = arith.constant 99968 : i32
      %sub3A_571 = vector.broadcast %sub3A_570 : i32 to vector<16xi32>
      %sub3A_572 = arith.subi %get3A_566, %sub3A_571 : vector<16xi32>
      %jit3A_573 = arith.constant 0 : i32
      %broadcast_in_dim3A_574 = vector.broadcast %jit3A_573 : i32 to vector<16xi32>
      %select_n3A_575 = arith.select %ge3A_569, %sub3A_572, %broadcast_in_dim3A_574 : vector<16xi1>, vector<16xi32>
      %broadcast_in_dim3A_576 = arith.constant 3 : i32
      %broadcast_in_dim3A_577 = vector.broadcast %broadcast_in_dim3A_576 : i32 to vector<16xi32>
      %gather3A_578 = tpu.vector_load_idx %arg9[%broadcast_in_dim3A_577, %select_n3A_575] : memref<8x32xf32, #tpu.memory_space<vmem>>[vector<16xi32>, vector<16xi32>], vector<16xf32>,
      %get3A_579 = arith.constant 464 : index
      %get3A_580 = tpu.vector_load %arg7[%get3A_579] {strides = array<i32>} : memref<1024xf32, #tpu.memory_space<vmem>>, vector<16xf32>,
      %select_n3A_581 = arith.select %ge3A_569, %gather3A_578, %get3A_580 : vector<16xi1>, vector<16xf32>
      %swap3A_582 = arith.constant 464 : index
      %swap3A_583 = tpu.vector_load %arg7[%swap3A_582] {strides = array<i32>} : memref<1024xf32, #tpu.memory_space<vmem>>, vector<16xf32>,
      tpu.vector_store %arg7[%swap3A_582], %select_n3A_581 {strides = array<i32>} : memref<1024xf32, #tpu.memory_space<vmem>>, vector<16xf32>,
      %get3A_584 = arith.constant 480 : index
      %get3A_585 = tpu.vector_load %arg6[%get3A_584] {strides = array<i32>} : memref<1024xi32, #tpu.memory_space<vmem>>, vector<16xi32>,
      %ge3A_586 = arith.constant 99968 : i32
      %ge3A_587 = vector.broadcast %ge3A_586 : i32 to vector<16xi32>
      %ge3A_588 = arith.cmpi sge, %get3A_585, %ge3A_587 : vector<16xi32>
      %sub3A_589 = arith.constant 99968 : i32
      %sub3A_590 = vector.broadcast %sub3A_589 : i32 to vector<16xi32>
      %sub3A_591 = arith.subi %get3A_585, %sub3A_590 : vector<16xi32>
      %jit3A_592 = arith.constant 0 : i32
      %broadcast_in_dim3A_593 = vector.broadcast %jit3A_592 : i32 to vector<16xi32>
      %select_n3A_594 = arith.select %ge3A_588, %sub3A_591, %broadcast_in_dim3A_593 : vector<16xi1>, vector<16xi32>
      %broadcast_in_dim3A_595 = arith.constant 3 : i32
      %broadcast_in_dim3A_596 = vector.broadcast %broadcast_in_dim3A_595 : i32 to vector<16xi32>
      %gather3A_597 = tpu.vector_load_idx %arg9[%broadcast_in_dim3A_596, %select_n3A_594] : memref<8x32xf32, #tpu.memory_space<vmem>>[vector<16xi32>, vector<16xi32>], vector<16xf32>,
      %get3A_598 = arith.constant 480 : index
      %get3A_599 = tpu.vector_load %arg7[%get3A_598] {strides = array<i32>} : memref<1024xf32, #tpu.memory_space<vmem>>, vector<16xf32>,
      %select_n3A_600 = arith.select %ge3A_588, %gather3A_597, %get3A_599 : vector<16xi1>, vector<16xf32>
      %swap3A_601 = arith.constant 480 : index
      %swap3A_602 = tpu.vector_load %arg7[%swap3A_601] {strides = array<i32>} : memref<1024xf32, #tpu.memory_space<vmem>>, vector<16xf32>,
      tpu.vector_store %arg7[%swap3A_601], %select_n3A_600 {strides = array<i32>} : memref<1024xf32, #tpu.memory_space<vmem>>, vector<16xf32>,
      %get3A_603 = arith.constant 496 : index
      %get3A_604 = tpu.vector_load %arg6[%get3A_603] {strides = array<i32>} : memref<1024xi32, #tpu.memory_space<vmem>>, vector<16xi32>,
      %ge3A_605 = arith.constant 99968 : i32
      %ge3A_606 = vector.broadcast %ge3A_605 : i32 to vector<16xi32>
      %ge3A_607 = arith.cmpi sge, %get3A_604, %ge3A_606 : vector<16xi32>
      %sub3A_608 = arith.constant 99968 : i32
      %sub3A_609 = vector.broadcast %sub3A_608 : i32 to vector<16xi32>
      %sub3A_610 = arith.subi %get3A_604, %sub3A_609 : vector<16xi32>
      %jit3A_611 = arith.constant 0 : i32
      %broadcast_in_dim3A_612 = vector.broadcast %jit3A_611 : i32 to vector<16xi32>
      %select_n3A_613 = arith.select %ge3A_607, %sub3A_610, %broadcast_in_dim3A_612 : vector<16xi1>, vector<16xi32>
      %broadcast_in_dim3A_614 = arith.constant 3 : i32
      %broadcast_in_dim3A_615 = vector.broadcast %broadcast_in_dim3A_614 : i32 to vector<16xi32>
      %gather3A_616 = tpu.vector_load_idx %arg9[%broadcast_in_dim3A_615, %select_n3A_613] : memref<8x32xf32, #tpu.memory_space<vmem>>[vector<16xi32>, vector<16xi32>], vector<16xf32>,
      %get3A_617 = arith.constant 496 : index
      %get3A_618 = tpu.vector_load %arg7[%get3A_617] {strides = array<i32>} : memref<1024xf32, #tpu.memory_space<vmem>>, vector<16xf32>,
      %select_n3A_619 = arith.select %ge3A_607, %gather3A_616, %get3A_618 : vector<16xi1>, vector<16xf32>
      %swap3A_620 = arith.constant 496 : index
      %swap3A_621 = tpu.vector_load %arg7[%swap3A_620] {strides = array<i32>} : memref<1024xf32, #tpu.memory_space<vmem>>, vector<16xf32>,
      tpu.vector_store %arg7[%swap3A_620], %select_n3A_619 {strides = array<i32>} : memref<1024xf32, #tpu.memory_space<vmem>>, vector<16xf32>,
      %get3A_622 = arith.constant 512 : index
      %get3A_623 = tpu.vector_load %arg6[%get3A_622] {strides = array<i32>} : memref<1024xi32, #tpu.memory_space<vmem>>, vector<16xi32>,
      %ge3A_624 = arith.constant 99968 : i32
      %ge3A_625 = vector.broadcast %ge3A_624 : i32 to vector<16xi32>
      %ge3A_626 = arith.cmpi sge, %get3A_623, %ge3A_625 : vector<16xi32>
      %sub3A_627 = arith.constant 99968 : i32
      %sub3A_628 = vector.broadcast %sub3A_627 : i32 to vector<16xi32>
      %sub3A_629 = arith.subi %get3A_623, %sub3A_628 : vector<16xi32>
      %jit3A_630 = arith.constant 0 : i32
      %broadcast_in_dim3A_631 = vector.broadcast %jit3A_630 : i32 to vector<16xi32>
      %select_n3A_632 = arith.select %ge3A_626, %sub3A_629, %broadcast_in_dim3A_631 : vector<16xi1>, vector<16xi32>
      %broadcast_in_dim3A_633 = arith.constant 4 : i32
      %broadcast_in_dim3A_634 = vector.broadcast %broadcast_in_dim3A_633 : i32 to vector<16xi32>
      %gather3A_635 = tpu.vector_load_idx %arg9[%broadcast_in_dim3A_634, %select_n3A_632] : memref<8x32xf32, #tpu.memory_space<vmem>>[vector<16xi32>, vector<16xi32>], vector<16xf32>,
      %get3A_636 = arith.constant 512 : index
      %get3A_637 = tpu.vector_load %arg7[%get3A_636] {strides = array<i32>} : memref<1024xf32, #tpu.memory_space<vmem>>, vector<16xf32>,
      %select_n3A_638 = arith.select %ge3A_626, %gather3A_635, %get3A_637 : vector<16xi1>, vector<16xf32>
      %swap3A_639 = arith.constant 512 : index
      %swap3A_640 = tpu.vector_load %arg7[%swap3A_639] {strides = array<i32>} : memref<1024xf32, #tpu.memory_space<vmem>>, vector<16xf32>,
      tpu.vector_store %arg7[%swap3A_639], %select_n3A_638 {strides = array<i32>} : memref<1024xf32, #tpu.memory_space<vmem>>, vector<16xf32>,
      %get3A_641 = arith.constant 528 : index
      %get3A_642 = tpu.vector_load %arg6[%get3A_641] {strides = array<i32>} : memref<1024xi32, #tpu.memory_space<vmem>>, vector<16xi32>,
      %ge3A_643 = arith.constant 99968 : i32
      %ge3A_644 = vector.broadcast %ge3A_643 : i32 to vector<16xi32>
      %ge3A_645 = arith.cmpi sge, %get3A_642, %ge3A_644 : vector<16xi32>
      %sub3A_646 = arith.constant 99968 : i32
      %sub3A_647 = vector.broadcast %sub3A_646 : i32 to vector<16xi32>
      %sub3A_648 = arith.subi %get3A_642, %sub3A_647 : vector<16xi32>
      %jit3A_649 = arith.constant 0 : i32
      %broadcast_in_dim3A_650 = vector.broadcast %jit3A_649 : i32 to vector<16xi32>
      %select_n3A_651 = arith.select %ge3A_645, %sub3A_648, %broadcast_in_dim3A_650 : vector<16xi1>, vector<16xi32>
      %broadcast_in_dim3A_652 = arith.constant 4 : i32
      %broadcast_in_dim3A_653 = vector.broadcast %broadcast_in_dim3A_652 : i32 to vector<16xi32>
      %gather3A_654 = tpu.vector_load_idx %arg9[%broadcast_in_dim3A_653, %select_n3A_651] : memref<8x32xf32, #tpu.memory_space<vmem>>[vector<16xi32>, vector<16xi32>], vector<16xf32>,
      %get3A_655 = arith.constant 528 : index
      %get3A_656 = tpu.vector_load %arg7[%get3A_655] {strides = array<i32>} : memref<1024xf32, #tpu.memory_space<vmem>>, vector<16xf32>,
      %select_n3A_657 = arith.select %ge3A_645, %gather3A_654, %get3A_656 : vector<16xi1>, vector<16xf32>
      %swap3A_658 = arith.constant 528 : index
      %swap3A_659 = tpu.vector_load %arg7[%swap3A_658] {strides = array<i32>} : memref<1024xf32, #tpu.memory_space<vmem>>, vector<16xf32>,
      tpu.vector_store %arg7[%swap3A_658], %select_n3A_657 {strides = array<i32>} : memref<1024xf32, #tpu.memory_space<vmem>>, vector<16xf32>,
      %get3A_660 = arith.constant 544 : index
      %get3A_661 = tpu.vector_load %arg6[%get3A_660] {strides = array<i32>} : memref<1024xi32, #tpu.memory_space<vmem>>, vector<16xi32>,
      %ge3A_662 = arith.constant 99968 : i32
      %ge3A_663 = vector.broadcast %ge3A_662 : i32 to vector<16xi32>
      %ge3A_664 = arith.cmpi sge, %get3A_661, %ge3A_663 : vector<16xi32>
      %sub3A_665 = arith.constant 99968 : i32
      %sub3A_666 = vector.broadcast %sub3A_665 : i32 to vector<16xi32>
      %sub3A_667 = arith.subi %get3A_661, %sub3A_666 : vector<16xi32>
      %jit3A_668 = arith.constant 0 : i32
      %broadcast_in_dim3A_669 = vector.broadcast %jit3A_668 : i32 to vector<16xi32>
      %select_n3A_670 = arith.select %ge3A_664, %sub3A_667, %broadcast_in_dim3A_669 : vector<16xi1>, vector<16xi32>
      %broadcast_in_dim3A_671 = arith.constant 4 : i32
      %broadcast_in_dim3A_672 = vector.broadcast %broadcast_in_dim3A_671 : i32 to vector<16xi32>
      %gather3A_673 = tpu.vector_load_idx %arg9[%broadcast_in_dim3A_672, %select_n3A_670] : memref<8x32xf32, #tpu.memory_space<vmem>>[vector<16xi32>, vector<16xi32>], vector<16xf32>,
      %get3A_674 = arith.constant 544 : index
      %get3A_675 = tpu.vector_load %arg7[%get3A_674] {strides = array<i32>} : memref<1024xf32, #tpu.memory_space<vmem>>, vector<16xf32>,
      %select_n3A_676 = arith.select %ge3A_664, %gather3A_673, %get3A_675 : vector<16xi1>, vector<16xf32>
      %swap3A_677 = arith.constant 544 : index
      %swap3A_678 = tpu.vector_load %arg7[%swap3A_677] {strides = array<i32>} : memref<1024xf32, #tpu.memory_space<vmem>>, vector<16xf32>,
      tpu.vector_store %arg7[%swap3A_677], %select_n3A_676 {strides = array<i32>} : memref<1024xf32, #tpu.memory_space<vmem>>, vector<16xf32>,
      %get3A_679 = arith.constant 560 : index
      %get3A_680 = tpu.vector_load %arg6[%get3A_679] {strides = array<i32>} : memref<1024xi32, #tpu.memory_space<vmem>>, vector<16xi32>,
      %ge3A_681 = arith.constant 99968 : i32
      %ge3A_682 = vector.broadcast %ge3A_681 : i32 to vector<16xi32>
      %ge3A_683 = arith.cmpi sge, %get3A_680, %ge3A_682 : vector<16xi32>
      %sub3A_684 = arith.constant 99968 : i32
      %sub3A_685 = vector.broadcast %sub3A_684 : i32 to vector<16xi32>
      %sub3A_686 = arith.subi %get3A_680, %sub3A_685 : vector<16xi32>
      %jit3A_687 = arith.constant 0 : i32
      %broadcast_in_dim3A_688 = vector.broadcast %jit3A_687 : i32 to vector<16xi32>
      %select_n3A_689 = arith.select %ge3A_683, %sub3A_686, %broadcast_in_dim3A_688 : vector<16xi1>, vector<16xi32>
      %broadcast_in_dim3A_690 = arith.constant 4 : i32
      %broadcast_in_dim3A_691 = vector.broadcast %broadcast_in_dim3A_690 : i32 to vector<16xi32>
      %gather3A_692 = tpu.vector_load_idx %arg9[%broadcast_in_dim3A_691, %select_n3A_689] : memref<8x32xf32, #tpu.memory_space<vmem>>[vector<16xi32>, vector<16xi32>], vector<16xf32>,
      %get3A_693 = arith.constant 560 : index
      %get3A_694 = tpu.vector_load %arg7[%get3A_693] {strides = array<i32>} : memref<1024xf32, #tpu.memory_space<vmem>>, vector<16xf32>,
      %select_n3A_695 = arith.select %ge3A_683, %gather3A_692, %get3A_694 : vector<16xi1>, vector<16xf32>
      %swap3A_696 = arith.constant 560 : index
      %swap3A_697 = tpu.vector_load %arg7[%swap3A_696] {strides = array<i32>} : memref<1024xf32, #tpu.memory_space<vmem>>, vector<16xf32>,
      tpu.vector_store %arg7[%swap3A_696], %select_n3A_695 {strides = array<i32>} : memref<1024xf32, #tpu.memory_space<vmem>>, vector<16xf32>,
      %get3A_698 = arith.constant 576 : index
      %get3A_699 = tpu.vector_load %arg6[%get3A_698] {strides = array<i32>} : memref<1024xi32, #tpu.memory_space<vmem>>, vector<16xi32>,
      %ge3A_700 = arith.constant 99968 : i32
      %ge3A_701 = vector.broadcast %ge3A_700 : i32 to vector<16xi32>
      %ge3A_702 = arith.cmpi sge, %get3A_699, %ge3A_701 : vector<16xi32>
      %sub3A_703 = arith.constant 99968 : i32
      %sub3A_704 = vector.broadcast %sub3A_703 : i32 to vector<16xi32>
      %sub3A_705 = arith.subi %get3A_699, %sub3A_704 : vector<16xi32>
      %jit3A_706 = arith.constant 0 : i32
      %broadcast_in_dim3A_707 = vector.broadcast %jit3A_706 : i32 to vector<16xi32>
      %select_n3A_708 = arith.select %ge3A_702, %sub3A_705, %broadcast_in_dim3A_707 : vector<16xi1>, vector<16xi32>
      %broadcast_in_dim3A_709 = arith.constant 4 : i32
      %broadcast_in_dim3A_710 = vector.broadcast %broadcast_in_dim3A_709 : i32 to vector<16xi32>
      %gather3A_711 = tpu.vector_load_idx %arg9[%broadcast_in_dim3A_710, %select_n3A_708] : memref<8x32xf32, #tpu.memory_space<vmem>>[vector<16xi32>, vector<16xi32>], vector<16xf32>,
      %get3A_712 = arith.constant 576 : index
      %get3A_713 = tpu.vector_load %arg7[%get3A_712] {strides = array<i32>} : memref<1024xf32, #tpu.memory_space<vmem>>, vector<16xf32>,
      %select_n3A_714 = arith.select %ge3A_702, %gather3A_711, %get3A_713 : vector<16xi1>, vector<16xf32>
      %swap3A_715 = arith.constant 576 : index
      %swap3A_716 = tpu.vector_load %arg7[%swap3A_715] {strides = array<i32>} : memref<1024xf32, #tpu.memory_space<vmem>>, vector<16xf32>,
      tpu.vector_store %arg7[%swap3A_715], %select_n3A_714 {strides = array<i32>} : memref<1024xf32, #tpu.memory_space<vmem>>, vector<16xf32>,
      %get3A_717 = arith.constant 592 : index
      %get3A_718 = tpu.vector_load %arg6[%get3A_717] {strides = array<i32>} : memref<1024xi32, #tpu.memory_space<vmem>>, vector<16xi32>,
      %ge3A_719 = arith.constant 99968 : i32
      %ge3A_720 = vector.broadcast %ge3A_719 : i32 to vector<16xi32>
      %ge3A_721 = arith.cmpi sge, %get3A_718, %ge3A_720 : vector<16xi32>
      %sub3A_722 = arith.constant 99968 : i32
      %sub3A_723 = vector.broadcast %sub3A_722 : i32 to vector<16xi32>
      %sub3A_724 = arith.subi %get3A_718, %sub3A_723 : vector<16xi32>
      %jit3A_725 = arith.constant 0 : i32
      %broadcast_in_dim3A_726 = vector.broadcast %jit3A_725 : i32 to vector<16xi32>
      %select_n3A_727 = arith.select %ge3A_721, %sub3A_724, %broadcast_in_dim3A_726 : vector<16xi1>, vector<16xi32>
      %broadcast_in_dim3A_728 = arith.constant 4 : i32
      %broadcast_in_dim3A_729 = vector.broadcast %broadcast_in_dim3A_728 : i32 to vector<16xi32>
      %gather3A_730 = tpu.vector_load_idx %arg9[%broadcast_in_dim3A_729, %select_n3A_727] : memref<8x32xf32, #tpu.memory_space<vmem>>[vector<16xi32>, vector<16xi32>], vector<16xf32>,
      %get3A_731 = arith.constant 592 : index
      %get3A_732 = tpu.vector_load %arg7[%get3A_731] {strides = array<i32>} : memref<1024xf32, #tpu.memory_space<vmem>>, vector<16xf32>,
      %select_n3A_733 = arith.select %ge3A_721, %gather3A_730, %get3A_732 : vector<16xi1>, vector<16xf32>
      %swap3A_734 = arith.constant 592 : index
      %swap3A_735 = tpu.vector_load %arg7[%swap3A_734] {strides = array<i32>} : memref<1024xf32, #tpu.memory_space<vmem>>, vector<16xf32>,
      tpu.vector_store %arg7[%swap3A_734], %select_n3A_733 {strides = array<i32>} : memref<1024xf32, #tpu.memory_space<vmem>>, vector<16xf32>,
      %get3A_736 = arith.constant 608 : index
      %get3A_737 = tpu.vector_load %arg6[%get3A_736] {strides = array<i32>} : memref<1024xi32, #tpu.memory_space<vmem>>, vector<16xi32>,
      %ge3A_738 = arith.constant 99968 : i32
      %ge3A_739 = vector.broadcast %ge3A_738 : i32 to vector<16xi32>
      %ge3A_740 = arith.cmpi sge, %get3A_737, %ge3A_739 : vector<16xi32>
      %sub3A_741 = arith.constant 99968 : i32
      %sub3A_742 = vector.broadcast %sub3A_741 : i32 to vector<16xi32>
      %sub3A_743 = arith.subi %get3A_737, %sub3A_742 : vector<16xi32>
      %jit3A_744 = arith.constant 0 : i32
      %broadcast_in_dim3A_745 = vector.broadcast %jit3A_744 : i32 to vector<16xi32>
      %select_n3A_746 = arith.select %ge3A_740, %sub3A_743, %broadcast_in_dim3A_745 : vector<16xi1>, vector<16xi32>
      %broadcast_in_dim3A_747 = arith.constant 4 : i32
      %broadcast_in_dim3A_748 = vector.broadcast %broadcast_in_dim3A_747 : i32 to vector<16xi32>
      %gather3A_749 = tpu.vector_load_idx %arg9[%broadcast_in_dim3A_748, %select_n3A_746] : memref<8x32xf32, #tpu.memory_space<vmem>>[vector<16xi32>, vector<16xi32>], vector<16xf32>,
      %get3A_750 = arith.constant 608 : index
      %get3A_751 = tpu.vector_load %arg7[%get3A_750] {strides = array<i32>} : memref<1024xf32, #tpu.memory_space<vmem>>, vector<16xf32>,
      %select_n3A_752 = arith.select %ge3A_740, %gather3A_749, %get3A_751 : vector<16xi1>, vector<16xf32>
      %swap3A_753 = arith.constant 608 : index
      %swap3A_754 = tpu.vector_load %arg7[%swap3A_753] {strides = array<i32>} : memref<1024xf32, #tpu.memory_space<vmem>>, vector<16xf32>,
      tpu.vector_store %arg7[%swap3A_753], %select_n3A_752 {strides = array<i32>} : memref<1024xf32, #tpu.memory_space<vmem>>, vector<16xf32>,
      %get3A_755 = arith.constant 624 : index
      %get3A_756 = tpu.vector_load %arg6[%get3A_755] {strides = array<i32>} : memref<1024xi32, #tpu.memory_space<vmem>>, vector<16xi32>,
      %ge3A_757 = arith.constant 99968 : i32
      %ge3A_758 = vector.broadcast %ge3A_757 : i32 to vector<16xi32>
      %ge3A_759 = arith.cmpi sge, %get3A_756, %ge3A_758 : vector<16xi32>
      %sub3A_760 = arith.constant 99968 : i32
      %sub3A_761 = vector.broadcast %sub3A_760 : i32 to vector<16xi32>
      %sub3A_762 = arith.subi %get3A_756, %sub3A_761 : vector<16xi32>
      %jit3A_763 = arith.constant 0 : i32
      %broadcast_in_dim3A_764 = vector.broadcast %jit3A_763 : i32 to vector<16xi32>
      %select_n3A_765 = arith.select %ge3A_759, %sub3A_762, %broadcast_in_dim3A_764 : vector<16xi1>, vector<16xi32>
      %broadcast_in_dim3A_766 = arith.constant 4 : i32
      %broadcast_in_dim3A_767 = vector.broadcast %broadcast_in_dim3A_766 : i32 to vector<16xi32>
      %gather3A_768 = tpu.vector_load_idx %arg9[%broadcast_in_dim3A_767, %select_n3A_765] : memref<8x32xf32, #tpu.memory_space<vmem>>[vector<16xi32>, vector<16xi32>], vector<16xf32>,
      %get3A_769 = arith.constant 624 : index
      %get3A_770 = tpu.vector_load %arg7[%get3A_769] {strides = array<i32>} : memref<1024xf32, #tpu.memory_space<vmem>>, vector<16xf32>,
      %select_n3A_771 = arith.select %ge3A_759, %gather3A_768, %get3A_770 : vector<16xi1>, vector<16xf32>
      %swap3A_772 = arith.constant 624 : index
      %swap3A_773 = tpu.vector_load %arg7[%swap3A_772] {strides = array<i32>} : memref<1024xf32, #tpu.memory_space<vmem>>, vector<16xf32>,
      tpu.vector_store %arg7[%swap3A_772], %select_n3A_771 {strides = array<i32>} : memref<1024xf32, #tpu.memory_space<vmem>>, vector<16xf32>,
      %get3A_774 = arith.constant 640 : index
      %get3A_775 = tpu.vector_load %arg6[%get3A_774] {strides = array<i32>} : memref<1024xi32, #tpu.memory_space<vmem>>, vector<16xi32>,
      %ge3A_776 = arith.constant 99968 : i32
      %ge3A_777 = vector.broadcast %ge3A_776 : i32 to vector<16xi32>
      %ge3A_778 = arith.cmpi sge, %get3A_775, %ge3A_777 : vector<16xi32>
      %sub3A_779 = arith.constant 99968 : i32
      %sub3A_780 = vector.broadcast %sub3A_779 : i32 to vector<16xi32>
      %sub3A_781 = arith.subi %get3A_775, %sub3A_780 : vector<16xi32>
      %jit3A_782 = arith.constant 0 : i32
      %broadcast_in_dim3A_783 = vector.broadcast %jit3A_782 : i32 to vector<16xi32>
      %select_n3A_784 = arith.select %ge3A_778, %sub3A_781, %broadcast_in_dim3A_783 : vector<16xi1>, vector<16xi32>
      %broadcast_in_dim3A_785 = arith.constant 5 : i32
      %broadcast_in_dim3A_786 = vector.broadcast %broadcast_in_dim3A_785 : i32 to vector<16xi32>
      %gather3A_787 = tpu.vector_load_idx %arg9[%broadcast_in_dim3A_786, %select_n3A_784] : memref<8x32xf32, #tpu.memory_space<vmem>>[vector<16xi32>, vector<16xi32>], vector<16xf32>,
      %get3A_788 = arith.constant 640 : index
      %get3A_789 = tpu.vector_load %arg7[%get3A_788] {strides = array<i32>} : memref<1024xf32, #tpu.memory_space<vmem>>, vector<16xf32>,
      %select_n3A_790 = arith.select %ge3A_778, %gather3A_787, %get3A_789 : vector<16xi1>, vector<16xf32>
      %swap3A_791 = arith.constant 640 : index
      %swap3A_792 = tpu.vector_load %arg7[%swap3A_791] {strides = array<i32>} : memref<1024xf32, #tpu.memory_space<vmem>>, vector<16xf32>,
      tpu.vector_store %arg7[%swap3A_791], %select_n3A_790 {strides = array<i32>} : memref<1024xf32, #tpu.memory_space<vmem>>, vector<16xf32>,
      %get3A_793 = arith.constant 656 : index
      %get3A_794 = tpu.vector_load %arg6[%get3A_793] {strides = array<i32>} : memref<1024xi32, #tpu.memory_space<vmem>>, vector<16xi32>,
      %ge3A_795 = arith.constant 99968 : i32
      %ge3A_796 = vector.broadcast %ge3A_795 : i32 to vector<16xi32>
      %ge3A_797 = arith.cmpi sge, %get3A_794, %ge3A_796 : vector<16xi32>
      %sub3A_798 = arith.constant 99968 : i32
      %sub3A_799 = vector.broadcast %sub3A_798 : i32 to vector<16xi32>
      %sub3A_800 = arith.subi %get3A_794, %sub3A_799 : vector<16xi32>
      %jit3A_801 = arith.constant 0 : i32
      %broadcast_in_dim3A_802 = vector.broadcast %jit3A_801 : i32 to vector<16xi32>
      %select_n3A_803 = arith.select %ge3A_797, %sub3A_800, %broadcast_in_dim3A_802 : vector<16xi1>, vector<16xi32>
      %broadcast_in_dim3A_804 = arith.constant 5 : i32
      %broadcast_in_dim3A_805 = vector.broadcast %broadcast_in_dim3A_804 : i32 to vector<16xi32>
      %gather3A_806 = tpu.vector_load_idx %arg9[%broadcast_in_dim3A_805, %select_n3A_803] : memref<8x32xf32, #tpu.memory_space<vmem>>[vector<16xi32>, vector<16xi32>], vector<16xf32>,
      %get3A_807 = arith.constant 656 : index
      %get3A_808 = tpu.vector_load %arg7[%get3A_807] {strides = array<i32>} : memref<1024xf32, #tpu.memory_space<vmem>>, vector<16xf32>,
      %select_n3A_809 = arith.select %ge3A_797, %gather3A_806, %get3A_808 : vector<16xi1>, vector<16xf32>
      %swap3A_810 = arith.constant 656 : index
      %swap3A_811 = tpu.vector_load %arg7[%swap3A_810] {strides = array<i32>} : memref<1024xf32, #tpu.memory_space<vmem>>, vector<16xf32>,
      tpu.vector_store %arg7[%swap3A_810], %select_n3A_809 {strides = array<i32>} : memref<1024xf32, #tpu.memory_space<vmem>>, vector<16xf32>,
      %get3A_812 = arith.constant 672 : index
      %get3A_813 = tpu.vector_load %arg6[%get3A_812] {strides = array<i32>} : memref<1024xi32, #tpu.memory_space<vmem>>, vector<16xi32>,
      %ge3A_814 = arith.constant 99968 : i32
      %ge3A_815 = vector.broadcast %ge3A_814 : i32 to vector<16xi32>
      %ge3A_816 = arith.cmpi sge, %get3A_813, %ge3A_815 : vector<16xi32>
      %sub3A_817 = arith.constant 99968 : i32
      %sub3A_818 = vector.broadcast %sub3A_817 : i32 to vector<16xi32>
      %sub3A_819 = arith.subi %get3A_813, %sub3A_818 : vector<16xi32>
      %jit3A_820 = arith.constant 0 : i32
      %broadcast_in_dim3A_821 = vector.broadcast %jit3A_820 : i32 to vector<16xi32>
      %select_n3A_822 = arith.select %ge3A_816, %sub3A_819, %broadcast_in_dim3A_821 : vector<16xi1>, vector<16xi32>
      %broadcast_in_dim3A_823 = arith.constant 5 : i32
      %broadcast_in_dim3A_824 = vector.broadcast %broadcast_in_dim3A_823 : i32 to vector<16xi32>
      %gather3A_825 = tpu.vector_load_idx %arg9[%broadcast_in_dim3A_824, %select_n3A_822] : memref<8x32xf32, #tpu.memory_space<vmem>>[vector<16xi32>, vector<16xi32>], vector<16xf32>,
      %get3A_826 = arith.constant 672 : index
      %get3A_827 = tpu.vector_load %arg7[%get3A_826] {strides = array<i32>} : memref<1024xf32, #tpu.memory_space<vmem>>, vector<16xf32>,
      %select_n3A_828 = arith.select %ge3A_816, %gather3A_825, %get3A_827 : vector<16xi1>, vector<16xf32>
      %swap3A_829 = arith.constant 672 : index
      %swap3A_830 = tpu.vector_load %arg7[%swap3A_829] {strides = array<i32>} : memref<1024xf32, #tpu.memory_space<vmem>>, vector<16xf32>,
      tpu.vector_store %arg7[%swap3A_829], %select_n3A_828 {strides = array<i32>} : memref<1024xf32, #tpu.memory_space<vmem>>, vector<16xf32>,
      %get3A_831 = arith.constant 688 : index
      %get3A_832 = tpu.vector_load %arg6[%get3A_831] {strides = array<i32>} : memref<1024xi32, #tpu.memory_space<vmem>>, vector<16xi32>,
      %ge3A_833 = arith.constant 99968 : i32
      %ge3A_834 = vector.broadcast %ge3A_833 : i32 to vector<16xi32>
      %ge3A_835 = arith.cmpi sge, %get3A_832, %ge3A_834 : vector<16xi32>
      %sub3A_836 = arith.constant 99968 : i32
      %sub3A_837 = vector.broadcast %sub3A_836 : i32 to vector<16xi32>
      %sub3A_838 = arith.subi %get3A_832, %sub3A_837 : vector<16xi32>
      %jit3A_839 = arith.constant 0 : i32
      %broadcast_in_dim3A_840 = vector.broadcast %jit3A_839 : i32 to vector<16xi32>
      %select_n3A_841 = arith.select %ge3A_835, %sub3A_838, %broadcast_in_dim3A_840 : vector<16xi1>, vector<16xi32>
      %broadcast_in_dim3A_842 = arith.constant 5 : i32
      %broadcast_in_dim3A_843 = vector.broadcast %broadcast_in_dim3A_842 : i32 to vector<16xi32>
      %gather3A_844 = tpu.vector_load_idx %arg9[%broadcast_in_dim3A_843, %select_n3A_841] : memref<8x32xf32, #tpu.memory_space<vmem>>[vector<16xi32>, vector<16xi32>], vector<16xf32>,
      %get3A_845 = arith.constant 688 : index
      %get3A_846 = tpu.vector_load %arg7[%get3A_845] {strides = array<i32>} : memref<1024xf32, #tpu.memory_space<vmem>>, vector<16xf32>,
      %select_n3A_847 = arith.select %ge3A_835, %gather3A_844, %get3A_846 : vector<16xi1>, vector<16xf32>
      %swap3A_848 = arith.constant 688 : index
      %swap3A_849 = tpu.vector_load %arg7[%swap3A_848] {strides = array<i32>} : memref<1024xf32, #tpu.memory_space<vmem>>, vector<16xf32>,
      tpu.vector_store %arg7[%swap3A_848], %select_n3A_847 {strides = array<i32>} : memref<1024xf32, #tpu.memory_space<vmem>>, vector<16xf32>,
      %get3A_850 = arith.constant 704 : index
      %get3A_851 = tpu.vector_load %arg6[%get3A_850] {strides = array<i32>} : memref<1024xi32, #tpu.memory_space<vmem>>, vector<16xi32>,
      %ge3A_852 = arith.constant 99968 : i32
      %ge3A_853 = vector.broadcast %ge3A_852 : i32 to vector<16xi32>
      %ge3A_854 = arith.cmpi sge, %get3A_851, %ge3A_853 : vector<16xi32>
      %sub3A_855 = arith.constant 99968 : i32
      %sub3A_856 = vector.broadcast %sub3A_855 : i32 to vector<16xi32>
      %sub3A_857 = arith.subi %get3A_851, %sub3A_856 : vector<16xi32>
      %jit3A_858 = arith.constant 0 : i32
      %broadcast_in_dim3A_859 = vector.broadcast %jit3A_858 : i32 to vector<16xi32>
      %select_n3A_860 = arith.select %ge3A_854, %sub3A_857, %broadcast_in_dim3A_859 : vector<16xi1>, vector<16xi32>
      %broadcast_in_dim3A_861 = arith.constant 5 : i32
      %broadcast_in_dim3A_862 = vector.broadcast %broadcast_in_dim3A_861 : i32 to vector<16xi32>
      %gather3A_863 = tpu.vector_load_idx %arg9[%broadcast_in_dim3A_862, %select_n3A_860] : memref<8x32xf32, #tpu.memory_space<vmem>>[vector<16xi32>, vector<16xi32>], vector<16xf32>,
      %get3A_864 = arith.constant 704 : index
      %get3A_865 = tpu.vector_load %arg7[%get3A_864] {strides = array<i32>} : memref<1024xf32, #tpu.memory_space<vmem>>, vector<16xf32>,
      %select_n3A_866 = arith.select %ge3A_854, %gather3A_863, %get3A_865 : vector<16xi1>, vector<16xf32>
      %swap3A_867 = arith.constant 704 : index
      %swap3A_868 = tpu.vector_load %arg7[%swap3A_867] {strides = array<i32>} : memref<1024xf32, #tpu.memory_space<vmem>>, vector<16xf32>,
      tpu.vector_store %arg7[%swap3A_867], %select_n3A_866 {strides = array<i32>} : memref<1024xf32, #tpu.memory_space<vmem>>, vector<16xf32>,
      %get3A_869 = arith.constant 720 : index
      %get3A_870 = tpu.vector_load %arg6[%get3A_869] {strides = array<i32>} : memref<1024xi32, #tpu.memory_space<vmem>>, vector<16xi32>,
      %ge3A_871 = arith.constant 99968 : i32
      %ge3A_872 = vector.broadcast %ge3A_871 : i32 to vector<16xi32>
      %ge3A_873 = arith.cmpi sge, %get3A_870, %ge3A_872 : vector<16xi32>
      %sub3A_874 = arith.constant 99968 : i32
      %sub3A_875 = vector.broadcast %sub3A_874 : i32 to vector<16xi32>
      %sub3A_876 = arith.subi %get3A_870, %sub3A_875 : vector<16xi32>
      %jit3A_877 = arith.constant 0 : i32
      %broadcast_in_dim3A_878 = vector.broadcast %jit3A_877 : i32 to vector<16xi32>
      %select_n3A_879 = arith.select %ge3A_873, %sub3A_876, %broadcast_in_dim3A_878 : vector<16xi1>, vector<16xi32>
      %broadcast_in_dim3A_880 = arith.constant 5 : i32
      %broadcast_in_dim3A_881 = vector.broadcast %broadcast_in_dim3A_880 : i32 to vector<16xi32>
      %gather3A_882 = tpu.vector_load_idx %arg9[%broadcast_in_dim3A_881, %select_n3A_879] : memref<8x32xf32, #tpu.memory_space<vmem>>[vector<16xi32>, vector<16xi32>], vector<16xf32>,
      %get3A_883 = arith.constant 720 : index
      %get3A_884 = tpu.vector_load %arg7[%get3A_883] {strides = array<i32>} : memref<1024xf32, #tpu.memory_space<vmem>>, vector<16xf32>,
      %select_n3A_885 = arith.select %ge3A_873, %gather3A_882, %get3A_884 : vector<16xi1>, vector<16xf32>
      %swap3A_886 = arith.constant 720 : index
      %swap3A_887 = tpu.vector_load %arg7[%swap3A_886] {strides = array<i32>} : memref<1024xf32, #tpu.memory_space<vmem>>, vector<16xf32>,
      tpu.vector_store %arg7[%swap3A_886], %select_n3A_885 {strides = array<i32>} : memref<1024xf32, #tpu.memory_space<vmem>>, vector<16xf32>,
      %get3A_888 = arith.constant 736 : index
      %get3A_889 = tpu.vector_load %arg6[%get3A_888] {strides = array<i32>} : memref<1024xi32, #tpu.memory_space<vmem>>, vector<16xi32>,
      %ge3A_890 = arith.constant 99968 : i32
      %ge3A_891 = vector.broadcast %ge3A_890 : i32 to vector<16xi32>
      %ge3A_892 = arith.cmpi sge, %get3A_889, %ge3A_891 : vector<16xi32>
      %sub3A_893 = arith.constant 99968 : i32
      %sub3A_894 = vector.broadcast %sub3A_893 : i32 to vector<16xi32>
      %sub3A_895 = arith.subi %get3A_889, %sub3A_894 : vector<16xi32>
      %jit3A_896 = arith.constant 0 : i32
      %broadcast_in_dim3A_897 = vector.broadcast %jit3A_896 : i32 to vector<16xi32>
      %select_n3A_898 = arith.select %ge3A_892, %sub3A_895, %broadcast_in_dim3A_897 : vector<16xi1>, vector<16xi32>
      %broadcast_in_dim3A_899 = arith.constant 5 : i32
      %broadcast_in_dim3A_900 = vector.broadcast %broadcast_in_dim3A_899 : i32 to vector<16xi32>
      %gather3A_901 = tpu.vector_load_idx %arg9[%broadcast_in_dim3A_900, %select_n3A_898] : memref<8x32xf32, #tpu.memory_space<vmem>>[vector<16xi32>, vector<16xi32>], vector<16xf32>,
      %get3A_902 = arith.constant 736 : index
      %get3A_903 = tpu.vector_load %arg7[%get3A_902] {strides = array<i32>} : memref<1024xf32, #tpu.memory_space<vmem>>, vector<16xf32>,
      %select_n3A_904 = arith.select %ge3A_892, %gather3A_901, %get3A_903 : vector<16xi1>, vector<16xf32>
      %swap3A_905 = arith.constant 736 : index
      %swap3A_906 = tpu.vector_load %arg7[%swap3A_905] {strides = array<i32>} : memref<1024xf32, #tpu.memory_space<vmem>>, vector<16xf32>,
      tpu.vector_store %arg7[%swap3A_905], %select_n3A_904 {strides = array<i32>} : memref<1024xf32, #tpu.memory_space<vmem>>, vector<16xf32>,
      %get3A_907 = arith.constant 752 : index
      %get3A_908 = tpu.vector_load %arg6[%get3A_907] {strides = array<i32>} : memref<1024xi32, #tpu.memory_space<vmem>>, vector<16xi32>,
      %ge3A_909 = arith.constant 99968 : i32
      %ge3A_910 = vector.broadcast %ge3A_909 : i32 to vector<16xi32>
      %ge3A_911 = arith.cmpi sge, %get3A_908, %ge3A_910 : vector<16xi32>
      %sub3A_912 = arith.constant 99968 : i32
      %sub3A_913 = vector.broadcast %sub3A_912 : i32 to vector<16xi32>
      %sub3A_914 = arith.subi %get3A_908, %sub3A_913 : vector<16xi32>
      %jit3A_915 = arith.constant 0 : i32
      %broadcast_in_dim3A_916 = vector.broadcast %jit3A_915 : i32 to vector<16xi32>
      %select_n3A_917 = arith.select %ge3A_911, %sub3A_914, %broadcast_in_dim3A_916 : vector<16xi1>, vector<16xi32>
      %broadcast_in_dim3A_918 = arith.constant 5 : i32
      %broadcast_in_dim3A_919 = vector.broadcast %broadcast_in_dim3A_918 : i32 to vector<16xi32>
      %gather3A_920 = tpu.vector_load_idx %arg9[%broadcast_in_dim3A_919, %select_n3A_917] : memref<8x32xf32, #tpu.memory_space<vmem>>[vector<16xi32>, vector<16xi32>], vector<16xf32>,
      %get3A_921 = arith.constant 752 : index
      %get3A_922 = tpu.vector_load %arg7[%get3A_921] {strides = array<i32>} : memref<1024xf32, #tpu.memory_space<vmem>>, vector<16xf32>,
      %select_n3A_923 = arith.select %ge3A_911, %gather3A_920, %get3A_922 : vector<16xi1>, vector<16xf32>
      %swap3A_924 = arith.constant 752 : index
      %swap3A_925 = tpu.vector_load %arg7[%swap3A_924] {strides = array<i32>} : memref<1024xf32, #tpu.memory_space<vmem>>, vector<16xf32>,
      tpu.vector_store %arg7[%swap3A_924], %select_n3A_923 {strides = array<i32>} : memref<1024xf32, #tpu.memory_space<vmem>>, vector<16xf32>,
      %get3A_926 = arith.constant 768 : index
      %get3A_927 = tpu.vector_load %arg6[%get3A_926] {strides = array<i32>} : memref<1024xi32, #tpu.memory_space<vmem>>, vector<16xi32>,
      %ge3A_928 = arith.constant 99968 : i32
      %ge3A_929 = vector.broadcast %ge3A_928 : i32 to vector<16xi32>
      %ge3A_930 = arith.cmpi sge, %get3A_927, %ge3A_929 : vector<16xi32>
      %sub3A_931 = arith.constant 99968 : i32
      %sub3A_932 = vector.broadcast %sub3A_931 : i32 to vector<16xi32>
      %sub3A_933 = arith.subi %get3A_927, %sub3A_932 : vector<16xi32>
      %jit3A_934 = arith.constant 0 : i32
      %broadcast_in_dim3A_935 = vector.broadcast %jit3A_934 : i32 to vector<16xi32>
      %select_n3A_936 = arith.select %ge3A_930, %sub3A_933, %broadcast_in_dim3A_935 : vector<16xi1>, vector<16xi32>
      %broadcast_in_dim3A_937 = arith.constant 6 : i32
      %broadcast_in_dim3A_938 = vector.broadcast %broadcast_in_dim3A_937 : i32 to vector<16xi32>
      %gather3A_939 = tpu.vector_load_idx %arg9[%broadcast_in_dim3A_938, %select_n3A_936] : memref<8x32xf32, #tpu.memory_space<vmem>>[vector<16xi32>, vector<16xi32>], vector<16xf32>,
      %get3A_940 = arith.constant 768 : index
      %get3A_941 = tpu.vector_load %arg7[%get3A_940] {strides = array<i32>} : memref<1024xf32, #tpu.memory_space<vmem>>, vector<16xf32>,
      %select_n3A_942 = arith.select %ge3A_930, %gather3A_939, %get3A_941 : vector<16xi1>, vector<16xf32>
      %swap3A_943 = arith.constant 768 : index
      %swap3A_944 = tpu.vector_load %arg7[%swap3A_943] {strides = array<i32>} : memref<1024xf32, #tpu.memory_space<vmem>>, vector<16xf32>,
      tpu.vector_store %arg7[%swap3A_943], %select_n3A_942 {strides = array<i32>} : memref<1024xf32, #tpu.memory_space<vmem>>, vector<16xf32>,
      %get3A_945 = arith.constant 784 : index
      %get3A_946 = tpu.vector_load %arg6[%get3A_945] {strides = array<i32>} : memref<1024xi32, #tpu.memory_space<vmem>>, vector<16xi32>,
      %ge3A_947 = arith.constant 99968 : i32
      %ge3A_948 = vector.broadcast %ge3A_947 : i32 to vector<16xi32>
      %ge3A_949 = arith.cmpi sge, %get3A_946, %ge3A_948 : vector<16xi32>
      %sub3A_950 = arith.constant 99968 : i32
      %sub3A_951 = vector.broadcast %sub3A_950 : i32 to vector<16xi32>
      %sub3A_952 = arith.subi %get3A_946, %sub3A_951 : vector<16xi32>
      %jit3A_953 = arith.constant 0 : i32
      %broadcast_in_dim3A_954 = vector.broadcast %jit3A_953 : i32 to vector<16xi32>
      %select_n3A_955 = arith.select %ge3A_949, %sub3A_952, %broadcast_in_dim3A_954 : vector<16xi1>, vector<16xi32>
      %broadcast_in_dim3A_956 = arith.constant 6 : i32
      %broadcast_in_dim3A_957 = vector.broadcast %broadcast_in_dim3A_956 : i32 to vector<16xi32>
      %gather3A_958 = tpu.vector_load_idx %arg9[%broadcast_in_dim3A_957, %select_n3A_955] : memref<8x32xf32, #tpu.memory_space<vmem>>[vector<16xi32>, vector<16xi32>], vector<16xf32>,
      %get3A_959 = arith.constant 784 : index
      %get3A_960 = tpu.vector_load %arg7[%get3A_959] {strides = array<i32>} : memref<1024xf32, #tpu.memory_space<vmem>>, vector<16xf32>,
      %select_n3A_961 = arith.select %ge3A_949, %gather3A_958, %get3A_960 : vector<16xi1>, vector<16xf32>
      %swap3A_962 = arith.constant 784 : index
      %swap3A_963 = tpu.vector_load %arg7[%swap3A_962] {strides = array<i32>} : memref<1024xf32, #tpu.memory_space<vmem>>, vector<16xf32>,
      tpu.vector_store %arg7[%swap3A_962], %select_n3A_961 {strides = array<i32>} : memref<1024xf32, #tpu.memory_space<vmem>>, vector<16xf32>,
      %get3A_964 = arith.constant 800 : index
      %get3A_965 = tpu.vector_load %arg6[%get3A_964] {strides = array<i32>} : memref<1024xi32, #tpu.memory_space<vmem>>, vector<16xi32>,
      %ge3A_966 = arith.constant 99968 : i32
      %ge3A_967 = vector.broadcast %ge3A_966 : i32 to vector<16xi32>
      %ge3A_968 = arith.cmpi sge, %get3A_965, %ge3A_967 : vector<16xi32>
      %sub3A_969 = arith.constant 99968 : i32
      %sub3A_970 = vector.broadcast %sub3A_969 : i32 to vector<16xi32>
      %sub3A_971 = arith.subi %get3A_965, %sub3A_970 : vector<16xi32>
      %jit3A_972 = arith.constant 0 : i32
      %broadcast_in_dim3A_973 = vector.broadcast %jit3A_972 : i32 to vector<16xi32>
      %select_n3A_974 = arith.select %ge3A_968, %sub3A_971, %broadcast_in_dim3A_973 : vector<16xi1>, vector<16xi32>
      %broadcast_in_dim3A_975 = arith.constant 6 : i32
      %broadcast_in_dim3A_976 = vector.broadcast %broadcast_in_dim3A_975 : i32 to vector<16xi32>
      %gather3A_977 = tpu.vector_load_idx %arg9[%broadcast_in_dim3A_976, %select_n3A_974] : memref<8x32xf32, #tpu.memory_space<vmem>>[vector<16xi32>, vector<16xi32>], vector<16xf32>,
      %get3A_978 = arith.constant 800 : index
      %get3A_979 = tpu.vector_load %arg7[%get3A_978] {strides = array<i32>} : memref<1024xf32, #tpu.memory_space<vmem>>, vector<16xf32>,
      %select_n3A_980 = arith.select %ge3A_968, %gather3A_977, %get3A_979 : vector<16xi1>, vector<16xf32>
      %swap3A_981 = arith.constant 800 : index
      %swap3A_982 = tpu.vector_load %arg7[%swap3A_981] {strides = array<i32>} : memref<1024xf32, #tpu.memory_space<vmem>>, vector<16xf32>,
      tpu.vector_store %arg7[%swap3A_981], %select_n3A_980 {strides = array<i32>} : memref<1024xf32, #tpu.memory_space<vmem>>, vector<16xf32>,
      %get3A_983 = arith.constant 816 : index
      %get3A_984 = tpu.vector_load %arg6[%get3A_983] {strides = array<i32>} : memref<1024xi32, #tpu.memory_space<vmem>>, vector<16xi32>,
      %ge3A_985 = arith.constant 99968 : i32
      %ge3A_986 = vector.broadcast %ge3A_985 : i32 to vector<16xi32>
      %ge3A_987 = arith.cmpi sge, %get3A_984, %ge3A_986 : vector<16xi32>
      %sub3A_988 = arith.constant 99968 : i32
      %sub3A_989 = vector.broadcast %sub3A_988 : i32 to vector<16xi32>
      %sub3A_990 = arith.subi %get3A_984, %sub3A_989 : vector<16xi32>
      %jit3A_991 = arith.constant 0 : i32
      %broadcast_in_dim3A_992 = vector.broadcast %jit3A_991 : i32 to vector<16xi32>
      %select_n3A_993 = arith.select %ge3A_987, %sub3A_990, %broadcast_in_dim3A_992 : vector<16xi1>, vector<16xi32>
      %broadcast_in_dim3A_994 = arith.constant 6 : i32
      %broadcast_in_dim3A_995 = vector.broadcast %broadcast_in_dim3A_994 : i32 to vector<16xi32>
      %gather3A_996 = tpu.vector_load_idx %arg9[%broadcast_in_dim3A_995, %select_n3A_993] : memref<8x32xf32, #tpu.memory_space<vmem>>[vector<16xi32>, vector<16xi32>], vector<16xf32>,
      %get3A_997 = arith.constant 816 : index
      %get3A_998 = tpu.vector_load %arg7[%get3A_997] {strides = array<i32>} : memref<1024xf32, #tpu.memory_space<vmem>>, vector<16xf32>,
      %select_n3A_999 = arith.select %ge3A_987, %gather3A_996, %get3A_998 : vector<16xi1>, vector<16xf32>
      %swap3A_1000 = arith.constant 816 : index
      %swap3A_1001 = tpu.vector_load %arg7[%swap3A_1000] {strides = array<i32>} : memref<1024xf32, #tpu.memory_space<vmem>>, vector<16xf32>,
      tpu.vector_store %arg7[%swap3A_1000], %select_n3A_999 {strides = array<i32>} : memref<1024xf32, #tpu.memory_space<vmem>>, vector<16xf32>,
      %get3A_1002 = arith.constant 832 : index
      %get3A_1003 = tpu.vector_load %arg6[%get3A_1002] {strides = array<i32>} : memref<1024xi32, #tpu.memory_space<vmem>>, vector<16xi32>,
      %ge3A_1004 = arith.constant 99968 : i32
      %ge3A_1005 = vector.broadcast %ge3A_1004 : i32 to vector<16xi32>
      %ge3A_1006 = arith.cmpi sge, %get3A_1003, %ge3A_1005 : vector<16xi32>
      %sub3A_1007 = arith.constant 99968 : i32
      %sub3A_1008 = vector.broadcast %sub3A_1007 : i32 to vector<16xi32>
      %sub3A_1009 = arith.subi %get3A_1003, %sub3A_1008 : vector<16xi32>
      %jit3A_1010 = arith.constant 0 : i32
      %broadcast_in_dim3A_1011 = vector.broadcast %jit3A_1010 : i32 to vector<16xi32>
      %select_n3A_1012 = arith.select %ge3A_1006, %sub3A_1009, %broadcast_in_dim3A_1011 : vector<16xi1>, vector<16xi32>
      %broadcast_in_dim3A_1013 = arith.constant 6 : i32
      %broadcast_in_dim3A_1014 = vector.broadcast %broadcast_in_dim3A_1013 : i32 to vector<16xi32>
      %gather3A_1015 = tpu.vector_load_idx %arg9[%broadcast_in_dim3A_1014, %select_n3A_1012] : memref<8x32xf32, #tpu.memory_space<vmem>>[vector<16xi32>, vector<16xi32>], vector<16xf32>,
      %get3A_1016 = arith.constant 832 : index
      %get3A_1017 = tpu.vector_load %arg7[%get3A_1016] {strides = array<i32>} : memref<1024xf32, #tpu.memory_space<vmem>>, vector<16xf32>,
      %select_n3A_1018 = arith.select %ge3A_1006, %gather3A_1015, %get3A_1017 : vector<16xi1>, vector<16xf32>
      %swap3A_1019 = arith.constant 832 : index
      %swap3A_1020 = tpu.vector_load %arg7[%swap3A_1019] {strides = array<i32>} : memref<1024xf32, #tpu.memory_space<vmem>>, vector<16xf32>,
      tpu.vector_store %arg7[%swap3A_1019], %select_n3A_1018 {strides = array<i32>} : memref<1024xf32, #tpu.memory_space<vmem>>, vector<16xf32>,
      %get3A_1021 = arith.constant 848 : index
      %get3A_1022 = tpu.vector_load %arg6[%get3A_1021] {strides = array<i32>} : memref<1024xi32, #tpu.memory_space<vmem>>, vector<16xi32>,
      %ge3A_1023 = arith.constant 99968 : i32
      %ge3A_1024 = vector.broadcast %ge3A_1023 : i32 to vector<16xi32>
      %ge3A_1025 = arith.cmpi sge, %get3A_1022, %ge3A_1024 : vector<16xi32>
      %sub3A_1026 = arith.constant 99968 : i32
      %sub3A_1027 = vector.broadcast %sub3A_1026 : i32 to vector<16xi32>
      %sub3A_1028 = arith.subi %get3A_1022, %sub3A_1027 : vector<16xi32>
      %jit3A_1029 = arith.constant 0 : i32
      %broadcast_in_dim3A_1030 = vector.broadcast %jit3A_1029 : i32 to vector<16xi32>
      %select_n3A_1031 = arith.select %ge3A_1025, %sub3A_1028, %broadcast_in_dim3A_1030 : vector<16xi1>, vector<16xi32>
      %broadcast_in_dim3A_1032 = arith.constant 6 : i32
      %broadcast_in_dim3A_1033 = vector.broadcast %broadcast_in_dim3A_1032 : i32 to vector<16xi32>
      %gather3A_1034 = tpu.vector_load_idx %arg9[%broadcast_in_dim3A_1033, %select_n3A_1031] : memref<8x32xf32, #tpu.memory_space<vmem>>[vector<16xi32>, vector<16xi32>], vector<16xf32>,
      %get3A_1035 = arith.constant 848 : index
      %get3A_1036 = tpu.vector_load %arg7[%get3A_1035] {strides = array<i32>} : memref<1024xf32, #tpu.memory_space<vmem>>, vector<16xf32>,
      %select_n3A_1037 = arith.select %ge3A_1025, %gather3A_1034, %get3A_1036 : vector<16xi1>, vector<16xf32>
      %swap3A_1038 = arith.constant 848 : index
      %swap3A_1039 = tpu.vector_load %arg7[%swap3A_1038] {strides = array<i32>} : memref<1024xf32, #tpu.memory_space<vmem>>, vector<16xf32>,
      tpu.vector_store %arg7[%swap3A_1038], %select_n3A_1037 {strides = array<i32>} : memref<1024xf32, #tpu.memory_space<vmem>>, vector<16xf32>,
      %get3A_1040 = arith.constant 864 : index
      %get3A_1041 = tpu.vector_load %arg6[%get3A_1040] {strides = array<i32>} : memref<1024xi32, #tpu.memory_space<vmem>>, vector<16xi32>,
      %ge3A_1042 = arith.constant 99968 : i32
      %ge3A_1043 = vector.broadcast %ge3A_1042 : i32 to vector<16xi32>
      %ge3A_1044 = arith.cmpi sge, %get3A_1041, %ge3A_1043 : vector<16xi32>
      %sub3A_1045 = arith.constant 99968 : i32
      %sub3A_1046 = vector.broadcast %sub3A_1045 : i32 to vector<16xi32>
      %sub3A_1047 = arith.subi %get3A_1041, %sub3A_1046 : vector<16xi32>
      %jit3A_1048 = arith.constant 0 : i32
      %broadcast_in_dim3A_1049 = vector.broadcast %jit3A_1048 : i32 to vector<16xi32>
      %select_n3A_1050 = arith.select %ge3A_1044, %sub3A_1047, %broadcast_in_dim3A_1049 : vector<16xi1>, vector<16xi32>
      %broadcast_in_dim3A_1051 = arith.constant 6 : i32
      %broadcast_in_dim3A_1052 = vector.broadcast %broadcast_in_dim3A_1051 : i32 to vector<16xi32>
      %gather3A_1053 = tpu.vector_load_idx %arg9[%broadcast_in_dim3A_1052, %select_n3A_1050] : memref<8x32xf32, #tpu.memory_space<vmem>>[vector<16xi32>, vector<16xi32>], vector<16xf32>,
      %get3A_1054 = arith.constant 864 : index
      %get3A_1055 = tpu.vector_load %arg7[%get3A_1054] {strides = array<i32>} : memref<1024xf32, #tpu.memory_space<vmem>>, vector<16xf32>,
      %select_n3A_1056 = arith.select %ge3A_1044, %gather3A_1053, %get3A_1055 : vector<16xi1>, vector<16xf32>
      %swap3A_1057 = arith.constant 864 : index
      %swap3A_1058 = tpu.vector_load %arg7[%swap3A_1057] {strides = array<i32>} : memref<1024xf32, #tpu.memory_space<vmem>>, vector<16xf32>,
      tpu.vector_store %arg7[%swap3A_1057], %select_n3A_1056 {strides = array<i32>} : memref<1024xf32, #tpu.memory_space<vmem>>, vector<16xf32>,
      %get3A_1059 = arith.constant 880 : index
      %get3A_1060 = tpu.vector_load %arg6[%get3A_1059] {strides = array<i32>} : memref<1024xi32, #tpu.memory_space<vmem>>, vector<16xi32>,
      %ge3A_1061 = arith.constant 99968 : i32
      %ge3A_1062 = vector.broadcast %ge3A_1061 : i32 to vector<16xi32>
      %ge3A_1063 = arith.cmpi sge, %get3A_1060, %ge3A_1062 : vector<16xi32>
      %sub3A_1064 = arith.constant 99968 : i32
      %sub3A_1065 = vector.broadcast %sub3A_1064 : i32 to vector<16xi32>
      %sub3A_1066 = arith.subi %get3A_1060, %sub3A_1065 : vector<16xi32>
      %jit3A_1067 = arith.constant 0 : i32
      %broadcast_in_dim3A_1068 = vector.broadcast %jit3A_1067 : i32 to vector<16xi32>
      %select_n3A_1069 = arith.select %ge3A_1063, %sub3A_1066, %broadcast_in_dim3A_1068 : vector<16xi1>, vector<16xi32>
      %broadcast_in_dim3A_1070 = arith.constant 6 : i32
      %broadcast_in_dim3A_1071 = vector.broadcast %broadcast_in_dim3A_1070 : i32 to vector<16xi32>
      %gather3A_1072 = tpu.vector_load_idx %arg9[%broadcast_in_dim3A_1071, %select_n3A_1069] : memref<8x32xf32, #tpu.memory_space<vmem>>[vector<16xi32>, vector<16xi32>], vector<16xf32>,
      %get3A_1073 = arith.constant 880 : index
      %get3A_1074 = tpu.vector_load %arg7[%get3A_1073] {strides = array<i32>} : memref<1024xf32, #tpu.memory_space<vmem>>, vector<16xf32>,
      %select_n3A_1075 = arith.select %ge3A_1063, %gather3A_1072, %get3A_1074 : vector<16xi1>, vector<16xf32>
      %swap3A_1076 = arith.constant 880 : index
      %swap3A_1077 = tpu.vector_load %arg7[%swap3A_1076] {strides = array<i32>} : memref<1024xf32, #tpu.memory_space<vmem>>, vector<16xf32>,
      tpu.vector_store %arg7[%swap3A_1076], %select_n3A_1075 {strides = array<i32>} : memref<1024xf32, #tpu.memory_space<vmem>>, vector<16xf32>,
      %get3A_1078 = arith.constant 896 : index
      %get3A_1079 = tpu.vector_load %arg6[%get3A_1078] {strides = array<i32>} : memref<1024xi32, #tpu.memory_space<vmem>>, vector<16xi32>,
      %ge3A_1080 = arith.constant 99968 : i32
      %ge3A_1081 = vector.broadcast %ge3A_1080 : i32 to vector<16xi32>
      %ge3A_1082 = arith.cmpi sge, %get3A_1079, %ge3A_1081 : vector<16xi32>
      %sub3A_1083 = arith.constant 99968 : i32
      %sub3A_1084 = vector.broadcast %sub3A_1083 : i32 to vector<16xi32>
      %sub3A_1085 = arith.subi %get3A_1079, %sub3A_1084 : vector<16xi32>
      %jit3A_1086 = arith.constant 0 : i32
      %broadcast_in_dim3A_1087 = vector.broadcast %jit3A_1086 : i32 to vector<16xi32>
      %select_n3A_1088 = arith.select %ge3A_1082, %sub3A_1085, %broadcast_in_dim3A_1087 : vector<16xi1>, vector<16xi32>
      %broadcast_in_dim3A_1089 = arith.constant 7 : i32
      %broadcast_in_dim3A_1090 = vector.broadcast %broadcast_in_dim3A_1089 : i32 to vector<16xi32>
      %gather3A_1091 = tpu.vector_load_idx %arg9[%broadcast_in_dim3A_1090, %select_n3A_1088] : memref<8x32xf32, #tpu.memory_space<vmem>>[vector<16xi32>, vector<16xi32>], vector<16xf32>,
      %get3A_1092 = arith.constant 896 : index
      %get3A_1093 = tpu.vector_load %arg7[%get3A_1092] {strides = array<i32>} : memref<1024xf32, #tpu.memory_space<vmem>>, vector<16xf32>,
      %select_n3A_1094 = arith.select %ge3A_1082, %gather3A_1091, %get3A_1093 : vector<16xi1>, vector<16xf32>
      %swap3A_1095 = arith.constant 896 : index
      %swap3A_1096 = tpu.vector_load %arg7[%swap3A_1095] {strides = array<i32>} : memref<1024xf32, #tpu.memory_space<vmem>>, vector<16xf32>,
      tpu.vector_store %arg7[%swap3A_1095], %select_n3A_1094 {strides = array<i32>} : memref<1024xf32, #tpu.memory_space<vmem>>, vector<16xf32>,
      %get3A_1097 = arith.constant 912 : index
      %get3A_1098 = tpu.vector_load %arg6[%get3A_1097] {strides = array<i32>} : memref<1024xi32, #tpu.memory_space<vmem>>, vector<16xi32>,
      %ge3A_1099 = arith.constant 99968 : i32
      %ge3A_1100 = vector.broadcast %ge3A_1099 : i32 to vector<16xi32>
      %ge3A_1101 = arith.cmpi sge, %get3A_1098, %ge3A_1100 : vector<16xi32>
      %sub3A_1102 = arith.constant 99968 : i32
      %sub3A_1103 = vector.broadcast %sub3A_1102 : i32 to vector<16xi32>
      %sub3A_1104 = arith.subi %get3A_1098, %sub3A_1103 : vector<16xi32>
      %jit3A_1105 = arith.constant 0 : i32
      %broadcast_in_dim3A_1106 = vector.broadcast %jit3A_1105 : i32 to vector<16xi32>
      %select_n3A_1107 = arith.select %ge3A_1101, %sub3A_1104, %broadcast_in_dim3A_1106 : vector<16xi1>, vector<16xi32>
      %broadcast_in_dim3A_1108 = arith.constant 7 : i32
      %broadcast_in_dim3A_1109 = vector.broadcast %broadcast_in_dim3A_1108 : i32 to vector<16xi32>
      %gather3A_1110 = tpu.vector_load_idx %arg9[%broadcast_in_dim3A_1109, %select_n3A_1107] : memref<8x32xf32, #tpu.memory_space<vmem>>[vector<16xi32>, vector<16xi32>], vector<16xf32>,
      %get3A_1111 = arith.constant 912 : index
      %get3A_1112 = tpu.vector_load %arg7[%get3A_1111] {strides = array<i32>} : memref<1024xf32, #tpu.memory_space<vmem>>, vector<16xf32>,
      %select_n3A_1113 = arith.select %ge3A_1101, %gather3A_1110, %get3A_1112 : vector<16xi1>, vector<16xf32>
      %swap3A_1114 = arith.constant 912 : index
      %swap3A_1115 = tpu.vector_load %arg7[%swap3A_1114] {strides = array<i32>} : memref<1024xf32, #tpu.memory_space<vmem>>, vector<16xf32>,
      tpu.vector_store %arg7[%swap3A_1114], %select_n3A_1113 {strides = array<i32>} : memref<1024xf32, #tpu.memory_space<vmem>>, vector<16xf32>,
      %get3A_1116 = arith.constant 928 : index
      %get3A_1117 = tpu.vector_load %arg6[%get3A_1116] {strides = array<i32>} : memref<1024xi32, #tpu.memory_space<vmem>>, vector<16xi32>,
      %ge3A_1118 = arith.constant 99968 : i32
      %ge3A_1119 = vector.broadcast %ge3A_1118 : i32 to vector<16xi32>
      %ge3A_1120 = arith.cmpi sge, %get3A_1117, %ge3A_1119 : vector<16xi32>
      %sub3A_1121 = arith.constant 99968 : i32
      %sub3A_1122 = vector.broadcast %sub3A_1121 : i32 to vector<16xi32>
      %sub3A_1123 = arith.subi %get3A_1117, %sub3A_1122 : vector<16xi32>
      %jit3A_1124 = arith.constant 0 : i32
      %broadcast_in_dim3A_1125 = vector.broadcast %jit3A_1124 : i32 to vector<16xi32>
      %select_n3A_1126 = arith.select %ge3A_1120, %sub3A_1123, %broadcast_in_dim3A_1125 : vector<16xi1>, vector<16xi32>
      %broadcast_in_dim3A_1127 = arith.constant 7 : i32
      %broadcast_in_dim3A_1128 = vector.broadcast %broadcast_in_dim3A_1127 : i32 to vector<16xi32>
      %gather3A_1129 = tpu.vector_load_idx %arg9[%broadcast_in_dim3A_1128, %select_n3A_1126] : memref<8x32xf32, #tpu.memory_space<vmem>>[vector<16xi32>, vector<16xi32>], vector<16xf32>,
      %get3A_1130 = arith.constant 928 : index
      %get3A_1131 = tpu.vector_load %arg7[%get3A_1130] {strides = array<i32>} : memref<1024xf32, #tpu.memory_space<vmem>>, vector<16xf32>,
      %select_n3A_1132 = arith.select %ge3A_1120, %gather3A_1129, %get3A_1131 : vector<16xi1>, vector<16xf32>
      %swap3A_1133 = arith.constant 928 : index
      %swap3A_1134 = tpu.vector_load %arg7[%swap3A_1133] {strides = array<i32>} : memref<1024xf32, #tpu.memory_space<vmem>>, vector<16xf32>,
      tpu.vector_store %arg7[%swap3A_1133], %select_n3A_1132 {strides = array<i32>} : memref<1024xf32, #tpu.memory_space<vmem>>, vector<16xf32>,
      %get3A_1135 = arith.constant 944 : index
      %get3A_1136 = tpu.vector_load %arg6[%get3A_1135] {strides = array<i32>} : memref<1024xi32, #tpu.memory_space<vmem>>, vector<16xi32>,
      %ge3A_1137 = arith.constant 99968 : i32
      %ge3A_1138 = vector.broadcast %ge3A_1137 : i32 to vector<16xi32>
      %ge3A_1139 = arith.cmpi sge, %get3A_1136, %ge3A_1138 : vector<16xi32>
      %sub3A_1140 = arith.constant 99968 : i32
      %sub3A_1141 = vector.broadcast %sub3A_1140 : i32 to vector<16xi32>
      %sub3A_1142 = arith.subi %get3A_1136, %sub3A_1141 : vector<16xi32>
      %jit3A_1143 = arith.constant 0 : i32
      %broadcast_in_dim3A_1144 = vector.broadcast %jit3A_1143 : i32 to vector<16xi32>
      %select_n3A_1145 = arith.select %ge3A_1139, %sub3A_1142, %broadcast_in_dim3A_1144 : vector<16xi1>, vector<16xi32>
      %broadcast_in_dim3A_1146 = arith.constant 7 : i32
      %broadcast_in_dim3A_1147 = vector.broadcast %broadcast_in_dim3A_1146 : i32 to vector<16xi32>
      %gather3A_1148 = tpu.vector_load_idx %arg9[%broadcast_in_dim3A_1147, %select_n3A_1145] : memref<8x32xf32, #tpu.memory_space<vmem>>[vector<16xi32>, vector<16xi32>], vector<16xf32>,
      %get3A_1149 = arith.constant 944 : index
      %get3A_1150 = tpu.vector_load %arg7[%get3A_1149] {strides = array<i32>} : memref<1024xf32, #tpu.memory_space<vmem>>, vector<16xf32>,
      %select_n3A_1151 = arith.select %ge3A_1139, %gather3A_1148, %get3A_1150 : vector<16xi1>, vector<16xf32>
      %swap3A_1152 = arith.constant 944 : index
      %swap3A_1153 = tpu.vector_load %arg7[%swap3A_1152] {strides = array<i32>} : memref<1024xf32, #tpu.memory_space<vmem>>, vector<16xf32>,
      tpu.vector_store %arg7[%swap3A_1152], %select_n3A_1151 {strides = array<i32>} : memref<1024xf32, #tpu.memory_space<vmem>>, vector<16xf32>,
      %get3A_1154 = arith.constant 960 : index
      %get3A_1155 = tpu.vector_load %arg6[%get3A_1154] {strides = array<i32>} : memref<1024xi32, #tpu.memory_space<vmem>>, vector<16xi32>,
      %ge3A_1156 = arith.constant 99968 : i32
      %ge3A_1157 = vector.broadcast %ge3A_1156 : i32 to vector<16xi32>
      %ge3A_1158 = arith.cmpi sge, %get3A_1155, %ge3A_1157 : vector<16xi32>
      %sub3A_1159 = arith.constant 99968 : i32
      %sub3A_1160 = vector.broadcast %sub3A_1159 : i32 to vector<16xi32>
      %sub3A_1161 = arith.subi %get3A_1155, %sub3A_1160 : vector<16xi32>
      %jit3A_1162 = arith.constant 0 : i32
      %broadcast_in_dim3A_1163 = vector.broadcast %jit3A_1162 : i32 to vector<16xi32>
      %select_n3A_1164 = arith.select %ge3A_1158, %sub3A_1161, %broadcast_in_dim3A_1163 : vector<16xi1>, vector<16xi32>
      %broadcast_in_dim3A_1165 = arith.constant 7 : i32
      %broadcast_in_dim3A_1166 = vector.broadcast %broadcast_in_dim3A_1165 : i32 to vector<16xi32>
      %gather3A_1167 = tpu.vector_load_idx %arg9[%broadcast_in_dim3A_1166, %select_n3A_1164] : memref<8x32xf32, #tpu.memory_space<vmem>>[vector<16xi32>, vector<16xi32>], vector<16xf32>,
      %get3A_1168 = arith.constant 960 : index
      %get3A_1169 = tpu.vector_load %arg7[%get3A_1168] {strides = array<i32>} : memref<1024xf32, #tpu.memory_space<vmem>>, vector<16xf32>,
      %select_n3A_1170 = arith.select %ge3A_1158, %gather3A_1167, %get3A_1169 : vector<16xi1>, vector<16xf32>
      %swap3A_1171 = arith.constant 960 : index
      %swap3A_1172 = tpu.vector_load %arg7[%swap3A_1171] {strides = array<i32>} : memref<1024xf32, #tpu.memory_space<vmem>>, vector<16xf32>,
      tpu.vector_store %arg7[%swap3A_1171], %select_n3A_1170 {strides = array<i32>} : memref<1024xf32, #tpu.memory_space<vmem>>, vector<16xf32>,
      %get3A_1173 = arith.constant 976 : index
      %get3A_1174 = tpu.vector_load %arg6[%get3A_1173] {strides = array<i32>} : memref<1024xi32, #tpu.memory_space<vmem>>, vector<16xi32>,
      %ge3A_1175 = arith.constant 99968 : i32
      %ge3A_1176 = vector.broadcast %ge3A_1175 : i32 to vector<16xi32>
      %ge3A_1177 = arith.cmpi sge, %get3A_1174, %ge3A_1176 : vector<16xi32>
      %sub3A_1178 = arith.constant 99968 : i32
      %sub3A_1179 = vector.broadcast %sub3A_1178 : i32 to vector<16xi32>
      %sub3A_1180 = arith.subi %get3A_1174, %sub3A_1179 : vector<16xi32>
      %jit3A_1181 = arith.constant 0 : i32
      %broadcast_in_dim3A_1182 = vector.broadcast %jit3A_1181 : i32 to vector<16xi32>
      %select_n3A_1183 = arith.select %ge3A_1177, %sub3A_1180, %broadcast_in_dim3A_1182 : vector<16xi1>, vector<16xi32>
      %broadcast_in_dim3A_1184 = arith.constant 7 : i32
      %broadcast_in_dim3A_1185 = vector.broadcast %broadcast_in_dim3A_1184 : i32 to vector<16xi32>
      %gather3A_1186 = tpu.vector_load_idx %arg9[%broadcast_in_dim3A_1185, %select_n3A_1183] : memref<8x32xf32, #tpu.memory_space<vmem>>[vector<16xi32>, vector<16xi32>], vector<16xf32>,
      %get3A_1187 = arith.constant 976 : index
      %get3A_1188 = tpu.vector_load %arg7[%get3A_1187] {strides = array<i32>} : memref<1024xf32, #tpu.memory_space<vmem>>, vector<16xf32>,
      %select_n3A_1189 = arith.select %ge3A_1177, %gather3A_1186, %get3A_1188 : vector<16xi1>, vector<16xf32>
      %swap3A_1190 = arith.constant 976 : index
      %swap3A_1191 = tpu.vector_load %arg7[%swap3A_1190] {strides = array<i32>} : memref<1024xf32, #tpu.memory_space<vmem>>, vector<16xf32>,
      tpu.vector_store %arg7[%swap3A_1190], %select_n3A_1189 {strides = array<i32>} : memref<1024xf32, #tpu.memory_space<vmem>>, vector<16xf32>,
      %get3A_1192 = arith.constant 992 : index
      %get3A_1193 = tpu.vector_load %arg6[%get3A_1192] {strides = array<i32>} : memref<1024xi32, #tpu.memory_space<vmem>>, vector<16xi32>,
      %ge3A_1194 = arith.constant 99968 : i32
      %ge3A_1195 = vector.broadcast %ge3A_1194 : i32 to vector<16xi32>
      %ge3A_1196 = arith.cmpi sge, %get3A_1193, %ge3A_1195 : vector<16xi32>
      %sub3A_1197 = arith.constant 99968 : i32
      %sub3A_1198 = vector.broadcast %sub3A_1197 : i32 to vector<16xi32>
      %sub3A_1199 = arith.subi %get3A_1193, %sub3A_1198 : vector<16xi32>
      %jit3A_1200 = arith.constant 0 : i32
      %broadcast_in_dim3A_1201 = vector.broadcast %jit3A_1200 : i32 to vector<16xi32>
      %select_n3A_1202 = arith.select %ge3A_1196, %sub3A_1199, %broadcast_in_dim3A_1201 : vector<16xi1>, vector<16xi32>
      %broadcast_in_dim3A_1203 = arith.constant 7 : i32
      %broadcast_in_dim3A_1204 = vector.broadcast %broadcast_in_dim3A_1203 : i32 to vector<16xi32>
      %gather3A_1205 = tpu.vector_load_idx %arg9[%broadcast_in_dim3A_1204, %select_n3A_1202] : memref<8x32xf32, #tpu.memory_space<vmem>>[vector<16xi32>, vector<16xi32>], vector<16xf32>,
      %get3A_1206 = arith.constant 992 : index
      %get3A_1207 = tpu.vector_load %arg7[%get3A_1206] {strides = array<i32>} : memref<1024xf32, #tpu.memory_space<vmem>>, vector<16xf32>,
      %select_n3A_1208 = arith.select %ge3A_1196, %gather3A_1205, %get3A_1207 : vector<16xi1>, vector<16xf32>
      %swap3A_1209 = arith.constant 992 : index
      %swap3A_1210 = tpu.vector_load %arg7[%swap3A_1209] {strides = array<i32>} : memref<1024xf32, #tpu.memory_space<vmem>>, vector<16xf32>,
      tpu.vector_store %arg7[%swap3A_1209], %select_n3A_1208 {strides = array<i32>} : memref<1024xf32, #tpu.memory_space<vmem>>, vector<16xf32>,
      %get3A_1211 = arith.constant 1008 : index
      %get3A_1212 = tpu.vector_load %arg6[%get3A_1211] {strides = array<i32>} : memref<1024xi32, #tpu.memory_space<vmem>>, vector<16xi32>,
      %ge3A_1213 = arith.constant 99968 : i32
      %ge3A_1214 = vector.broadcast %ge3A_1213 : i32 to vector<16xi32>
      %ge3A_1215 = arith.cmpi sge, %get3A_1212, %ge3A_1214 : vector<16xi32>
      %sub3A_1216 = arith.constant 99968 : i32
      %sub3A_1217 = vector.broadcast %sub3A_1216 : i32 to vector<16xi32>
      %sub3A_1218 = arith.subi %get3A_1212, %sub3A_1217 : vector<16xi32>
      %jit3A_1219 = arith.constant 0 : i32
      %broadcast_in_dim3A_1220 = vector.broadcast %jit3A_1219 : i32 to vector<16xi32>
      %select_n3A_1221 = arith.select %ge3A_1215, %sub3A_1218, %broadcast_in_dim3A_1220 : vector<16xi1>, vector<16xi32>
      %broadcast_in_dim3A_1222 = arith.constant 7 : i32
      %broadcast_in_dim3A_1223 = vector.broadcast %broadcast_in_dim3A_1222 : i32 to vector<16xi32>
      %gather3A_1224 = tpu.vector_load_idx %arg9[%broadcast_in_dim3A_1223, %select_n3A_1221] : memref<8x32xf32, #tpu.memory_space<vmem>>[vector<16xi32>, vector<16xi32>], vector<16xf32>,
      %get3A_1225 = arith.constant 1008 : index
      %get3A_1226 = tpu.vector_load %arg7[%get3A_1225] {strides = array<i32>} : memref<1024xf32, #tpu.memory_space<vmem>>, vector<16xf32>,
      %select_n3A_1227 = arith.select %ge3A_1215, %gather3A_1224, %get3A_1226 : vector<16xi1>, vector<16xf32>
      %swap3A_1228 = arith.constant 1008 : index
      %swap3A_1229 = tpu.vector_load %arg7[%swap3A_1228] {strides = array<i32>} : memref<1024xf32, #tpu.memory_space<vmem>>, vector<16xf32>,
      tpu.vector_store %arg7[%swap3A_1228], %select_n3A_1227 {strides = array<i32>} : memref<1024xf32, #tpu.memory_space<vmem>>, vector<16xf32>,
      "tpu.region"() ({
        %run_scoped3A = tpu.sem_alloc : memref<!tpu.dma_semaphore, #tpu.memory_space<semaphore_mem>>
        %dma_start3A = tpu.memref_slice %arg5[%mul3A_16] : memref<131072xf32, #tpu.memory_space<hbm>> -> memref<1024xf32, #tpu.memory_space<hbm>>
        %dma_start3A_1230 = tpu.memref_slice %arg5[%mul3A_16] : memref<131072xf32, #tpu.memory_space<hbm>> -> memref<1024xf32, #tpu.memory_space<hbm>>
        tpu.enqueue_dma source(%arg7 : memref<1024xf32, #tpu.memory_space<vmem>>) target(%dma_start3A_1230 : memref<1024xf32, #tpu.memory_space<hbm>>) target_semaphore(%run_scoped3A : memref<!tpu.dma_semaphore, #tpu.memory_space<semaphore_mem>>)
        %dma_wait3A = tpu.memref_slice %arg5[%mul3A_16] : memref<131072xf32, #tpu.memory_space<hbm>> -> memref<1024xf32, #tpu.memory_space<hbm>>
        %dma_wait3A_1231 = tpu.memref_slice %arg5[%mul3A_16] : memref<131072xf32, #tpu.memory_space<hbm>> -> memref<1024xf32, #tpu.memory_space<hbm>>
        tpu.wait_dma2 semaphore(%run_scoped3A : memref<!tpu.dma_semaphore, #tpu.memory_space<semaphore_mem>>) src(%arg7 : memref<1024xf32, #tpu.memory_space<vmem>>) dst(%dma_wait3A_1231 : memref<1024xf32, #tpu.memory_space<hbm>>)
        tpu.yield
      }) : () -> ()
    }
    %scan3A_4 = arith.constant 4 : i32
    return
  }
}

</mosaic_0001>

<sc_bundles>
// kernel: kernel.3.cloned.1.call-start
scs
__scs_entry_jumppad:
0x0: {  	(pc) =	sbr.rel $0x88, $3  }
0x1: {  	(tag) =	ssettag $0x0;
	lr =	simm.s32 $0x1  }
0x2: {  	[smem:$0x3F9F] =	sst lr;
	_ =	strace $0xD0000000  }
0x3: {  	_ = 	snop  }
0x4: {  	_ = 	snop  }
0x5: {  	_ = 	snop  }
0x6: {  	_ = 	snop  }
0x7: {  	_ = 	snop  }
__scs_overlays_trampoline_lowered:
0x8: {  	[smem:$0x3FAE] =	sst s0  }
0x9: {  	[smem:$0x3FAF] =	sst s1  }
0xa: {  	[smem:$0x3FB0] =	sst s2  }
0xb: {  	[smem:$0x3FB1] =	sst s3  }
0xc: {  	[smem:$0x3FB2] =	sst s4  }
0xd: {  	[smem:$0x3FB3] =	sst s5  }
0xe: {  	[smem:$0x3FB4] =	sst s6  }
0xf: {  	[smem:$0x3FB5] =	sst s7  }
0x10: {  	[smem:$0x3FB6] =	sst s8  }
0x11: {  	[smem:$0x3FB7] =	sst s9;
	s0 =	simm.s32 @!p0 $0x0  }
0x12: {  	s1 =	sld [smem:$0x3F9D];
	s0 =	simm.s32 @p0 $0x1  }
0x13: {  	[smem:$0x3FB8] =	sst s0;
	s0 =	simm.s32 @!p1 $0x0  }
0x14: {  	s2 =	sld [smem:$0x3F9C];
	s0 =	simm.s32 @p1 $0x1  }
0x15: {  	[smem:$0x3FB9] =	sst s0;
	s0 =	simm.s32 @!p2 $0x0  }
0x16: {  	s3 =	sld [smem:$0x3FDB];
	s0 =	simm.s32 @p2 $0x1  }
0x17: {  	s4 =	simm.s32 $0x1BF5;
	[smem:$0x3FBB] =	sst s0  }
0x18: {  	s0 =	sld [smem:$0x3F9E];
	_ =	swait.ge [sflag:s4], $0x0  }
0x19: {  	s7 =	sld [smem:$0x3F9F]  }
0x1a: {  	s8 =	sadd.s32 $0xFFFFE003, lr  }
0x1b: {  	s9 =	sadd.s32 $0xFFFFFEF7, lr;
	s5 =	simm.s32 $0xFFFFFFFF;
	p2 =	slt.u32 s8, $0xFFFFF086  }
0x1c: {  	p1 =	slt.u32 s9, $0xF7A;
	s5 =	simm.s32 @!p2 $0x0  }
0x1d: {  	s5 =	simm.s32 @p1 $0x1;
	p0 =	seq.s32 s7, s2  }
0x1e: {  	s7 =	smul.u32 @!p0 $0xF7A, s2;
	p2 =	seq.s32 @!p0 s5, $0x0  }
0x1f: {  	s9 =	smul.u32 $0xF7A, s1;
	s8 =	simm.s32 @!p0 $0x1BF5;
	p2 =	por !p2, p0  }
0x20: {  	[sflag:s8] =	ssyncset.s32 @!p0 $0xFFFFF086;
	s6 =	sadd.s32 @!p0 s3, s7;
	s7 =	simm.s32 @!p0 $0x108  }
0x21: {  	s3 =	sadd.s32 s3, s9;
	s6 =	sadd.s32 @!p0 $0x88, s6;
	s7 =	simm.s32 @p2 $0x1082  }
0x22: {  	[simem:s7], [sflag:s8] =	dma.local @!p0 [hbm:s6], $0xF7A  }
0x23: {  	s9 =	sor.u32 $0xD0000000, s2;
	s6 =	simm.s32 $0x108;
	_ =	swait.ge @!p0 [sflag:s8], $0x0  }
0x24: {  	s3 =	sadd.s32 $0x88, s3;
	s6 =	simm.s32 @!p1 $0x1082;
	[sflag:s4] =	ssyncset.s32 $0xFFFFF086  }
0x25: {  	[simem:s6], [sflag:s4] =	dma.local [hbm:s3], $0xF7A  }
0x26: {  	[smem:$0x3F9F] =	sst s1;
	(tag) =	ssettag s2;
	_ =	strace s9  }
0x27: {  	s1 =	sld [smem:$0x3FAF]  }
0x28: {  	s2 =	sld [smem:$0x3FB0]  }
0x29: {  	s4 =	sld [smem:$0x3FB2]  }
0x2a: {  	p0 =	seq.s32 s5, $0x0;
	s5 =	sld [smem:$0x3FB3]  }
0x2b: {  	s6 =	sld [smem:$0x3FB4]  }
0x2c: {  	s7 =	sld [smem:$0x3FB5]  }
0x2d: {  	s3 =	simm.s32 $0x108;
	s8 =	sld [smem:$0x3FB6]  }
0x2e: {  	s3 =	simm.s32 @!p0 $0x1082;
	s9 =	sld [smem:$0x3FB7]  }
0x2f: {  	lr =	sadd.s32 s0, s3;
	s0 =	sld [smem:$0x3FAE]  }
0x30: {  	s3 =	sld [smem:$0x3FB1]  }
0x31: {  	[smem:$0x3FBA] =	sst s10  }
0x32: {  	s10 =	sld [smem:$0x3FB8];
	_ =	sdelay $0x3  }
0x33: {  	p0 =	seq.s32 s10, $0x1;
	s10 =	sld [smem:$0x3FBA];
	_ =	sdelay $0x3  }
0x34: {  	[smem:$0x3FBA] =	sst s10  }
0x35: {  	s10 =	sld [smem:$0x3FB9];
	_ =	sdelay $0x3  }
0x36: {  	p1 =	seq.s32 s10, $0x1;
	s10 =	sld [smem:$0x3FBA];
	_ =	sdelay $0x3  }
0x37: {  	[smem:$0x3FBA] =	sst s10  }
0x38: {  	s10 =	sld [smem:$0x3FBB]  }
0x39: {  	_ = 	snop;
	(pc) =	sbr.ind lr, $3  }
0x3a: {  	_ = 	snop  }
0x3b: {  	_ = 	snop  }
0x3c: {  	p2 =	seq.s32 s10, $0x1;
	s10 =	sld [smem:$0x3FBA]  }
0x3d: {  	_ =	shalt  }
0x3e: {  	_ =	shalt  }
0x3f: {  	_ =	shalt  }
0x40: {  	_ =	shalt  }
0x41: {  	_ =	shalt  }
0x42: {  	_ =	shalt  }
0x43: {  	_ =	shalt  }
0x44: {  	_ =	shalt  }
0x45: {  	_ =	shalt  }
0x46: {  	_ =	shalt  }
0x47: {  	_ =	shalt  }
0x48: {  	_ =	shalt  }
0x49: {  	_ =	shalt  }
0x4a: {  	_ =	shalt  }
0x4b: {  	_ =	shalt  }
0x4c: {  	_ =	shalt  }
0x4d: {  	_ =	shalt  }
0x4e: {  	_ =	shalt  }
0x4f: {  	_ =	shalt  }
0x50: {  	_ =	shalt  }
0x51: {  	_ =	shalt  }
0x52: {  	_ =	shalt  }
0x53: {  	_ =	shalt  }
0x54: {  	_ =	shalt  }
0x55: {  	_ =	shalt  }
0x56: {  	_ =	shalt  }
0x57: {  	_ =	shalt  }
0x58: {  	_ =	shalt  }
0x59: {  	_ =	shalt  }
0x5a: {  	_ =	shalt  }
0x5b: {  	_ =	shalt  }
0x5c: {  	_ =	shalt  }
0x5d: {  	_ =	shalt  }
0x5e: {  	_ =	shalt  }
0x5f: {  	_ =	shalt  }
0x60: {  	_ =	shalt  }
0x61: {  	_ =	shalt  }
0x62: {  	_ =	shalt  }
0x63: {  	_ =	shalt  }
0x64: {  	_ =	shalt  }
0x65: {  	_ =	shalt  }
0x66: {  	_ =	shalt  }
0x67: {  	_ =	shalt  }
0x68: {  	_ =	shalt  }
0x69: {  	_ =	shalt  }
0x6a: {  	_ =	shalt  }
0x6b: {  	_ =	shalt  }
0x6c: {  	_ =	shalt  }
0x6d: {  	_ =	shalt  }
0x6e: {  	_ =	shalt  }
0x6f: {  	_ =	shalt  }
0x70: {  	_ =	shalt  }
0x71: {  	_ =	shalt  }
0x72: {  	_ =	shalt  }
0x73: {  	_ =	shalt  }
0x74: {  	_ =	shalt  }
0x75: {  	_ =	shalt  }
0x76: {  	_ =	shalt  }
0x77: {  	_ =	shalt  }
0x78: {  	_ =	shalt  }
0x79: {  	_ =	shalt  }
0x7a: {  	_ =	shalt  }
0x7b: {  	_ =	shalt  }
0x7c: {  	_ =	shalt  }
0x7d: {  	_ =	shalt  }
0x7e: {  	_ =	shalt  }
0x7f: {  	_ =	shalt  }
0x80: {  	_ =	shalt  }
0x81: {  	_ =	shalt  }
0x82: {  	_ =	shalt  }
0x83: {  	_ =	shalt  }
0x84: {  	_ =	shalt  }
0x85: {  	_ =	shalt  }
0x86: {  	_ =	shalt  }
0x87: {  	_ =	shalt  }
.Lfunc_end0:
.L_simem_size_0:
called_computation_lowered:
.L_overlay_start_0:
0x88: {  	s2 =	sld [smem:$0x3FD9]  }
0x89: {  	s3 =	sld [smem:$0x3FFE];
	_ =	sdelay $0x1  }
0x8a: {  	s1 =	srdreg.scid  }
0x8b: {  	s0 =	sand.u32 $0x1, s1  }
0x8c: {  	s17 =	sshll.u32 s0, $0xA;
	s2 =	sadd.s32 s3, s2  }
0x8d: {  	s2 =	sadd.s32 s2, s17  }
0x8e: {  	[smem:$0x3FC6] =	sst s2  }
0x8f: {  	_ = 	snop  }
0x90: {  	s2 =	sld [smem:$0x3FC8]  }
0x91: {  	s18 =	sld [smem:$0x3FD0];
	(tm) =	ssettm $0x1  }
0x92: {  	s4 =	sld [smem:$0x3FFB];
	_ =	sdelay $0x3  }
0x93: {  	_ =	strace s4  }
0x94: {  	s4 =	sld [smem:$0x3FFC];
	_ =	sdelay $0x3  }
0x95: {  	_ =	strace s4  }
0x96: {  	s4 =	sld [smem:$0x3FFD];
	_ =	sdelay $0x3  }
0x97: {  	_ =	strace s4  }
0x98: {  	_ =	strace $0x8FFFFFFF  }
0x99: {  	s19 =	sld [smem:$0x3FDB];
	_ =	sdelay $0x1  }
0x9a: {  	s5 =	simm.s32 $_scs_section_size  }
0x9b: {  	s6 =	simm.s32 $_size__tile_overlayer_lowered;
	s7 =	simm.s32 $_tile_overlayer_lowered  }
0x9c: {  	s22 =	simm.s32 $0x1BFF;
	s21 =	sshll.u32 s7, $0x1;
	s4 =	sadd.s32 s5, s19  }
0x9d: {  	s8 =	simm.s32 $0x0;
	s20 =	sshll.u32 s6, $0x1;
	s6 =	sadd.s32 s21, s4  }
0x9e: {  	[timem:s8], [sflag:s22] =	dma.local [hbm:s6], s20  }
0x9f: {  	_ =	swait.ge [sflag:s22], s20  }
0xa0: {  	s5 =	ssub.s32 $0x0, s20;
	[sflag:s22] =	ssyncset.done $0x0  }
0xa1: {  	[sflag:s22] =	ssyncadd.s32 s5;
	_ =	sdelay $0x1  }
0xa2: {  	s23 =	simm.s32 $0x1B8B  }
0xa3: {  	_ =	swait.ge [sflag:s23], $0x1  }
0xa4: {  	[sflag:s23] =	ssyncset.done $0x0  }
0xa5: {  	s25 =	simm.s32 $0x1B8E;
	s24 =	sld [smem:$0x3FFE];
	[sflag:s23] =	ssyncadd.s32 $0xFFFFFFFF  }
0xa6: {  	s26 =	simm.s32 $execute0_lowered;
	[smem:$0x3FD2] =	sst s25  }
0xa7: {  	s6 =	sshll.u32 s26, $0x1;
	_ =	strace $0x80000046;
	[dreg:$0x1] =	wrdreg $0xFFFFFFFF  }
0xa8: {  	s28 =	simm.s32 $_size_execute0_lowered;
	s4 =	sadd.s32 s4, s6;
	[dreg:$0x0] =	wrdreg $0x0  }
0xa9: {  	s6 =	sshll.u32 s28, $0x1;
	[dreg:$0x2] =	wrdreg s4  }
0xaa: {  	[dreg:$0x3] =	wrdreg s6  }
0xab: {  	[dreg:$0x4] =	wrdreg $0xC0  }
0xac: {  	_ =	task [dreg:s8], $0x5FFFF  }
0xad: {  	[dreg:$0x1] =	wrdreg $0xFFFFFFFF  }
0xae: {  	[dreg:$0x0] =	wrdreg $0x60  }
0xaf: {  	[dreg:$0x2] =	wrdreg s24  }
0xb0: {  	[dreg:$0x3] =	wrdreg s2  }
0xb1: {  	[dreg:$0x4] =	wrdreg s18  }
0xb2: {  	[dreg:$0x5] =	wrdreg $0x9  }
0xb3: {  	_ =	task.clear_ibuf [dreg:s8], $0x6FFFF;
	_ =	strace $0x90000046  }
0xb4: {  	s29 =	simm.s32 $0x9;
	_ =	strace $0x80000048  }
0xb5: {  	_ =	swait.ge [sflag:s29], $0x1  }
0xb6: {  	[sflag:s29] =	ssyncadd.s32 $0xFFFFFFFF  }
0xb7: {  	_ =	strace $0x90000048  }
0xb8: {  	_ =	sfence  }
0xb9: {  	s30 =	sld [smem:$0x0];
	_ =	sdelay $0x2  }
0xba: {  	s31 =	sshll.u32 s1, $0xD;
	s1 =	sshrl.u32 s1, $0x2  }
0xbb: {  	s3 =	sand.u32 $0x4000, s31;
	s1 =	sadd.s32 s1, s30  }
0xbc: {  	s0 =	sor.u32 s3, s0;
	s1 =	sshll.u32 s1, $0x11  }
0xbd: {  	s0 =	sor.u32 s1, s0  }
0xbe: {  	s0 =	sadd.s32 $0x8F2B, s0  }
0xbf: {  	[sflag:s0] =	ssyncadd.remote.s32 $0x1  }
0xc0: {  	_ =	sfence.sel $0xFFFF  }
0xc1: {  	[dreg:$0x0] =	wrdreg $0xFFFFFFFF;
	(pc) =	sbr.abs _section_cstart, $3  }
0xc2: {  	[dreg:$0x1] =	wrdreg $0xFFFFFFFF  }
0xc3: {  	_ =	task.clear_ibuf [dreg:s8], $0x2FFFF;
	_ =	strace $0x9FFFFFFF  }
0xc4: {  	(tm) =	ssettm $0x7FFFFFFF  }
0xc5: {  	_ =	shalt  }
tec
execute0_lowered:
.L_overlay_start_1:
0x0: {  	(tag) =	ssettag $0x1  }
0x1: {  	s6 =	rddreg [dreg:$0x0]  }
0x2: {  	s1 =	rddreg [dreg:$0x1]  }
0x3: {  	s2 =	rddreg [dreg:$0x2]  }
0x4: {  	s0 =	rddreg [dreg:$0x3];
	s3 =	simm.s32 $0x0;
	s4 =	srdreg.scid  }
0x5: {  	s11 =	simm.s32 $0x800;
	s12 =	simm.s32 $0x400;
	s13 =	simm.s32 $0x0  }
0x6: {  	[smem:$0x7FF] =	sst s3;
	s7 =	sand.u32 $0x1, s4;
	s5 =	sadd.s32 $0x400, s6  }
0x7: {  	s4 =	stileid.u32;
	s6 =	sadd.s32 $0xC38400, s6;
	s8 =	ssub.s32 $0x2, s7  }
0x8: {  	s10 =	sshll.u32 s4, $0x3;
	s7 =	sshll.u32 s7, $0x2;
	s9 =	sshrl.u32 s8, $0x1  }
0x9: {  	_ =	strace $0x80000047;
	s7 =	sor.u32 s7, s10;
	s8 =	ssub.s32 s8, s9  }
0xa: {  	s10 =	simm.s32 $0x19000;
	s9 =	simm.s32 $0x1;
	s8 =	smax.u32 s8, $0x1  }
.LBB2_1:
0xb: {  	s14 =	simm.s32 $0x0  }
.LBB2_2:
0xc: {  	s17 =	sadd.s32 s7, s14  }
0xd: {  	s15 =	sshll.u32 s17, $0x7  }
0xe: {  	s16 =	simm.s32 $0x0;
	s18 =	sadd.s32 s1, s15  }
0xf: {  	[tilespmem:s16], [sflag:$0x1] =	stream.linear.gather [hbm4b:s18+s16], $0x400, $0x38;
	[tilespmem:$0x19400] =	vst v63  }
0x10: {  	_ =	swait.ge [sflag:s9], $0x400  }
0x11: {  	[sflag:s9] =	ssyncset.done $0x0  }
0x12: {  	s31 =	sadd.s32 s6, s15;
	[sflag:s9] =	ssyncadd.s32 $0xFFFFFC00  }
0x13: {  	[tilespmem:s10], [sflag:$0x1] =	stream.linear.gather [hbm4b:s31+s16], $0x400, $0x38;
	[tilespmem:$0x19400] =	vst v63  }
0x14: {  	s17 =	smul.u32 $0x18700, s17;
	_ =	swait.ge [sflag:s9], $0x400  }
0x15: {  	[sflag:s9] =	ssyncset.done $0x0  }
0x16: {  	s17 =	sadd.s32 s5, s17;
	[sflag:s9] =	ssyncadd.s32 $0xFFFFFC00  }
.LBB2_3:
0x17: {  	p0 =	seq.s32 s16, $0x15700;
	s20 =	smov.u32 s16  }
0x18: {  	s20 =	simm.s32 @p0 $0x15580  }
0x19: {  	s18 =	sadd.s32 s20, s17  }
0x1a: {  	[tilespmem:s11], [sflag:$0x1] =	stream.linear.gather [hbm4b:s18+s3], $0x18800, $0x38;
	[tilespmem:$0x19400] =	vst v63  }
0x1b: {  	_ =	swait.ge [sflag:s9], $0x18800  }
0x1c: {  	[sflag:s9] =	ssyncset.done $0x0  }
0x1d: {  	[sflag:s9] =	ssyncadd.s32 $0xFFFE7800  }
0x1e: {  	v1 =	vld [tilespmem:$0x0];
	_ =	sdelay $0x1  }
0x1f: {  	s31 =	sadd.s32 $0x3100, s16  }
0x20: {  	s19 =	smov.u32 s31  }
0x21: {  	s19 =	simm.s32 @p0 $0x18680  }
0x22: {  	v0 =	vmov s20;
	vm0 =	vge.s32 v1, s16;
	vm1 =	vlt.s32 v1, s19  }
0x23: {  	v1 =	vsub.s32 v1, v0;
	vm0 =	vmand vm0, vm1  }
0x24: {  	v3 =	vld [tilespmem:$0x10];
	v1 =	vnsel vm0, $0x0, v1  }
0x25: {  	v2 =	vshll.u32 v1, $0x3  }
0x26: {  	v1 =	vand.u32 $0x7F, v1;
	v2 =	vand.u32 $0xFFFFFC00, v2  }
0x27: {  	v1 =	vor.u32 v1, v2;
	_ =	sdelay $0x1  }
0x28: {  	vm11 =	vge.s32 v3, s16;
	vm2 =	vlt.s32 v3, s19  }
0x29: {  	v40 =	vld [tilespmem:$0x400];
	v39 =	vsub.s32 v3, v0;
	vm1 =	vmand vm11, vm2  }
0x2a: {  	v5 =	vld [tilespmem:$0x20];
	v2 =	vnsel vm1, $0x0, v39  }
0x2b: {  	v4 =	vshll.u32 v2, $0x3;
	v1 =	vld.idx.msk [tilespmem:v1+s11+$0x0], $0xffff  }
0x2c: {  	v2 =	vand.u32 $0x7F, v2;
	v4 =	vand.u32 $0xFFFFFC00, v4  }
0x2d: {  	v2 =	vor.u32 v2, v4;
	_ =	sdelay $0x1  }
0x2e: {  	vm12 =	vge.s32 v5, s16;
	vm13 =	vlt.s32 v5, s19  }
0x2f: {  	v42 =	vld [tilespmem:$0x410];
	v41 =	vsub.s32 v5, v0;
	v1 =	vsel vm0, v1, v40;
	vm0 =	vmand vm12, vm13  }
0x30: {  	v44 =	vld [tilespmem:$0x30];
	[tilespmem:$0x400] =	vst v1;
	v1 =	vnsel vm0, $0x0, v41  }
0x31: {  	v2 =	vld.idx.msk [tilespmem:v2+s11+$0x0], $0xffff;
	v43 =	vshll.u32 v1, $0x3  }
0x32: {  	v1 =	vand.u32 $0x7F, v1;
	v4 =	vand.u32 $0xFFFFFC00, v43  }
0x33: {  	v1 =	vor.u32 v1, v4;
	_ =	sdelay $0x1  }
0x34: {  	vm14 =	vge.s32 v44, s16;
	vm15 =	vlt.s32 v44, s19  }
0x35: {  	v46 =	vld [tilespmem:$0x420];
	v45 =	vsub.s32 v44, v0;
	v2 =	vsel vm1, v2, v42;
	vm1 =	vmand vm14, vm15  }
0x36: {  	v48 =	vld [tilespmem:$0x40];
	[tilespmem:$0x410] =	vst v2;
	v2 =	vnsel vm1, $0x0, v45  }
0x37: {  	v1 =	vld.idx.msk [tilespmem:v1+s11+$0x0], $0xffff;
	v47 =	vshll.u32 v2, $0x3  }
0x38: {  	v2 =	vand.u32 $0x7F, v2;
	v4 =	vand.u32 $0xFFFFFC00, v47  }
0x39: {  	v2 =	vor.u32 v2, v4;
	_ =	sdelay $0x1  }
0x3a: {  	vm4 =	vge.s32 v48, s16;
	vm5 =	vlt.s32 v48, s19  }
0x3b: {  	v50 =	vld [tilespmem:$0x430];
	v49 =	vsub.s32 v48, v0;
	v1 =	vsel vm0, v1, v46;
	vm0 =	vmand vm4, vm5  }
0x3c: {  	v52 =	vld [tilespmem:$0x50];
	[tilespmem:$0x420] =	vst v1;
	v1 =	vnsel vm0, $0x0, v49  }
0x3d: {  	v2 =	vld.idx.msk [tilespmem:v2+s11+$0x0], $0xffff;
	v51 =	vshll.u32 v1, $0x3  }
0x3e: {  	v1 =	vand.u32 $0x7F, v1;
	v4 =	vand.u32 $0xFFFFFC00, v51  }
0x3f: {  	v1 =	vor.u32 v1, v4;
	_ =	sdelay $0x1  }
0x40: {  	vm6 =	vge.s32 v52, s16;
	vm7 =	vlt.s32 v52, s19  }
0x41: {  	v54 =	vld [tilespmem:$0x440];
	v53 =	vsub.s32 v52, v0;
	v2 =	vsel vm1, v2, v50;
	vm1 =	vmand vm6, vm7  }
0x42: {  	v56 =	vld [tilespmem:$0x60];
	[tilespmem:$0x430] =	vst v2;
	v2 =	vnsel vm1, $0x0, v53  }
0x43: {  	v1 =	vld.idx.msk [tilespmem:v1+s11+$0x0], $0xffff;
	v55 =	vshll.u32 v2, $0x3  }
0x44: {  	v2 =	vand.u32 $0x7F, v2;
	v4 =	vand.u32 $0xFFFFFC00, v55  }
0x45: {  	v2 =	vor.u32 v2, v4;
	_ =	sdelay $0x1  }
0x46: {  	vm8 =	vge.s32 v56, s16;
	vm9 =	vlt.s32 v56, s19  }
0x47: {  	v58 =	vld [tilespmem:$0x450];
	v57 =	vsub.s32 v56, v0;
	v1 =	vsel vm0, v1, v54;
	vm0 =	vmand vm8, vm9  }
0x48: {  	v60 =	vld [tilespmem:$0x70];
	[tilespmem:$0x440] =	vst v1;
	v1 =	vnsel vm0, $0x0, v57  }
0x49: {  	v2 =	vld.idx.msk [tilespmem:v2+s11+$0x0], $0xffff;
	v59 =	vshll.u32 v1, $0x3  }
0x4a: {  	v1 =	vand.u32 $0x7F, v1;
	v4 =	vand.u32 $0xFFFFFC00, v59  }
0x4b: {  	v1 =	vor.u32 v1, v4;
	_ =	sdelay $0x2  }
0x4c: {  	v62 =	vld [tilespmem:$0x460];
	vm10 =	vge.s32 v60, s16;
	vm11 =	vlt.s32 v60, s19;
	v2 =	vsel vm1, v2, v58  }
0x4d: {  	v8 =	vld [tilespmem:$0x80];
	v61 =	vsub.s32 v60, v0;
	vm1 =	vmand vm10, vm11;
	[tilespmem:$0x450] =	vst v2  }
0x4e: {  	v2 =	vnsel vm1, $0x0, v61;
	v1 =	vld.idx.msk [tilespmem:v1+s11+$0x0], $0xffff  }
0x4f: {  	v63 =	vshll.u32 v2, $0x3  }
0x50: {  	v2 =	vand.u32 $0x7F, v2;
	v4 =	vand.u32 $0xFFFFFC00, v63  }
0x51: {  	v2 =	vor.u32 v2, v4  }
0x52: {  	vm12 =	vge.s32 v8, s16;
	vm13 =	vlt.s32 v8, s19  }
0x53: {  	v9 =	vsub.s32 v8, v0;
	v1 =	vsel vm0, v1, v62;
	vm0 =	vmand vm12, vm13  }
0x54: {  	v10 =	vld [tilespmem:$0x470];
	[tilespmem:$0x460] =	vst v1;
	v1 =	vnsel vm0, $0x0, v9  }
0x55: {  	v12 =	vld [tilespmem:$0x90];
	v11 =	vshll.u32 v1, $0x3  }
0x56: {  	v2 =	vld.idx.msk [tilespmem:v2+s11+$0x0], $0xffff;
	v1 =	vand.u32 $0x7F, v1;
	v4 =	vand.u32 $0xFFFFFC00, v11  }
0x57: {  	v1 =	vor.u32 v4, v1  }
0x58: {  	v1 =	vor.u32 $0x80, v1;
	_ =	sdelay $0x1  }
0x59: {  	vm14 =	vge.s32 v12, s16;
	vm15 =	vlt.s32 v12, s19  }
0x5a: {  	v14 =	vld [tilespmem:$0x480];
	v13 =	vsub.s32 v12, v0;
	v2 =	vsel vm1, v2, v10;
	vm1 =	vmand vm14, vm15  }
0x5b: {  	v16 =	vld [tilespmem:$0xA0];
	[tilespmem:$0x470] =	vst v2;
	v2 =	vnsel vm1, $0x0, v13  }
0x5c: {  	v15 =	vshll.u32 v2, $0x3;
	v1 =	vld.idx.msk [tilespmem:v1+s11+$0x0], $0xffff  }
0x5d: {  	v2 =	vand.u32 $0x7F, v2;
	v4 =	vand.u32 $0xFFFFFC00, v15  }
0x5e: {  	v2 =	vor.u32 v4, v2  }
0x5f: {  	v2 =	vor.u32 $0x80, v2  }
0x60: {  	vm4 =	vge.s32 v16, s16;
	vm5 =	vlt.s32 v16, s19  }
0x61: {  	v17 =	vsub.s32 v16, v0;
	v1 =	vsel vm0, v1, v14;
	vm0 =	vmand vm4, vm5  }
0x62: {  	v18 =	vld [tilespmem:$0x490];
	[tilespmem:$0x480] =	vst v1;
	v1 =	vnsel vm0, $0x0, v17  }
0x63: {  	v20 =	vld [tilespmem:$0xB0];
	v19 =	vshll.u32 v1, $0x3  }
0x64: {  	v2 =	vld.idx.msk [tilespmem:v2+s11+$0x0], $0xffff;
	v1 =	vand.u32 $0x7F, v1;
	v4 =	vand.u32 $0xFFFFFC00, v19  }
0x65: {  	v1 =	vor.u32 v4, v1  }
0x66: {  	v1 =	vor.u32 $0x80, v1;
	_ =	sdelay $0x1  }
0x67: {  	vm6 =	vge.s32 v20, s16;
	vm7 =	vlt.s32 v20, s19  }
0x68: {  	v22 =	vld [tilespmem:$0x4A0];
	v21 =	vsub.s32 v20, v0;
	v2 =	vsel vm1, v2, v18;
	vm1 =	vmand vm6, vm7  }
0x69: {  	v24 =	vld [tilespmem:$0xC0];
	[tilespmem:$0x490] =	vst v2;
	v2 =	vnsel vm1, $0x0, v21  }
0x6a: {  	v23 =	vshll.u32 v2, $0x3;
	v1 =	vld.idx.msk [tilespmem:v1+s11+$0x0], $0xffff  }
0x6b: {  	v2 =	vand.u32 $0x7F, v2;
	v4 =	vand.u32 $0xFFFFFC00, v23  }
0x6c: {  	v2 =	vor.u32 v4, v2  }
0x6d: {  	v2 =	vor.u32 $0x80, v2  }
0x6e: {  	vm8 =	vge.s32 v24, s16;
	vm9 =	vlt.s32 v24, s19  }
0x6f: {  	v25 =	vsub.s32 v24, v0;
	v1 =	vsel vm0, v1, v22;
	vm0 =	vmand vm8, vm9  }
0x70: {  	v26 =	vld [tilespmem:$0x4B0];
	[tilespmem:$0x4A0] =	vst v1;
	v1 =	vnsel vm0, $0x0, v25  }
0x71: {  	v28 =	vld [tilespmem:$0xD0];
	v27 =	vshll.u32 v1, $0x3  }
0x72: {  	v2 =	vld.idx.msk [tilespmem:v2+s11+$0x0], $0xffff;
	v1 =	vand.u32 $0x7F, v1;
	v4 =	vand.u32 $0xFFFFFC00, v27  }
0x73: {  	v1 =	vor.u32 v4, v1  }
0x74: {  	v1 =	vor.u32 $0x80, v1;
	_ =	sdelay $0x1  }
0x75: {  	vm10 =	vge.s32 v28, s16;
	vm11 =	vlt.s32 v28, s19  }
0x76: {  	v30 =	vld [tilespmem:$0x4C0];
	v29 =	vsub.s32 v28, v0;
	v2 =	vsel vm1, v2, v26;
	vm1 =	vmand vm10, vm11  }
0x77: {  	v32 =	vld [tilespmem:$0xE0];
	[tilespmem:$0x4B0] =	vst v2;
	v2 =	vnsel vm1, $0x0, v29  }
0x78: {  	v31 =	vshll.u32 v2, $0x3;
	v1 =	vld.idx.msk [tilespmem:v1+s11+$0x0], $0xffff  }
0x79: {  	v2 =	vand.u32 $0x7F, v2;
	v4 =	vand.u32 $0xFFFFFC00, v31  }
0x7a: {  	v2 =	vor.u32 v4, v2  }
0x7b: {  	v2 =	vor.u32 $0x80, v2  }
0x7c: {  	vm12 =	vge.s32 v32, s16;
	vm13 =	vlt.s32 v32, s19  }
0x7d: {  	v33 =	vsub.s32 v32, v0;
	v1 =	vsel vm0, v1, v30;
	vm0 =	vmand vm12, vm13  }
0x7e: {  	v34 =	vld [tilespmem:$0x4D0];
	[tilespmem:$0x4C0] =	vst v1;
	v1 =	vnsel vm0, $0x0, v33  }
0x7f: {  	v36 =	vld [tilespmem:$0xF0];
	v35 =	vshll.u32 v1, $0x3  }
0x80: {  	v2 =	vld.idx.msk [tilespmem:v2+s11+$0x0], $0xffff;
	v1 =	vand.u32 $0x7F, v1;
	v4 =	vand.u32 $0xFFFFFC00, v35  }
0x81: {  	v1 =	vor.u32 v4, v1  }
0x82: {  	v1 =	vor.u32 $0x80, v1;
	_ =	sdelay $0x1  }
0x83: {  	vm14 =	vge.s32 v36, s16;
	vm15 =	vlt.s32 v36, s19  }
0x84: {  	v38 =	vld [tilespmem:$0x4E0];
	v37 =	vsub.s32 v36, v0;
	v2 =	vsel vm1, v2, v34;
	vm1 =	vmand vm14, vm15  }
0x85: {  	v40 =	vld [tilespmem:$0x100];
	[tilespmem:$0x4D0] =	vst v2;
	v2 =	vnsel vm1, $0x0, v37  }
0x86: {  	v39 =	vshll.u32 v2, $0x3;
	v1 =	vld.idx.msk [tilespmem:v1+s11+$0x0], $0xffff  }
0x87: {  	v2 =	vand.u32 $0x7F, v2;
	v4 =	vand.u32 $0xFFFFFC00, v39  }
0x88: {  	v2 =	vor.u32 v4, v2  }
0x89: {  	v2 =	vor.u32 $0x80, v2  }
0x8a: {  	vm4 =	vge.s32 v40, s16;
	vm5 =	vlt.s32 v40, s19  }
0x8b: {  	v41 =	vsub.s32 v40, v0;
	v1 =	vsel vm0, v1, v38;
	vm0 =	vmand vm4, vm5  }
0x8c: {  	v44 =	vld [tilespmem:$0x110];
	[tilespmem:$0x4E0] =	vst v1;
	v1 =	vnsel vm0, $0x0, v41  }
0x8d: {  	v42 =	vld [tilespmem:$0x4F0];
	v43 =	vshll.u32 v1, $0x3  }
0x8e: {  	v2 =	vld.idx.msk [tilespmem:v2+s11+$0x0], $0xffff;
	v1 =	vand.u32 $0x7F, v1;
	v4 =	vand.u32 $0xFFFFFC00, v43  }
0x8f: {  	v1 =	vor.u32 v4, v1  }
0x90: {  	v1 =	vor.u32 $0x100, v1;
	_ =	sdelay $0x1  }
0x91: {  	vm6 =	vge.s32 v44, s16;
	vm7 =	vlt.s32 v44, s19  }
0x92: {  	v48 =	vld [tilespmem:$0x120];
	v45 =	vsub.s32 v44, v0;
	v2 =	vsel vm1, v2, v42;
	vm1 =	vmand vm6, vm7  }
0x93: {  	v46 =	vld [tilespmem:$0x500];
	[tilespmem:$0x4F0] =	vst v2;
	v2 =	vnsel vm1, $0x0, v45  }
0x94: {  	v47 =	vshll.u32 v2, $0x3;
	v1 =	vld.idx.msk [tilespmem:v1+s11+$0x0], $0xffff  }
0x95: {  	v2 =	vand.u32 $0x7F, v2;
	v4 =	vand.u32 $0xFFFFFC00, v47  }
0x96: {  	v2 =	vor.u32 v4, v2  }
0x97: {  	v2 =	vor.u32 $0x100, v2  }
0x98: {  	vm8 =	vge.s32 v48, s16;
	vm9 =	vlt.s32 v48, s19  }
0x99: {  	v49 =	vsub.s32 v48, v0;
	v1 =	vsel vm0, v1, v46;
	vm0 =	vmand vm8, vm9  }
0x9a: {  	v52 =	vld [tilespmem:$0x130];
	[tilespmem:$0x500] =	vst v1;
	v1 =	vnsel vm0, $0x0, v49  }
0x9b: {  	v50 =	vld [tilespmem:$0x510];
	v51 =	vshll.u32 v1, $0x3  }
0x9c: {  	v2 =	vld.idx.msk [tilespmem:v2+s11+$0x0], $0xffff;
	v1 =	vand.u32 $0x7F, v1;
	v4 =	vand.u32 $0xFFFFFC00, v51  }
0x9d: {  	v1 =	vor.u32 v4, v1  }
0x9e: {  	v1 =	vor.u32 $0x100, v1;
	_ =	sdelay $0x1  }
0x9f: {  	vm10 =	vge.s32 v52, s16;
	vm11 =	vlt.s32 v52, s19  }
0xa0: {  	v56 =	vld [tilespmem:$0x140];
	v53 =	vsub.s32 v52, v0;
	v2 =	vsel vm1, v2, v50;
	vm1 =	vmand vm10, vm11  }
0xa1: {  	v54 =	vld [tilespmem:$0x520];
	[tilespmem:$0x510] =	vst v2;
	v2 =	vnsel vm1, $0x0, v53  }
0xa2: {  	v55 =	vshll.u32 v2, $0x3;
	v1 =	vld.idx.msk [tilespmem:v1+s11+$0x0], $0xffff  }
0xa3: {  	v2 =	vand.u32 $0x7F, v2;
	v4 =	vand.u32 $0xFFFFFC00, v55  }
0xa4: {  	v2 =	vor.u32 v4, v2  }
0xa5: {  	v2 =	vor.u32 $0x100, v2  }
0xa6: {  	vm12 =	vge.s32 v56, s16;
	vm13 =	vlt.s32 v56, s19  }
0xa7: {  	v57 =	vsub.s32 v56, v0;
	v1 =	vsel vm0, v1, v54;
	vm0 =	vmand vm12, vm13  }
0xa8: {  	v60 =	vld [tilespmem:$0x150];
	[tilespmem:$0x520] =	vst v1;
	v1 =	vnsel vm0, $0x0, v57  }
0xa9: {  	v58 =	vld [tilespmem:$0x530];
	v59 =	vshll.u32 v1, $0x3  }
0xaa: {  	v2 =	vld.idx.msk [tilespmem:v2+s11+$0x0], $0xffff;
	v1 =	vand.u32 $0x7F, v1;
	v4 =	vand.u32 $0xFFFFFC00, v59  }
0xab: {  	v1 =	vor.u32 v4, v1  }
0xac: {  	v1 =	vor.u32 $0x100, v1;
	_ =	sdelay $0x1  }
0xad: {  	vm14 =	vge.s32 v60, s16;
	vm15 =	vlt.s32 v60, s19  }
0xae: {  	v8 =	vld [tilespmem:$0x160];
	v61 =	vsub.s32 v60, v0;
	v2 =	vsel vm1, v2, v58;
	vm1 =	vmand vm14, vm15  }
0xaf: {  	v62 =	vld [tilespmem:$0x540];
	[tilespmem:$0x530] =	vst v2;
	v2 =	vnsel vm1, $0x0, v61  }
0xb0: {  	v63 =	vshll.u32 v2, $0x3;
	v1 =	vld.idx.msk [tilespmem:v1+s11+$0x0], $0xffff  }
0xb1: {  	v2 =	vand.u32 $0x7F, v2;
	v4 =	vand.u32 $0xFFFFFC00, v63  }
0xb2: {  	v2 =	vor.u32 v4, v2  }
0xb3: {  	v2 =	vor.u32 $0x100, v2  }
0xb4: {  	vm4 =	vge.s32 v8, s16;
	vm5 =	vlt.s32 v8, s19  }
0xb5: {  	v9 =	vsub.s32 v8, v0;
	v1 =	vsel vm0, v1, v62;
	vm0 =	vmand vm4, vm5  }
0xb6: {  	v12 =	vld [tilespmem:$0x170];
	[tilespmem:$0x540] =	vst v1;
	v1 =	vnsel vm0, $0x0, v9  }
0xb7: {  	v10 =	vld [tilespmem:$0x550];
	v11 =	vshll.u32 v1, $0x3  }
0xb8: {  	v2 =	vld.idx.msk [tilespmem:v2+s11+$0x0], $0xffff;
	v1 =	vand.u32 $0x7F, v1;
	v4 =	vand.u32 $0xFFFFFC00, v11  }
0xb9: {  	v1 =	vor.u32 v4, v1  }
0xba: {  	v1 =	vor.u32 $0x100, v1;
	_ =	sdelay $0x1  }
0xbb: {  	vm6 =	vge.s32 v12, s16;
	vm7 =	vlt.s32 v12, s19  }
0xbc: {  	v16 =	vld [tilespmem:$0x180];
	v13 =	vsub.s32 v12, v0;
	v2 =	vsel vm1, v2, v10;
	vm1 =	vmand vm6, vm7  }
0xbd: {  	v14 =	vld [tilespmem:$0x560];
	[tilespmem:$0x550] =	vst v2;
	v2 =	vnsel vm1, $0x0, v13  }
0xbe: {  	v15 =	vshll.u32 v2, $0x3;
	v1 =	vld.idx.msk [tilespmem:v1+s11+$0x0], $0xffff  }
0xbf: {  	v2 =	vand.u32 $0x7F, v2;
	v4 =	vand.u32 $0xFFFFFC00, v15  }
0xc0: {  	v2 =	vor.u32 v4, v2  }
0xc1: {  	v2 =	vor.u32 $0x100, v2  }
0xc2: {  	vm8 =	vge.s32 v16, s16;
	vm9 =	vlt.s32 v16, s19  }
0xc3: {  	v17 =	vsub.s32 v16, v0;
	v1 =	vsel vm0, v1, v14;
	vm0 =	vmand vm8, vm9  }
0xc4: {  	v20 =	vld [tilespmem:$0x190];
	[tilespmem:$0x560] =	vst v1;
	v1 =	vnsel vm0, $0x0, v17  }
0xc5: {  	v18 =	vld [tilespmem:$0x570];
	v19 =	vshll.u32 v1, $0x3  }
0xc6: {  	v2 =	vld.idx.msk [tilespmem:v2+s11+$0x0], $0xffff;
	v1 =	vand.u32 $0x7F, v1;
	v4 =	vand.u32 $0xFFFFFC00, v19  }
0xc7: {  	v1 =	vor.u32 v4, v1  }
0xc8: {  	v1 =	vor.u32 $0x180, v1;
	_ =	sdelay $0x1  }
0xc9: {  	vm10 =	vge.s32 v20, s16;
	vm11 =	vlt.s32 v20, s19  }
0xca: {  	v24 =	vld [tilespmem:$0x1A0];
	v21 =	vsub.s32 v20, v0;
	v2 =	vsel vm1, v2, v18;
	vm1 =	vmand vm10, vm11  }
0xcb: {  	v22 =	vld [tilespmem:$0x580];
	[tilespmem:$0x570] =	vst v2;
	v2 =	vnsel vm1, $0x0, v21  }
0xcc: {  	v23 =	vshll.u32 v2, $0x3;
	v1 =	vld.idx.msk [tilespmem:v1+s11+$0x0], $0xffff  }
0xcd: {  	v2 =	vand.u32 $0x7F, v2;
	v4 =	vand.u32 $0xFFFFFC00, v23  }
0xce: {  	v2 =	vor.u32 v4, v2  }
0xcf: {  	v2 =	vor.u32 $0x180, v2  }
0xd0: {  	vm12 =	vge.s32 v24, s16;
	vm13 =	vlt.s32 v24, s19  }
0xd1: {  	v25 =	vsub.s32 v24, v0;
	v1 =	vsel vm0, v1, v22;
	vm0 =	vmand vm12, vm13  }
0xd2: {  	v28 =	vld [tilespmem:$0x1B0];
	[tilespmem:$0x580] =	vst v1;
	v1 =	vnsel vm0, $0x0, v25  }
0xd3: {  	v26 =	vld [tilespmem:$0x590];
	v27 =	vshll.u32 v1, $0x3  }
0xd4: {  	v2 =	vld.idx.msk [tilespmem:v2+s11+$0x0], $0xffff;
	v1 =	vand.u32 $0x7F, v1;
	v4 =	vand.u32 $0xFFFFFC00, v27  }
0xd5: {  	v1 =	vor.u32 v4, v1  }
0xd6: {  	v1 =	vor.u32 $0x180, v1;
	_ =	sdelay $0x1  }
0xd7: {  	vm14 =	vge.s32 v28, s16;
	vm15 =	vlt.s32 v28, s19  }
0xd8: {  	v32 =	vld [tilespmem:$0x1C0];
	v29 =	vsub.s32 v28, v0;
	v2 =	vsel vm1, v2, v26;
	vm1 =	vmand vm14, vm15  }
0xd9: {  	v30 =	vld [tilespmem:$0x5A0];
	[tilespmem:$0x590] =	vst v2;
	v2 =	vnsel vm1, $0x0, v29  }
0xda: {  	v31 =	vshll.u32 v2, $0x3;
	v1 =	vld.idx.msk [tilespmem:v1+s11+$0x0], $0xffff  }
0xdb: {  	v2 =	vand.u32 $0x7F, v2;
	v4 =	vand.u32 $0xFFFFFC00, v31  }
0xdc: {  	v2 =	vor.u32 v4, v2  }
0xdd: {  	v2 =	vor.u32 $0x180, v2  }
0xde: {  	vm4 =	vge.s32 v32, s16;
	vm5 =	vlt.s32 v32, s19  }
0xdf: {  	v33 =	vsub.s32 v32, v0;
	v1 =	vsel vm0, v1, v30;
	vm0 =	vmand vm4, vm5  }
0xe0: {  	v36 =	vld [tilespmem:$0x1D0];
	[tilespmem:$0x5A0] =	vst v1;
	v1 =	vnsel vm0, $0x0, v33  }
0xe1: {  	v34 =	vld [tilespmem:$0x5B0];
	v35 =	vshll.u32 v1, $0x3  }
0xe2: {  	v2 =	vld.idx.msk [tilespmem:v2+s11+$0x0], $0xffff;
	v1 =	vand.u32 $0x7F, v1;
	v4 =	vand.u32 $0xFFFFFC00, v35  }
0xe3: {  	v1 =	vor.u32 v4, v1  }
0xe4: {  	v1 =	vor.u32 $0x180, v1;
	_ =	sdelay $0x1  }
0xe5: {  	vm6 =	vge.s32 v36, s16;
	vm7 =	vlt.s32 v36, s19  }
0xe6: {  	v40 =	vld [tilespmem:$0x1E0];
	v37 =	vsub.s32 v36, v0;
	v2 =	vsel vm1, v2, v34;
	vm1 =	vmand vm6, vm7  }
0xe7: {  	v38 =	vld [tilespmem:$0x5C0];
	[tilespmem:$0x5B0] =	vst v2;
	v2 =	vnsel vm1, $0x0, v37  }
0xe8: {  	v39 =	vshll.u32 v2, $0x3;
	v1 =	vld.idx.msk [tilespmem:v1+s11+$0x0], $0xffff  }
0xe9: {  	v2 =	vand.u32 $0x7F, v2;
	v4 =	vand.u32 $0xFFFFFC00, v39  }
0xea: {  	v2 =	vor.u32 v4, v2  }
0xeb: {  	v2 =	vor.u32 $0x180, v2  }
0xec: {  	vm8 =	vge.s32 v40, s16;
	vm9 =	vlt.s32 v40, s19  }
0xed: {  	v41 =	vsub.s32 v40, v0;
	v1 =	vsel vm0, v1, v38;
	vm0 =	vmand vm8, vm9  }
0xee: {  	v44 =	vld [tilespmem:$0x1F0];
	[tilespmem:$0x5C0] =	vst v1;
	v1 =	vnsel vm0, $0x0, v41  }
0xef: {  	v42 =	vld [tilespmem:$0x5D0];
	v43 =	vshll.u32 v1, $0x3  }
0xf0: {  	v2 =	vld.idx.msk [tilespmem:v2+s11+$0x0], $0xffff;
	v1 =	vand.u32 $0x7F, v1;
	v4 =	vand.u32 $0xFFFFFC00, v43  }
0xf1: {  	v1 =	vor.u32 v4, v1  }
0xf2: {  	v1 =	vor.u32 $0x180, v1;
	_ =	sdelay $0x1  }
0xf3: {  	vm10 =	vge.s32 v44, s16;
	vm11 =	vlt.s32 v44, s19  }
0xf4: {  	v48 =	vld [tilespmem:$0x200];
	v45 =	vsub.s32 v44, v0;
	v2 =	vsel vm1, v2, v42;
	vm1 =	vmand vm10, vm11  }
0xf5: {  	v46 =	vld [tilespmem:$0x5E0];
	[tilespmem:$0x5D0] =	vst v2;
	v2 =	vnsel vm1, $0x0, v45  }
0xf6: {  	v47 =	vshll.u32 v2, $0x3;
	v1 =	vld.idx.msk [tilespmem:v1+s11+$0x0], $0xffff  }
0xf7: {  	v2 =	vand.u32 $0x7F, v2;
	v4 =	vand.u32 $0xFFFFFC00, v47  }
0xf8: {  	v2 =	vor.u32 v4, v2  }
0xf9: {  	v2 =	vor.u32 $0x180, v2  }
0xfa: {  	vm12 =	vge.s32 v48, s16;
	vm13 =	vlt.s32 v48, s19  }
0xfb: {  	v49 =	vsub.s32 v48, v0;
	v1 =	vsel vm0, v1, v46;
	vm0 =	vmand vm12, vm13  }
0xfc: {  	v52 =	vld [tilespmem:$0x210];
	[tilespmem:$0x5E0] =	vst v1;
	v1 =	vnsel vm0, $0x0, v49  }
0xfd: {  	v50 =	vld [tilespmem:$0x5F0];
	v51 =	vshll.u32 v1, $0x3  }
0xfe: {  	v2 =	vld.idx.msk [tilespmem:v2+s11+$0x0], $0xffff;
	v1 =	vand.u32 $0x7F, v1;
	v4 =	vand.u32 $0xFFFFFC00, v51  }
0xff: {  	v1 =	vor.u32 v4, v1  }
0x100: {  	v1 =	vor.u32 $0x200, v1;
	_ =	sdelay $0x1  }
0x101: {  	vm14 =	vge.s32 v52, s16;
	vm15 =	vlt.s32 v52, s19  }
0x102: {  	v56 =	vld [tilespmem:$0x220];
	v53 =	vsub.s32 v52, v0;
	v2 =	vsel vm1, v2, v50;
	vm1 =	vmand vm14, vm15  }
0x103: {  	v54 =	vld [tilespmem:$0x600];
	[tilespmem:$0x5F0] =	vst v2;
	v2 =	vnsel vm1, $0x0, v53  }
0x104: {  	v55 =	vshll.u32 v2, $0x3;
	v1 =	vld.idx.msk [tilespmem:v1+s11+$0x0], $0xffff  }
0x105: {  	v2 =	vand.u32 $0x7F, v2;
	v4 =	vand.u32 $0xFFFFFC00, v55  }
0x106: {  	v2 =	vor.u32 v4, v2  }
0x107: {  	v2 =	vor.u32 $0x200, v2  }
0x108: {  	vm4 =	vge.s32 v56, s16;
	vm5 =	vlt.s32 v56, s19  }
0x109: {  	v57 =	vsub.s32 v56, v0;
	v1 =	vsel vm0, v1, v54;
	vm0 =	vmand vm4, vm5  }
0x10a: {  	v60 =	vld [tilespmem:$0x230];
	[tilespmem:$0x600] =	vst v1;
	v1 =	vnsel vm0, $0x0, v57  }
0x10b: {  	v58 =	vld [tilespmem:$0x610];
	v59 =	vshll.u32 v1, $0x3  }
0x10c: {  	v2 =	vld.idx.msk [tilespmem:v2+s11+$0x0], $0xffff;
	v1 =	vand.u32 $0x7F, v1;
	v4 =	vand.u32 $0xFFFFFC00, v59  }
0x10d: {  	v1 =	vor.u32 v4, v1  }
0x10e: {  	v1 =	vor.u32 $0x200, v1;
	_ =	sdelay $0x1  }
0x10f: {  	vm6 =	vge.s32 v60, s16;
	vm7 =	vlt.s32 v60, s19  }
0x110: {  	v8 =	vld [tilespmem:$0x240];
	v61 =	vsub.s32 v60, v0;
	v2 =	vsel vm1, v2, v58;
	vm1 =	vmand vm6, vm7  }
0x111: {  	v62 =	vld [tilespmem:$0x620];
	[tilespmem:$0x610] =	vst v2;
	v2 =	vnsel vm1, $0x0, v61  }
0x112: {  	v63 =	vshll.u32 v2, $0x3;
	v1 =	vld.idx.msk [tilespmem:v1+s11+$0x0], $0xffff  }
0x113: {  	v2 =	vand.u32 $0x7F, v2;
	v4 =	vand.u32 $0xFFFFFC00, v63  }
0x114: {  	v2 =	vor.u32 v4, v2  }
0x115: {  	v2 =	vor.u32 $0x200, v2  }
0x116: {  	vm8 =	vge.s32 v8, s16;
	vm9 =	vlt.s32 v8, s19  }
0x117: {  	v9 =	vsub.s32 v8, v0;
	v1 =	vsel vm0, v1, v62;
	vm0 =	vmand vm8, vm9  }
0x118: {  	v12 =	vld [tilespmem:$0x250];
	[tilespmem:$0x620] =	vst v1;
	v1 =	vnsel vm0, $0x0, v9  }
0x119: {  	v10 =	vld [tilespmem:$0x630];
	v11 =	vshll.u32 v1, $0x3  }
0x11a: {  	v2 =	vld.idx.msk [tilespmem:v2+s11+$0x0], $0xffff;
	v1 =	vand.u32 $0x7F, v1;
	v4 =	vand.u32 $0xFFFFFC00, v11  }
0x11b: {  	v1 =	vor.u32 v4, v1  }
0x11c: {  	v1 =	vor.u32 $0x200, v1;
	_ =	sdelay $0x1  }
0x11d: {  	vm10 =	vge.s32 v12, s16;
	vm11 =	vlt.s32 v12, s19  }
0x11e: {  	v16 =	vld [tilespmem:$0x260];
	v13 =	vsub.s32 v12, v0;
	v2 =	vsel vm1, v2, v10;
	vm1 =	vmand vm10, vm11  }
0x11f: {  	v14 =	vld [tilespmem:$0x640];
	[tilespmem:$0x630] =	vst v2;
	v2 =	vnsel vm1, $0x0, v13  }
0x120: {  	v15 =	vshll.u32 v2, $0x3;
	v1 =	vld.idx.msk [tilespmem:v1+s11+$0x0], $0xffff  }
0x121: {  	v2 =	vand.u32 $0x7F, v2;
	v4 =	vand.u32 $0xFFFFFC00, v15  }
0x122: {  	v2 =	vor.u32 v4, v2  }
0x123: {  	v2 =	vor.u32 $0x200, v2  }
0x124: {  	vm12 =	vge.s32 v16, s16;
	vm13 =	vlt.s32 v16, s19  }
0x125: {  	v17 =	vsub.s32 v16, v0;
	v1 =	vsel vm0, v1, v14;
	vm0 =	vmand vm12, vm13  }
0x126: {  	v20 =	vld [tilespmem:$0x270];
	[tilespmem:$0x640] =	vst v1;
	v1 =	vnsel vm0, $0x0, v17  }
0x127: {  	v18 =	vld [tilespmem:$0x650];
	v19 =	vshll.u32 v1, $0x3  }
0x128: {  	v2 =	vld.idx.msk [tilespmem:v2+s11+$0x0], $0xffff;
	v1 =	vand.u32 $0x7F, v1;
	v4 =	vand.u32 $0xFFFFFC00, v19  }
0x129: {  	v1 =	vor.u32 v4, v1  }
0x12a: {  	v1 =	vor.u32 $0x200, v1;
	_ =	sdelay $0x1  }
0x12b: {  	vm14 =	vge.s32 v20, s16;
	vm15 =	vlt.s32 v20, s19  }
0x12c: {  	v24 =	vld [tilespmem:$0x280];
	v21 =	vsub.s32 v20, v0;
	v2 =	vsel vm1, v2, v18;
	vm1 =	vmand vm14, vm15  }
0x12d: {  	v22 =	vld [tilespmem:$0x660];
	[tilespmem:$0x650] =	vst v2;
	v2 =	vnsel vm1, $0x0, v21  }
0x12e: {  	v23 =	vshll.u32 v2, $0x3;
	v1 =	vld.idx.msk [tilespmem:v1+s11+$0x0], $0xffff  }
0x12f: {  	v2 =	vand.u32 $0x7F, v2;
	v4 =	vand.u32 $0xFFFFFC00, v23  }
0x130: {  	v2 =	vor.u32 v4, v2  }
0x131: {  	v2 =	vor.u32 $0x200, v2  }
0x132: {  	vm4 =	vge.s32 v24, s16;
	vm5 =	vlt.s32 v24, s19  }
0x133: {  	v25 =	vsub.s32 v24, v0;
	v1 =	vsel vm0, v1, v22;
	vm0 =	vmand vm4, vm5  }
0x134: {  	v28 =	vld [tilespmem:$0x290];
	[tilespmem:$0x660] =	vst v1;
	v1 =	vnsel vm0, $0x0, v25  }
0x135: {  	v26 =	vld [tilespmem:$0x670];
	v27 =	vshll.u32 v1, $0x3  }
0x136: {  	v2 =	vld.idx.msk [tilespmem:v2+s11+$0x0], $0xffff;
	v1 =	vand.u32 $0x7F, v1;
	v4 =	vand.u32 $0xFFFFFC00, v27  }
0x137: {  	v1 =	vor.u32 v4, v1  }
0x138: {  	v1 =	vor.u32 $0x280, v1;
	_ =	sdelay $0x1  }
0x139: {  	vm6 =	vge.s32 v28, s16;
	vm7 =	vlt.s32 v28, s19  }
0x13a: {  	v32 =	vld [tilespmem:$0x2A0];
	v29 =	vsub.s32 v28, v0;
	v2 =	vsel vm1, v2, v26;
	vm1 =	vmand vm6, vm7  }
0x13b: {  	v30 =	vld [tilespmem:$0x680];
	[tilespmem:$0x670] =	vst v2;
	v2 =	vnsel vm1, $0x0, v29  }
0x13c: {  	v31 =	vshll.u32 v2, $0x3;
	v1 =	vld.idx.msk [tilespmem:v1+s11+$0x0], $0xffff  }
0x13d: {  	v2 =	vand.u32 $0x7F, v2;
	v4 =	vand.u32 $0xFFFFFC00, v31  }
0x13e: {  	v2 =	vor.u32 v4, v2  }
0x13f: {  	v2 =	vor.u32 $0x280, v2  }
0x140: {  	vm8 =	vge.s32 v32, s16;
	vm9 =	vlt.s32 v32, s19  }
0x141: {  	v33 =	vsub.s32 v32, v0;
	v1 =	vsel vm0, v1, v30;
	vm0 =	vmand vm8, vm9  }
0x142: {  	v36 =	vld [tilespmem:$0x2B0];
	[tilespmem:$0x680] =	vst v1;
	v1 =	vnsel vm0, $0x0, v33  }
0x143: {  	v34 =	vld [tilespmem:$0x690];
	v35 =	vshll.u32 v1, $0x3  }
0x144: {  	v2 =	vld.idx.msk [tilespmem:v2+s11+$0x0], $0xffff;
	v1 =	vand.u32 $0x7F, v1;
	v4 =	vand.u32 $0xFFFFFC00, v35  }
0x145: {  	v1 =	vor.u32 v4, v1  }
0x146: {  	v1 =	vor.u32 $0x280, v1;
	_ =	sdelay $0x1  }
0x147: {  	vm10 =	vge.s32 v36, s16;
	vm11 =	vlt.s32 v36, s19  }
0x148: {  	v40 =	vld [tilespmem:$0x2C0];
	v37 =	vsub.s32 v36, v0;
	v2 =	vsel vm1, v2, v34;
	vm1 =	vmand vm10, vm11  }
0x149: {  	v38 =	vld [tilespmem:$0x6A0];
	[tilespmem:$0x690] =	vst v2;
	v2 =	vnsel vm1, $0x0, v37  }
0x14a: {  	v39 =	vshll.u32 v2, $0x3;
	v1 =	vld.idx.msk [tilespmem:v1+s11+$0x0], $0xffff  }
0x14b: {  	v2 =	vand.u32 $0x7F, v2;
	v4 =	vand.u32 $0xFFFFFC00, v39  }
0x14c: {  	v2 =	vor.u32 v4, v2  }
0x14d: {  	v2 =	vor.u32 $0x280, v2  }
0x14e: {  	vm12 =	vge.s32 v40, s16;
	vm13 =	vlt.s32 v40, s19  }
0x14f: {  	v41 =	vsub.s32 v40, v0;
	v1 =	vsel vm0, v1, v38;
	vm0 =	vmand vm12, vm13  }
0x150: {  	v44 =	vld [tilespmem:$0x2D0];
	[tilespmem:$0x6A0] =	vst v1;
	v1 =	vnsel vm0, $0x0, v41  }
0x151: {  	v42 =	vld [tilespmem:$0x6B0];
	v43 =	vshll.u32 v1, $0x3  }
0x152: {  	v2 =	vld.idx.msk [tilespmem:v2+s11+$0x0], $0xffff;
	v1 =	vand.u32 $0x7F, v1;
	v4 =	vand.u32 $0xFFFFFC00, v43  }
0x153: {  	v1 =	vor.u32 v4, v1  }
0x154: {  	v1 =	vor.u32 $0x280, v1;
	_ =	sdelay $0x1  }
0x155: {  	vm14 =	vge.s32 v44, s16;
	vm15 =	vlt.s32 v44, s19  }
0x156: {  	v48 =	vld [tilespmem:$0x2E0];
	v45 =	vsub.s32 v44, v0;
	v2 =	vsel vm1, v2, v42;
	vm1 =	vmand vm14, vm15  }
0x157: {  	v46 =	vld [tilespmem:$0x6C0];
	[tilespmem:$0x6B0] =	vst v2;
	v2 =	vnsel vm1, $0x0, v45  }
0x158: {  	v47 =	vshll.u32 v2, $0x3;
	v1 =	vld.idx.msk [tilespmem:v1+s11+$0x0], $0xffff  }
0x159: {  	v2 =	vand.u32 $0x7F, v2;
	v4 =	vand.u32 $0xFFFFFC00, v47  }
0x15a: {  	v2 =	vor.u32 v4, v2  }
0x15b: {  	v2 =	vor.u32 $0x280, v2  }
0x15c: {  	vm4 =	vge.s32 v48, s16;
	vm5 =	vlt.s32 v48, s19  }
0x15d: {  	v49 =	vsub.s32 v48, v0;
	v1 =	vsel vm0, v1, v46;
	vm0 =	vmand vm4, vm5  }
0x15e: {  	v52 =	vld [tilespmem:$0x2F0];
	[tilespmem:$0x6C0] =	vst v1;
	v1 =	vnsel vm0, $0x0, v49  }
0x15f: {  	v50 =	vld [tilespmem:$0x6D0];
	v51 =	vshll.u32 v1, $0x3  }
0x160: {  	v2 =	vld.idx.msk [tilespmem:v2+s11+$0x0], $0xffff;
	v1 =	vand.u32 $0x7F, v1;
	v4 =	vand.u32 $0xFFFFFC00, v51  }
0x161: {  	v1 =	vor.u32 v4, v1  }
0x162: {  	v1 =	vor.u32 $0x280, v1;
	_ =	sdelay $0x1  }
0x163: {  	vm6 =	vge.s32 v52, s16;
	vm7 =	vlt.s32 v52, s19  }
0x164: {  	v56 =	vld [tilespmem:$0x300];
	v53 =	vsub.s32 v52, v0;
	v2 =	vsel vm1, v2, v50;
	vm1 =	vmand vm6, vm7  }
0x165: {  	v54 =	vld [tilespmem:$0x6E0];
	[tilespmem:$0x6D0] =	vst v2;
	v2 =	vnsel vm1, $0x0, v53  }
0x166: {  	v55 =	vshll.u32 v2, $0x3;
	v1 =	vld.idx.msk [tilespmem:v1+s11+$0x0], $0xffff  }
0x167: {  	v2 =	vand.u32 $0x7F, v2;
	v4 =	vand.u32 $0xFFFFFC00, v55  }
0x168: {  	v2 =	vor.u32 v4, v2  }
0x169: {  	v2 =	vor.u32 $0x280, v2  }
0x16a: {  	vm8 =	vge.s32 v56, s16;
	vm9 =	vlt.s32 v56, s19  }
0x16b: {  	v57 =	vsub.s32 v56, v0;
	v1 =	vsel vm0, v1, v54;
	vm0 =	vmand vm8, vm9  }
0x16c: {  	v60 =	vld [tilespmem:$0x310];
	[tilespmem:$0x6E0] =	vst v1;
	v1 =	vnsel vm0, $0x0, v57  }
0x16d: {  	v58 =	vld [tilespmem:$0x6F0];
	v59 =	vshll.u32 v1, $0x3  }
0x16e: {  	v2 =	vld.idx.msk [tilespmem:v2+s11+$0x0], $0xffff;
	v1 =	vand.u32 $0x7F, v1;
	v4 =	vand.u32 $0xFFFFFC00, v59  }
0x16f: {  	v1 =	vor.u32 v4, v1  }
0x170: {  	v1 =	vor.u32 $0x300, v1;
	_ =	sdelay $0x1  }
0x171: {  	vm10 =	vge.s32 v60, s16;
	vm11 =	vlt.s32 v60, s19  }
0x172: {  	v8 =	vld [tilespmem:$0x320];
	v61 =	vsub.s32 v60, v0;
	v2 =	vsel vm1, v2, v58;
	vm1 =	vmand vm10, vm11  }
0x173: {  	v62 =	vld [tilespmem:$0x700];
	[tilespmem:$0x6F0] =	vst v2;
	v2 =	vnsel vm1, $0x0, v61  }
0x174: {  	v63 =	vshll.u32 v2, $0x3;
	v1 =	vld.idx.msk [tilespmem:v1+s11+$0x0], $0xffff  }
0x175: {  	v2 =	vand.u32 $0x7F, v2;
	v4 =	vand.u32 $0xFFFFFC00, v63  }
0x176: {  	v2 =	vor.u32 v4, v2  }
0x177: {  	v2 =	vor.u32 $0x300, v2  }
0x178: {  	vm12 =	vge.s32 v8, s16;
	vm13 =	vlt.s32 v8, s19  }
0x179: {  	v9 =	vsub.s32 v8, v0;
	v1 =	vsel vm0, v1, v62;
	vm0 =	vmand vm12, vm13  }
0x17a: {  	v12 =	vld [tilespmem:$0x330];
	[tilespmem:$0x700] =	vst v1;
	v1 =	vnsel vm0, $0x0, v9  }
0x17b: {  	v10 =	vld [tilespmem:$0x710];
	v11 =	vshll.u32 v1, $0x3  }
0x17c: {  	v2 =	vld.idx.msk [tilespmem:v2+s11+$0x0], $0xffff;
	v1 =	vand.u32 $0x7F, v1;
	v4 =	vand.u32 $0xFFFFFC00, v11  }
0x17d: {  	v1 =	vor.u32 v4, v1  }
0x17e: {  	v1 =	vor.u32 $0x300, v1;
	_ =	sdelay $0x1  }
0x17f: {  	vm14 =	vge.s32 v12, s16;
	vm15 =	vlt.s32 v12, s19  }
0x180: {  	v16 =	vld [tilespmem:$0x340];
	v13 =	vsub.s32 v12, v0;
	v2 =	vsel vm1, v2, v10;
	vm1 =	vmand vm14, vm15  }
0x181: {  	v14 =	vld [tilespmem:$0x720];
	[tilespmem:$0x710] =	vst v2;
	v2 =	vnsel vm1, $0x0, v13  }
0x182: {  	v15 =	vshll.u32 v2, $0x3;
	v1 =	vld.idx.msk [tilespmem:v1+s11+$0x0], $0xffff  }
0x183: {  	v2 =	vand.u32 $0x7F, v2;
	v4 =	vand.u32 $0xFFFFFC00, v15  }
0x184: {  	v2 =	vor.u32 v4, v2  }
0x185: {  	v2 =	vor.u32 $0x300, v2  }
0x186: {  	vm4 =	vge.s32 v16, s16;
	vm5 =	vlt.s32 v16, s19  }
0x187: {  	v17 =	vsub.s32 v16, v0;
	v1 =	vsel vm0, v1, v14;
	vm0 =	vmand vm4, vm5  }
0x188: {  	v20 =	vld [tilespmem:$0x350];
	[tilespmem:$0x720] =	vst v1;
	v1 =	vnsel vm0, $0x0, v17  }
0x189: {  	v18 =	vld [tilespmem:$0x730];
	v19 =	vshll.u32 v1, $0x3  }
0x18a: {  	v2 =	vld.idx.msk [tilespmem:v2+s11+$0x0], $0xffff;
	v1 =	vand.u32 $0x7F, v1;
	v4 =	vand.u32 $0xFFFFFC00, v19  }
0x18b: {  	v1 =	vor.u32 v4, v1  }
0x18c: {  	v1 =	vor.u32 $0x300, v1;
	_ =	sdelay $0x1  }
0x18d: {  	vm6 =	vge.s32 v20, s16;
	vm7 =	vlt.s32 v20, s19  }
0x18e: {  	v24 =	vld [tilespmem:$0x360];
	v21 =	vsub.s32 v20, v0;
	v2 =	vsel vm1, v2, v18;
	vm1 =	vmand vm6, vm7  }
0x18f: {  	v22 =	vld [tilespmem:$0x740];
	[tilespmem:$0x730] =	vst v2;
	v2 =	vnsel vm1, $0x0, v21  }
0x190: {  	v23 =	vshll.u32 v2, $0x3;
	v1 =	vld.idx.msk [tilespmem:v1+s11+$0x0], $0xffff  }
0x191: {  	v2 =	vand.u32 $0x7F, v2;
	v4 =	vand.u32 $0xFFFFFC00, v23  }
0x192: {  	v2 =	vor.u32 v4, v2  }
0x193: {  	v2 =	vor.u32 $0x300, v2  }
0x194: {  	vm8 =	vge.s32 v24, s16;
	vm9 =	vlt.s32 v24, s19  }
0x195: {  	v25 =	vsub.s32 v24, v0;
	v1 =	vsel vm0, v1, v22;
	vm0 =	vmand vm8, vm9  }
0x196: {  	v28 =	vld [tilespmem:$0x370];
	[tilespmem:$0x740] =	vst v1;
	v1 =	vnsel vm0, $0x0, v25  }
0x197: {  	v26 =	vld [tilespmem:$0x750];
	v27 =	vshll.u32 v1, $0x3  }
0x198: {  	v2 =	vld.idx.msk [tilespmem:v2+s11+$0x0], $0xffff;
	v1 =	vand.u32 $0x7F, v1;
	v4 =	vand.u32 $0xFFFFFC00, v27  }
0x199: {  	v1 =	vor.u32 v4, v1  }
0x19a: {  	v1 =	vor.u32 $0x300, v1;
	_ =	sdelay $0x1  }
0x19b: {  	vm10 =	vge.s32 v28, s16;
	vm11 =	vlt.s32 v28, s19  }
0x19c: {  	v32 =	vld [tilespmem:$0x380];
	v29 =	vsub.s32 v28, v0;
	v2 =	vsel vm1, v2, v26;
	vm1 =	vmand vm10, vm11  }
0x19d: {  	v30 =	vld [tilespmem:$0x760];
	[tilespmem:$0x750] =	vst v2;
	v2 =	vnsel vm1, $0x0, v29  }
0x19e: {  	v31 =	vshll.u32 v2, $0x3;
	v1 =	vld.idx.msk [tilespmem:v1+s11+$0x0], $0xffff  }
0x19f: {  	v2 =	vand.u32 $0x7F, v2;
	v4 =	vand.u32 $0xFFFFFC00, v31  }
0x1a0: {  	v2 =	vor.u32 v4, v2  }
0x1a1: {  	v2 =	vor.u32 $0x300, v2  }
0x1a2: {  	vm12 =	vge.s32 v32, s16;
	vm13 =	vlt.s32 v32, s19  }
0x1a3: {  	v33 =	vsub.s32 v32, v0;
	v1 =	vsel vm0, v1, v30;
	vm0 =	vmand vm12, vm13  }
0x1a4: {  	v36 =	vld [tilespmem:$0x390];
	[tilespmem:$0x760] =	vst v1;
	v1 =	vnsel vm0, $0x0, v33  }
0x1a5: {  	v34 =	vld [tilespmem:$0x770];
	v35 =	vshll.u32 v1, $0x3  }
0x1a6: {  	v2 =	vld.idx.msk [tilespmem:v2+s11+$0x0], $0xffff;
	v1 =	vand.u32 $0x7F, v1;
	v4 =	vand.u32 $0xFFFFFC00, v35  }
0x1a7: {  	v1 =	vor.u32 v4, v1  }
0x1a8: {  	v1 =	vor.u32 $0x380, v1;
	_ =	sdelay $0x1  }
0x1a9: {  	vm14 =	vge.s32 v36, s16;
	vm15 =	vlt.s32 v36, s19  }
0x1aa: {  	v40 =	vld [tilespmem:$0x3A0];
	v37 =	vsub.s32 v36, v0;
	v2 =	vsel vm1, v2, v34;
	vm1 =	vmand vm14, vm15  }
0x1ab: {  	v38 =	vld [tilespmem:$0x780];
	[tilespmem:$0x770] =	vst v2;
	v2 =	vnsel vm1, $0x0, v37  }
0x1ac: {  	v39 =	vshll.u32 v2, $0x3;
	v1 =	vld.idx.msk [tilespmem:v1+s11+$0x0], $0xffff  }
0x1ad: {  	v2 =	vand.u32 $0x7F, v2;
	v4 =	vand.u32 $0xFFFFFC00, v39  }
0x1ae: {  	v2 =	vor.u32 v4, v2  }
0x1af: {  	v2 =	vor.u32 $0x380, v2  }
0x1b0: {  	vm4 =	vge.s32 v40, s16;
	vm5 =	vlt.s32 v40, s19  }
0x1b1: {  	v41 =	vsub.s32 v40, v0;
	v1 =	vsel vm0, v1, v38;
	vm0 =	vmand vm4, vm5  }
0x1b2: {  	v44 =	vld [tilespmem:$0x3B0];
	[tilespmem:$0x780] =	vst v1;
	v1 =	vnsel vm0, $0x0, v41  }
0x1b3: {  	v42 =	vld [tilespmem:$0x790];
	v43 =	vshll.u32 v1, $0x3  }
0x1b4: {  	v2 =	vld.idx.msk [tilespmem:v2+s11+$0x0], $0xffff;
	v1 =	vand.u32 $0x7F, v1;
	v4 =	vand.u32 $0xFFFFFC00, v43  }
0x1b5: {  	v1 =	vor.u32 v4, v1  }
0x1b6: {  	v1 =	vor.u32 $0x380, v1;
	_ =	sdelay $0x1  }
0x1b7: {  	vm6 =	vge.s32 v44, s16;
	vm7 =	vlt.s32 v44, s19  }
0x1b8: {  	v48 =	vld [tilespmem:$0x3C0];
	v45 =	vsub.s32 v44, v0;
	v2 =	vsel vm1, v2, v42;
	vm1 =	vmand vm6, vm7  }
0x1b9: {  	v46 =	vld [tilespmem:$0x7A0];
	[tilespmem:$0x790] =	vst v2;
	v2 =	vnsel vm1, $0x0, v45  }
0x1ba: {  	v47 =	vshll.u32 v2, $0x3;
	v1 =	vld.idx.msk [tilespmem:v1+s11+$0x0], $0xffff  }
0x1bb: {  	v2 =	vand.u32 $0x7F, v2;
	v4 =	vand.u32 $0xFFFFFC00, v47  }
0x1bc: {  	v2 =	vor.u32 v4, v2  }
0x1bd: {  	v2 =	vor.u32 $0x380, v2  }
0x1be: {  	vm8 =	vge.s32 v48, s16;
	vm9 =	vlt.s32 v48, s19  }
0x1bf: {  	v49 =	vsub.s32 v48, v0;
	v1 =	vsel vm0, v1, v46;
	vm0 =	vmand vm8, vm9  }
0x1c0: {  	v52 =	vld [tilespmem:$0x3D0];
	[tilespmem:$0x7A0] =	vst v1;
	v1 =	vnsel vm0, $0x0, v49  }
0x1c1: {  	v50 =	vld [tilespmem:$0x7B0];
	v51 =	vshll.u32 v1, $0x3  }
0x1c2: {  	v2 =	vld.idx.msk [tilespmem:v2+s11+$0x0], $0xffff;
	v1 =	vand.u32 $0x7F, v1;
	v4 =	vand.u32 $0xFFFFFC00, v51  }
0x1c3: {  	v1 =	vor.u32 v4, v1  }
0x1c4: {  	v1 =	vor.u32 $0x380, v1;
	_ =	sdelay $0x1  }
0x1c5: {  	vm10 =	vge.s32 v52, s16;
	vm11 =	vlt.s32 v52, s19  }
0x1c6: {  	v56 =	vld [tilespmem:$0x3E0];
	v53 =	vsub.s32 v52, v0;
	v2 =	vsel vm1, v2, v50;
	vm1 =	vmand vm10, vm11  }
0x1c7: {  	v54 =	vld [tilespmem:$0x7C0];
	[tilespmem:$0x7B0] =	vst v2;
	v2 =	vnsel vm1, $0x0, v53  }
0x1c8: {  	v55 =	vshll.u32 v2, $0x3;
	v1 =	vld.idx.msk [tilespmem:v1+s11+$0x0], $0xffff  }
0x1c9: {  	v2 =	vand.u32 $0x7F, v2;
	v4 =	vand.u32 $0xFFFFFC00, v55  }
0x1ca: {  	v2 =	vor.u32 v4, v2  }
0x1cb: {  	v2 =	vor.u32 $0x380, v2  }
0x1cc: {  	vm12 =	vge.s32 v56, s16;
	vm13 =	vlt.s32 v56, s19  }
0x1cd: {  	v57 =	vsub.s32 v56, v0;
	v1 =	vsel vm0, v1, v54;
	vm0 =	vmand vm12, vm13  }
0x1ce: {  	v59 =	vld [tilespmem:$0x3F0];
	[tilespmem:$0x7C0] =	vst v1;
	v1 =	vnsel vm0, $0x0, v57  }
0x1cf: {  	v60 =	vld [tilespmem:$0x7D0];
	v58 =	vshll.u32 v1, $0x3  }
0x1d0: {  	v2 =	vld.idx.msk [tilespmem:v2+s11+$0x0], $0xffff;
	v1 =	vand.u32 $0x7F, v1;
	v3 =	vand.u32 $0xFFFFFC00, v58  }
0x1d1: {  	v1 =	vor.u32 v3, v1  }
0x1d2: {  	v1 =	vor.u32 $0x380, v1  }
0x1d3: {  	vm3 =	vlt.s32 v59, s19;
	vm14 =	vge.s32 v59, s16  }
0x1d4: {  	v0 =	vsub.s32 v59, v0;
	vm15 =	vmand vm14, vm3  }
0x1d5: {  	v0 =	vnsel vm15, $0x0, v0;
	v2 =	vsel vm1, v2, v60  }
0x1d6: {  	v62 =	vld [tilespmem:$0x7E0];
	v61 =	vshll.u32 v0, $0x3;
	[tilespmem:$0x7D0] =	vst v2  }
0x1d7: {  	v0 =	vand.u32 $0x7F, v0;
	v2 =	vand.u32 $0xFFFFFC00, v61;
	v1 =	vld.idx.msk [tilespmem:v1+s11+$0x0], $0xffff  }
0x1d8: {  	v0 =	vor.u32 v2, v0  }
0x1d9: {  	v0 =	vor.u32 $0x380, v0;
	_ =	sdelay $0x2  }
0x1da: {  	v1 =	vsel vm0, v1, v62  }
0x1db: {  	v63 =	vld [tilespmem:$0x7F0];
	[tilespmem:$0x7E0] =	vst v1  }
0x1dc: {  	v0 =	vld.idx.msk [tilespmem:v0+s11+$0x0], $0xffff  }
0x1dd: {  	p0 =	sne.s32 s16, $0x15700  }
.Ltmp0:
0x1de: {  	_ = 	snop;
	(pc) =	sbr.rel @p0 .LBB2_3-.Ltmp0, $3  }
0x1df: {  	_ =	sdelay $0x1  }
0x1e0: {  	v0 =	vsel vm15, v0, v63  }
0x1e1: {  	s16 =	smov.u32 s31;
	[tilespmem:$0x7F0] =	vst v0  }
0x1e2: {  	v0 =	vld [tilespmem:$0x0];
	_ =	sdelay $0x4  }
0x1e3: {  	vm0 =	vgt.s32 v0, $0x18680  }
0x1e4: {  	v1 =	vnsel vm0, $0x18680, v0  }
0x1e5: {  	v2 =	vld [tilespmem:$0x10];
	v1 =	vadd.s32 $0xFFFE7980, v1;
	_ =	sdelay $0x3  }
0x1e6: {  	v3 =	vld [tilespmem:$0x400]  }
0x1e7: {  	vm9 =	vgt.s32 v2, $0x18680;
	v1 =	vld.idx.msk [tilespmem:v1+s10+$0x0], $0xffff  }
0x1e8: {  	v4 =	vnsel vm9, $0x18680, v2  }
0x1e9: {  	v5 =	vld [tilespmem:$0x20];
	v4 =	vadd.s32 $0xFFFE7980, v4;
	_ =	sdelay $0x1  }
0x1ea: {  	vm10 =	vgt.s32 v0, $0x1867F  }
0x1eb: {  	v0 =	vsel vm10, v1, v3  }
0x1ec: {  	v48 =	vld [tilespmem:$0x410];
	[tilespmem:$0x400] =	vst v0  }
0x1ed: {  	vm11 =	vgt.s32 v5, $0x18680;
	v0 =	vld.idx.msk [tilespmem:v4+s10+$0x0], $0xffff  }
0x1ee: {  	v49 =	vnsel vm11, $0x18680, v5  }
0x1ef: {  	v50 =	vld [tilespmem:$0x30];
	v3 =	vadd.s32 $0xFFFE7980, v49;
	_ =	sdelay $0x1  }
0x1f0: {  	vm12 =	vgt.s32 v2, $0x1867F  }
0x1f1: {  	v0 =	vsel vm12, v0, v48  }
0x1f2: {  	v51 =	vld [tilespmem:$0x420];
	[tilespmem:$0x410] =	vst v0  }
0x1f3: {  	vm13 =	vgt.s32 v50, $0x18680;
	v0 =	vld.idx.msk [tilespmem:v3+s10+$0x0], $0xffff  }
0x1f4: {  	v52 =	vnsel vm13, $0x18680, v50  }
0x1f5: {  	v53 =	vld [tilespmem:$0x40];
	v2 =	vadd.s32 $0xFFFE7980, v52;
	_ =	sdelay $0x1  }
0x1f6: {  	vm14 =	vgt.s32 v5, $0x1867F  }
0x1f7: {  	v0 =	vsel vm14, v0, v51  }
0x1f8: {  	v54 =	vld [tilespmem:$0x430];
	[tilespmem:$0x420] =	vst v0  }
0x1f9: {  	vm15 =	vgt.s32 v53, $0x18680;
	v0 =	vld.idx.msk [tilespmem:v2+s10+$0x0], $0xffff  }
0x1fa: {  	v55 =	vnsel vm15, $0x18680, v53  }
0x1fb: {  	v56 =	vld [tilespmem:$0x50];
	v2 =	vadd.s32 $0xFFFE7980, v55;
	_ =	sdelay $0x1  }
0x1fc: {  	vm4 =	vgt.s32 v50, $0x1867F  }
0x1fd: {  	v0 =	vsel vm4, v0, v54  }
0x1fe: {  	v57 =	vld [tilespmem:$0x440];
	[tilespmem:$0x430] =	vst v0  }
0x1ff: {  	vm5 =	vgt.s32 v56, $0x18680;
	v0 =	vld.idx.msk [tilespmem:v2+s10+$0x0], $0xffff  }
0x200: {  	v58 =	vnsel vm5, $0x18680, v56  }
0x201: {  	v59 =	vld [tilespmem:$0x60];
	v2 =	vadd.s32 $0xFFFE7980, v58;
	_ =	sdelay $0x1  }
0x202: {  	vm6 =	vgt.s32 v53, $0x1867F  }
0x203: {  	v0 =	vsel vm6, v0, v57  }
0x204: {  	v60 =	vld [tilespmem:$0x450];
	[tilespmem:$0x440] =	vst v0  }
0x205: {  	vm7 =	vgt.s32 v59, $0x18680;
	v0 =	vld.idx.msk [tilespmem:v2+s10+$0x0], $0xffff  }
0x206: {  	v61 =	vnsel vm7, $0x18680, v59  }
0x207: {  	v62 =	vld [tilespmem:$0x70];
	v2 =	vadd.s32 $0xFFFE7980, v61;
	_ =	sdelay $0x1  }
0x208: {  	vm8 =	vgt.s32 v56, $0x1867F  }
0x209: {  	v0 =	vsel vm8, v0, v60  }
0x20a: {  	v63 =	vld [tilespmem:$0x460];
	[tilespmem:$0x450] =	vst v0  }
0x20b: {  	vm9 =	vgt.s32 v62, $0x18680;
	v0 =	vld.idx.msk [tilespmem:v2+s10+$0x0], $0xffff  }
0x20c: {  	v7 =	vnsel vm9, $0x18680, v62  }
0x20d: {  	v8 =	vld [tilespmem:$0x80];
	v2 =	vadd.s32 $0xFFFE7980, v7;
	_ =	sdelay $0x1  }
0x20e: {  	vm10 =	vgt.s32 v59, $0x1867F  }
0x20f: {  	v0 =	vsel vm10, v0, v63  }
0x210: {  	v9 =	vld [tilespmem:$0x470];
	[tilespmem:$0x460] =	vst v0  }
0x211: {  	vm11 =	vgt.s32 v8, $0x18680;
	v0 =	vld.idx.msk [tilespmem:v2+s10+$0x0], $0xffff  }
0x212: {  	v10 =	vnsel vm11, $0x18680, v8  }
0x213: {  	v11 =	vld [tilespmem:$0x90];
	v2 =	vadd.s32 $0xFFFE7A00, v10;
	_ =	sdelay $0x1  }
0x214: {  	vm12 =	vgt.s32 v62, $0x1867F  }
0x215: {  	v0 =	vsel vm12, v0, v9  }
0x216: {  	v12 =	vld [tilespmem:$0x480];
	[tilespmem:$0x470] =	vst v0  }
0x217: {  	vm13 =	vgt.s32 v11, $0x18680;
	v0 =	vld.idx.msk [tilespmem:v2+s10+$0x0], $0xffff  }
0x218: {  	v13 =	vnsel vm13, $0x18680, v11  }
0x219: {  	v14 =	vld [tilespmem:$0xA0];
	v2 =	vadd.s32 $0xFFFE7A00, v13;
	_ =	sdelay $0x1  }
0x21a: {  	vm14 =	vgt.s32 v8, $0x1867F  }
0x21b: {  	v0 =	vsel vm14, v0, v12  }
0x21c: {  	v15 =	vld [tilespmem:$0x490];
	[tilespmem:$0x480] =	vst v0  }
0x21d: {  	vm15 =	vgt.s32 v14, $0x18680;
	v0 =	vld.idx.msk [tilespmem:v2+s10+$0x0], $0xffff  }
0x21e: {  	v16 =	vnsel vm15, $0x18680, v14  }
0x21f: {  	v17 =	vld [tilespmem:$0xB0];
	v2 =	vadd.s32 $0xFFFE7A00, v16;
	_ =	sdelay $0x1  }
0x220: {  	vm4 =	vgt.s32 v11, $0x1867F  }
0x221: {  	v0 =	vsel vm4, v0, v15  }
0x222: {  	v18 =	vld [tilespmem:$0x4A0];
	[tilespmem:$0x490] =	vst v0  }
0x223: {  	vm5 =	vgt.s32 v17, $0x18680;
	v0 =	vld.idx.msk [tilespmem:v2+s10+$0x0], $0xffff  }
0x224: {  	v19 =	vnsel vm5, $0x18680, v17  }
0x225: {  	v20 =	vld [tilespmem:$0xC0];
	v2 =	vadd.s32 $0xFFFE7A00, v19;
	_ =	sdelay $0x1  }
0x226: {  	vm6 =	vgt.s32 v14, $0x1867F  }
0x227: {  	v0 =	vsel vm6, v0, v18  }
0x228: {  	v21 =	vld [tilespmem:$0x4B0];
	[tilespmem:$0x4A0] =	vst v0  }
0x229: {  	vm7 =	vgt.s32 v20, $0x18680;
	v0 =	vld.idx.msk [tilespmem:v2+s10+$0x0], $0xffff  }
0x22a: {  	v22 =	vnsel vm7, $0x18680, v20  }
0x22b: {  	v23 =	vld [tilespmem:$0xD0];
	v2 =	vadd.s32 $0xFFFE7A00, v22;
	_ =	sdelay $0x1  }
0x22c: {  	vm8 =	vgt.s32 v17, $0x1867F  }
0x22d: {  	v0 =	vsel vm8, v0, v21  }
0x22e: {  	v24 =	vld [tilespmem:$0x4C0];
	[tilespmem:$0x4B0] =	vst v0  }
0x22f: {  	vm9 =	vgt.s32 v23, $0x18680;
	v0 =	vld.idx.msk [tilespmem:v2+s10+$0x0], $0xffff  }
0x230: {  	v25 =	vnsel vm9, $0x18680, v23  }
0x231: {  	v26 =	vld [tilespmem:$0xE0];
	v2 =	vadd.s32 $0xFFFE7A00, v25;
	_ =	sdelay $0x1  }
0x232: {  	vm10 =	vgt.s32 v20, $0x1867F  }
0x233: {  	v0 =	vsel vm10, v0, v24  }
0x234: {  	v27 =	vld [tilespmem:$0x4D0];
	[tilespmem:$0x4C0] =	vst v0  }
0x235: {  	vm11 =	vgt.s32 v26, $0x18680;
	v0 =	vld.idx.msk [tilespmem:v2+s10+$0x0], $0xffff  }
0x236: {  	v28 =	vnsel vm11, $0x18680, v26  }
0x237: {  	v29 =	vld [tilespmem:$0xF0];
	v2 =	vadd.s32 $0xFFFE7A00, v28;
	_ =	sdelay $0x1  }
0x238: {  	vm12 =	vgt.s32 v23, $0x1867F  }
0x239: {  	v0 =	vsel vm12, v0, v27  }
0x23a: {  	v30 =	vld [tilespmem:$0x4E0];
	[tilespmem:$0x4D0] =	vst v0  }
0x23b: {  	vm13 =	vgt.s32 v29, $0x18680;
	v0 =	vld.idx.msk [tilespmem:v2+s10+$0x0], $0xffff  }
0x23c: {  	v31 =	vnsel vm13, $0x18680, v29  }
0x23d: {  	v32 =	vld [tilespmem:$0x100];
	v2 =	vadd.s32 $0xFFFE7A00, v31;
	_ =	sdelay $0x1  }
0x23e: {  	vm14 =	vgt.s32 v26, $0x1867F  }
0x23f: {  	v0 =	vsel vm14, v0, v30  }
0x240: {  	v33 =	vld [tilespmem:$0x4F0];
	[tilespmem:$0x4E0] =	vst v0  }
0x241: {  	vm15 =	vgt.s32 v32, $0x18680;
	v0 =	vld.idx.msk [tilespmem:v2+s10+$0x0], $0xffff  }
0x242: {  	v34 =	vnsel vm15, $0x18680, v32  }
0x243: {  	v35 =	vld [tilespmem:$0x110];
	v2 =	vadd.s32 $0xFFFE7A80, v34;
	_ =	sdelay $0x1  }
0x244: {  	vm4 =	vgt.s32 v29, $0x1867F  }
0x245: {  	v0 =	vsel vm4, v0, v33  }
0x246: {  	v36 =	vld [tilespmem:$0x500];
	[tilespmem:$0x4F0] =	vst v0  }
0x247: {  	vm5 =	vgt.s32 v35, $0x18680;
	v0 =	vld.idx.msk [tilespmem:v2+s10+$0x0], $0xffff  }
0x248: {  	v37 =	vnsel vm5, $0x18680, v35  }
0x249: {  	v38 =	vld [tilespmem:$0x120];
	v2 =	vadd.s32 $0xFFFE7A80, v37;
	_ =	sdelay $0x1  }
0x24a: {  	vm6 =	vgt.s32 v32, $0x1867F  }
0x24b: {  	v0 =	vsel vm6, v0, v36  }
0x24c: {  	v39 =	vld [tilespmem:$0x510];
	[tilespmem:$0x500] =	vst v0  }
0x24d: {  	vm7 =	vgt.s32 v38, $0x18680;
	v0 =	vld.idx.msk [tilespmem:v2+s10+$0x0], $0xffff  }
0x24e: {  	v40 =	vnsel vm7, $0x18680, v38  }
0x24f: {  	v41 =	vld [tilespmem:$0x130];
	v2 =	vadd.s32 $0xFFFE7A80, v40;
	_ =	sdelay $0x1  }
0x250: {  	vm8 =	vgt.s32 v35, $0x1867F  }
0x251: {  	v0 =	vsel vm8, v0, v39  }
0x252: {  	v42 =	vld [tilespmem:$0x520];
	[tilespmem:$0x510] =	vst v0  }
0x253: {  	vm9 =	vgt.s32 v41, $0x18680;
	v0 =	vld.idx.msk [tilespmem:v2+s10+$0x0], $0xffff  }
0x254: {  	v43 =	vnsel vm9, $0x18680, v41  }
0x255: {  	v44 =	vld [tilespmem:$0x140];
	v2 =	vadd.s32 $0xFFFE7A80, v43;
	_ =	sdelay $0x1  }
0x256: {  	vm10 =	vgt.s32 v38, $0x1867F  }
0x257: {  	v0 =	vsel vm10, v0, v42  }
0x258: {  	v45 =	vld [tilespmem:$0x530];
	[tilespmem:$0x520] =	vst v0  }
0x259: {  	vm11 =	vgt.s32 v44, $0x18680;
	v0 =	vld.idx.msk [tilespmem:v2+s10+$0x0], $0xffff  }
0x25a: {  	v46 =	vnsel vm11, $0x18680, v44  }
0x25b: {  	v47 =	vld [tilespmem:$0x150];
	v2 =	vadd.s32 $0xFFFE7A80, v46;
	_ =	sdelay $0x1  }
0x25c: {  	vm12 =	vgt.s32 v41, $0x1867F  }
0x25d: {  	v0 =	vsel vm12, v0, v45  }
0x25e: {  	v48 =	vld [tilespmem:$0x540];
	[tilespmem:$0x530] =	vst v0  }
0x25f: {  	vm13 =	vgt.s32 v47, $0x18680;
	v0 =	vld.idx.msk [tilespmem:v2+s10+$0x0], $0xffff  }
0x260: {  	v49 =	vnsel vm13, $0x18680, v47  }
0x261: {  	v50 =	vld [tilespmem:$0x160];
	v2 =	vadd.s32 $0xFFFE7A80, v49;
	_ =	sdelay $0x1  }
0x262: {  	vm14 =	vgt.s32 v44, $0x1867F  }
0x263: {  	v0 =	vsel vm14, v0, v48  }
0x264: {  	v51 =	vld [tilespmem:$0x550];
	[tilespmem:$0x540] =	vst v0  }
0x265: {  	vm15 =	vgt.s32 v50, $0x18680;
	v0 =	vld.idx.msk [tilespmem:v2+s10+$0x0], $0xffff  }
0x266: {  	v52 =	vnsel vm15, $0x18680, v50  }
0x267: {  	v53 =	vld [tilespmem:$0x170];
	v2 =	vadd.s32 $0xFFFE7A80, v52;
	_ =	sdelay $0x1  }
0x268: {  	vm4 =	vgt.s32 v47, $0x1867F  }
0x269: {  	v0 =	vsel vm4, v0, v51  }
0x26a: {  	v54 =	vld [tilespmem:$0x560];
	[tilespmem:$0x550] =	vst v0  }
0x26b: {  	vm5 =	vgt.s32 v53, $0x18680;
	v0 =	vld.idx.msk [tilespmem:v2+s10+$0x0], $0xffff  }
0x26c: {  	v55 =	vnsel vm5, $0x18680, v53  }
0x26d: {  	v56 =	vld [tilespmem:$0x180];
	v2 =	vadd.s32 $0xFFFE7A80, v55;
	_ =	sdelay $0x1  }
0x26e: {  	vm6 =	vgt.s32 v50, $0x1867F  }
0x26f: {  	v0 =	vsel vm6, v0, v54  }
0x270: {  	v57 =	vld [tilespmem:$0x570];
	[tilespmem:$0x560] =	vst v0  }
0x271: {  	vm7 =	vgt.s32 v56, $0x18680;
	v0 =	vld.idx.msk [tilespmem:v2+s10+$0x0], $0xffff  }
0x272: {  	v58 =	vnsel vm7, $0x18680, v56  }
0x273: {  	v59 =	vld [tilespmem:$0x190];
	v2 =	vadd.s32 $0xFFFE7B00, v58;
	_ =	sdelay $0x1  }
0x274: {  	vm8 =	vgt.s32 v53, $0x1867F  }
0x275: {  	v0 =	vsel vm8, v0, v57  }
0x276: {  	v60 =	vld [tilespmem:$0x580];
	[tilespmem:$0x570] =	vst v0  }
0x277: {  	vm9 =	vgt.s32 v59, $0x18680;
	v0 =	vld.idx.msk [tilespmem:v2+s10+$0x0], $0xffff  }
0x278: {  	v61 =	vnsel vm9, $0x18680, v59  }
0x279: {  	v62 =	vld [tilespmem:$0x1A0];
	v2 =	vadd.s32 $0xFFFE7B00, v61;
	_ =	sdelay $0x1  }
0x27a: {  	vm10 =	vgt.s32 v56, $0x1867F  }
0x27b: {  	v0 =	vsel vm10, v0, v60  }
0x27c: {  	v63 =	vld [tilespmem:$0x590];
	[tilespmem:$0x580] =	vst v0  }
0x27d: {  	vm11 =	vgt.s32 v62, $0x18680;
	v0 =	vld.idx.msk [tilespmem:v2+s10+$0x0], $0xffff  }
0x27e: {  	v8 =	vnsel vm11, $0x18680, v62  }
0x27f: {  	v9 =	vld [tilespmem:$0x1B0];
	v2 =	vadd.s32 $0xFFFE7B00, v8;
	_ =	sdelay $0x1  }
0x280: {  	vm12 =	vgt.s32 v59, $0x1867F  }
0x281: {  	v0 =	vsel vm12, v0, v63  }
0x282: {  	v10 =	vld [tilespmem:$0x5A0];
	[tilespmem:$0x590] =	vst v0  }
0x283: {  	vm13 =	vgt.s32 v9, $0x18680;
	v0 =	vld.idx.msk [tilespmem:v2+s10+$0x0], $0xffff  }
0x284: {  	v11 =	vnsel vm13, $0x18680, v9  }
0x285: {  	v12 =	vld [tilespmem:$0x1C0];
	v2 =	vadd.s32 $0xFFFE7B00, v11;
	_ =	sdelay $0x1  }
0x286: {  	vm14 =	vgt.s32 v62, $0x1867F  }
0x287: {  	v0 =	vsel vm14, v0, v10  }
0x288: {  	v13 =	vld [tilespmem:$0x5B0];
	[tilespmem:$0x5A0] =	vst v0  }
0x289: {  	vm15 =	vgt.s32 v12, $0x18680;
	v0 =	vld.idx.msk [tilespmem:v2+s10+$0x0], $0xffff  }
0x28a: {  	v14 =	vnsel vm15, $0x18680, v12  }
0x28b: {  	v15 =	vld [tilespmem:$0x1D0];
	v2 =	vadd.s32 $0xFFFE7B00, v14;
	_ =	sdelay $0x1  }
0x28c: {  	vm4 =	vgt.s32 v9, $0x1867F  }
0x28d: {  	v0 =	vsel vm4, v0, v13  }
0x28e: {  	v16 =	vld [tilespmem:$0x5C0];
	[tilespmem:$0x5B0] =	vst v0  }
0x28f: {  	vm5 =	vgt.s32 v15, $0x18680;
	v0 =	vld.idx.msk [tilespmem:v2+s10+$0x0], $0xffff  }
0x290: {  	v17 =	vnsel vm5, $0x18680, v15  }
0x291: {  	v18 =	vld [tilespmem:$0x1E0];
	v2 =	vadd.s32 $0xFFFE7B00, v17;
	_ =	sdelay $0x1  }
0x292: {  	vm6 =	vgt.s32 v12, $0x1867F  }
0x293: {  	v0 =	vsel vm6, v0, v16  }
0x294: {  	v19 =	vld [tilespmem:$0x5D0];
	[tilespmem:$0x5C0] =	vst v0  }
0x295: {  	vm7 =	vgt.s32 v18, $0x18680;
	v0 =	vld.idx.msk [tilespmem:v2+s10+$0x0], $0xffff  }
0x296: {  	v20 =	vnsel vm7, $0x18680, v18  }
0x297: {  	v21 =	vld [tilespmem:$0x1F0];
	v2 =	vadd.s32 $0xFFFE7B00, v20;
	_ =	sdelay $0x1  }
0x298: {  	vm8 =	vgt.s32 v15, $0x1867F  }
0x299: {  	v0 =	vsel vm8, v0, v19  }
0x29a: {  	v22 =	vld [tilespmem:$0x5E0];
	[tilespmem:$0x5D0] =	vst v0  }
0x29b: {  	vm9 =	vgt.s32 v21, $0x18680;
	v0 =	vld.idx.msk [tilespmem:v2+s10+$0x0], $0xffff  }
0x29c: {  	v23 =	vnsel vm9, $0x18680, v21  }
0x29d: {  	v24 =	vld [tilespmem:$0x200];
	v2 =	vadd.s32 $0xFFFE7B00, v23;
	_ =	sdelay $0x1  }
0x29e: {  	vm10 =	vgt.s32 v18, $0x1867F  }
0x29f: {  	v0 =	vsel vm10, v0, v22  }
0x2a0: {  	v25 =	vld [tilespmem:$0x5F0];
	[tilespmem:$0x5E0] =	vst v0  }
0x2a1: {  	vm11 =	vgt.s32 v24, $0x18680;
	v0 =	vld.idx.msk [tilespmem:v2+s10+$0x0], $0xffff  }
0x2a2: {  	v26 =	vnsel vm11, $0x18680, v24  }
0x2a3: {  	v27 =	vld [tilespmem:$0x210];
	v2 =	vadd.s32 $0xFFFE7B80, v26;
	_ =	sdelay $0x1  }
0x2a4: {  	vm12 =	vgt.s32 v21, $0x1867F  }
0x2a5: {  	v0 =	vsel vm12, v0, v25  }
0x2a6: {  	v28 =	vld [tilespmem:$0x600];
	[tilespmem:$0x5F0] =	vst v0  }
0x2a7: {  	vm13 =	vgt.s32 v27, $0x18680;
	v0 =	vld.idx.msk [tilespmem:v2+s10+$0x0], $0xffff  }
0x2a8: {  	v29 =	vnsel vm13, $0x18680, v27  }
0x2a9: {  	v30 =	vld [tilespmem:$0x220];
	v2 =	vadd.s32 $0xFFFE7B80, v29;
	_ =	sdelay $0x1  }
0x2aa: {  	vm14 =	vgt.s32 v24, $0x1867F  }
0x2ab: {  	v0 =	vsel vm14, v0, v28  }
0x2ac: {  	v31 =	vld [tilespmem:$0x610];
	[tilespmem:$0x600] =	vst v0  }
0x2ad: {  	vm15 =	vgt.s32 v30, $0x18680;
	v0 =	vld.idx.msk [tilespmem:v2+s10+$0x0], $0xffff  }
0x2ae: {  	v32 =	vnsel vm15, $0x18680, v30  }
0x2af: {  	v33 =	vld [tilespmem:$0x230];
	v2 =	vadd.s32 $0xFFFE7B80, v32;
	_ =	sdelay $0x1  }
0x2b0: {  	vm4 =	vgt.s32 v27, $0x1867F  }
0x2b1: {  	v0 =	vsel vm4, v0, v31  }
0x2b2: {  	v34 =	vld [tilespmem:$0x620];
	[tilespmem:$0x610] =	vst v0  }
0x2b3: {  	vm5 =	vgt.s32 v33, $0x18680;
	v0 =	vld.idx.msk [tilespmem:v2+s10+$0x0], $0xffff  }
0x2b4: {  	v35 =	vnsel vm5, $0x18680, v33  }
0x2b5: {  	v36 =	vld [tilespmem:$0x240];
	v2 =	vadd.s32 $0xFFFE7B80, v35;
	_ =	sdelay $0x1  }
0x2b6: {  	vm6 =	vgt.s32 v30, $0x1867F  }
0x2b7: {  	v0 =	vsel vm6, v0, v34  }
0x2b8: {  	v37 =	vld [tilespmem:$0x630];
	[tilespmem:$0x620] =	vst v0  }
0x2b9: {  	vm7 =	vgt.s32 v36, $0x18680;
	v0 =	vld.idx.msk [tilespmem:v2+s10+$0x0], $0xffff  }
0x2ba: {  	v38 =	vnsel vm7, $0x18680, v36  }
0x2bb: {  	v39 =	vld [tilespmem:$0x250];
	v2 =	vadd.s32 $0xFFFE7B80, v38;
	_ =	sdelay $0x1  }
0x2bc: {  	vm8 =	vgt.s32 v33, $0x1867F  }
0x2bd: {  	v0 =	vsel vm8, v0, v37  }
0x2be: {  	v40 =	vld [tilespmem:$0x640];
	[tilespmem:$0x630] =	vst v0  }
0x2bf: {  	vm9 =	vgt.s32 v39, $0x18680;
	v0 =	vld.idx.msk [tilespmem:v2+s10+$0x0], $0xffff  }
0x2c0: {  	v41 =	vnsel vm9, $0x18680, v39  }
0x2c1: {  	v42 =	vld [tilespmem:$0x260];
	v2 =	vadd.s32 $0xFFFE7B80, v41;
	_ =	sdelay $0x1  }
0x2c2: {  	vm10 =	vgt.s32 v36, $0x1867F  }
0x2c3: {  	v0 =	vsel vm10, v0, v40  }
0x2c4: {  	v43 =	vld [tilespmem:$0x650];
	[tilespmem:$0x640] =	vst v0  }
0x2c5: {  	vm11 =	vgt.s32 v42, $0x18680;
	v0 =	vld.idx.msk [tilespmem:v2+s10+$0x0], $0xffff  }
0x2c6: {  	v44 =	vnsel vm11, $0x18680, v42  }
0x2c7: {  	v45 =	vld [tilespmem:$0x270];
	v2 =	vadd.s32 $0xFFFE7B80, v44;
	_ =	sdelay $0x1  }
0x2c8: {  	vm12 =	vgt.s32 v39, $0x1867F  }
0x2c9: {  	v0 =	vsel vm12, v0, v43  }
0x2ca: {  	v46 =	vld [tilespmem:$0x660];
	[tilespmem:$0x650] =	vst v0  }
0x2cb: {  	vm13 =	vgt.s32 v45, $0x18680;
	v0 =	vld.idx.msk [tilespmem:v2+s10+$0x0], $0xffff  }
0x2cc: {  	v47 =	vnsel vm13, $0x18680, v45  }
0x2cd: {  	v48 =	vld [tilespmem:$0x280];
	v2 =	vadd.s32 $0xFFFE7B80, v47;
	_ =	sdelay $0x1  }
0x2ce: {  	vm14 =	vgt.s32 v42, $0x1867F  }
0x2cf: {  	v0 =	vsel vm14, v0, v46  }
0x2d0: {  	v49 =	vld [tilespmem:$0x670];
	[tilespmem:$0x660] =	vst v0  }
0x2d1: {  	vm15 =	vgt.s32 v48, $0x18680;
	v0 =	vld.idx.msk [tilespmem:v2+s10+$0x0], $0xffff  }
0x2d2: {  	v50 =	vnsel vm15, $0x18680, v48  }
0x2d3: {  	v51 =	vld [tilespmem:$0x290];
	v2 =	vadd.s32 $0xFFFE7C00, v50;
	_ =	sdelay $0x1  }
0x2d4: {  	vm4 =	vgt.s32 v45, $0x1867F  }
0x2d5: {  	v0 =	vsel vm4, v0, v49  }
0x2d6: {  	v52 =	vld [tilespmem:$0x680];
	[tilespmem:$0x670] =	vst v0  }
0x2d7: {  	vm5 =	vgt.s32 v51, $0x18680;
	v0 =	vld.idx.msk [tilespmem:v2+s10+$0x0], $0xffff  }
0x2d8: {  	v53 =	vnsel vm5, $0x18680, v51  }
0x2d9: {  	v54 =	vld [tilespmem:$0x2A0];
	v2 =	vadd.s32 $0xFFFE7C00, v53;
	_ =	sdelay $0x1  }
0x2da: {  	vm6 =	vgt.s32 v48, $0x1867F  }
0x2db: {  	v0 =	vsel vm6, v0, v52  }
0x2dc: {  	v55 =	vld [tilespmem:$0x690];
	[tilespmem:$0x680] =	vst v0  }
0x2dd: {  	vm7 =	vgt.s32 v54, $0x18680;
	v0 =	vld.idx.msk [tilespmem:v2+s10+$0x0], $0xffff  }
0x2de: {  	v56 =	vnsel vm7, $0x18680, v54  }
0x2df: {  	v57 =	vld [tilespmem:$0x2B0];
	v2 =	vadd.s32 $0xFFFE7C00, v56;
	_ =	sdelay $0x1  }
0x2e0: {  	vm8 =	vgt.s32 v51, $0x1867F  }
0x2e1: {  	v0 =	vsel vm8, v0, v55  }
0x2e2: {  	v58 =	vld [tilespmem:$0x6A0];
	[tilespmem:$0x690] =	vst v0  }
0x2e3: {  	vm9 =	vgt.s32 v57, $0x18680;
	v0 =	vld.idx.msk [tilespmem:v2+s10+$0x0], $0xffff  }
0x2e4: {  	v59 =	vnsel vm9, $0x18680, v57  }
0x2e5: {  	v60 =	vld [tilespmem:$0x2C0];
	v2 =	vadd.s32 $0xFFFE7C00, v59;
	_ =	sdelay $0x1  }
0x2e6: {  	vm10 =	vgt.s32 v54, $0x1867F  }
0x2e7: {  	v0 =	vsel vm10, v0, v58  }
0x2e8: {  	v61 =	vld [tilespmem:$0x6B0];
	[tilespmem:$0x6A0] =	vst v0  }
0x2e9: {  	vm11 =	vgt.s32 v60, $0x18680;
	v0 =	vld.idx.msk [tilespmem:v2+s10+$0x0], $0xffff  }
0x2ea: {  	v62 =	vnsel vm11, $0x18680, v60  }
0x2eb: {  	v63 =	vld [tilespmem:$0x2D0];
	v2 =	vadd.s32 $0xFFFE7C00, v62;
	_ =	sdelay $0x1  }
0x2ec: {  	vm12 =	vgt.s32 v57, $0x1867F  }
0x2ed: {  	v0 =	vsel vm12, v0, v61  }
0x2ee: {  	v7 =	vld [tilespmem:$0x6C0];
	[tilespmem:$0x6B0] =	vst v0  }
0x2ef: {  	vm13 =	vgt.s32 v63, $0x18680;
	v0 =	vld.idx.msk [tilespmem:v2+s10+$0x0], $0xffff  }
0x2f0: {  	v8 =	vnsel vm13, $0x18680, v63  }
0x2f1: {  	v9 =	vld [tilespmem:$0x2E0];
	v2 =	vadd.s32 $0xFFFE7C00, v8;
	_ =	sdelay $0x1  }
0x2f2: {  	vm14 =	vgt.s32 v60, $0x1867F  }
0x2f3: {  	v0 =	vsel vm14, v0, v7  }
0x2f4: {  	v10 =	vld [tilespmem:$0x6D0];
	[tilespmem:$0x6C0] =	vst v0  }
0x2f5: {  	vm15 =	vgt.s32 v9, $0x18680;
	v0 =	vld.idx.msk [tilespmem:v2+s10+$0x0], $0xffff  }
0x2f6: {  	v11 =	vnsel vm15, $0x18680, v9  }
0x2f7: {  	v12 =	vld [tilespmem:$0x2F0];
	v2 =	vadd.s32 $0xFFFE7C00, v11;
	_ =	sdelay $0x1  }
0x2f8: {  	vm4 =	vgt.s32 v63, $0x1867F  }
0x2f9: {  	v0 =	vsel vm4, v0, v10  }
0x2fa: {  	v13 =	vld [tilespmem:$0x6E0];
	[tilespmem:$0x6D0] =	vst v0  }
0x2fb: {  	vm5 =	vgt.s32 v12, $0x18680;
	v0 =	vld.idx.msk [tilespmem:v2+s10+$0x0], $0xffff  }
0x2fc: {  	v14 =	vnsel vm5, $0x18680, v12  }
0x2fd: {  	v15 =	vld [tilespmem:$0x300];
	v2 =	vadd.s32 $0xFFFE7C00, v14;
	_ =	sdelay $0x1  }
0x2fe: {  	vm6 =	vgt.s32 v9, $0x1867F  }
0x2ff: {  	v0 =	vsel vm6, v0, v13  }
0x300: {  	v16 =	vld [tilespmem:$0x6F0];
	[tilespmem:$0x6E0] =	vst v0  }
0x301: {  	vm7 =	vgt.s32 v15, $0x18680;
	v0 =	vld.idx.msk [tilespmem:v2+s10+$0x0], $0xffff  }
0x302: {  	v17 =	vnsel vm7, $0x18680, v15  }
0x303: {  	v18 =	vld [tilespmem:$0x310];
	v2 =	vadd.s32 $0xFFFE7C80, v17;
	_ =	sdelay $0x1  }
0x304: {  	vm8 =	vgt.s32 v12, $0x1867F  }
0x305: {  	v0 =	vsel vm8, v0, v16  }
0x306: {  	v19 =	vld [tilespmem:$0x700];
	[tilespmem:$0x6F0] =	vst v0  }
0x307: {  	vm9 =	vgt.s32 v18, $0x18680;
	v0 =	vld.idx.msk [tilespmem:v2+s10+$0x0], $0xffff  }
0x308: {  	v20 =	vnsel vm9, $0x18680, v18  }
0x309: {  	v21 =	vld [tilespmem:$0x320];
	v2 =	vadd.s32 $0xFFFE7C80, v20;
	_ =	sdelay $0x1  }
0x30a: {  	vm10 =	vgt.s32 v15, $0x1867F  }
0x30b: {  	v0 =	vsel vm10, v0, v19  }
0x30c: {  	v22 =	vld [tilespmem:$0x710];
	[tilespmem:$0x700] =	vst v0  }
0x30d: {  	vm11 =	vgt.s32 v21, $0x18680;
	v0 =	vld.idx.msk [tilespmem:v2+s10+$0x0], $0xffff  }
0x30e: {  	v23 =	vnsel vm11, $0x18680, v21  }
0x30f: {  	v24 =	vld [tilespmem:$0x330];
	v2 =	vadd.s32 $0xFFFE7C80, v23;
	_ =	sdelay $0x1  }
0x310: {  	vm12 =	vgt.s32 v18, $0x1867F  }
0x311: {  	v0 =	vsel vm12, v0, v22  }
0x312: {  	v25 =	vld [tilespmem:$0x720];
	[tilespmem:$0x710] =	vst v0  }
0x313: {  	vm13 =	vgt.s32 v24, $0x18680;
	v0 =	vld.idx.msk [tilespmem:v2+s10+$0x0], $0xffff  }
0x314: {  	v26 =	vnsel vm13, $0x18680, v24  }
0x315: {  	v27 =	vld [tilespmem:$0x340];
	v2 =	vadd.s32 $0xFFFE7C80, v26;
	_ =	sdelay $0x1  }
0x316: {  	vm14 =	vgt.s32 v21, $0x1867F  }
0x317: {  	v0 =	vsel vm14, v0, v25  }
0x318: {  	v28 =	vld [tilespmem:$0x730];
	[tilespmem:$0x720] =	vst v0  }
0x319: {  	vm15 =	vgt.s32 v27, $0x18680;
	v0 =	vld.idx.msk [tilespmem:v2+s10+$0x0], $0xffff  }
0x31a: {  	v29 =	vnsel vm15, $0x18680, v27  }
0x31b: {  	v30 =	vld [tilespmem:$0x350];
	v2 =	vadd.s32 $0xFFFE7C80, v29;
	_ =	sdelay $0x1  }
0x31c: {  	vm4 =	vgt.s32 v24, $0x1867F  }
0x31d: {  	v0 =	vsel vm4, v0, v28  }
0x31e: {  	v31 =	vld [tilespmem:$0x740];
	[tilespmem:$0x730] =	vst v0  }
0x31f: {  	vm5 =	vgt.s32 v30, $0x18680;
	v0 =	vld.idx.msk [tilespmem:v2+s10+$0x0], $0xffff  }
0x320: {  	v32 =	vnsel vm5, $0x18680, v30  }
0x321: {  	v33 =	vld [tilespmem:$0x360];
	v2 =	vadd.s32 $0xFFFE7C80, v32;
	_ =	sdelay $0x1  }
0x322: {  	vm6 =	vgt.s32 v27, $0x1867F  }
0x323: {  	v0 =	vsel vm6, v0, v31  }
0x324: {  	v34 =	vld [tilespmem:$0x750];
	[tilespmem:$0x740] =	vst v0  }
0x325: {  	vm7 =	vgt.s32 v33, $0x18680;
	v0 =	vld.idx.msk [tilespmem:v2+s10+$0x0], $0xffff  }
0x326: {  	v35 =	vnsel vm7, $0x18680, v33  }
0x327: {  	v36 =	vld [tilespmem:$0x370];
	v2 =	vadd.s32 $0xFFFE7C80, v35;
	_ =	sdelay $0x1  }
0x328: {  	vm8 =	vgt.s32 v30, $0x1867F  }
0x329: {  	v0 =	vsel vm8, v0, v34  }
0x32a: {  	v37 =	vld [tilespmem:$0x760];
	[tilespmem:$0x750] =	vst v0  }
0x32b: {  	vm9 =	vgt.s32 v36, $0x18680;
	v0 =	vld.idx.msk [tilespmem:v2+s10+$0x0], $0xffff  }
0x32c: {  	v38 =	vnsel vm9, $0x18680, v36  }
0x32d: {  	v39 =	vld [tilespmem:$0x380];
	v2 =	vadd.s32 $0xFFFE7C80, v38;
	_ =	sdelay $0x1  }
0x32e: {  	vm10 =	vgt.s32 v33, $0x1867F  }
0x32f: {  	v0 =	vsel vm10, v0, v37  }
0x330: {  	v40 =	vld [tilespmem:$0x770];
	[tilespmem:$0x760] =	vst v0  }
0x331: {  	vm11 =	vgt.s32 v39, $0x18680;
	v0 =	vld.idx.msk [tilespmem:v2+s10+$0x0], $0xffff  }
0x332: {  	v41 =	vnsel vm11, $0x18680, v39  }
0x333: {  	v42 =	vld [tilespmem:$0x390];
	v2 =	vadd.s32 $0xFFFE7D00, v41;
	_ =	sdelay $0x1  }
0x334: {  	vm12 =	vgt.s32 v36, $0x1867F  }
0x335: {  	v0 =	vsel vm12, v0, v40  }
0x336: {  	v43 =	vld [tilespmem:$0x780];
	[tilespmem:$0x770] =	vst v0  }
0x337: {  	vm13 =	vgt.s32 v42, $0x18680;
	v0 =	vld.idx.msk [tilespmem:v2+s10+$0x0], $0xffff  }
0x338: {  	v44 =	vnsel vm13, $0x18680, v42  }
0x339: {  	v45 =	vld [tilespmem:$0x3A0];
	v2 =	vadd.s32 $0xFFFE7D00, v44;
	_ =	sdelay $0x1  }
0x33a: {  	vm14 =	vgt.s32 v39, $0x1867F  }
0x33b: {  	v0 =	vsel vm14, v0, v43  }
0x33c: {  	v46 =	vld [tilespmem:$0x790];
	[tilespmem:$0x780] =	vst v0  }
0x33d: {  	vm15 =	vgt.s32 v45, $0x18680;
	v0 =	vld.idx.msk [tilespmem:v2+s10+$0x0], $0xffff  }
0x33e: {  	v47 =	vnsel vm15, $0x18680, v45  }
0x33f: {  	v48 =	vld [tilespmem:$0x3B0];
	v2 =	vadd.s32 $0xFFFE7D00, v47;
	_ =	sdelay $0x1  }
0x340: {  	vm4 =	vgt.s32 v42, $0x1867F  }
0x341: {  	v0 =	vsel vm4, v0, v46  }
0x342: {  	v49 =	vld [tilespmem:$0x7A0];
	[tilespmem:$0x790] =	vst v0  }
0x343: {  	vm5 =	vgt.s32 v48, $0x18680;
	v0 =	vld.idx.msk [tilespmem:v2+s10+$0x0], $0xffff  }
0x344: {  	v50 =	vnsel vm5, $0x18680, v48  }
0x345: {  	v51 =	vld [tilespmem:$0x3C0];
	v2 =	vadd.s32 $0xFFFE7D00, v50;
	_ =	sdelay $0x1  }
0x346: {  	vm6 =	vgt.s32 v45, $0x1867F  }
0x347: {  	v0 =	vsel vm6, v0, v49  }
0x348: {  	v52 =	vld [tilespmem:$0x7B0];
	[tilespmem:$0x7A0] =	vst v0  }
0x349: {  	vm7 =	vgt.s32 v51, $0x18680;
	v0 =	vld.idx.msk [tilespmem:v2+s10+$0x0], $0xffff  }
0x34a: {  	v53 =	vnsel vm7, $0x18680, v51  }
0x34b: {  	v54 =	vld [tilespmem:$0x3D0];
	v2 =	vadd.s32 $0xFFFE7D00, v53;
	_ =	sdelay $0x1  }
0x34c: {  	vm8 =	vgt.s32 v48, $0x1867F  }
0x34d: {  	v0 =	vsel vm8, v0, v52  }
0x34e: {  	v55 =	vld [tilespmem:$0x7C0];
	[tilespmem:$0x7B0] =	vst v0  }
0x34f: {  	vm9 =	vgt.s32 v54, $0x18680;
	v0 =	vld.idx.msk [tilespmem:v2+s10+$0x0], $0xffff  }
0x350: {  	v56 =	vnsel vm9, $0x18680, v54  }
0x351: {  	v57 =	vld [tilespmem:$0x3E0];
	v2 =	vadd.s32 $0xFFFE7D00, v56;
	_ =	sdelay $0x1  }
0x352: {  	vm10 =	vgt.s32 v51, $0x1867F  }
0x353: {  	v0 =	vsel vm10, v0, v55  }
0x354: {  	v58 =	vld [tilespmem:$0x7D0];
	[tilespmem:$0x7C0] =	vst v0  }
0x355: {  	vm11 =	vgt.s32 v57, $0x18680;
	v0 =	vld.idx.msk [tilespmem:v2+s10+$0x0], $0xffff  }
0x356: {  	v59 =	vnsel vm11, $0x18680, v57  }
0x357: {  	v60 =	vld [tilespmem:$0x3F0];
	v2 =	vadd.s32 $0xFFFE7D00, v59;
	_ =	sdelay $0x1  }
0x358: {  	vm12 =	vgt.s32 v54, $0x1867F  }
0x359: {  	v0 =	vsel vm12, v0, v58  }
0x35a: {  	v61 =	vld [tilespmem:$0x7E0];
	[tilespmem:$0x7D0] =	vst v0  }
0x35b: {  	vm13 =	vgt.s32 v60, $0x18680;
	v0 =	vld.idx.msk [tilespmem:v2+s10+$0x0], $0xffff  }
0x35c: {  	v62 =	vnsel vm13, $0x18680, v60  }
0x35d: {  	v2 =	vadd.s32 $0xFFFE7D00, v62;
	_ =	sdelay $0x1  }
0x35e: {  	vm14 =	vgt.s32 v57, $0x1867F  }
0x35f: {  	v0 =	vsel vm14, v0, v61  }
0x360: {  	v63 =	vld [tilespmem:$0x7F0];
	[tilespmem:$0x7E0] =	vst v0  }
0x361: {  	v0 =	vld.idx.msk [tilespmem:v2+s10+$0x0], $0xffff;
	_ =	sdelay $0x3  }
0x362: {  	s14 =	sadd.s32 $0x1, s14;
	vm15 =	vgt.s32 v60, $0x1867F  }
0x363: {  	p0 =	sne.s32 s14, $0x4;
	v0 =	vsel vm15, v0, v63  }
.Ltmp1:
0x364: {  	s15 =	sadd.s32 s2, s15;
	[tilespmem:$0x7F0] =	vst v0;
	(pc) =	sbr.rel @p0 .LBB2_2-.Ltmp1, $4  }
0x365: {  	[hbm4b:s15+s3] =	stream.linear.scatter [tilespmem:s12], [sflag:$0x1], $0x400, $0x38;
	[tilespmem:$0x19400] =	vst v63  }
0x366: {  	_ =	swait.ge [sflag:s9], $0x400  }
0x367: {  	[sflag:s9] =	ssyncset.done $0x0  }
0x368: {  	[sflag:s9] =	ssyncadd.s32 $0xFFFFFC00  }
0x369: {  	s13 =	sadd.s32 $0x1, s13  }
0x36a: {  	p0 =	sne.s32 s13, s8  }
.Ltmp2:
0x36b: {  	_ = 	snop;
	(pc) =	sbr.rel @p0 .LBB2_1-.Ltmp2, $1  }
0x36c: {  	_ =	sdelay $0x3  }
0x36d: {  	_ =	sfence.sel $0x180000  }
0x36e: {  	[bflag:$0x0] =	sbarrier.arrive $0xFFFF  }
0x36f: {  	p0 =	sne.s32 s4, $0x0;
	_ =	strace $0x90000047  }
0x370: {  	s0 =	sadd.s32 @!p0 $0x100000, s0;
	[bflag:$0x2] =	sbarrier.arrive $0xFFFF  }
0x371: {  	[sflag:s0] =	ssyncadd.tile.s32 @!p0 $0x1;
	_ =	shalt  }
.Lfunc_end2:
_tile_overlayer_lowered:
.L_overlay_start_2:
0x372: {  	(tag) =	ssettag $0x2  }
0x373: {  	s0 =	rddreg [dreg:$0x0];
	s2 =	stileid.u32  }
0x374: {  	s1 =	rddreg [dreg:$0x1];
	p0 =	sne.s32 s2, $0x0  }
0x375: {  	s3 =	rddreg [dreg:$0x2];
	[bflag:$0x3] =	sbarrier.arrive $0xFFFF;
	s2 =	simm.s32 @!p0 $0x1C01  }
0x376: {  	[timem:s3], [sflag:s2] =	dma.local @!p0 [hbm:s0], s1  }
0x377: {  	s0 =	simm.s32 @!p0 $0x1  }
0x378: {  	_ =	swait.ge @!p0 [sflag:s0], s1  }
0x379: {  	s1 =	ssub.s32 @!p0 $0x0, s1;
	[sflag:s0] =	ssyncset.done @!p0 $0x0  }
0x37a: {  	[sflag:s0] =	ssyncadd.s32 @!p0 s1  }
0x37b: {  	[bflag:$0x3] =	sbarrier.arrive $0xFFFF  }
0x37c: {  	_ =	shalt  }

</sc_bundles>
